<compile_context>
chip_gen: v7x
topology: tpu7x:2x2x1
jax: 0.10.2.dev20260603
libtpu: 0.0.44.dev20260713+nightly
codegen_flags: <defaults>
</compile_context>

<pallas_src>
import jax
import jax.numpy as jnp
from jax import lax
from jax.experimental import pallas as pl
from jax.experimental.pallas import tpu as pltpu
from jax.experimental.pallas import tpu_sc as plsc

B = 2
H = 224
W = 224
N_ECHOES = 2
PAD = 4
BCOL = 240

SC_ROWS = 64
SC_STRIP = SC_ROWS // 16
SC_BROW = SC_STRIP + 2 * PAD
WVECS = W // 16

TC_ROWS = H - SC_ROWS
TC_T0 = SC_ROWS // 8


def _sc_body(x_hbm, out_hbm, fp0, fp1, fp2, rng_v, np1_v, out_v):
    c = lax.axis_index("c")
    s = lax.axis_index("s")
    b = c
    r0 = s * SC_STRIP

    zeros = jnp.zeros((16,), jnp.float32)

    def zero_row(i, _):
        for fp in (fp0, fp1, fp2):
            fp[i, pl.ds(0, 16)] = zeros
            fp[i, pl.ds(BCOL - 16, 16)] = zeros
        return 0

    lax.fori_loop(0, SC_BROW, zero_row, 0)

    @pl.when(s == 0)
    def _():
        def zero_top(i, _):
            def zero_chunk(k, _):
                fp0[i, pl.ds(k * 16, 16)] = zeros
                fp1[i, pl.ds(k * 16, 16)] = zeros
                fp2[i, pl.ds(k * 16, 16)] = zeros
                return 0

            return lax.fori_loop(0, BCOL // 16, zero_chunk, 0)

        lax.fori_loop(0, PAD, zero_top, 0)
        for ch, fp in ((2, fp0), (3, fp1), (4, fp2)):
            pltpu.sync_copy(
                x_hbm.at[b, ch, pl.ds(0, SC_BROW - PAD), :],
                fp.at[pl.ds(PAD, SC_BROW - PAD), pl.ds(8, W)],
            )

    @pl.when(s != 0)
    def _():
        for ch, fp in ((2, fp0), (3, fp1), (4, fp2)):
            pltpu.sync_copy(
                x_hbm.at[b, ch, pl.ds(r0 - PAD, SC_BROW), :],
                fp.at[:, pl.ds(8, W)],
            )

    for e in range(N_ECHOES):
        pltpu.sync_copy(x_hbm.at[b, e, pl.ds(r0, SC_STRIP), :], rng_v.at[e])
    for ch in range(3):
        pltpu.sync_copy(
            x_hbm.at[b, 5 + ch, pl.ds(r0, SC_STRIP), :], np1_v.at[ch]
        )

    def do_row(r, _):
        def do_wvec(wv, _):
            col0 = wv * 16

            q = []
            q.append((fp0[r + PAD, pl.ds(col0 + 8, 16)],
                      fp1[r + PAD, pl.ds(col0 + 8, 16)],
                      fp2[r + PAD, pl.ds(col0 + 8, 16)]))
            q.append((np1_v[0, r, pl.ds(col0, 16)],
                      np1_v[1, r, pl.ds(col0, 16)],
                      np1_v[2, r, pl.ds(col0, 16)]))

            t2a = []
            for e in range(N_ECHOES):
                t = rng_v[e, r, pl.ds(col0, 16)]
                t = (t * 3.0) * 0.008
                t2a.append(jnp.where(t >= 0.0, t * t, -1.0))

            def do_dy(dy, carry):
                qle0, qle1 = carry
                row = r + dy
                for dx in range(9):
                    cb = col0 + 4 + dx
                    r0v = fp0[row, pl.ds(cb, 16)]
                    r1v = fp1[row, pl.ds(cb, 16)]
                    r2v = fp2[row, pl.ds(cb, 16)]
                    d0 = q[0][0] - r0v
                    d1 = q[0][1] - r1v
                    d2 = q[0][2] - r2v
                    sq = d0 * d0 + d1 * d1 + d2 * d2
                    qle0 = qle0 + jnp.where(sq <= t2a[0], 1.0, 0.0)
                    d0 = q[1][0] - r0v
                    d1 = q[1][1] - r1v
                    d2 = q[1][2] - r2v
                    sq = d0 * d0 + d1 * d1 + d2 * d2
                    qle1 = qle1 + jnp.where(sq <= t2a[1], 1.0, 0.0)
                return qle0, qle1

            qle0, qle1 = lax.fori_loop(0, 9, do_dy, (zeros, zeros))

            p0 = qle0 - jnp.where(t2a[0] >= 0.0, 1.0, 0.0)
            out_v[0, r, pl.ds(col0, 16)] = jnp.where(
                p0 >= 3.0, -1000.0, 1000.0
            )
            out_v[1, r, pl.ds(col0, 16)] = jnp.where(
                qle1 >= 3.0, -1000.0, 1000.0
            )
            return 0

        return lax.fori_loop(0, WVECS, do_wvec, 0)

    lax.fori_loop(0, SC_STRIP, do_row, 0)

    for e in range(N_ECHOES):
        pltpu.sync_copy(out_v.at[e], out_hbm.at[b, e, pl.ds(r0, SC_STRIP), :])


def _sc_call(x):
    mesh = plsc.VectorSubcoreMesh(core_axis_name="c", subcore_axis_name="s")
    f = pl.kernel(
        _sc_body,
        out_type=jax.ShapeDtypeStruct((B, N_ECHOES, SC_ROWS, W), jnp.float32),
        mesh=mesh,
        compiler_params=pltpu.CompilerParams(use_tc_tiling_on_sc=False),
        scratch_types=[
            pltpu.VMEM((SC_BROW, BCOL), jnp.float32),
            pltpu.VMEM((SC_BROW, BCOL), jnp.float32),
            pltpu.VMEM((SC_BROW, BCOL), jnp.float32),
            pltpu.VMEM((N_ECHOES, SC_STRIP, W), jnp.float32),
            pltpu.VMEM((3, SC_STRIP, W), jnp.float32),
            pltpu.VMEM((N_ECHOES, SC_STRIP, W), jnp.float32),
        ],
    )
    return f(x)


TC_TILE = 32
TC_NVIEW = TC_TILE // 8 + 1


def _tc_body(*refs):
    xb = refs[0]
    fps = refs[1:1 + TC_NVIEW]
    out_ref = refs[-1]
    fpw = [
        jnp.concatenate([f[0, ch] for f in fps], axis=0) for ch in range(3)
    ]
    qs = []
    t2a = []
    for e in range(N_ECHOES):
        t = (xb[0, e] * 3.0) * 0.008
        t2a.append(jnp.where(t >= 0.0, t * t, -1.0))
        qs.append([xb[0, 2 + 3 * e + ch] for ch in range(3)])

    qle = [jnp.zeros((TC_TILE, W), jnp.float32) for _ in range(N_ECHOES)]
    for dy in range(9):
        for dx in range(9):
            nb = [
                lax.slice(
                    fpw[ch], (dy, 4 + dx), (dy + TC_TILE, 4 + dx + W)
                )
                for ch in range(3)
            ]
            for e in range(N_ECHOES):
                d0 = qs[e][0] - nb[0]
                d1 = qs[e][1] - nb[1]
                d2 = qs[e][2] - nb[2]
                sq = d0 * d0 + d1 * d1 + d2 * d2
                qle[e] = qle[e] + jnp.where(sq <= t2a[e], 1.0, 0.0)

    p0 = qle[0] - jnp.where(t2a[0] >= 0.0, 1.0, 0.0)
    out_ref[0, 0] = jnp.where(p0 >= 3.0, -1000.0, 1000.0)
    out_ref[0, 1] = jnp.where(qle[1] >= 3.0, -1000.0, 1000.0)


def _fp_spec(k):
    fp_t0 = SC_ROWS // 8
    step = TC_TILE // 8
    return pl.BlockSpec(
        (1, 3, 8, BCOL), lambda b, t: (b, 0, fp_t0 + step * t + k, 0)
    )


def _tc_call(x, fp_pad):
    nt = TC_ROWS // TC_TILE
    t0 = SC_ROWS // TC_TILE
    return pl.pallas_call(
        _tc_body,
        grid=(B, nt),
        in_specs=[
            pl.BlockSpec(
                (1, 8, TC_TILE, W), lambda b, t: (b, 0, t0 + t, 0)
            ),
        ] + [_fp_spec(k) for k in range(TC_NVIEW)],
        out_specs=pl.BlockSpec(
            (1, N_ECHOES, TC_TILE, W), lambda b, t: (b, 0, t, 0)
        ),
        out_shape=jax.ShapeDtypeStruct((B, N_ECHOES, TC_ROWS, W), jnp.float32),
        compiler_params=pltpu.CompilerParams(
            dimension_semantics=("parallel", "parallel")
        ),
    )(x, *([fp_pad] * TC_NVIEW))


@jax.jit
def kernel(x):
    x_sc = lax.slice(
        x, (0, 0, 0, 0), (B, 8, SC_ROWS + 2 * PAD, W)
    )
    sc_out = _sc_call(x_sc)
    fp_pad = jnp.pad(
        x[:, 2:5], ((0, 0), (0, 0), (PAD, PAD), (8, 8))
    )
    tc_out = _tc_call(x, fp_pad)
    return jnp.concatenate([sc_out, tc_out], axis=2)

# --- scband reference (transcript-rebuilt; emitter-appended) ---
"""Pipeline reference for scband-medror-34428457845315 (READ-ONLY COPY).

The authoritative reference and input builder live on the scoring server;
editing this copy changes nothing except your own understanding.
"""

import jax, jax.numpy as jnp
import numpy as np

SEARCH = 9
KNN = 9
N_ECHOES = 2


def _unfold(x, k, pad):
    # Equivalent to torch.nn.functional.unfold(x, kernel_size=(k,k), padding=(pad,pad))
    # Returns [B, C*k*k, H*W] with channel-major, then row-major kernel ordering.
    B, C, H, W = x.shape
    xp = jnp.pad(x, ((0, 0), (0, 0), (pad, pad), (pad, pad)))
    patches = [xp[:, :, i:i + H, j:j + W] for i in range(k) for j in range(k)]
    out = jnp.stack(patches, axis=2)  # [B, C, k*k, H, W]
    return out.reshape(B, C * k * k, H * W)


def setup_inputs(seed: int = 0) -> dict:
    key = jax.random.key(seed)
    x = jax.random.normal(key, (2, 8, 224, 224), dtype=jnp.float32)
    return {"x": x}


def reference(x):
    B, H, W = x.shape[0], x.shape[-2], x.shape[-1]
    search = SEARCH
    search_dim = search * search
    pad = (search - 1) // 2

    first_points = x[:, N_ECHOES:N_ECHOES + 3]  # [B, 3, H, W]
    first_unfold = _unfold(first_points, search, pad).reshape(B, 3, search_dim, H * W)

    preds = []
    for echo in range(N_ECHOES):
        n_range = x[:, echo:echo + 1].reshape(B, 1, H * W)  # [B, 1, HW]
        n_points = x[:, N_ECHOES + echo * 3:N_ECHOES + echo * 3 + 3]
        n_points = n_points.reshape(B, 3, H * W)[:, :, None, :]  # [B, 3, 1, HW]
        n_distance = jnp.linalg.norm(n_points - first_unfold, axis=1)  # [B, search_dim, HW]
        # topk smallest along dim=1 -> negate + lax.top_k over last axis
        neg = jnp.moveaxis(-n_distance, 1, -1)  # [B, HW, search_dim]
        vals, _ = jax.lax.top_k(neg, KNN)       # [B, HW, KNN]
        knn_vals = jnp.moveaxis(-vals, -1, 1)   # [B, KNN, HW], ascending distances
        thresh = n_range * 3 * 0.008            # [B, 1, HW]
        knn_vals = jnp.where(knn_vals > thresh, 0.0, knn_vals)
        cnt = jnp.count_nonzero(knn_vals, axis=1)[:, None, :]  # [B, 1, HW]
        pred = (cnt < 3).astype(jnp.int32) * 2000 - 1000
        preds.append(pred.reshape(B, 1, H, W).astype(jnp.float32))
    return jnp.concatenate(preds, axis=1)  # [B, N_ECHOES, H, W]

if __name__ == "__main__":
    import jax
    _d = setup_inputs()
    print(jax.jit(kernel)(*tuple(_d.values())))

</pallas_src>

<mosaic_0001>
#map = affine_map<(d0, d1) -> (0, 0, 0, 0)>
module attributes {stable_mosaic.version = 14 : i64} {
  func.func @_sc_body(%arg0: i32, %arg1: i32, %arg2: memref<2x8x72x224xf32, #tpu.memory_space<hbm>>, %arg3: memref<2x2x64x224xf32, #tpu.memory_space<hbm>>, %arg4: memref<12x240xf32, #tpu.memory_space<vmem>>, %arg5: memref<12x240xf32, #tpu.memory_space<vmem>>, %arg6: memref<12x240xf32, #tpu.memory_space<vmem>>, %arg7: memref<2x4x224xf32, #tpu.memory_space<vmem>>, %arg8: memref<3x4x224xf32, #tpu.memory_space<vmem>>, %arg9: memref<2x4x224xf32, #tpu.memory_space<vmem>>) attributes {dimension_semantics = [#tpu.dimension_semantics<core_parallel>, #tpu.dimension_semantics<subcore_parallel>], iteration_bounds = array<i64: 2, 16>, scalar_prefetch = 0 : i64, scratch_operands = 6 : i64, tpu.core_type = #tpu.core_type<sc_vector_subcore>, window_params = [{transform_indices = #map}, {transform_indices = #map}]} {
    %mul3A = arith.constant 4 : i32
    %mul3A_0 = arith.muli %arg1, %mul3A : i32
    %broadcast_in_dim3A = arith.constant 0.000000e+00 : f32
    %broadcast_in_dim3A_1 = vector.broadcast %broadcast_in_dim3A : f32 to vector<16xf32>
    %scan3A = arith.constant 0 : i32
    %scan3A_2 = arith.constant 0 : i32
    %scan3A_3 = arith.constant 12 : i32
    %scan3A_4 = arith.addi %scan3A_2, %scan3A_3 : i32
    %scan3A_5 = arith.constant 1 : i32
    %scan3A_6 = scf.for %scan3A_34 = %scan3A_2 to %scan3A_4 step %scan3A_5 iter_args(%scan3A_35 = %scan3A) -> (i32)  : i32 {
      %swap3A = arith.index_cast %scan3A_34 : i32 to index
      %swap3A_36 = arith.constant 0 : index
      %swap3A_37 = tpu.vector_load %arg4[%swap3A, %swap3A_36] {strides = array<i32>} : memref<12x240xf32, #tpu.memory_space<vmem>>, vector<1x16xf32>,
      %swap3A_38 = vector.shape_cast %swap3A_37 : vector<1x16xf32> to vector<16xf32>
      %swap3A_39 = vector.shape_cast %broadcast_in_dim3A_1 : vector<16xf32> to vector<1x16xf32>
      tpu.vector_store %arg4[%swap3A, %swap3A_36], %swap3A_39 {strides = array<i32>} : memref<12x240xf32, #tpu.memory_space<vmem>>, vector<1x16xf32>,
      %swap3A_40 = arith.index_cast %scan3A_34 : i32 to index
      %swap3A_41 = arith.constant 224 : index
      %swap3A_42 = tpu.vector_load %arg4[%swap3A_40, %swap3A_41] {strides = array<i32>} : memref<12x240xf32, #tpu.memory_space<vmem>>, vector<1x16xf32>,
      %swap3A_43 = vector.shape_cast %swap3A_42 : vector<1x16xf32> to vector<16xf32>
      %swap3A_44 = vector.shape_cast %broadcast_in_dim3A_1 : vector<16xf32> to vector<1x16xf32>
      tpu.vector_store %arg4[%swap3A_40, %swap3A_41], %swap3A_44 {strides = array<i32>} : memref<12x240xf32, #tpu.memory_space<vmem>>, vector<1x16xf32>,
      %swap3A_45 = arith.index_cast %scan3A_34 : i32 to index
      %swap3A_46 = arith.constant 0 : index
      %swap3A_47 = tpu.vector_load %arg5[%swap3A_45, %swap3A_46] {strides = array<i32>} : memref<12x240xf32, #tpu.memory_space<vmem>>, vector<1x16xf32>,
      %swap3A_48 = vector.shape_cast %swap3A_47 : vector<1x16xf32> to vector<16xf32>
      %swap3A_49 = vector.shape_cast %broadcast_in_dim3A_1 : vector<16xf32> to vector<1x16xf32>
      tpu.vector_store %arg5[%swap3A_45, %swap3A_46], %swap3A_49 {strides = array<i32>} : memref<12x240xf32, #tpu.memory_space<vmem>>, vector<1x16xf32>,
      %swap3A_50 = arith.index_cast %scan3A_34 : i32 to index
      %swap3A_51 = arith.constant 224 : index
      %swap3A_52 = tpu.vector_load %arg5[%swap3A_50, %swap3A_51] {strides = array<i32>} : memref<12x240xf32, #tpu.memory_space<vmem>>, vector<1x16xf32>,
      %swap3A_53 = vector.shape_cast %swap3A_52 : vector<1x16xf32> to vector<16xf32>
      %swap3A_54 = vector.shape_cast %broadcast_in_dim3A_1 : vector<16xf32> to vector<1x16xf32>
      tpu.vector_store %arg5[%swap3A_50, %swap3A_51], %swap3A_54 {strides = array<i32>} : memref<12x240xf32, #tpu.memory_space<vmem>>, vector<1x16xf32>,
      %swap3A_55 = arith.index_cast %scan3A_34 : i32 to index
      %swap3A_56 = arith.constant 0 : index
      %swap3A_57 = tpu.vector_load %arg6[%swap3A_55, %swap3A_56] {strides = array<i32>} : memref<12x240xf32, #tpu.memory_space<vmem>>, vector<1x16xf32>,
      %swap3A_58 = vector.shape_cast %swap3A_57 : vector<1x16xf32> to vector<16xf32>
      %swap3A_59 = vector.shape_cast %broadcast_in_dim3A_1 : vector<16xf32> to vector<1x16xf32>
      tpu.vector_store %arg6[%swap3A_55, %swap3A_56], %swap3A_59 {strides = array<i32>} : memref<12x240xf32, #tpu.memory_space<vmem>>, vector<1x16xf32>,
      %swap3A_60 = arith.index_cast %scan3A_34 : i32 to index
      %swap3A_61 = arith.constant 224 : index
      %swap3A_62 = tpu.vector_load %arg6[%swap3A_60, %swap3A_61] {strides = array<i32>} : memref<12x240xf32, #tpu.memory_space<vmem>>, vector<1x16xf32>,
      %swap3A_63 = vector.shape_cast %swap3A_62 : vector<1x16xf32> to vector<16xf32>
      %swap3A_64 = vector.shape_cast %broadcast_in_dim3A_1 : vector<16xf32> to vector<1x16xf32>
      tpu.vector_store %arg6[%swap3A_60, %swap3A_61], %swap3A_64 {strides = array<i32>} : memref<12x240xf32, #tpu.memory_space<vmem>>, vector<1x16xf32>,
      %scan3A_65 = arith.constant 0 : i32
      scf.yield %scan3A_65 : i32
    }
    %scan3A_7 = arith.constant 12 : i32
    %eq3A = arith.constant 0 : i32
    %eq3A_8 = arith.cmpi eq, %arg1, %eq3A : i32
    %convert_element_type3A = arith.extui %eq3A_8 : i1 to i32
    %cond3A = arith.constant 0 : i32
    %cond3A_9 = arith.cmpi ne, %convert_element_type3A, %cond3A : i32
    scf.if %cond3A_9 {
      %scan3A_34 = arith.constant 0 : i32
      %scan3A_35 = arith.constant 0 : i32
      %scan3A_36 = arith.constant 4 : i32
      %scan3A_37 = arith.addi %scan3A_35, %scan3A_36 : i32
      %scan3A_38 = arith.constant 1 : i32
      %scan3A_39 = scf.for %scan3A_44 = %scan3A_35 to %scan3A_37 step %scan3A_38 iter_args(%scan3A_45 = %scan3A_34) -> (i32)  : i32 {
        %scan3A_46 = arith.constant 0 : i32
        %scan3A_47 = arith.constant 0 : i32
        %scan3A_48 = arith.constant 15 : i32
        %scan3A_49 = arith.addi %scan3A_47, %scan3A_48 : i32
        %scan3A_50 = arith.constant 1 : i32
        %scan3A_51 = scf.for %scan3A_53 = %scan3A_47 to %scan3A_49 step %scan3A_50 iter_args(%scan3A_54 = %scan3A_46) -> (i32)  : i32 {
          %mul3A_55 = arith.constant 16 : i32
          %mul3A_56 = arith.muli %scan3A_53, %mul3A_55 : i32
          %swap3A = arith.index_cast %scan3A_44 : i32 to index
          %swap3A_57 = arith.index_cast %mul3A_56 : i32 to index
          %swap3A_58 = tpu.vector_load %arg4[%swap3A, %swap3A_57] {strides = array<i32>} : memref<12x240xf32, #tpu.memory_space<vmem>>, vector<1x16xf32>,
          %swap3A_59 = vector.shape_cast %swap3A_58 : vector<1x16xf32> to vector<16xf32>
          %swap3A_60 = vector.shape_cast %broadcast_in_dim3A_1 : vector<16xf32> to vector<1x16xf32>
          tpu.vector_store %arg4[%swap3A, %swap3A_57], %swap3A_60 {strides = array<i32>} : memref<12x240xf32, #tpu.memory_space<vmem>>, vector<1x16xf32>,
          %mul3A_61 = arith.constant 16 : i32
          %mul3A_62 = arith.muli %scan3A_53, %mul3A_61 : i32
          %swap3A_63 = arith.index_cast %scan3A_44 : i32 to index
          %swap3A_64 = arith.index_cast %mul3A_62 : i32 to index
          %swap3A_65 = tpu.vector_load %arg5[%swap3A_63, %swap3A_64] {strides = array<i32>} : memref<12x240xf32, #tpu.memory_space<vmem>>, vector<1x16xf32>,
          %swap3A_66 = vector.shape_cast %swap3A_65 : vector<1x16xf32> to vector<16xf32>
          %swap3A_67 = vector.shape_cast %broadcast_in_dim3A_1 : vector<16xf32> to vector<1x16xf32>
          tpu.vector_store %arg5[%swap3A_63, %swap3A_64], %swap3A_67 {strides = array<i32>} : memref<12x240xf32, #tpu.memory_space<vmem>>, vector<1x16xf32>,
          %mul3A_68 = arith.constant 16 : i32
          %mul3A_69 = arith.muli %scan3A_53, %mul3A_68 : i32
          %swap3A_70 = arith.index_cast %scan3A_44 : i32 to index
          %swap3A_71 = arith.index_cast %mul3A_69 : i32 to index
          %swap3A_72 = tpu.vector_load %arg6[%swap3A_70, %swap3A_71] {strides = array<i32>} : memref<12x240xf32, #tpu.memory_space<vmem>>, vector<1x16xf32>,
          %swap3A_73 = vector.shape_cast %swap3A_72 : vector<1x16xf32> to vector<16xf32>
          %swap3A_74 = vector.shape_cast %broadcast_in_dim3A_1 : vector<16xf32> to vector<1x16xf32>
          tpu.vector_store %arg6[%swap3A_70, %swap3A_71], %swap3A_74 {strides = array<i32>} : memref<12x240xf32, #tpu.memory_space<vmem>>, vector<1x16xf32>,
          %scan3A_75 = arith.constant 0 : i32
          scf.yield %scan3A_75 : i32
        }
        %scan3A_52 = arith.constant 15 : i32
        scf.yield %scan3A_51 : i32
      }
      %scan3A_40 = arith.constant 4 : i32
      %run_scoped3A_41 = arith.constant 2 : i32
      "tpu.region"() ({
        %run_scoped3A_44 = tpu.sem_alloc : memref<!tpu.dma_semaphore, #tpu.memory_space<semaphore_mem>>
        %dma_start3A = arith.constant 4 : i32
        %dma_start3A_45 = arith.constant 8 : i32
        %dma_start3A_46 = tpu.memref_slice %arg4[%dma_start3A, %dma_start3A_45] : memref<12x240xf32, #tpu.memory_space<vmem>> -> memref<8x224xf32, #tpu.memory_space<vmem>>
        %dma_start3A_47 = arith.constant 0 : i32
        %dma_start3A_48 = arith.constant 0 : i32
        %dma_start3A_49 = tpu.memref_slice %arg2[%arg0, %run_scoped3A_41, %dma_start3A_47, %dma_start3A_48] : memref<2x8x72x224xf32, #tpu.memory_space<hbm>> -> memref<1x1x8x224xf32, #tpu.memory_space<hbm>>
        %dma_start3A_50 = tpu.memref_squeeze %dma_start3A_49 : memref<1x1x8x224xf32, #tpu.memory_space<hbm>> -> memref<8x224xf32, #tpu.memory_space<hbm>>
        %dma_start3A_51 = arith.constant 4 : i32
        %dma_start3A_52 = arith.constant 8 : i32
        %dma_start3A_53 = tpu.memref_slice %arg4[%dma_start3A_51, %dma_start3A_52] : memref<12x240xf32, #tpu.memory_space<vmem>> -> memref<8x224xf32, #tpu.memory_space<vmem>>
        %dma_start3A_54 = arith.constant 0 : i32
        %dma_start3A_55 = arith.constant 0 : i32
        %dma_start3A_56 = tpu.memref_slice %arg2[%arg0, %run_scoped3A_41, %dma_start3A_54, %dma_start3A_55] : memref<2x8x72x224xf32, #tpu.memory_space<hbm>> -> memref<1x1x8x224xf32, #tpu.memory_space<hbm>>
        %dma_start3A_57 = tpu.memref_squeeze %dma_start3A_56 : memref<1x1x8x224xf32, #tpu.memory_space<hbm>> -> memref<8x224xf32, #tpu.memory_space<hbm>>
        tpu.enqueue_dma source(%dma_start3A_57 : memref<8x224xf32, #tpu.memory_space<hbm>>) target(%dma_start3A_53 : memref<8x224xf32, #tpu.memory_space<vmem>>) target_semaphore(%run_scoped3A_44 : memref<!tpu.dma_semaphore, #tpu.memory_space<semaphore_mem>>)
        %dma_wait3A = arith.constant 4 : i32
        %dma_wait3A_58 = arith.constant 8 : i32
        %dma_wait3A_59 = tpu.memref_slice %arg4[%dma_wait3A, %dma_wait3A_58] : memref<12x240xf32, #tpu.memory_space<vmem>> -> memref<8x224xf32, #tpu.memory_space<vmem>>
        %dma_wait3A_60 = arith.constant 0 : i32
        %dma_wait3A_61 = arith.constant 0 : i32
        %dma_wait3A_62 = tpu.memref_slice %arg2[%arg0, %run_scoped3A_41, %dma_wait3A_60, %dma_wait3A_61] : memref<2x8x72x224xf32, #tpu.memory_space<hbm>> -> memref<1x1x8x224xf32, #tpu.memory_space<hbm>>
        %dma_wait3A_63 = tpu.memref_squeeze %dma_wait3A_62 : memref<1x1x8x224xf32, #tpu.memory_space<hbm>> -> memref<8x224xf32, #tpu.memory_space<hbm>>
        %dma_wait3A_64 = arith.constant 4 : i32
        %dma_wait3A_65 = arith.constant 8 : i32
        %dma_wait3A_66 = tpu.memref_slice %arg4[%dma_wait3A_64, %dma_wait3A_65] : memref<12x240xf32, #tpu.memory_space<vmem>> -> memref<8x224xf32, #tpu.memory_space<vmem>>
        %dma_wait3A_67 = arith.constant 0 : i32
        %dma_wait3A_68 = arith.constant 0 : i32
        %dma_wait3A_69 = tpu.memref_slice %arg2[%arg0, %run_scoped3A_41, %dma_wait3A_67, %dma_wait3A_68] : memref<2x8x72x224xf32, #tpu.memory_space<hbm>> -> memref<1x1x8x224xf32, #tpu.memory_space<hbm>>
        %dma_wait3A_70 = tpu.memref_squeeze %dma_wait3A_69 : memref<1x1x8x224xf32, #tpu.memory_space<hbm>> -> memref<8x224xf32, #tpu.memory_space<hbm>>
        tpu.wait_dma2 semaphore(%run_scoped3A_44 : memref<!tpu.dma_semaphore, #tpu.memory_space<semaphore_mem>>) src(%dma_wait3A_70 : memref<8x224xf32, #tpu.memory_space<hbm>>) dst(%dma_wait3A_66 : memref<8x224xf32, #tpu.memory_space<vmem>>)
        tpu.yield
      }) : () -> ()
      %run_scoped3A_42 = arith.constant 3 : i32
      "tpu.region"() ({
        %run_scoped3A_44 = tpu.sem_alloc : memref<!tpu.dma_semaphore, #tpu.memory_space<semaphore_mem>>
        %dma_start3A = arith.constant 4 : i32
        %dma_start3A_45 = arith.constant 8 : i32
        %dma_start3A_46 = tpu.memref_slice %arg5[%dma_start3A, %dma_start3A_45] : memref<12x240xf32, #tpu.memory_space<vmem>> -> memref<8x224xf32, #tpu.memory_space<vmem>>
        %dma_start3A_47 = arith.constant 0 : i32
        %dma_start3A_48 = arith.constant 0 : i32
        %dma_start3A_49 = tpu.memref_slice %arg2[%arg0, %run_scoped3A_42, %dma_start3A_47, %dma_start3A_48] : memref<2x8x72x224xf32, #tpu.memory_space<hbm>> -> memref<1x1x8x224xf32, #tpu.memory_space<hbm>>
        %dma_start3A_50 = tpu.memref_squeeze %dma_start3A_49 : memref<1x1x8x224xf32, #tpu.memory_space<hbm>> -> memref<8x224xf32, #tpu.memory_space<hbm>>
        %dma_start3A_51 = arith.constant 4 : i32
        %dma_start3A_52 = arith.constant 8 : i32
        %dma_start3A_53 = tpu.memref_slice %arg5[%dma_start3A_51, %dma_start3A_52] : memref<12x240xf32, #tpu.memory_space<vmem>> -> memref<8x224xf32, #tpu.memory_space<vmem>>
        %dma_start3A_54 = arith.constant 0 : i32
        %dma_start3A_55 = arith.constant 0 : i32
        %dma_start3A_56 = tpu.memref_slice %arg2[%arg0, %run_scoped3A_42, %dma_start3A_54, %dma_start3A_55] : memref<2x8x72x224xf32, #tpu.memory_space<hbm>> -> memref<1x1x8x224xf32, #tpu.memory_space<hbm>>
        %dma_start3A_57 = tpu.memref_squeeze %dma_start3A_56 : memref<1x1x8x224xf32, #tpu.memory_space<hbm>> -> memref<8x224xf32, #tpu.memory_space<hbm>>
        tpu.enqueue_dma source(%dma_start3A_57 : memref<8x224xf32, #tpu.memory_space<hbm>>) target(%dma_start3A_53 : memref<8x224xf32, #tpu.memory_space<vmem>>) target_semaphore(%run_scoped3A_44 : memref<!tpu.dma_semaphore, #tpu.memory_space<semaphore_mem>>)
        %dma_wait3A = arith.constant 4 : i32
        %dma_wait3A_58 = arith.constant 8 : i32
        %dma_wait3A_59 = tpu.memref_slice %arg5[%dma_wait3A, %dma_wait3A_58] : memref<12x240xf32, #tpu.memory_space<vmem>> -> memref<8x224xf32, #tpu.memory_space<vmem>>
        %dma_wait3A_60 = arith.constant 0 : i32
        %dma_wait3A_61 = arith.constant 0 : i32
        %dma_wait3A_62 = tpu.memref_slice %arg2[%arg0, %run_scoped3A_42, %dma_wait3A_60, %dma_wait3A_61] : memref<2x8x72x224xf32, #tpu.memory_space<hbm>> -> memref<1x1x8x224xf32, #tpu.memory_space<hbm>>
        %dma_wait3A_63 = tpu.memref_squeeze %dma_wait3A_62 : memref<1x1x8x224xf32, #tpu.memory_space<hbm>> -> memref<8x224xf32, #tpu.memory_space<hbm>>
        %dma_wait3A_64 = arith.constant 4 : i32
        %dma_wait3A_65 = arith.constant 8 : i32
        %dma_wait3A_66 = tpu.memref_slice %arg5[%dma_wait3A_64, %dma_wait3A_65] : memref<12x240xf32, #tpu.memory_space<vmem>> -> memref<8x224xf32, #tpu.memory_space<vmem>>
        %dma_wait3A_67 = arith.constant 0 : i32
        %dma_wait3A_68 = arith.constant 0 : i32
        %dma_wait3A_69 = tpu.memref_slice %arg2[%arg0, %run_scoped3A_42, %dma_wait3A_67, %dma_wait3A_68] : memref<2x8x72x224xf32, #tpu.memory_space<hbm>> -> memref<1x1x8x224xf32, #tpu.memory_space<hbm>>
        %dma_wait3A_70 = tpu.memref_squeeze %dma_wait3A_69 : memref<1x1x8x224xf32, #tpu.memory_space<hbm>> -> memref<8x224xf32, #tpu.memory_space<hbm>>
        tpu.wait_dma2 semaphore(%run_scoped3A_44 : memref<!tpu.dma_semaphore, #tpu.memory_space<semaphore_mem>>) src(%dma_wait3A_70 : memref<8x224xf32, #tpu.memory_space<hbm>>) dst(%dma_wait3A_66 : memref<8x224xf32, #tpu.memory_space<vmem>>)
        tpu.yield
      }) : () -> ()
      %run_scoped3A_43 = arith.constant 4 : i32
      "tpu.region"() ({
        %run_scoped3A_44 = tpu.sem_alloc : memref<!tpu.dma_semaphore, #tpu.memory_space<semaphore_mem>>
        %dma_start3A = arith.constant 4 : i32
        %dma_start3A_45 = arith.constant 8 : i32
        %dma_start3A_46 = tpu.memref_slice %arg6[%dma_start3A, %dma_start3A_45] : memref<12x240xf32, #tpu.memory_space<vmem>> -> memref<8x224xf32, #tpu.memory_space<vmem>>
        %dma_start3A_47 = arith.constant 0 : i32
        %dma_start3A_48 = arith.constant 0 : i32
        %dma_start3A_49 = tpu.memref_slice %arg2[%arg0, %run_scoped3A_43, %dma_start3A_47, %dma_start3A_48] : memref<2x8x72x224xf32, #tpu.memory_space<hbm>> -> memref<1x1x8x224xf32, #tpu.memory_space<hbm>>
        %dma_start3A_50 = tpu.memref_squeeze %dma_start3A_49 : memref<1x1x8x224xf32, #tpu.memory_space<hbm>> -> memref<8x224xf32, #tpu.memory_space<hbm>>
        %dma_start3A_51 = arith.constant 4 : i32
        %dma_start3A_52 = arith.constant 8 : i32
        %dma_start3A_53 = tpu.memref_slice %arg6[%dma_start3A_51, %dma_start3A_52] : memref<12x240xf32, #tpu.memory_space<vmem>> -> memref<8x224xf32, #tpu.memory_space<vmem>>
        %dma_start3A_54 = arith.constant 0 : i32
        %dma_start3A_55 = arith.constant 0 : i32
        %dma_start3A_56 = tpu.memref_slice %arg2[%arg0, %run_scoped3A_43, %dma_start3A_54, %dma_start3A_55] : memref<2x8x72x224xf32, #tpu.memory_space<hbm>> -> memref<1x1x8x224xf32, #tpu.memory_space<hbm>>
        %dma_start3A_57 = tpu.memref_squeeze %dma_start3A_56 : memref<1x1x8x224xf32, #tpu.memory_space<hbm>> -> memref<8x224xf32, #tpu.memory_space<hbm>>
        tpu.enqueue_dma source(%dma_start3A_57 : memref<8x224xf32, #tpu.memory_space<hbm>>) target(%dma_start3A_53 : memref<8x224xf32, #tpu.memory_space<vmem>>) target_semaphore(%run_scoped3A_44 : memref<!tpu.dma_semaphore, #tpu.memory_space<semaphore_mem>>)
        %dma_wait3A = arith.constant 4 : i32
        %dma_wait3A_58 = arith.constant 8 : i32
        %dma_wait3A_59 = tpu.memref_slice %arg6[%dma_wait3A, %dma_wait3A_58] : memref<12x240xf32, #tpu.memory_space<vmem>> -> memref<8x224xf32, #tpu.memory_space<vmem>>
        %dma_wait3A_60 = arith.constant 0 : i32
        %dma_wait3A_61 = arith.constant 0 : i32
        %dma_wait3A_62 = tpu.memref_slice %arg2[%arg0, %run_scoped3A_43, %dma_wait3A_60, %dma_wait3A_61] : memref<2x8x72x224xf32, #tpu.memory_space<hbm>> -> memref<1x1x8x224xf32, #tpu.memory_space<hbm>>
        %dma_wait3A_63 = tpu.memref_squeeze %dma_wait3A_62 : memref<1x1x8x224xf32, #tpu.memory_space<hbm>> -> memref<8x224xf32, #tpu.memory_space<hbm>>
        %dma_wait3A_64 = arith.constant 4 : i32
        %dma_wait3A_65 = arith.constant 8 : i32
        %dma_wait3A_66 = tpu.memref_slice %arg6[%dma_wait3A_64, %dma_wait3A_65] : memref<12x240xf32, #tpu.memory_space<vmem>> -> memref<8x224xf32, #tpu.memory_space<vmem>>
        %dma_wait3A_67 = arith.constant 0 : i32
        %dma_wait3A_68 = arith.constant 0 : i32
        %dma_wait3A_69 = tpu.memref_slice %arg2[%arg0, %run_scoped3A_43, %dma_wait3A_67, %dma_wait3A_68] : memref<2x8x72x224xf32, #tpu.memory_space<hbm>> -> memref<1x1x8x224xf32, #tpu.memory_space<hbm>>
        %dma_wait3A_70 = tpu.memref_squeeze %dma_wait3A_69 : memref<1x1x8x224xf32, #tpu.memory_space<hbm>> -> memref<8x224xf32, #tpu.memory_space<hbm>>
        tpu.wait_dma2 semaphore(%run_scoped3A_44 : memref<!tpu.dma_semaphore, #tpu.memory_space<semaphore_mem>>) src(%dma_wait3A_70 : memref<8x224xf32, #tpu.memory_space<hbm>>) dst(%dma_wait3A_66 : memref<8x224xf32, #tpu.memory_space<vmem>>)
        tpu.yield
      }) : () -> ()
    } else {
    }
    %ne3A = arith.constant 0 : i32
    %ne3A_10 = arith.cmpi ne, %arg1, %ne3A : i32
    %convert_element_type3A_11 = arith.extui %ne3A_10 : i1 to i32
    %cond3A_12 = arith.constant 0 : i32
    %cond3A_13 = arith.cmpi ne, %convert_element_type3A_11, %cond3A_12 : i32
    scf.if %cond3A_13 {
      %sub3A = arith.constant 4 : i32
      %sub3A_34 = arith.subi %mul3A_0, %sub3A : i32
      %run_scoped3A_35 = arith.constant 2 : i32
      "tpu.region"() ({
        %run_scoped3A_42 = tpu.sem_alloc : memref<!tpu.dma_semaphore, #tpu.memory_space<semaphore_mem>>
        %dma_start3A = arith.constant 0 : i32
        %dma_start3A_43 = arith.constant 8 : i32
        %dma_start3A_44 = tpu.memref_slice %arg4[%dma_start3A, %dma_start3A_43] : memref<12x240xf32, #tpu.memory_space<vmem>> -> memref<12x224xf32, #tpu.memory_space<vmem>>
        %dma_start3A_45 = arith.constant 0 : i32
        %dma_start3A_46 = tpu.memref_slice %arg2[%arg0, %run_scoped3A_35, %sub3A_34, %dma_start3A_45] : memref<2x8x72x224xf32, #tpu.memory_space<hbm>> -> memref<1x1x12x224xf32, #tpu.memory_space<hbm>>
        %dma_start3A_47 = tpu.memref_squeeze %dma_start3A_46 : memref<1x1x12x224xf32, #tpu.memory_space<hbm>> -> memref<12x224xf32, #tpu.memory_space<hbm>>
        %dma_start3A_48 = arith.constant 0 : i32
        %dma_start3A_49 = arith.constant 8 : i32
        %dma_start3A_50 = tpu.memref_slice %arg4[%dma_start3A_48, %dma_start3A_49] : memref<12x240xf32, #tpu.memory_space<vmem>> -> memref<12x224xf32, #tpu.memory_space<vmem>>
        %dma_start3A_51 = arith.constant 0 : i32
        %dma_start3A_52 = tpu.memref_slice %arg2[%arg0, %run_scoped3A_35, %sub3A_34, %dma_start3A_51] : memref<2x8x72x224xf32, #tpu.memory_space<hbm>> -> memref<1x1x12x224xf32, #tpu.memory_space<hbm>>
        %dma_start3A_53 = tpu.memref_squeeze %dma_start3A_52 : memref<1x1x12x224xf32, #tpu.memory_space<hbm>> -> memref<12x224xf32, #tpu.memory_space<hbm>>
        tpu.enqueue_dma source(%dma_start3A_53 : memref<12x224xf32, #tpu.memory_space<hbm>>) target(%dma_start3A_50 : memref<12x224xf32, #tpu.memory_space<vmem>>) target_semaphore(%run_scoped3A_42 : memref<!tpu.dma_semaphore, #tpu.memory_space<semaphore_mem>>)
        %dma_wait3A = arith.constant 0 : i32
        %dma_wait3A_54 = arith.constant 8 : i32
        %dma_wait3A_55 = tpu.memref_slice %arg4[%dma_wait3A, %dma_wait3A_54] : memref<12x240xf32, #tpu.memory_space<vmem>> -> memref<12x224xf32, #tpu.memory_space<vmem>>
        %dma_wait3A_56 = arith.constant 0 : i32
        %dma_wait3A_57 = tpu.memref_slice %arg2[%arg0, %run_scoped3A_35, %sub3A_34, %dma_wait3A_56] : memref<2x8x72x224xf32, #tpu.memory_space<hbm>> -> memref<1x1x12x224xf32, #tpu.memory_space<hbm>>
        %dma_wait3A_58 = tpu.memref_squeeze %dma_wait3A_57 : memref<1x1x12x224xf32, #tpu.memory_space<hbm>> -> memref<12x224xf32, #tpu.memory_space<hbm>>
        %dma_wait3A_59 = arith.constant 0 : i32
        %dma_wait3A_60 = arith.constant 8 : i32
        %dma_wait3A_61 = tpu.memref_slice %arg4[%dma_wait3A_59, %dma_wait3A_60] : memref<12x240xf32, #tpu.memory_space<vmem>> -> memref<12x224xf32, #tpu.memory_space<vmem>>
        %dma_wait3A_62 = arith.constant 0 : i32
        %dma_wait3A_63 = tpu.memref_slice %arg2[%arg0, %run_scoped3A_35, %sub3A_34, %dma_wait3A_62] : memref<2x8x72x224xf32, #tpu.memory_space<hbm>> -> memref<1x1x12x224xf32, #tpu.memory_space<hbm>>
        %dma_wait3A_64 = tpu.memref_squeeze %dma_wait3A_63 : memref<1x1x12x224xf32, #tpu.memory_space<hbm>> -> memref<12x224xf32, #tpu.memory_space<hbm>>
        tpu.wait_dma2 semaphore(%run_scoped3A_42 : memref<!tpu.dma_semaphore, #tpu.memory_space<semaphore_mem>>) src(%dma_wait3A_64 : memref<12x224xf32, #tpu.memory_space<hbm>>) dst(%dma_wait3A_61 : memref<12x224xf32, #tpu.memory_space<vmem>>)
        tpu.yield
      }) : () -> ()
      %sub3A_36 = arith.constant 4 : i32
      %sub3A_37 = arith.subi %mul3A_0, %sub3A_36 : i32
      %run_scoped3A_38 = arith.constant 3 : i32
      "tpu.region"() ({
        %run_scoped3A_42 = tpu.sem_alloc : memref<!tpu.dma_semaphore, #tpu.memory_space<semaphore_mem>>
        %dma_start3A = arith.constant 0 : i32
        %dma_start3A_43 = arith.constant 8 : i32
        %dma_start3A_44 = tpu.memref_slice %arg5[%dma_start3A, %dma_start3A_43] : memref<12x240xf32, #tpu.memory_space<vmem>> -> memref<12x224xf32, #tpu.memory_space<vmem>>
        %dma_start3A_45 = arith.constant 0 : i32
        %dma_start3A_46 = tpu.memref_slice %arg2[%arg0, %run_scoped3A_38, %sub3A_37, %dma_start3A_45] : memref<2x8x72x224xf32, #tpu.memory_space<hbm>> -> memref<1x1x12x224xf32, #tpu.memory_space<hbm>>
        %dma_start3A_47 = tpu.memref_squeeze %dma_start3A_46 : memref<1x1x12x224xf32, #tpu.memory_space<hbm>> -> memref<12x224xf32, #tpu.memory_space<hbm>>
        %dma_start3A_48 = arith.constant 0 : i32
        %dma_start3A_49 = arith.constant 8 : i32
        %dma_start3A_50 = tpu.memref_slice %arg5[%dma_start3A_48, %dma_start3A_49] : memref<12x240xf32, #tpu.memory_space<vmem>> -> memref<12x224xf32, #tpu.memory_space<vmem>>
        %dma_start3A_51 = arith.constant 0 : i32
        %dma_start3A_52 = tpu.memref_slice %arg2[%arg0, %run_scoped3A_38, %sub3A_37, %dma_start3A_51] : memref<2x8x72x224xf32, #tpu.memory_space<hbm>> -> memref<1x1x12x224xf32, #tpu.memory_space<hbm>>
        %dma_start3A_53 = tpu.memref_squeeze %dma_start3A_52 : memref<1x1x12x224xf32, #tpu.memory_space<hbm>> -> memref<12x224xf32, #tpu.memory_space<hbm>>
        tpu.enqueue_dma source(%dma_start3A_53 : memref<12x224xf32, #tpu.memory_space<hbm>>) target(%dma_start3A_50 : memref<12x224xf32, #tpu.memory_space<vmem>>) target_semaphore(%run_scoped3A_42 : memref<!tpu.dma_semaphore, #tpu.memory_space<semaphore_mem>>)
        %dma_wait3A = arith.constant 0 : i32
        %dma_wait3A_54 = arith.constant 8 : i32
        %dma_wait3A_55 = tpu.memref_slice %arg5[%dma_wait3A, %dma_wait3A_54] : memref<12x240xf32, #tpu.memory_space<vmem>> -> memref<12x224xf32, #tpu.memory_space<vmem>>
        %dma_wait3A_56 = arith.constant 0 : i32
        %dma_wait3A_57 = tpu.memref_slice %arg2[%arg0, %run_scoped3A_38, %sub3A_37, %dma_wait3A_56] : memref<2x8x72x224xf32, #tpu.memory_space<hbm>> -> memref<1x1x12x224xf32, #tpu.memory_space<hbm>>
        %dma_wait3A_58 = tpu.memref_squeeze %dma_wait3A_57 : memref<1x1x12x224xf32, #tpu.memory_space<hbm>> -> memref<12x224xf32, #tpu.memory_space<hbm>>
        %dma_wait3A_59 = arith.constant 0 : i32
        %dma_wait3A_60 = arith.constant 8 : i32
        %dma_wait3A_61 = tpu.memref_slice %arg5[%dma_wait3A_59, %dma_wait3A_60] : memref<12x240xf32, #tpu.memory_space<vmem>> -> memref<12x224xf32, #tpu.memory_space<vmem>>
        %dma_wait3A_62 = arith.constant 0 : i32
        %dma_wait3A_63 = tpu.memref_slice %arg2[%arg0, %run_scoped3A_38, %sub3A_37, %dma_wait3A_62] : memref<2x8x72x224xf32, #tpu.memory_space<hbm>> -> memref<1x1x12x224xf32, #tpu.memory_space<hbm>>
        %dma_wait3A_64 = tpu.memref_squeeze %dma_wait3A_63 : memref<1x1x12x224xf32, #tpu.memory_space<hbm>> -> memref<12x224xf32, #tpu.memory_space<hbm>>
        tpu.wait_dma2 semaphore(%run_scoped3A_42 : memref<!tpu.dma_semaphore, #tpu.memory_space<semaphore_mem>>) src(%dma_wait3A_64 : memref<12x224xf32, #tpu.memory_space<hbm>>) dst(%dma_wait3A_61 : memref<12x224xf32, #tpu.memory_space<vmem>>)
        tpu.yield
      }) : () -> ()
      %sub3A_39 = arith.constant 4 : i32
      %sub3A_40 = arith.subi %mul3A_0, %sub3A_39 : i32
      %run_scoped3A_41 = arith.constant 4 : i32
      "tpu.region"() ({
        %run_scoped3A_42 = tpu.sem_alloc : memref<!tpu.dma_semaphore, #tpu.memory_space<semaphore_mem>>
        %dma_start3A = arith.constant 0 : i32
        %dma_start3A_43 = arith.constant 8 : i32
        %dma_start3A_44 = tpu.memref_slice %arg6[%dma_start3A, %dma_start3A_43] : memref<12x240xf32, #tpu.memory_space<vmem>> -> memref<12x224xf32, #tpu.memory_space<vmem>>
        %dma_start3A_45 = arith.constant 0 : i32
        %dma_start3A_46 = tpu.memref_slice %arg2[%arg0, %run_scoped3A_41, %sub3A_40, %dma_start3A_45] : memref<2x8x72x224xf32, #tpu.memory_space<hbm>> -> memref<1x1x12x224xf32, #tpu.memory_space<hbm>>
        %dma_start3A_47 = tpu.memref_squeeze %dma_start3A_46 : memref<1x1x12x224xf32, #tpu.memory_space<hbm>> -> memref<12x224xf32, #tpu.memory_space<hbm>>
        %dma_start3A_48 = arith.constant 0 : i32
        %dma_start3A_49 = arith.constant 8 : i32
        %dma_start3A_50 = tpu.memref_slice %arg6[%dma_start3A_48, %dma_start3A_49] : memref<12x240xf32, #tpu.memory_space<vmem>> -> memref<12x224xf32, #tpu.memory_space<vmem>>
        %dma_start3A_51 = arith.constant 0 : i32
        %dma_start3A_52 = tpu.memref_slice %arg2[%arg0, %run_scoped3A_41, %sub3A_40, %dma_start3A_51] : memref<2x8x72x224xf32, #tpu.memory_space<hbm>> -> memref<1x1x12x224xf32, #tpu.memory_space<hbm>>
        %dma_start3A_53 = tpu.memref_squeeze %dma_start3A_52 : memref<1x1x12x224xf32, #tpu.memory_space<hbm>> -> memref<12x224xf32, #tpu.memory_space<hbm>>
        tpu.enqueue_dma source(%dma_start3A_53 : memref<12x224xf32, #tpu.memory_space<hbm>>) target(%dma_start3A_50 : memref<12x224xf32, #tpu.memory_space<vmem>>) target_semaphore(%run_scoped3A_42 : memref<!tpu.dma_semaphore, #tpu.memory_space<semaphore_mem>>)
        %dma_wait3A = arith.constant 0 : i32
        %dma_wait3A_54 = arith.constant 8 : i32
        %dma_wait3A_55 = tpu.memref_slice %arg6[%dma_wait3A, %dma_wait3A_54] : memref<12x240xf32, #tpu.memory_space<vmem>> -> memref<12x224xf32, #tpu.memory_space<vmem>>
        %dma_wait3A_56 = arith.constant 0 : i32
        %dma_wait3A_57 = tpu.memref_slice %arg2[%arg0, %run_scoped3A_41, %sub3A_40, %dma_wait3A_56] : memref<2x8x72x224xf32, #tpu.memory_space<hbm>> -> memref<1x1x12x224xf32, #tpu.memory_space<hbm>>
        %dma_wait3A_58 = tpu.memref_squeeze %dma_wait3A_57 : memref<1x1x12x224xf32, #tpu.memory_space<hbm>> -> memref<12x224xf32, #tpu.memory_space<hbm>>
        %dma_wait3A_59 = arith.constant 0 : i32
        %dma_wait3A_60 = arith.constant 8 : i32
        %dma_wait3A_61 = tpu.memref_slice %arg6[%dma_wait3A_59, %dma_wait3A_60] : memref<12x240xf32, #tpu.memory_space<vmem>> -> memref<12x224xf32, #tpu.memory_space<vmem>>
        %dma_wait3A_62 = arith.constant 0 : i32
        %dma_wait3A_63 = tpu.memref_slice %arg2[%arg0, %run_scoped3A_41, %sub3A_40, %dma_wait3A_62] : memref<2x8x72x224xf32, #tpu.memory_space<hbm>> -> memref<1x1x12x224xf32, #tpu.memory_space<hbm>>
        %dma_wait3A_64 = tpu.memref_squeeze %dma_wait3A_63 : memref<1x1x12x224xf32, #tpu.memory_space<hbm>> -> memref<12x224xf32, #tpu.memory_space<hbm>>
        tpu.wait_dma2 semaphore(%run_scoped3A_42 : memref<!tpu.dma_semaphore, #tpu.memory_space<semaphore_mem>>) src(%dma_wait3A_64 : memref<12x224xf32, #tpu.memory_space<hbm>>) dst(%dma_wait3A_61 : memref<12x224xf32, #tpu.memory_space<vmem>>)
        tpu.yield
      }) : () -> ()
    } else {
    }
    %run_scoped3A = arith.constant 0 : i32
    %run_scoped3A_14 = arith.constant 0 : i32
    "tpu.region"() ({
      %run_scoped3A_34 = tpu.sem_alloc : memref<!tpu.dma_semaphore, #tpu.memory_space<semaphore_mem>>
      %dma_start3A = arith.constant 0 : i32
      %dma_start3A_35 = arith.constant 0 : i32
      %dma_start3A_36 = tpu.memref_slice %arg7[%run_scoped3A_14, %dma_start3A, %dma_start3A_35] : memref<2x4x224xf32, #tpu.memory_space<vmem>> -> memref<1x4x224xf32, #tpu.memory_space<vmem>>
      %dma_start3A_37 = tpu.memref_squeeze %dma_start3A_36 : memref<1x4x224xf32, #tpu.memory_space<vmem>> -> memref<4x224xf32, #tpu.memory_space<vmem>>
      %dma_start3A_38 = arith.constant 0 : i32
      %dma_start3A_39 = tpu.memref_slice %arg2[%arg0, %run_scoped3A, %mul3A_0, %dma_start3A_38] : memref<2x8x72x224xf32, #tpu.memory_space<hbm>> -> memref<1x1x4x224xf32, #tpu.memory_space<hbm>>
      %dma_start3A_40 = tpu.memref_squeeze %dma_start3A_39 : memref<1x1x4x224xf32, #tpu.memory_space<hbm>> -> memref<4x224xf32, #tpu.memory_space<hbm>>
      %dma_start3A_41 = arith.constant 0 : i32
      %dma_start3A_42 = arith.constant 0 : i32
      %dma_start3A_43 = tpu.memref_slice %arg7[%run_scoped3A_14, %dma_start3A_41, %dma_start3A_42] : memref<2x4x224xf32, #tpu.memory_space<vmem>> -> memref<1x4x224xf32, #tpu.memory_space<vmem>>
      %dma_start3A_44 = tpu.memref_squeeze %dma_start3A_43 : memref<1x4x224xf32, #tpu.memory_space<vmem>> -> memref<4x224xf32, #tpu.memory_space<vmem>>
      %dma_start3A_45 = arith.constant 0 : i32
      %dma_start3A_46 = tpu.memref_slice %arg2[%arg0, %run_scoped3A, %mul3A_0, %dma_start3A_45] : memref<2x8x72x224xf32, #tpu.memory_space<hbm>> -> memref<1x1x4x224xf32, #tpu.memory_space<hbm>>
      %dma_start3A_47 = tpu.memref_squeeze %dma_start3A_46 : memref<1x1x4x224xf32, #tpu.memory_space<hbm>> -> memref<4x224xf32, #tpu.memory_space<hbm>>
      tpu.enqueue_dma source(%dma_start3A_47 : memref<4x224xf32, #tpu.memory_space<hbm>>) target(%dma_start3A_44 : memref<4x224xf32, #tpu.memory_space<vmem>>) target_semaphore(%run_scoped3A_34 : memref<!tpu.dma_semaphore, #tpu.memory_space<semaphore_mem>>)
      %dma_wait3A = arith.constant 0 : i32
      %dma_wait3A_48 = arith.constant 0 : i32
      %dma_wait3A_49 = tpu.memref_slice %arg7[%run_scoped3A_14, %dma_wait3A, %dma_wait3A_48] : memref<2x4x224xf32, #tpu.memory_space<vmem>> -> memref<1x4x224xf32, #tpu.memory_space<vmem>>
      %dma_wait3A_50 = tpu.memref_squeeze %dma_wait3A_49 : memref<1x4x224xf32, #tpu.memory_space<vmem>> -> memref<4x224xf32, #tpu.memory_space<vmem>>
      %dma_wait3A_51 = arith.constant 0 : i32
      %dma_wait3A_52 = tpu.memref_slice %arg2[%arg0, %run_scoped3A, %mul3A_0, %dma_wait3A_51] : memref<2x8x72x224xf32, #tpu.memory_space<hbm>> -> memref<1x1x4x224xf32, #tpu.memory_space<hbm>>
      %dma_wait3A_53 = tpu.memref_squeeze %dma_wait3A_52 : memref<1x1x4x224xf32, #tpu.memory_space<hbm>> -> memref<4x224xf32, #tpu.memory_space<hbm>>
      %dma_wait3A_54 = arith.constant 0 : i32
      %dma_wait3A_55 = arith.constant 0 : i32
      %dma_wait3A_56 = tpu.memref_slice %arg7[%run_scoped3A_14, %dma_wait3A_54, %dma_wait3A_55] : memref<2x4x224xf32, #tpu.memory_space<vmem>> -> memref<1x4x224xf32, #tpu.memory_space<vmem>>
      %dma_wait3A_57 = tpu.memref_squeeze %dma_wait3A_56 : memref<1x4x224xf32, #tpu.memory_space<vmem>> -> memref<4x224xf32, #tpu.memory_space<vmem>>
      %dma_wait3A_58 = arith.constant 0 : i32
      %dma_wait3A_59 = tpu.memref_slice %arg2[%arg0, %run_scoped3A, %mul3A_0, %dma_wait3A_58] : memref<2x8x72x224xf32, #tpu.memory_space<hbm>> -> memref<1x1x4x224xf32, #tpu.memory_space<hbm>>
      %dma_wait3A_60 = tpu.memref_squeeze %dma_wait3A_59 : memref<1x1x4x224xf32, #tpu.memory_space<hbm>> -> memref<4x224xf32, #tpu.memory_space<hbm>>
      tpu.wait_dma2 semaphore(%run_scoped3A_34 : memref<!tpu.dma_semaphore, #tpu.memory_space<semaphore_mem>>) src(%dma_wait3A_60 : memref<4x224xf32, #tpu.memory_space<hbm>>) dst(%dma_wait3A_57 : memref<4x224xf32, #tpu.memory_space<vmem>>)
      tpu.yield
    }) : () -> ()
    %run_scoped3A_15 = arith.constant 1 : i32
    %run_scoped3A_16 = arith.constant 1 : i32
    "tpu.region"() ({
      %run_scoped3A_34 = tpu.sem_alloc : memref<!tpu.dma_semaphore, #tpu.memory_space<semaphore_mem>>
      %dma_start3A = arith.constant 0 : i32
      %dma_start3A_35 = arith.constant 0 : i32
      %dma_start3A_36 = tpu.memref_slice %arg7[%run_scoped3A_16, %dma_start3A, %dma_start3A_35] : memref<2x4x224xf32, #tpu.memory_space<vmem>> -> memref<1x4x224xf32, #tpu.memory_space<vmem>>
      %dma_start3A_37 = tpu.memref_squeeze %dma_start3A_36 : memref<1x4x224xf32, #tpu.memory_space<vmem>> -> memref<4x224xf32, #tpu.memory_space<vmem>>
      %dma_start3A_38 = arith.constant 0 : i32
      %dma_start3A_39 = tpu.memref_slice %arg2[%arg0, %run_scoped3A_15, %mul3A_0, %dma_start3A_38] : memref<2x8x72x224xf32, #tpu.memory_space<hbm>> -> memref<1x1x4x224xf32, #tpu.memory_space<hbm>>
      %dma_start3A_40 = tpu.memref_squeeze %dma_start3A_39 : memref<1x1x4x224xf32, #tpu.memory_space<hbm>> -> memref<4x224xf32, #tpu.memory_space<hbm>>
      %dma_start3A_41 = arith.constant 0 : i32
      %dma_start3A_42 = arith.constant 0 : i32
      %dma_start3A_43 = tpu.memref_slice %arg7[%run_scoped3A_16, %dma_start3A_41, %dma_start3A_42] : memref<2x4x224xf32, #tpu.memory_space<vmem>> -> memref<1x4x224xf32, #tpu.memory_space<vmem>>
      %dma_start3A_44 = tpu.memref_squeeze %dma_start3A_43 : memref<1x4x224xf32, #tpu.memory_space<vmem>> -> memref<4x224xf32, #tpu.memory_space<vmem>>
      %dma_start3A_45 = arith.constant 0 : i32
      %dma_start3A_46 = tpu.memref_slice %arg2[%arg0, %run_scoped3A_15, %mul3A_0, %dma_start3A_45] : memref<2x8x72x224xf32, #tpu.memory_space<hbm>> -> memref<1x1x4x224xf32, #tpu.memory_space<hbm>>
      %dma_start3A_47 = tpu.memref_squeeze %dma_start3A_46 : memref<1x1x4x224xf32, #tpu.memory_space<hbm>> -> memref<4x224xf32, #tpu.memory_space<hbm>>
      tpu.enqueue_dma source(%dma_start3A_47 : memref<4x224xf32, #tpu.memory_space<hbm>>) target(%dma_start3A_44 : memref<4x224xf32, #tpu.memory_space<vmem>>) target_semaphore(%run_scoped3A_34 : memref<!tpu.dma_semaphore, #tpu.memory_space<semaphore_mem>>)
      %dma_wait3A = arith.constant 0 : i32
      %dma_wait3A_48 = arith.constant 0 : i32
      %dma_wait3A_49 = tpu.memref_slice %arg7[%run_scoped3A_16, %dma_wait3A, %dma_wait3A_48] : memref<2x4x224xf32, #tpu.memory_space<vmem>> -> memref<1x4x224xf32, #tpu.memory_space<vmem>>
      %dma_wait3A_50 = tpu.memref_squeeze %dma_wait3A_49 : memref<1x4x224xf32, #tpu.memory_space<vmem>> -> memref<4x224xf32, #tpu.memory_space<vmem>>
      %dma_wait3A_51 = arith.constant 0 : i32
      %dma_wait3A_52 = tpu.memref_slice %arg2[%arg0, %run_scoped3A_15, %mul3A_0, %dma_wait3A_51] : memref<2x8x72x224xf32, #tpu.memory_space<hbm>> -> memref<1x1x4x224xf32, #tpu.memory_space<hbm>>
      %dma_wait3A_53 = tpu.memref_squeeze %dma_wait3A_52 : memref<1x1x4x224xf32, #tpu.memory_space<hbm>> -> memref<4x224xf32, #tpu.memory_space<hbm>>
      %dma_wait3A_54 = arith.constant 0 : i32
      %dma_wait3A_55 = arith.constant 0 : i32
      %dma_wait3A_56 = tpu.memref_slice %arg7[%run_scoped3A_16, %dma_wait3A_54, %dma_wait3A_55] : memref<2x4x224xf32, #tpu.memory_space<vmem>> -> memref<1x4x224xf32, #tpu.memory_space<vmem>>
      %dma_wait3A_57 = tpu.memref_squeeze %dma_wait3A_56 : memref<1x4x224xf32, #tpu.memory_space<vmem>> -> memref<4x224xf32, #tpu.memory_space<vmem>>
      %dma_wait3A_58 = arith.constant 0 : i32
      %dma_wait3A_59 = tpu.memref_slice %arg2[%arg0, %run_scoped3A_15, %mul3A_0, %dma_wait3A_58] : memref<2x8x72x224xf32, #tpu.memory_space<hbm>> -> memref<1x1x4x224xf32, #tpu.memory_space<hbm>>
      %dma_wait3A_60 = tpu.memref_squeeze %dma_wait3A_59 : memref<1x1x4x224xf32, #tpu.memory_space<hbm>> -> memref<4x224xf32, #tpu.memory_space<hbm>>
      tpu.wait_dma2 semaphore(%run_scoped3A_34 : memref<!tpu.dma_semaphore, #tpu.memory_space<semaphore_mem>>) src(%dma_wait3A_60 : memref<4x224xf32, #tpu.memory_space<hbm>>) dst(%dma_wait3A_57 : memref<4x224xf32, #tpu.memory_space<vmem>>)
      tpu.yield
    }) : () -> ()
    %run_scoped3A_17 = arith.constant 5 : i32
    %run_scoped3A_18 = arith.constant 0 : i32
    "tpu.region"() ({
      %run_scoped3A_34 = tpu.sem_alloc : memref<!tpu.dma_semaphore, #tpu.memory_space<semaphore_mem>>
      %dma_start3A = arith.constant 0 : i32
      %dma_start3A_35 = arith.constant 0 : i32
      %dma_start3A_36 = tpu.memref_slice %arg8[%run_scoped3A_18, %dma_start3A, %dma_start3A_35] : memref<3x4x224xf32, #tpu.memory_space<vmem>> -> memref<1x4x224xf32, #tpu.memory_space<vmem>>
      %dma_start3A_37 = tpu.memref_squeeze %dma_start3A_36 : memref<1x4x224xf32, #tpu.memory_space<vmem>> -> memref<4x224xf32, #tpu.memory_space<vmem>>
      %dma_start3A_38 = arith.constant 0 : i32
      %dma_start3A_39 = tpu.memref_slice %arg2[%arg0, %run_scoped3A_17, %mul3A_0, %dma_start3A_38] : memref<2x8x72x224xf32, #tpu.memory_space<hbm>> -> memref<1x1x4x224xf32, #tpu.memory_space<hbm>>
      %dma_start3A_40 = tpu.memref_squeeze %dma_start3A_39 : memref<1x1x4x224xf32, #tpu.memory_space<hbm>> -> memref<4x224xf32, #tpu.memory_space<hbm>>
      %dma_start3A_41 = arith.constant 0 : i32
      %dma_start3A_42 = arith.constant 0 : i32
      %dma_start3A_43 = tpu.memref_slice %arg8[%run_scoped3A_18, %dma_start3A_41, %dma_start3A_42] : memref<3x4x224xf32, #tpu.memory_space<vmem>> -> memref<1x4x224xf32, #tpu.memory_space<vmem>>
      %dma_start3A_44 = tpu.memref_squeeze %dma_start3A_43 : memref<1x4x224xf32, #tpu.memory_space<vmem>> -> memref<4x224xf32, #tpu.memory_space<vmem>>
      %dma_start3A_45 = arith.constant 0 : i32
      %dma_start3A_46 = tpu.memref_slice %arg2[%arg0, %run_scoped3A_17, %mul3A_0, %dma_start3A_45] : memref<2x8x72x224xf32, #tpu.memory_space<hbm>> -> memref<1x1x4x224xf32, #tpu.memory_space<hbm>>
      %dma_start3A_47 = tpu.memref_squeeze %dma_start3A_46 : memref<1x1x4x224xf32, #tpu.memory_space<hbm>> -> memref<4x224xf32, #tpu.memory_space<hbm>>
      tpu.enqueue_dma source(%dma_start3A_47 : memref<4x224xf32, #tpu.memory_space<hbm>>) target(%dma_start3A_44 : memref<4x224xf32, #tpu.memory_space<vmem>>) target_semaphore(%run_scoped3A_34 : memref<!tpu.dma_semaphore, #tpu.memory_space<semaphore_mem>>)
      %dma_wait3A = arith.constant 0 : i32
      %dma_wait3A_48 = arith.constant 0 : i32
      %dma_wait3A_49 = tpu.memref_slice %arg8[%run_scoped3A_18, %dma_wait3A, %dma_wait3A_48] : memref<3x4x224xf32, #tpu.memory_space<vmem>> -> memref<1x4x224xf32, #tpu.memory_space<vmem>>
      %dma_wait3A_50 = tpu.memref_squeeze %dma_wait3A_49 : memref<1x4x224xf32, #tpu.memory_space<vmem>> -> memref<4x224xf32, #tpu.memory_space<vmem>>
      %dma_wait3A_51 = arith.constant 0 : i32
      %dma_wait3A_52 = tpu.memref_slice %arg2[%arg0, %run_scoped3A_17, %mul3A_0, %dma_wait3A_51] : memref<2x8x72x224xf32, #tpu.memory_space<hbm>> -> memref<1x1x4x224xf32, #tpu.memory_space<hbm>>
      %dma_wait3A_53 = tpu.memref_squeeze %dma_wait3A_52 : memref<1x1x4x224xf32, #tpu.memory_space<hbm>> -> memref<4x224xf32, #tpu.memory_space<hbm>>
      %dma_wait3A_54 = arith.constant 0 : i32
      %dma_wait3A_55 = arith.constant 0 : i32
      %dma_wait3A_56 = tpu.memref_slice %arg8[%run_scoped3A_18, %dma_wait3A_54, %dma_wait3A_55] : memref<3x4x224xf32, #tpu.memory_space<vmem>> -> memref<1x4x224xf32, #tpu.memory_space<vmem>>
      %dma_wait3A_57 = tpu.memref_squeeze %dma_wait3A_56 : memref<1x4x224xf32, #tpu.memory_space<vmem>> -> memref<4x224xf32, #tpu.memory_space<vmem>>
      %dma_wait3A_58 = arith.constant 0 : i32
      %dma_wait3A_59 = tpu.memref_slice %arg2[%arg0, %run_scoped3A_17, %mul3A_0, %dma_wait3A_58] : memref<2x8x72x224xf32, #tpu.memory_space<hbm>> -> memref<1x1x4x224xf32, #tpu.memory_space<hbm>>
      %dma_wait3A_60 = tpu.memref_squeeze %dma_wait3A_59 : memref<1x1x4x224xf32, #tpu.memory_space<hbm>> -> memref<4x224xf32, #tpu.memory_space<hbm>>
      tpu.wait_dma2 semaphore(%run_scoped3A_34 : memref<!tpu.dma_semaphore, #tpu.memory_space<semaphore_mem>>) src(%dma_wait3A_60 : memref<4x224xf32, #tpu.memory_space<hbm>>) dst(%dma_wait3A_57 : memref<4x224xf32, #tpu.memory_space<vmem>>)
      tpu.yield
    }) : () -> ()
    %run_scoped3A_19 = arith.constant 6 : i32
    %run_scoped3A_20 = arith.constant 1 : i32
    "tpu.region"() ({
      %run_scoped3A_34 = tpu.sem_alloc : memref<!tpu.dma_semaphore, #tpu.memory_space<semaphore_mem>>
      %dma_start3A = arith.constant 0 : i32
      %dma_start3A_35 = arith.constant 0 : i32
      %dma_start3A_36 = tpu.memref_slice %arg8[%run_scoped3A_20, %dma_start3A, %dma_start3A_35] : memref<3x4x224xf32, #tpu.memory_space<vmem>> -> memref<1x4x224xf32, #tpu.memory_space<vmem>>
      %dma_start3A_37 = tpu.memref_squeeze %dma_start3A_36 : memref<1x4x224xf32, #tpu.memory_space<vmem>> -> memref<4x224xf32, #tpu.memory_space<vmem>>
      %dma_start3A_38 = arith.constant 0 : i32
      %dma_start3A_39 = tpu.memref_slice %arg2[%arg0, %run_scoped3A_19, %mul3A_0, %dma_start3A_38] : memref<2x8x72x224xf32, #tpu.memory_space<hbm>> -> memref<1x1x4x224xf32, #tpu.memory_space<hbm>>
      %dma_start3A_40 = tpu.memref_squeeze %dma_start3A_39 : memref<1x1x4x224xf32, #tpu.memory_space<hbm>> -> memref<4x224xf32, #tpu.memory_space<hbm>>
      %dma_start3A_41 = arith.constant 0 : i32
      %dma_start3A_42 = arith.constant 0 : i32
      %dma_start3A_43 = tpu.memref_slice %arg8[%run_scoped3A_20, %dma_start3A_41, %dma_start3A_42] : memref<3x4x224xf32, #tpu.memory_space<vmem>> -> memref<1x4x224xf32, #tpu.memory_space<vmem>>
      %dma_start3A_44 = tpu.memref_squeeze %dma_start3A_43 : memref<1x4x224xf32, #tpu.memory_space<vmem>> -> memref<4x224xf32, #tpu.memory_space<vmem>>
      %dma_start3A_45 = arith.constant 0 : i32
      %dma_start3A_46 = tpu.memref_slice %arg2[%arg0, %run_scoped3A_19, %mul3A_0, %dma_start3A_45] : memref<2x8x72x224xf32, #tpu.memory_space<hbm>> -> memref<1x1x4x224xf32, #tpu.memory_space<hbm>>
      %dma_start3A_47 = tpu.memref_squeeze %dma_start3A_46 : memref<1x1x4x224xf32, #tpu.memory_space<hbm>> -> memref<4x224xf32, #tpu.memory_space<hbm>>
      tpu.enqueue_dma source(%dma_start3A_47 : memref<4x224xf32, #tpu.memory_space<hbm>>) target(%dma_start3A_44 : memref<4x224xf32, #tpu.memory_space<vmem>>) target_semaphore(%run_scoped3A_34 : memref<!tpu.dma_semaphore, #tpu.memory_space<semaphore_mem>>)
      %dma_wait3A = arith.constant 0 : i32
      %dma_wait3A_48 = arith.constant 0 : i32
      %dma_wait3A_49 = tpu.memref_slice %arg8[%run_scoped3A_20, %dma_wait3A, %dma_wait3A_48] : memref<3x4x224xf32, #tpu.memory_space<vmem>> -> memref<1x4x224xf32, #tpu.memory_space<vmem>>
      %dma_wait3A_50 = tpu.memref_squeeze %dma_wait3A_49 : memref<1x4x224xf32, #tpu.memory_space<vmem>> -> memref<4x224xf32, #tpu.memory_space<vmem>>
      %dma_wait3A_51 = arith.constant 0 : i32
      %dma_wait3A_52 = tpu.memref_slice %arg2[%arg0, %run_scoped3A_19, %mul3A_0, %dma_wait3A_51] : memref<2x8x72x224xf32, #tpu.memory_space<hbm>> -> memref<1x1x4x224xf32, #tpu.memory_space<hbm>>
      %dma_wait3A_53 = tpu.memref_squeeze %dma_wait3A_52 : memref<1x1x4x224xf32, #tpu.memory_space<hbm>> -> memref<4x224xf32, #tpu.memory_space<hbm>>
      %dma_wait3A_54 = arith.constant 0 : i32
      %dma_wait3A_55 = arith.constant 0 : i32
      %dma_wait3A_56 = tpu.memref_slice %arg8[%run_scoped3A_20, %dma_wait3A_54, %dma_wait3A_55] : memref<3x4x224xf32, #tpu.memory_space<vmem>> -> memref<1x4x224xf32, #tpu.memory_space<vmem>>
      %dma_wait3A_57 = tpu.memref_squeeze %dma_wait3A_56 : memref<1x4x224xf32, #tpu.memory_space<vmem>> -> memref<4x224xf32, #tpu.memory_space<vmem>>
      %dma_wait3A_58 = arith.constant 0 : i32
      %dma_wait3A_59 = tpu.memref_slice %arg2[%arg0, %run_scoped3A_19, %mul3A_0, %dma_wait3A_58] : memref<2x8x72x224xf32, #tpu.memory_space<hbm>> -> memref<1x1x4x224xf32, #tpu.memory_space<hbm>>
      %dma_wait3A_60 = tpu.memref_squeeze %dma_wait3A_59 : memref<1x1x4x224xf32, #tpu.memory_space<hbm>> -> memref<4x224xf32, #tpu.memory_space<hbm>>
      tpu.wait_dma2 semaphore(%run_scoped3A_34 : memref<!tpu.dma_semaphore, #tpu.memory_space<semaphore_mem>>) src(%dma_wait3A_60 : memref<4x224xf32, #tpu.memory_space<hbm>>) dst(%dma_wait3A_57 : memref<4x224xf32, #tpu.memory_space<vmem>>)
      tpu.yield
    }) : () -> ()
    %run_scoped3A_21 = arith.constant 7 : i32
    %run_scoped3A_22 = arith.constant 2 : i32
    "tpu.region"() ({
      %run_scoped3A_34 = tpu.sem_alloc : memref<!tpu.dma_semaphore, #tpu.memory_space<semaphore_mem>>
      %dma_start3A = arith.constant 0 : i32
      %dma_start3A_35 = arith.constant 0 : i32
      %dma_start3A_36 = tpu.memref_slice %arg8[%run_scoped3A_22, %dma_start3A, %dma_start3A_35] : memref<3x4x224xf32, #tpu.memory_space<vmem>> -> memref<1x4x224xf32, #tpu.memory_space<vmem>>
      %dma_start3A_37 = tpu.memref_squeeze %dma_start3A_36 : memref<1x4x224xf32, #tpu.memory_space<vmem>> -> memref<4x224xf32, #tpu.memory_space<vmem>>
      %dma_start3A_38 = arith.constant 0 : i32
      %dma_start3A_39 = tpu.memref_slice %arg2[%arg0, %run_scoped3A_21, %mul3A_0, %dma_start3A_38] : memref<2x8x72x224xf32, #tpu.memory_space<hbm>> -> memref<1x1x4x224xf32, #tpu.memory_space<hbm>>
      %dma_start3A_40 = tpu.memref_squeeze %dma_start3A_39 : memref<1x1x4x224xf32, #tpu.memory_space<hbm>> -> memref<4x224xf32, #tpu.memory_space<hbm>>
      %dma_start3A_41 = arith.constant 0 : i32
      %dma_start3A_42 = arith.constant 0 : i32
      %dma_start3A_43 = tpu.memref_slice %arg8[%run_scoped3A_22, %dma_start3A_41, %dma_start3A_42] : memref<3x4x224xf32, #tpu.memory_space<vmem>> -> memref<1x4x224xf32, #tpu.memory_space<vmem>>
      %dma_start3A_44 = tpu.memref_squeeze %dma_start3A_43 : memref<1x4x224xf32, #tpu.memory_space<vmem>> -> memref<4x224xf32, #tpu.memory_space<vmem>>
      %dma_start3A_45 = arith.constant 0 : i32
      %dma_start3A_46 = tpu.memref_slice %arg2[%arg0, %run_scoped3A_21, %mul3A_0, %dma_start3A_45] : memref<2x8x72x224xf32, #tpu.memory_space<hbm>> -> memref<1x1x4x224xf32, #tpu.memory_space<hbm>>
      %dma_start3A_47 = tpu.memref_squeeze %dma_start3A_46 : memref<1x1x4x224xf32, #tpu.memory_space<hbm>> -> memref<4x224xf32, #tpu.memory_space<hbm>>
      tpu.enqueue_dma source(%dma_start3A_47 : memref<4x224xf32, #tpu.memory_space<hbm>>) target(%dma_start3A_44 : memref<4x224xf32, #tpu.memory_space<vmem>>) target_semaphore(%run_scoped3A_34 : memref<!tpu.dma_semaphore, #tpu.memory_space<semaphore_mem>>)
      %dma_wait3A = arith.constant 0 : i32
      %dma_wait3A_48 = arith.constant 0 : i32
      %dma_wait3A_49 = tpu.memref_slice %arg8[%run_scoped3A_22, %dma_wait3A, %dma_wait3A_48] : memref<3x4x224xf32, #tpu.memory_space<vmem>> -> memref<1x4x224xf32, #tpu.memory_space<vmem>>
      %dma_wait3A_50 = tpu.memref_squeeze %dma_wait3A_49 : memref<1x4x224xf32, #tpu.memory_space<vmem>> -> memref<4x224xf32, #tpu.memory_space<vmem>>
      %dma_wait3A_51 = arith.constant 0 : i32
      %dma_wait3A_52 = tpu.memref_slice %arg2[%arg0, %run_scoped3A_21, %mul3A_0, %dma_wait3A_51] : memref<2x8x72x224xf32, #tpu.memory_space<hbm>> -> memref<1x1x4x224xf32, #tpu.memory_space<hbm>>
      %dma_wait3A_53 = tpu.memref_squeeze %dma_wait3A_52 : memref<1x1x4x224xf32, #tpu.memory_space<hbm>> -> memref<4x224xf32, #tpu.memory_space<hbm>>
      %dma_wait3A_54 = arith.constant 0 : i32
      %dma_wait3A_55 = arith.constant 0 : i32
      %dma_wait3A_56 = tpu.memref_slice %arg8[%run_scoped3A_22, %dma_wait3A_54, %dma_wait3A_55] : memref<3x4x224xf32, #tpu.memory_space<vmem>> -> memref<1x4x224xf32, #tpu.memory_space<vmem>>
      %dma_wait3A_57 = tpu.memref_squeeze %dma_wait3A_56 : memref<1x4x224xf32, #tpu.memory_space<vmem>> -> memref<4x224xf32, #tpu.memory_space<vmem>>
      %dma_wait3A_58 = arith.constant 0 : i32
      %dma_wait3A_59 = tpu.memref_slice %arg2[%arg0, %run_scoped3A_21, %mul3A_0, %dma_wait3A_58] : memref<2x8x72x224xf32, #tpu.memory_space<hbm>> -> memref<1x1x4x224xf32, #tpu.memory_space<hbm>>
      %dma_wait3A_60 = tpu.memref_squeeze %dma_wait3A_59 : memref<1x1x4x224xf32, #tpu.memory_space<hbm>> -> memref<4x224xf32, #tpu.memory_space<hbm>>
      tpu.wait_dma2 semaphore(%run_scoped3A_34 : memref<!tpu.dma_semaphore, #tpu.memory_space<semaphore_mem>>) src(%dma_wait3A_60 : memref<4x224xf32, #tpu.memory_space<hbm>>) dst(%dma_wait3A_57 : memref<4x224xf32, #tpu.memory_space<vmem>>)
      tpu.yield
    }) : () -> ()
    %scan3A_23 = arith.constant 0 : i32
    %scan3A_24 = arith.constant 0 : i32
    %scan3A_25 = arith.constant 4 : i32
    %scan3A_26 = arith.addi %scan3A_24, %scan3A_25 : i32
    %scan3A_27 = arith.constant 1 : i32
    %scan3A_28 = scf.for %scan3A_34 = %scan3A_24 to %scan3A_26 step %scan3A_27 iter_args(%scan3A_35 = %scan3A_23) -> (i32)  : i32 {
      %scan3A_36 = arith.constant 0 : i32
      %scan3A_37 = arith.constant 0 : i32
      %scan3A_38 = arith.constant 14 : i32
      %scan3A_39 = arith.addi %scan3A_37, %scan3A_38 : i32
      %scan3A_40 = arith.constant 1 : i32
      %scan3A_41 = scf.for %scan3A_43 = %scan3A_37 to %scan3A_39 step %scan3A_40 iter_args(%scan3A_44 = %scan3A_36) -> (i32)  : i32 {
        %mul3A_45 = arith.constant 16 : i32
        %mul3A_46 = arith.muli %scan3A_43, %mul3A_45 : i32
        %add3A = arith.constant 4 : i32
        %add3A_47 = arith.addi %scan3A_34, %add3A : i32
        %add3A_48 = arith.constant 8 : i32
        %add3A_49 = arith.addi %mul3A_46, %add3A_48 : i32
        %get3A = arith.index_cast %add3A_47 : i32 to index
        %get3A_50 = arith.index_cast %add3A_49 : i32 to index
        %get3A_51 = tpu.vector_load %arg4[%get3A, %get3A_50] {strides = array<i32>} : memref<12x240xf32, #tpu.memory_space<vmem>>, vector<1x16xf32>,
        %get3A_52 = vector.shape_cast %get3A_51 : vector<1x16xf32> to vector<16xf32>
        %add3A_53 = arith.constant 4 : i32
        %add3A_54 = arith.addi %scan3A_34, %add3A_53 : i32
        %add3A_55 = arith.constant 8 : i32
        %add3A_56 = arith.addi %mul3A_46, %add3A_55 : i32
        %get3A_57 = arith.index_cast %add3A_54 : i32 to index
        %get3A_58 = arith.index_cast %add3A_56 : i32 to index
        %get3A_59 = tpu.vector_load %arg5[%get3A_57, %get3A_58] {strides = array<i32>} : memref<12x240xf32, #tpu.memory_space<vmem>>, vector<1x16xf32>,
        %get3A_60 = vector.shape_cast %get3A_59 : vector<1x16xf32> to vector<16xf32>
        %add3A_61 = arith.constant 4 : i32
        %add3A_62 = arith.addi %scan3A_34, %add3A_61 : i32
        %add3A_63 = arith.constant 8 : i32
        %add3A_64 = arith.addi %mul3A_46, %add3A_63 : i32
        %get3A_65 = arith.index_cast %add3A_62 : i32 to index
        %get3A_66 = arith.index_cast %add3A_64 : i32 to index
        %get3A_67 = tpu.vector_load %arg6[%get3A_65, %get3A_66] {strides = array<i32>} : memref<12x240xf32, #tpu.memory_space<vmem>>, vector<1x16xf32>,
        %get3A_68 = vector.shape_cast %get3A_67 : vector<1x16xf32> to vector<16xf32>
        %get3A_69 = arith.constant 0 : i32
        %get3A_70 = arith.index_cast %get3A_69 : i32 to index
        %get3A_71 = arith.index_cast %scan3A_34 : i32 to index
        %get3A_72 = arith.index_cast %mul3A_46 : i32 to index
        %get3A_73 = tpu.vector_load %arg8[%get3A_70, %get3A_71, %get3A_72] {strides = array<i32>} : memref<3x4x224xf32, #tpu.memory_space<vmem>>, vector<1x1x16xf32>,
        %get3A_74 = vector.shape_cast %get3A_73 : vector<1x1x16xf32> to vector<16xf32>
        %get3A_75 = arith.constant 1 : i32
        %get3A_76 = arith.index_cast %get3A_75 : i32 to index
        %get3A_77 = arith.index_cast %scan3A_34 : i32 to index
        %get3A_78 = arith.index_cast %mul3A_46 : i32 to index
        %get3A_79 = tpu.vector_load %arg8[%get3A_76, %get3A_77, %get3A_78] {strides = array<i32>} : memref<3x4x224xf32, #tpu.memory_space<vmem>>, vector<1x1x16xf32>,
        %get3A_80 = vector.shape_cast %get3A_79 : vector<1x1x16xf32> to vector<16xf32>
        %get3A_81 = arith.constant 2 : i32
        %get3A_82 = arith.index_cast %get3A_81 : i32 to index
        %get3A_83 = arith.index_cast %scan3A_34 : i32 to index
        %get3A_84 = arith.index_cast %mul3A_46 : i32 to index
        %get3A_85 = tpu.vector_load %arg8[%get3A_82, %get3A_83, %get3A_84] {strides = array<i32>} : memref<3x4x224xf32, #tpu.memory_space<vmem>>, vector<1x1x16xf32>,
        %get3A_86 = vector.shape_cast %get3A_85 : vector<1x1x16xf32> to vector<16xf32>
        %get3A_87 = arith.constant 0 : i32
        %get3A_88 = arith.index_cast %get3A_87 : i32 to index
        %get3A_89 = arith.index_cast %scan3A_34 : i32 to index
        %get3A_90 = arith.index_cast %mul3A_46 : i32 to index
        %get3A_91 = tpu.vector_load %arg7[%get3A_88, %get3A_89, %get3A_90] {strides = array<i32>} : memref<2x4x224xf32, #tpu.memory_space<vmem>>, vector<1x1x16xf32>,
        %get3A_92 = vector.shape_cast %get3A_91 : vector<1x1x16xf32> to vector<16xf32>
        %mul3A_93 = arith.constant 3.000000e+00 : f32
        %mul3A_94 = vector.broadcast %mul3A_93 : f32 to vector<16xf32>
        %mul3A_95 = arith.mulf %get3A_92, %mul3A_94 : vector<16xf32>
        %mul3A_96 = arith.constant 8.000000e-03 : f32
        %mul3A_97 = vector.broadcast %mul3A_96 : f32 to vector<16xf32>
        %mul3A_98 = arith.mulf %mul3A_95, %mul3A_97 : vector<16xf32>
        %ge3A = arith.constant 0.000000e+00 : f32
        %ge3A_99 = vector.broadcast %ge3A : f32 to vector<16xf32>
        %ge3A_100 = arith.cmpf oge, %mul3A_98, %ge3A_99 : vector<16xf32>
        %mul3A_101 = arith.mulf %mul3A_98, %mul3A_98 : vector<16xf32>
        %jit3A = arith.constant -1.000000e+00 : f32
        %broadcast_in_dim3A_102 = vector.broadcast %jit3A : f32 to vector<16xf32>
        %select_n3A = arith.select %ge3A_100, %mul3A_101, %broadcast_in_dim3A_102 : vector<16xi1>, vector<16xf32>
        %get3A_103 = arith.constant 1 : i32
        %get3A_104 = arith.index_cast %get3A_103 : i32 to index
        %get3A_105 = arith.index_cast %scan3A_34 : i32 to index
        %get3A_106 = arith.index_cast %mul3A_46 : i32 to index
        %get3A_107 = tpu.vector_load %arg7[%get3A_104, %get3A_105, %get3A_106] {strides = array<i32>} : memref<2x4x224xf32, #tpu.memory_space<vmem>>, vector<1x1x16xf32>,
        %get3A_108 = vector.shape_cast %get3A_107 : vector<1x1x16xf32> to vector<16xf32>
        %mul3A_109 = arith.constant 3.000000e+00 : f32
        %mul3A_110 = vector.broadcast %mul3A_109 : f32 to vector<16xf32>
        %mul3A_111 = arith.mulf %get3A_108, %mul3A_110 : vector<16xf32>
        %mul3A_112 = arith.constant 8.000000e-03 : f32
        %mul3A_113 = vector.broadcast %mul3A_112 : f32 to vector<16xf32>
        %mul3A_114 = arith.mulf %mul3A_111, %mul3A_113 : vector<16xf32>
        %ge3A_115 = arith.constant 0.000000e+00 : f32
        %ge3A_116 = vector.broadcast %ge3A_115 : f32 to vector<16xf32>
        %ge3A_117 = arith.cmpf oge, %mul3A_114, %ge3A_116 : vector<16xf32>
        %mul3A_118 = arith.mulf %mul3A_114, %mul3A_114 : vector<16xf32>
        %jit3A_119 = arith.constant -1.000000e+00 : f32
        %broadcast_in_dim3A_120 = vector.broadcast %jit3A_119 : f32 to vector<16xf32>
        %select_n3A_121 = arith.select %ge3A_117, %mul3A_118, %broadcast_in_dim3A_120 : vector<16xi1>, vector<16xf32>
        %scan3A_122 = arith.constant 0 : i32
        %scan3A_123 = arith.constant 9 : i32
        %scan3A_124 = arith.addi %scan3A_122, %scan3A_123 : i32
        %scan3A_125 = arith.constant 1 : i32
        %scan3A_126:2 = scf.for %scan3A_166 = %scan3A_122 to %scan3A_124 step %scan3A_125 iter_args(%scan3A_167 = %broadcast_in_dim3A_1, %scan3A_168 = %broadcast_in_dim3A_1) -> (vector<16xf32>, vector<16xf32>)  : i32 {
          %add3A_169 = arith.addi %scan3A_34, %scan3A_166 : i32
          %add3A_170 = arith.constant 4 : i32
          %add3A_171 = arith.addi %mul3A_46, %add3A_170 : i32
          %add3A_172 = arith.constant 0 : i32
          %add3A_173 = arith.addi %add3A_171, %add3A_172 : i32
          %get3A_174 = arith.index_cast %add3A_169 : i32 to index
          %get3A_175 = arith.index_cast %add3A_173 : i32 to index
          %get3A_176 = tpu.vector_load %arg4[%get3A_174, %get3A_175] {strides = array<i32>} : memref<12x240xf32, #tpu.memory_space<vmem>>, vector<1x16xf32>,
          %get3A_177 = vector.shape_cast %get3A_176 : vector<1x16xf32> to vector<16xf32>
          %get3A_178 = arith.index_cast %add3A_169 : i32 to index
          %get3A_179 = arith.index_cast %add3A_173 : i32 to index
          %get3A_180 = tpu.vector_load %arg5[%get3A_178, %get3A_179] {strides = array<i32>} : memref<12x240xf32, #tpu.memory_space<vmem>>, vector<1x16xf32>,
          %get3A_181 = vector.shape_cast %get3A_180 : vector<1x16xf32> to vector<16xf32>
          %get3A_182 = arith.index_cast %add3A_169 : i32 to index
          %get3A_183 = arith.index_cast %add3A_173 : i32 to index
          %get3A_184 = tpu.vector_load %arg6[%get3A_182, %get3A_183] {strides = array<i32>} : memref<12x240xf32, #tpu.memory_space<vmem>>, vector<1x16xf32>,
          %get3A_185 = vector.shape_cast %get3A_184 : vector<1x16xf32> to vector<16xf32>
          %sub3A_186 = arith.subf %get3A_52, %get3A_177 : vector<16xf32>
          %sub3A_187 = arith.subf %get3A_60, %get3A_181 : vector<16xf32>
          %sub3A_188 = arith.subf %get3A_68, %get3A_185 : vector<16xf32>
          %mul3A_189 = arith.mulf %sub3A_186, %sub3A_186 : vector<16xf32>
          %mul3A_190 = arith.mulf %sub3A_187, %sub3A_187 : vector<16xf32>
          %add3A_191 = arith.addf %mul3A_189, %mul3A_190 : vector<16xf32>
          %mul3A_192 = arith.mulf %sub3A_188, %sub3A_188 : vector<16xf32>
          %add3A_193 = arith.addf %add3A_191, %mul3A_192 : vector<16xf32>
          %le3A = arith.cmpf ole, %add3A_193, %select_n3A : vector<16xf32>
          %jit3A_194 = arith.constant 1.000000e+00 : f32
          %jit3A_195 = arith.constant 0.000000e+00 : f32
          %broadcast_in_dim3A_196 = vector.broadcast %jit3A_194 : f32 to vector<16xf32>
          %broadcast_in_dim3A_197 = vector.broadcast %jit3A_195 : f32 to vector<16xf32>
          %select_n3A_198 = arith.select %le3A, %broadcast_in_dim3A_196, %broadcast_in_dim3A_197 : vector<16xi1>, vector<16xf32>
          %add3A_199 = arith.addf %scan3A_167, %select_n3A_198 : vector<16xf32>
          %sub3A_200 = arith.subf %get3A_74, %get3A_177 : vector<16xf32>
          %sub3A_201 = arith.subf %get3A_80, %get3A_181 : vector<16xf32>
          %sub3A_202 = arith.subf %get3A_86, %get3A_185 : vector<16xf32>
          %mul3A_203 = arith.mulf %sub3A_200, %sub3A_200 : vector<16xf32>
          %mul3A_204 = arith.mulf %sub3A_201, %sub3A_201 : vector<16xf32>
          %add3A_205 = arith.addf %mul3A_203, %mul3A_204 : vector<16xf32>
          %mul3A_206 = arith.mulf %sub3A_202, %sub3A_202 : vector<16xf32>
          %add3A_207 = arith.addf %add3A_205, %mul3A_206 : vector<16xf32>
          %le3A_208 = arith.cmpf ole, %add3A_207, %select_n3A_121 : vector<16xf32>
          %jit3A_209 = arith.constant 1.000000e+00 : f32
          %jit3A_210 = arith.constant 0.000000e+00 : f32
          %broadcast_in_dim3A_211 = vector.broadcast %jit3A_209 : f32 to vector<16xf32>
          %broadcast_in_dim3A_212 = vector.broadcast %jit3A_210 : f32 to vector<16xf32>
          %select_n3A_213 = arith.select %le3A_208, %broadcast_in_dim3A_211, %broadcast_in_dim3A_212 : vector<16xi1>, vector<16xf32>
          %add3A_214 = arith.addf %scan3A_168, %select_n3A_213 : vector<16xf32>
          %add3A_215 = arith.constant 4 : i32
          %add3A_216 = arith.addi %mul3A_46, %add3A_215 : i32
          %add3A_217 = arith.constant 1 : i32
          %add3A_218 = arith.addi %add3A_216, %add3A_217 : i32
          %get3A_219 = arith.index_cast %add3A_169 : i32 to index
          %get3A_220 = arith.index_cast %add3A_218 : i32 to index
          %get3A_221 = tpu.vector_load %arg4[%get3A_219, %get3A_220] {strides = array<i32>} : memref<12x240xf32, #tpu.memory_space<vmem>>, vector<1x16xf32>,
          %get3A_222 = vector.shape_cast %get3A_221 : vector<1x16xf32> to vector<16xf32>
          %get3A_223 = arith.index_cast %add3A_169 : i32 to index
          %get3A_224 = arith.index_cast %add3A_218 : i32 to index
          %get3A_225 = tpu.vector_load %arg5[%get3A_223, %get3A_224] {strides = array<i32>} : memref<12x240xf32, #tpu.memory_space<vmem>>, vector<1x16xf32>,
          %get3A_226 = vector.shape_cast %get3A_225 : vector<1x16xf32> to vector<16xf32>
          %get3A_227 = arith.index_cast %add3A_169 : i32 to index
          %get3A_228 = arith.index_cast %add3A_218 : i32 to index
          %get3A_229 = tpu.vector_load %arg6[%get3A_227, %get3A_228] {strides = array<i32>} : memref<12x240xf32, #tpu.memory_space<vmem>>, vector<1x16xf32>,
          %get3A_230 = vector.shape_cast %get3A_229 : vector<1x16xf32> to vector<16xf32>
          %sub3A_231 = arith.subf %get3A_52, %get3A_222 : vector<16xf32>
          %sub3A_232 = arith.subf %get3A_60, %get3A_226 : vector<16xf32>
          %sub3A_233 = arith.subf %get3A_68, %get3A_230 : vector<16xf32>
          %mul3A_234 = arith.mulf %sub3A_231, %sub3A_231 : vector<16xf32>
          %mul3A_235 = arith.mulf %sub3A_232, %sub3A_232 : vector<16xf32>
          %add3A_236 = arith.addf %mul3A_234, %mul3A_235 : vector<16xf32>
          %mul3A_237 = arith.mulf %sub3A_233, %sub3A_233 : vector<16xf32>
          %add3A_238 = arith.addf %add3A_236, %mul3A_237 : vector<16xf32>
          %le3A_239 = arith.cmpf ole, %add3A_238, %select_n3A : vector<16xf32>
          %jit3A_240 = arith.constant 1.000000e+00 : f32
          %jit3A_241 = arith.constant 0.000000e+00 : f32
          %broadcast_in_dim3A_242 = vector.broadcast %jit3A_240 : f32 to vector<16xf32>
          %broadcast_in_dim3A_243 = vector.broadcast %jit3A_241 : f32 to vector<16xf32>
          %select_n3A_244 = arith.select %le3A_239, %broadcast_in_dim3A_242, %broadcast_in_dim3A_243 : vector<16xi1>, vector<16xf32>
          %add3A_245 = arith.addf %add3A_199, %select_n3A_244 : vector<16xf32>
          %sub3A_246 = arith.subf %get3A_74, %get3A_222 : vector<16xf32>
          %sub3A_247 = arith.subf %get3A_80, %get3A_226 : vector<16xf32>
          %sub3A_248 = arith.subf %get3A_86, %get3A_230 : vector<16xf32>
          %mul3A_249 = arith.mulf %sub3A_246, %sub3A_246 : vector<16xf32>
          %mul3A_250 = arith.mulf %sub3A_247, %sub3A_247 : vector<16xf32>
          %add3A_251 = arith.addf %mul3A_249, %mul3A_250 : vector<16xf32>
          %mul3A_252 = arith.mulf %sub3A_248, %sub3A_248 : vector<16xf32>
          %add3A_253 = arith.addf %add3A_251, %mul3A_252 : vector<16xf32>
          %le3A_254 = arith.cmpf ole, %add3A_253, %select_n3A_121 : vector<16xf32>
          %jit3A_255 = arith.constant 1.000000e+00 : f32
          %jit3A_256 = arith.constant 0.000000e+00 : f32
          %broadcast_in_dim3A_257 = vector.broadcast %jit3A_255 : f32 to vector<16xf32>
          %broadcast_in_dim3A_258 = vector.broadcast %jit3A_256 : f32 to vector<16xf32>
          %select_n3A_259 = arith.select %le3A_254, %broadcast_in_dim3A_257, %broadcast_in_dim3A_258 : vector<16xi1>, vector<16xf32>
          %add3A_260 = arith.addf %add3A_214, %select_n3A_259 : vector<16xf32>
          %add3A_261 = arith.constant 4 : i32
          %add3A_262 = arith.addi %mul3A_46, %add3A_261 : i32
          %add3A_263 = arith.constant 2 : i32
          %add3A_264 = arith.addi %add3A_262, %add3A_263 : i32
          %get3A_265 = arith.index_cast %add3A_169 : i32 to index
          %get3A_266 = arith.index_cast %add3A_264 : i32 to index
          %get3A_267 = tpu.vector_load %arg4[%get3A_265, %get3A_266] {strides = array<i32>} : memref<12x240xf32, #tpu.memory_space<vmem>>, vector<1x16xf32>,
          %get3A_268 = vector.shape_cast %get3A_267 : vector<1x16xf32> to vector<16xf32>
          %get3A_269 = arith.index_cast %add3A_169 : i32 to index
          %get3A_270 = arith.index_cast %add3A_264 : i32 to index
          %get3A_271 = tpu.vector_load %arg5[%get3A_269, %get3A_270] {strides = array<i32>} : memref<12x240xf32, #tpu.memory_space<vmem>>, vector<1x16xf32>,
          %get3A_272 = vector.shape_cast %get3A_271 : vector<1x16xf32> to vector<16xf32>
          %get3A_273 = arith.index_cast %add3A_169 : i32 to index
          %get3A_274 = arith.index_cast %add3A_264 : i32 to index
          %get3A_275 = tpu.vector_load %arg6[%get3A_273, %get3A_274] {strides = array<i32>} : memref<12x240xf32, #tpu.memory_space<vmem>>, vector<1x16xf32>,
          %get3A_276 = vector.shape_cast %get3A_275 : vector<1x16xf32> to vector<16xf32>
          %sub3A_277 = arith.subf %get3A_52, %get3A_268 : vector<16xf32>
          %sub3A_278 = arith.subf %get3A_60, %get3A_272 : vector<16xf32>
          %sub3A_279 = arith.subf %get3A_68, %get3A_276 : vector<16xf32>
          %mul3A_280 = arith.mulf %sub3A_277, %sub3A_277 : vector<16xf32>
          %mul3A_281 = arith.mulf %sub3A_278, %sub3A_278 : vector<16xf32>
          %add3A_282 = arith.addf %mul3A_280, %mul3A_281 : vector<16xf32>
          %mul3A_283 = arith.mulf %sub3A_279, %sub3A_279 : vector<16xf32>
          %add3A_284 = arith.addf %add3A_282, %mul3A_283 : vector<16xf32>
          %le3A_285 = arith.cmpf ole, %add3A_284, %select_n3A : vector<16xf32>
          %jit3A_286 = arith.constant 1.000000e+00 : f32
          %jit3A_287 = arith.constant 0.000000e+00 : f32
          %broadcast_in_dim3A_288 = vector.broadcast %jit3A_286 : f32 to vector<16xf32>
          %broadcast_in_dim3A_289 = vector.broadcast %jit3A_287 : f32 to vector<16xf32>
          %select_n3A_290 = arith.select %le3A_285, %broadcast_in_dim3A_288, %broadcast_in_dim3A_289 : vector<16xi1>, vector<16xf32>
          %add3A_291 = arith.addf %add3A_245, %select_n3A_290 : vector<16xf32>
          %sub3A_292 = arith.subf %get3A_74, %get3A_268 : vector<16xf32>
          %sub3A_293 = arith.subf %get3A_80, %get3A_272 : vector<16xf32>
          %sub3A_294 = arith.subf %get3A_86, %get3A_276 : vector<16xf32>
          %mul3A_295 = arith.mulf %sub3A_292, %sub3A_292 : vector<16xf32>
          %mul3A_296 = arith.mulf %sub3A_293, %sub3A_293 : vector<16xf32>
          %add3A_297 = arith.addf %mul3A_295, %mul3A_296 : vector<16xf32>
          %mul3A_298 = arith.mulf %sub3A_294, %sub3A_294 : vector<16xf32>
          %add3A_299 = arith.addf %add3A_297, %mul3A_298 : vector<16xf32>
          %le3A_300 = arith.cmpf ole, %add3A_299, %select_n3A_121 : vector<16xf32>
          %jit3A_301 = arith.constant 1.000000e+00 : f32
          %jit3A_302 = arith.constant 0.000000e+00 : f32
          %broadcast_in_dim3A_303 = vector.broadcast %jit3A_301 : f32 to vector<16xf32>
          %broadcast_in_dim3A_304 = vector.broadcast %jit3A_302 : f32 to vector<16xf32>
          %select_n3A_305 = arith.select %le3A_300, %broadcast_in_dim3A_303, %broadcast_in_dim3A_304 : vector<16xi1>, vector<16xf32>
          %add3A_306 = arith.addf %add3A_260, %select_n3A_305 : vector<16xf32>
          %add3A_307 = arith.constant 4 : i32
          %add3A_308 = arith.addi %mul3A_46, %add3A_307 : i32
          %add3A_309 = arith.constant 3 : i32
          %add3A_310 = arith.addi %add3A_308, %add3A_309 : i32
          %get3A_311 = arith.index_cast %add3A_169 : i32 to index
          %get3A_312 = arith.index_cast %add3A_310 : i32 to index
          %get3A_313 = tpu.vector_load %arg4[%get3A_311, %get3A_312] {strides = array<i32>} : memref<12x240xf32, #tpu.memory_space<vmem>>, vector<1x16xf32>,
          %get3A_314 = vector.shape_cast %get3A_313 : vector<1x16xf32> to vector<16xf32>
          %get3A_315 = arith.index_cast %add3A_169 : i32 to index
          %get3A_316 = arith.index_cast %add3A_310 : i32 to index
          %get3A_317 = tpu.vector_load %arg5[%get3A_315, %get3A_316] {strides = array<i32>} : memref<12x240xf32, #tpu.memory_space<vmem>>, vector<1x16xf32>,
          %get3A_318 = vector.shape_cast %get3A_317 : vector<1x16xf32> to vector<16xf32>
          %get3A_319 = arith.index_cast %add3A_169 : i32 to index
          %get3A_320 = arith.index_cast %add3A_310 : i32 to index
          %get3A_321 = tpu.vector_load %arg6[%get3A_319, %get3A_320] {strides = array<i32>} : memref<12x240xf32, #tpu.memory_space<vmem>>, vector<1x16xf32>,
          %get3A_322 = vector.shape_cast %get3A_321 : vector<1x16xf32> to vector<16xf32>
          %sub3A_323 = arith.subf %get3A_52, %get3A_314 : vector<16xf32>
          %sub3A_324 = arith.subf %get3A_60, %get3A_318 : vector<16xf32>
          %sub3A_325 = arith.subf %get3A_68, %get3A_322 : vector<16xf32>
          %mul3A_326 = arith.mulf %sub3A_323, %sub3A_323 : vector<16xf32>
          %mul3A_327 = arith.mulf %sub3A_324, %sub3A_324 : vector<16xf32>
          %add3A_328 = arith.addf %mul3A_326, %mul3A_327 : vector<16xf32>
          %mul3A_329 = arith.mulf %sub3A_325, %sub3A_325 : vector<16xf32>
          %add3A_330 = arith.addf %add3A_328, %mul3A_329 : vector<16xf32>
          %le3A_331 = arith.cmpf ole, %add3A_330, %select_n3A : vector<16xf32>
          %jit3A_332 = arith.constant 1.000000e+00 : f32
          %jit3A_333 = arith.constant 0.000000e+00 : f32
          %broadcast_in_dim3A_334 = vector.broadcast %jit3A_332 : f32 to vector<16xf32>
          %broadcast_in_dim3A_335 = vector.broadcast %jit3A_333 : f32 to vector<16xf32>
          %select_n3A_336 = arith.select %le3A_331, %broadcast_in_dim3A_334, %broadcast_in_dim3A_335 : vector<16xi1>, vector<16xf32>
          %add3A_337 = arith.addf %add3A_291, %select_n3A_336 : vector<16xf32>
          %sub3A_338 = arith.subf %get3A_74, %get3A_314 : vector<16xf32>
          %sub3A_339 = arith.subf %get3A_80, %get3A_318 : vector<16xf32>
          %sub3A_340 = arith.subf %get3A_86, %get3A_322 : vector<16xf32>
          %mul3A_341 = arith.mulf %sub3A_338, %sub3A_338 : vector<16xf32>
          %mul3A_342 = arith.mulf %sub3A_339, %sub3A_339 : vector<16xf32>
          %add3A_343 = arith.addf %mul3A_341, %mul3A_342 : vector<16xf32>
          %mul3A_344 = arith.mulf %sub3A_340, %sub3A_340 : vector<16xf32>
          %add3A_345 = arith.addf %add3A_343, %mul3A_344 : vector<16xf32>
          %le3A_346 = arith.cmpf ole, %add3A_345, %select_n3A_121 : vector<16xf32>
          %jit3A_347 = arith.constant 1.000000e+00 : f32
          %jit3A_348 = arith.constant 0.000000e+00 : f32
          %broadcast_in_dim3A_349 = vector.broadcast %jit3A_347 : f32 to vector<16xf32>
          %broadcast_in_dim3A_350 = vector.broadcast %jit3A_348 : f32 to vector<16xf32>
          %select_n3A_351 = arith.select %le3A_346, %broadcast_in_dim3A_349, %broadcast_in_dim3A_350 : vector<16xi1>, vector<16xf32>
          %add3A_352 = arith.addf %add3A_306, %select_n3A_351 : vector<16xf32>
          %add3A_353 = arith.constant 4 : i32
          %add3A_354 = arith.addi %mul3A_46, %add3A_353 : i32
          %add3A_355 = arith.constant 4 : i32
          %add3A_356 = arith.addi %add3A_354, %add3A_355 : i32
          %get3A_357 = arith.index_cast %add3A_169 : i32 to index
          %get3A_358 = arith.index_cast %add3A_356 : i32 to index
          %get3A_359 = tpu.vector_load %arg4[%get3A_357, %get3A_358] {strides = array<i32>} : memref<12x240xf32, #tpu.memory_space<vmem>>, vector<1x16xf32>,
          %get3A_360 = vector.shape_cast %get3A_359 : vector<1x16xf32> to vector<16xf32>
          %get3A_361 = arith.index_cast %add3A_169 : i32 to index
          %get3A_362 = arith.index_cast %add3A_356 : i32 to index
          %get3A_363 = tpu.vector_load %arg5[%get3A_361, %get3A_362] {strides = array<i32>} : memref<12x240xf32, #tpu.memory_space<vmem>>, vector<1x16xf32>,
          %get3A_364 = vector.shape_cast %get3A_363 : vector<1x16xf32> to vector<16xf32>
          %get3A_365 = arith.index_cast %add3A_169 : i32 to index
          %get3A_366 = arith.index_cast %add3A_356 : i32 to index
          %get3A_367 = tpu.vector_load %arg6[%get3A_365, %get3A_366] {strides = array<i32>} : memref<12x240xf32, #tpu.memory_space<vmem>>, vector<1x16xf32>,
          %get3A_368 = vector.shape_cast %get3A_367 : vector<1x16xf32> to vector<16xf32>
          %sub3A_369 = arith.subf %get3A_52, %get3A_360 : vector<16xf32>
          %sub3A_370 = arith.subf %get3A_60, %get3A_364 : vector<16xf32>
          %sub3A_371 = arith.subf %get3A_68, %get3A_368 : vector<16xf32>
          %mul3A_372 = arith.mulf %sub3A_369, %sub3A_369 : vector<16xf32>
          %mul3A_373 = arith.mulf %sub3A_370, %sub3A_370 : vector<16xf32>
          %add3A_374 = arith.addf %mul3A_372, %mul3A_373 : vector<16xf32>
          %mul3A_375 = arith.mulf %sub3A_371, %sub3A_371 : vector<16xf32>
          %add3A_376 = arith.addf %add3A_374, %mul3A_375 : vector<16xf32>
          %le3A_377 = arith.cmpf ole, %add3A_376, %select_n3A : vector<16xf32>
          %jit3A_378 = arith.constant 1.000000e+00 : f32
          %jit3A_379 = arith.constant 0.000000e+00 : f32
          %broadcast_in_dim3A_380 = vector.broadcast %jit3A_378 : f32 to vector<16xf32>
          %broadcast_in_dim3A_381 = vector.broadcast %jit3A_379 : f32 to vector<16xf32>
          %select_n3A_382 = arith.select %le3A_377, %broadcast_in_dim3A_380, %broadcast_in_dim3A_381 : vector<16xi1>, vector<16xf32>
          %add3A_383 = arith.addf %add3A_337, %select_n3A_382 : vector<16xf32>
          %sub3A_384 = arith.subf %get3A_74, %get3A_360 : vector<16xf32>
          %sub3A_385 = arith.subf %get3A_80, %get3A_364 : vector<16xf32>
          %sub3A_386 = arith.subf %get3A_86, %get3A_368 : vector<16xf32>
          %mul3A_387 = arith.mulf %sub3A_384, %sub3A_384 : vector<16xf32>
          %mul3A_388 = arith.mulf %sub3A_385, %sub3A_385 : vector<16xf32>
          %add3A_389 = arith.addf %mul3A_387, %mul3A_388 : vector<16xf32>
          %mul3A_390 = arith.mulf %sub3A_386, %sub3A_386 : vector<16xf32>
          %add3A_391 = arith.addf %add3A_389, %mul3A_390 : vector<16xf32>
          %le3A_392 = arith.cmpf ole, %add3A_391, %select_n3A_121 : vector<16xf32>
          %jit3A_393 = arith.constant 1.000000e+00 : f32
          %jit3A_394 = arith.constant 0.000000e+00 : f32
          %broadcast_in_dim3A_395 = vector.broadcast %jit3A_393 : f32 to vector<16xf32>
          %broadcast_in_dim3A_396 = vector.broadcast %jit3A_394 : f32 to vector<16xf32>
          %select_n3A_397 = arith.select %le3A_392, %broadcast_in_dim3A_395, %broadcast_in_dim3A_396 : vector<16xi1>, vector<16xf32>
          %add3A_398 = arith.addf %add3A_352, %select_n3A_397 : vector<16xf32>
          %add3A_399 = arith.constant 4 : i32
          %add3A_400 = arith.addi %mul3A_46, %add3A_399 : i32
          %add3A_401 = arith.constant 5 : i32
          %add3A_402 = arith.addi %add3A_400, %add3A_401 : i32
          %get3A_403 = arith.index_cast %add3A_169 : i32 to index
          %get3A_404 = arith.index_cast %add3A_402 : i32 to index
          %get3A_405 = tpu.vector_load %arg4[%get3A_403, %get3A_404] {strides = array<i32>} : memref<12x240xf32, #tpu.memory_space<vmem>>, vector<1x16xf32>,
          %get3A_406 = vector.shape_cast %get3A_405 : vector<1x16xf32> to vector<16xf32>
          %get3A_407 = arith.index_cast %add3A_169 : i32 to index
          %get3A_408 = arith.index_cast %add3A_402 : i32 to index
          %get3A_409 = tpu.vector_load %arg5[%get3A_407, %get3A_408] {strides = array<i32>} : memref<12x240xf32, #tpu.memory_space<vmem>>, vector<1x16xf32>,
          %get3A_410 = vector.shape_cast %get3A_409 : vector<1x16xf32> to vector<16xf32>
          %get3A_411 = arith.index_cast %add3A_169 : i32 to index
          %get3A_412 = arith.index_cast %add3A_402 : i32 to index
          %get3A_413 = tpu.vector_load %arg6[%get3A_411, %get3A_412] {strides = array<i32>} : memref<12x240xf32, #tpu.memory_space<vmem>>, vector<1x16xf32>,
          %get3A_414 = vector.shape_cast %get3A_413 : vector<1x16xf32> to vector<16xf32>
          %sub3A_415 = arith.subf %get3A_52, %get3A_406 : vector<16xf32>
          %sub3A_416 = arith.subf %get3A_60, %get3A_410 : vector<16xf32>
          %sub3A_417 = arith.subf %get3A_68, %get3A_414 : vector<16xf32>
          %mul3A_418 = arith.mulf %sub3A_415, %sub3A_415 : vector<16xf32>
          %mul3A_419 = arith.mulf %sub3A_416, %sub3A_416 : vector<16xf32>
          %add3A_420 = arith.addf %mul3A_418, %mul3A_419 : vector<16xf32>
          %mul3A_421 = arith.mulf %sub3A_417, %sub3A_417 : vector<16xf32>
          %add3A_422 = arith.addf %add3A_420, %mul3A_421 : vector<16xf32>
          %le3A_423 = arith.cmpf ole, %add3A_422, %select_n3A : vector<16xf32>
          %jit3A_424 = arith.constant 1.000000e+00 : f32
          %jit3A_425 = arith.constant 0.000000e+00 : f32
          %broadcast_in_dim3A_426 = vector.broadcast %jit3A_424 : f32 to vector<16xf32>
          %broadcast_in_dim3A_427 = vector.broadcast %jit3A_425 : f32 to vector<16xf32>
          %select_n3A_428 = arith.select %le3A_423, %broadcast_in_dim3A_426, %broadcast_in_dim3A_427 : vector<16xi1>, vector<16xf32>
          %add3A_429 = arith.addf %add3A_383, %select_n3A_428 : vector<16xf32>
          %sub3A_430 = arith.subf %get3A_74, %get3A_406 : vector<16xf32>
          %sub3A_431 = arith.subf %get3A_80, %get3A_410 : vector<16xf32>
          %sub3A_432 = arith.subf %get3A_86, %get3A_414 : vector<16xf32>
          %mul3A_433 = arith.mulf %sub3A_430, %sub3A_430 : vector<16xf32>
          %mul3A_434 = arith.mulf %sub3A_431, %sub3A_431 : vector<16xf32>
          %add3A_435 = arith.addf %mul3A_433, %mul3A_434 : vector<16xf32>
          %mul3A_436 = arith.mulf %sub3A_432, %sub3A_432 : vector<16xf32>
          %add3A_437 = arith.addf %add3A_435, %mul3A_436 : vector<16xf32>
          %le3A_438 = arith.cmpf ole, %add3A_437, %select_n3A_121 : vector<16xf32>
          %jit3A_439 = arith.constant 1.000000e+00 : f32
          %jit3A_440 = arith.constant 0.000000e+00 : f32
          %broadcast_in_dim3A_441 = vector.broadcast %jit3A_439 : f32 to vector<16xf32>
          %broadcast_in_dim3A_442 = vector.broadcast %jit3A_440 : f32 to vector<16xf32>
          %select_n3A_443 = arith.select %le3A_438, %broadcast_in_dim3A_441, %broadcast_in_dim3A_442 : vector<16xi1>, vector<16xf32>
          %add3A_444 = arith.addf %add3A_398, %select_n3A_443 : vector<16xf32>
          %add3A_445 = arith.constant 4 : i32
          %add3A_446 = arith.addi %mul3A_46, %add3A_445 : i32
          %add3A_447 = arith.constant 6 : i32
          %add3A_448 = arith.addi %add3A_446, %add3A_447 : i32
          %get3A_449 = arith.index_cast %add3A_169 : i32 to index
          %get3A_450 = arith.index_cast %add3A_448 : i32 to index
          %get3A_451 = tpu.vector_load %arg4[%get3A_449, %get3A_450] {strides = array<i32>} : memref<12x240xf32, #tpu.memory_space<vmem>>, vector<1x16xf32>,
          %get3A_452 = vector.shape_cast %get3A_451 : vector<1x16xf32> to vector<16xf32>
          %get3A_453 = arith.index_cast %add3A_169 : i32 to index
          %get3A_454 = arith.index_cast %add3A_448 : i32 to index
          %get3A_455 = tpu.vector_load %arg5[%get3A_453, %get3A_454] {strides = array<i32>} : memref<12x240xf32, #tpu.memory_space<vmem>>, vector<1x16xf32>,
          %get3A_456 = vector.shape_cast %get3A_455 : vector<1x16xf32> to vector<16xf32>
          %get3A_457 = arith.index_cast %add3A_169 : i32 to index
          %get3A_458 = arith.index_cast %add3A_448 : i32 to index
          %get3A_459 = tpu.vector_load %arg6[%get3A_457, %get3A_458] {strides = array<i32>} : memref<12x240xf32, #tpu.memory_space<vmem>>, vector<1x16xf32>,
          %get3A_460 = vector.shape_cast %get3A_459 : vector<1x16xf32> to vector<16xf32>
          %sub3A_461 = arith.subf %get3A_52, %get3A_452 : vector<16xf32>
          %sub3A_462 = arith.subf %get3A_60, %get3A_456 : vector<16xf32>
          %sub3A_463 = arith.subf %get3A_68, %get3A_460 : vector<16xf32>
          %mul3A_464 = arith.mulf %sub3A_461, %sub3A_461 : vector<16xf32>
          %mul3A_465 = arith.mulf %sub3A_462, %sub3A_462 : vector<16xf32>
          %add3A_466 = arith.addf %mul3A_464, %mul3A_465 : vector<16xf32>
          %mul3A_467 = arith.mulf %sub3A_463, %sub3A_463 : vector<16xf32>
          %add3A_468 = arith.addf %add3A_466, %mul3A_467 : vector<16xf32>
          %le3A_469 = arith.cmpf ole, %add3A_468, %select_n3A : vector<16xf32>
          %jit3A_470 = arith.constant 1.000000e+00 : f32
          %jit3A_471 = arith.constant 0.000000e+00 : f32
          %broadcast_in_dim3A_472 = vector.broadcast %jit3A_470 : f32 to vector<16xf32>
          %broadcast_in_dim3A_473 = vector.broadcast %jit3A_471 : f32 to vector<16xf32>
          %select_n3A_474 = arith.select %le3A_469, %broadcast_in_dim3A_472, %broadcast_in_dim3A_473 : vector<16xi1>, vector<16xf32>
          %add3A_475 = arith.addf %add3A_429, %select_n3A_474 : vector<16xf32>
          %sub3A_476 = arith.subf %get3A_74, %get3A_452 : vector<16xf32>
          %sub3A_477 = arith.subf %get3A_80, %get3A_456 : vector<16xf32>
          %sub3A_478 = arith.subf %get3A_86, %get3A_460 : vector<16xf32>
          %mul3A_479 = arith.mulf %sub3A_476, %sub3A_476 : vector<16xf32>
          %mul3A_480 = arith.mulf %sub3A_477, %sub3A_477 : vector<16xf32>
          %add3A_481 = arith.addf %mul3A_479, %mul3A_480 : vector<16xf32>
          %mul3A_482 = arith.mulf %sub3A_478, %sub3A_478 : vector<16xf32>
          %add3A_483 = arith.addf %add3A_481, %mul3A_482 : vector<16xf32>
          %le3A_484 = arith.cmpf ole, %add3A_483, %select_n3A_121 : vector<16xf32>
          %jit3A_485 = arith.constant 1.000000e+00 : f32
          %jit3A_486 = arith.constant 0.000000e+00 : f32
          %broadcast_in_dim3A_487 = vector.broadcast %jit3A_485 : f32 to vector<16xf32>
          %broadcast_in_dim3A_488 = vector.broadcast %jit3A_486 : f32 to vector<16xf32>
          %select_n3A_489 = arith.select %le3A_484, %broadcast_in_dim3A_487, %broadcast_in_dim3A_488 : vector<16xi1>, vector<16xf32>
          %add3A_490 = arith.addf %add3A_444, %select_n3A_489 : vector<16xf32>
          %add3A_491 = arith.constant 4 : i32
          %add3A_492 = arith.addi %mul3A_46, %add3A_491 : i32
          %add3A_493 = arith.constant 7 : i32
          %add3A_494 = arith.addi %add3A_492, %add3A_493 : i32
          %get3A_495 = arith.index_cast %add3A_169 : i32 to index
          %get3A_496 = arith.index_cast %add3A_494 : i32 to index
          %get3A_497 = tpu.vector_load %arg4[%get3A_495, %get3A_496] {strides = array<i32>} : memref<12x240xf32, #tpu.memory_space<vmem>>, vector<1x16xf32>,
          %get3A_498 = vector.shape_cast %get3A_497 : vector<1x16xf32> to vector<16xf32>
          %get3A_499 = arith.index_cast %add3A_169 : i32 to index
          %get3A_500 = arith.index_cast %add3A_494 : i32 to index
          %get3A_501 = tpu.vector_load %arg5[%get3A_499, %get3A_500] {strides = array<i32>} : memref<12x240xf32, #tpu.memory_space<vmem>>, vector<1x16xf32>,
          %get3A_502 = vector.shape_cast %get3A_501 : vector<1x16xf32> to vector<16xf32>
          %get3A_503 = arith.index_cast %add3A_169 : i32 to index
          %get3A_504 = arith.index_cast %add3A_494 : i32 to index
          %get3A_505 = tpu.vector_load %arg6[%get3A_503, %get3A_504] {strides = array<i32>} : memref<12x240xf32, #tpu.memory_space<vmem>>, vector<1x16xf32>,
          %get3A_506 = vector.shape_cast %get3A_505 : vector<1x16xf32> to vector<16xf32>
          %sub3A_507 = arith.subf %get3A_52, %get3A_498 : vector<16xf32>
          %sub3A_508 = arith.subf %get3A_60, %get3A_502 : vector<16xf32>
          %sub3A_509 = arith.subf %get3A_68, %get3A_506 : vector<16xf32>
          %mul3A_510 = arith.mulf %sub3A_507, %sub3A_507 : vector<16xf32>
          %mul3A_511 = arith.mulf %sub3A_508, %sub3A_508 : vector<16xf32>
          %add3A_512 = arith.addf %mul3A_510, %mul3A_511 : vector<16xf32>
          %mul3A_513 = arith.mulf %sub3A_509, %sub3A_509 : vector<16xf32>
          %add3A_514 = arith.addf %add3A_512, %mul3A_513 : vector<16xf32>
          %le3A_515 = arith.cmpf ole, %add3A_514, %select_n3A : vector<16xf32>
          %jit3A_516 = arith.constant 1.000000e+00 : f32
          %jit3A_517 = arith.constant 0.000000e+00 : f32
          %broadcast_in_dim3A_518 = vector.broadcast %jit3A_516 : f32 to vector<16xf32>
          %broadcast_in_dim3A_519 = vector.broadcast %jit3A_517 : f32 to vector<16xf32>
          %select_n3A_520 = arith.select %le3A_515, %broadcast_in_dim3A_518, %broadcast_in_dim3A_519 : vector<16xi1>, vector<16xf32>
          %add3A_521 = arith.addf %add3A_475, %select_n3A_520 : vector<16xf32>
          %sub3A_522 = arith.subf %get3A_74, %get3A_498 : vector<16xf32>
          %sub3A_523 = arith.subf %get3A_80, %get3A_502 : vector<16xf32>
          %sub3A_524 = arith.subf %get3A_86, %get3A_506 : vector<16xf32>
          %mul3A_525 = arith.mulf %sub3A_522, %sub3A_522 : vector<16xf32>
          %mul3A_526 = arith.mulf %sub3A_523, %sub3A_523 : vector<16xf32>
          %add3A_527 = arith.addf %mul3A_525, %mul3A_526 : vector<16xf32>
          %mul3A_528 = arith.mulf %sub3A_524, %sub3A_524 : vector<16xf32>
          %add3A_529 = arith.addf %add3A_527, %mul3A_528 : vector<16xf32>
          %le3A_530 = arith.cmpf ole, %add3A_529, %select_n3A_121 : vector<16xf32>
          %jit3A_531 = arith.constant 1.000000e+00 : f32
          %jit3A_532 = arith.constant 0.000000e+00 : f32
          %broadcast_in_dim3A_533 = vector.broadcast %jit3A_531 : f32 to vector<16xf32>
          %broadcast_in_dim3A_534 = vector.broadcast %jit3A_532 : f32 to vector<16xf32>
          %select_n3A_535 = arith.select %le3A_530, %broadcast_in_dim3A_533, %broadcast_in_dim3A_534 : vector<16xi1>, vector<16xf32>
          %add3A_536 = arith.addf %add3A_490, %select_n3A_535 : vector<16xf32>
          %add3A_537 = arith.constant 4 : i32
          %add3A_538 = arith.addi %mul3A_46, %add3A_537 : i32
          %add3A_539 = arith.constant 8 : i32
          %add3A_540 = arith.addi %add3A_538, %add3A_539 : i32
          %get3A_541 = arith.index_cast %add3A_169 : i32 to index
          %get3A_542 = arith.index_cast %add3A_540 : i32 to index
          %get3A_543 = tpu.vector_load %arg4[%get3A_541, %get3A_542] {strides = array<i32>} : memref<12x240xf32, #tpu.memory_space<vmem>>, vector<1x16xf32>,
          %get3A_544 = vector.shape_cast %get3A_543 : vector<1x16xf32> to vector<16xf32>
          %get3A_545 = arith.index_cast %add3A_169 : i32 to index
          %get3A_546 = arith.index_cast %add3A_540 : i32 to index
          %get3A_547 = tpu.vector_load %arg5[%get3A_545, %get3A_546] {strides = array<i32>} : memref<12x240xf32, #tpu.memory_space<vmem>>, vector<1x16xf32>,
          %get3A_548 = vector.shape_cast %get3A_547 : vector<1x16xf32> to vector<16xf32>
          %get3A_549 = arith.index_cast %add3A_169 : i32 to index
          %get3A_550 = arith.index_cast %add3A_540 : i32 to index
          %get3A_551 = tpu.vector_load %arg6[%get3A_549, %get3A_550] {strides = array<i32>} : memref<12x240xf32, #tpu.memory_space<vmem>>, vector<1x16xf32>,
          %get3A_552 = vector.shape_cast %get3A_551 : vector<1x16xf32> to vector<16xf32>
          %sub3A_553 = arith.subf %get3A_52, %get3A_544 : vector<16xf32>
          %sub3A_554 = arith.subf %get3A_60, %get3A_548 : vector<16xf32>
          %sub3A_555 = arith.subf %get3A_68, %get3A_552 : vector<16xf32>
          %mul3A_556 = arith.mulf %sub3A_553, %sub3A_553 : vector<16xf32>
          %mul3A_557 = arith.mulf %sub3A_554, %sub3A_554 : vector<16xf32>
          %add3A_558 = arith.addf %mul3A_556, %mul3A_557 : vector<16xf32>
          %mul3A_559 = arith.mulf %sub3A_555, %sub3A_555 : vector<16xf32>
          %add3A_560 = arith.addf %add3A_558, %mul3A_559 : vector<16xf32>
          %le3A_561 = arith.cmpf ole, %add3A_560, %select_n3A : vector<16xf32>
          %jit3A_562 = arith.constant 1.000000e+00 : f32
          %jit3A_563 = arith.constant 0.000000e+00 : f32
          %broadcast_in_dim3A_564 = vector.broadcast %jit3A_562 : f32 to vector<16xf32>
          %broadcast_in_dim3A_565 = vector.broadcast %jit3A_563 : f32 to vector<16xf32>
          %select_n3A_566 = arith.select %le3A_561, %broadcast_in_dim3A_564, %broadcast_in_dim3A_565 : vector<16xi1>, vector<16xf32>
          %add3A_567 = arith.addf %add3A_521, %select_n3A_566 : vector<16xf32>
          %sub3A_568 = arith.subf %get3A_74, %get3A_544 : vector<16xf32>
          %sub3A_569 = arith.subf %get3A_80, %get3A_548 : vector<16xf32>
          %sub3A_570 = arith.subf %get3A_86, %get3A_552 : vector<16xf32>
          %mul3A_571 = arith.mulf %sub3A_568, %sub3A_568 : vector<16xf32>
          %mul3A_572 = arith.mulf %sub3A_569, %sub3A_569 : vector<16xf32>
          %add3A_573 = arith.addf %mul3A_571, %mul3A_572 : vector<16xf32>
          %mul3A_574 = arith.mulf %sub3A_570, %sub3A_570 : vector<16xf32>
          %add3A_575 = arith.addf %add3A_573, %mul3A_574 : vector<16xf32>
          %le3A_576 = arith.cmpf ole, %add3A_575, %select_n3A_121 : vector<16xf32>
          %jit3A_577 = arith.constant 1.000000e+00 : f32
          %jit3A_578 = arith.constant 0.000000e+00 : f32
          %broadcast_in_dim3A_579 = vector.broadcast %jit3A_577 : f32 to vector<16xf32>
          %broadcast_in_dim3A_580 = vector.broadcast %jit3A_578 : f32 to vector<16xf32>
          %select_n3A_581 = arith.select %le3A_576, %broadcast_in_dim3A_579, %broadcast_in_dim3A_580 : vector<16xi1>, vector<16xf32>
          %add3A_582 = arith.addf %add3A_536, %select_n3A_581 : vector<16xf32>
          scf.yield %add3A_567, %add3A_582 : vector<16xf32>, vector<16xf32>
        }
        %scan3A_127 = arith.constant 9 : i32
        %ge3A_128 = arith.constant 0.000000e+00 : f32
        %ge3A_129 = vector.broadcast %ge3A_128 : f32 to vector<16xf32>
        %ge3A_130 = arith.cmpf oge, %select_n3A, %ge3A_129 : vector<16xf32>
        %jit3A_131 = arith.constant 1.000000e+00 : f32
        %jit3A_132 = arith.constant 0.000000e+00 : f32
        %broadcast_in_dim3A_133 = vector.broadcast %jit3A_131 : f32 to vector<16xf32>
        %broadcast_in_dim3A_134 = vector.broadcast %jit3A_132 : f32 to vector<16xf32>
        %select_n3A_135 = arith.select %ge3A_130, %broadcast_in_dim3A_133, %broadcast_in_dim3A_134 : vector<16xi1>, vector<16xf32>
        %sub3A = arith.subf %scan3A_126#0, %select_n3A_135 : vector<16xf32>
        %ge3A_136 = arith.constant 3.000000e+00 : f32
        %ge3A_137 = vector.broadcast %ge3A_136 : f32 to vector<16xf32>
        %ge3A_138 = arith.cmpf oge, %sub3A, %ge3A_137 : vector<16xf32>
        %jit3A_139 = arith.constant -1.000000e+03 : f32
        %jit3A_140 = arith.constant 1.000000e+03 : f32
        %broadcast_in_dim3A_141 = vector.broadcast %jit3A_139 : f32 to vector<16xf32>
        %broadcast_in_dim3A_142 = vector.broadcast %jit3A_140 : f32 to vector<16xf32>
        %select_n3A_143 = arith.select %ge3A_138, %broadcast_in_dim3A_141, %broadcast_in_dim3A_142 : vector<16xi1>, vector<16xf32>
        %swap3A = arith.constant 0 : i32
        %swap3A_144 = arith.index_cast %swap3A : i32 to index
        %swap3A_145 = arith.index_cast %scan3A_34 : i32 to index
        %swap3A_146 = arith.index_cast %mul3A_46 : i32 to index
        %swap3A_147 = tpu.vector_load %arg9[%swap3A_144, %swap3A_145, %swap3A_146] {strides = array<i32>} : memref<2x4x224xf32, #tpu.memory_space<vmem>>, vector<1x1x16xf32>,
        %swap3A_148 = vector.shape_cast %swap3A_147 : vector<1x1x16xf32> to vector<16xf32>
        %swap3A_149 = vector.shape_cast %select_n3A_143 : vector<16xf32> to vector<1x1x16xf32>
        tpu.vector_store %arg9[%swap3A_144, %swap3A_145, %swap3A_146], %swap3A_149 {strides = array<i32>} : memref<2x4x224xf32, #tpu.memory_space<vmem>>, vector<1x1x16xf32>,
        %ge3A_150 = arith.constant 3.000000e+00 : f32
        %ge3A_151 = vector.broadcast %ge3A_150 : f32 to vector<16xf32>
        %ge3A_152 = arith.cmpf oge, %scan3A_126#1, %ge3A_151 : vector<16xf32>
        %jit3A_153 = arith.constant -1.000000e+03 : f32
        %jit3A_154 = arith.constant 1.000000e+03 : f32
        %broadcast_in_dim3A_155 = vector.broadcast %jit3A_153 : f32 to vector<16xf32>
        %broadcast_in_dim3A_156 = vector.broadcast %jit3A_154 : f32 to vector<16xf32>
        %select_n3A_157 = arith.select %ge3A_152, %broadcast_in_dim3A_155, %broadcast_in_dim3A_156 : vector<16xi1>, vector<16xf32>
        %swap3A_158 = arith.constant 1 : i32
        %swap3A_159 = arith.index_cast %swap3A_158 : i32 to index
        %swap3A_160 = arith.index_cast %scan3A_34 : i32 to index
        %swap3A_161 = arith.index_cast %mul3A_46 : i32 to index
        %swap3A_162 = tpu.vector_load %arg9[%swap3A_159, %swap3A_160, %swap3A_161] {strides = array<i32>} : memref<2x4x224xf32, #tpu.memory_space<vmem>>, vector<1x1x16xf32>,
        %swap3A_163 = vector.shape_cast %swap3A_162 : vector<1x1x16xf32> to vector<16xf32>
        %swap3A_164 = vector.shape_cast %select_n3A_157 : vector<16xf32> to vector<1x1x16xf32>
        tpu.vector_store %arg9[%swap3A_159, %swap3A_160, %swap3A_161], %swap3A_164 {strides = array<i32>} : memref<2x4x224xf32, #tpu.memory_space<vmem>>, vector<1x1x16xf32>,
        %scan3A_165 = arith.constant 0 : i32
        scf.yield %scan3A_165 : i32
      }
      %scan3A_42 = arith.constant 14 : i32
      scf.yield %scan3A_41 : i32
    }
    %scan3A_29 = arith.constant 4 : i32
    %run_scoped3A_30 = arith.constant 0 : i32
    %run_scoped3A_31 = arith.constant 0 : i32
    "tpu.region"() ({
      %run_scoped3A_34 = tpu.sem_alloc : memref<!tpu.dma_semaphore, #tpu.memory_space<semaphore_mem>>
      %dma_start3A = arith.constant 0 : i32
      %dma_start3A_35 = arith.constant 0 : i32
      %dma_start3A_36 = tpu.memref_slice %arg9[%run_scoped3A_30, %dma_start3A, %dma_start3A_35] : memref<2x4x224xf32, #tpu.memory_space<vmem>> -> memref<1x4x224xf32, #tpu.memory_space<vmem>>
      %dma_start3A_37 = tpu.memref_squeeze %dma_start3A_36 : memref<1x4x224xf32, #tpu.memory_space<vmem>> -> memref<4x224xf32, #tpu.memory_space<vmem>>
      %dma_start3A_38 = arith.constant 0 : i32
      %dma_start3A_39 = tpu.memref_slice %arg3[%arg0, %run_scoped3A_31, %mul3A_0, %dma_start3A_38] : memref<2x2x64x224xf32, #tpu.memory_space<hbm>> -> memref<1x1x4x224xf32, #tpu.memory_space<hbm>>
      %dma_start3A_40 = tpu.memref_squeeze %dma_start3A_39 : memref<1x1x4x224xf32, #tpu.memory_space<hbm>> -> memref<4x224xf32, #tpu.memory_space<hbm>>
      %dma_start3A_41 = arith.constant 0 : i32
      %dma_start3A_42 = tpu.memref_slice %arg3[%arg0, %run_scoped3A_31, %mul3A_0, %dma_start3A_41] : memref<2x2x64x224xf32, #tpu.memory_space<hbm>> -> memref<1x1x4x224xf32, #tpu.memory_space<hbm>>
      %dma_start3A_43 = tpu.memref_squeeze %dma_start3A_42 : memref<1x1x4x224xf32, #tpu.memory_space<hbm>> -> memref<4x224xf32, #tpu.memory_space<hbm>>
      %dma_start3A_44 = arith.constant 0 : i32
      %dma_start3A_45 = arith.constant 0 : i32
      %dma_start3A_46 = tpu.memref_slice %arg9[%run_scoped3A_30, %dma_start3A_44, %dma_start3A_45] : memref<2x4x224xf32, #tpu.memory_space<vmem>> -> memref<1x4x224xf32, #tpu.memory_space<vmem>>
      %dma_start3A_47 = tpu.memref_squeeze %dma_start3A_46 : memref<1x4x224xf32, #tpu.memory_space<vmem>> -> memref<4x224xf32, #tpu.memory_space<vmem>>
      tpu.enqueue_dma source(%dma_start3A_47 : memref<4x224xf32, #tpu.memory_space<vmem>>) target(%dma_start3A_43 : memref<4x224xf32, #tpu.memory_space<hbm>>) target_semaphore(%run_scoped3A_34 : memref<!tpu.dma_semaphore, #tpu.memory_space<semaphore_mem>>)
      %dma_wait3A = arith.constant 0 : i32
      %dma_wait3A_48 = arith.constant 0 : i32
      %dma_wait3A_49 = tpu.memref_slice %arg9[%run_scoped3A_30, %dma_wait3A, %dma_wait3A_48] : memref<2x4x224xf32, #tpu.memory_space<vmem>> -> memref<1x4x224xf32, #tpu.memory_space<vmem>>
      %dma_wait3A_50 = tpu.memref_squeeze %dma_wait3A_49 : memref<1x4x224xf32, #tpu.memory_space<vmem>> -> memref<4x224xf32, #tpu.memory_space<vmem>>
      %dma_wait3A_51 = arith.constant 0 : i32
      %dma_wait3A_52 = tpu.memref_slice %arg3[%arg0, %run_scoped3A_31, %mul3A_0, %dma_wait3A_51] : memref<2x2x64x224xf32, #tpu.memory_space<hbm>> -> memref<1x1x4x224xf32, #tpu.memory_space<hbm>>
      %dma_wait3A_53 = tpu.memref_squeeze %dma_wait3A_52 : memref<1x1x4x224xf32, #tpu.memory_space<hbm>> -> memref<4x224xf32, #tpu.memory_space<hbm>>
      %dma_wait3A_54 = arith.constant 0 : i32
      %dma_wait3A_55 = tpu.memref_slice %arg3[%arg0, %run_scoped3A_31, %mul3A_0, %dma_wait3A_54] : memref<2x2x64x224xf32, #tpu.memory_space<hbm>> -> memref<1x1x4x224xf32, #tpu.memory_space<hbm>>
      %dma_wait3A_56 = tpu.memref_squeeze %dma_wait3A_55 : memref<1x1x4x224xf32, #tpu.memory_space<hbm>> -> memref<4x224xf32, #tpu.memory_space<hbm>>
      %dma_wait3A_57 = arith.constant 0 : i32
      %dma_wait3A_58 = arith.constant 0 : i32
      %dma_wait3A_59 = tpu.memref_slice %arg9[%run_scoped3A_30, %dma_wait3A_57, %dma_wait3A_58] : memref<2x4x224xf32, #tpu.memory_space<vmem>> -> memref<1x4x224xf32, #tpu.memory_space<vmem>>
      %dma_wait3A_60 = tpu.memref_squeeze %dma_wait3A_59 : memref<1x4x224xf32, #tpu.memory_space<vmem>> -> memref<4x224xf32, #tpu.memory_space<vmem>>
      tpu.wait_dma2 semaphore(%run_scoped3A_34 : memref<!tpu.dma_semaphore, #tpu.memory_space<semaphore_mem>>) src(%dma_wait3A_60 : memref<4x224xf32, #tpu.memory_space<vmem>>) dst(%dma_wait3A_56 : memref<4x224xf32, #tpu.memory_space<hbm>>)
      tpu.yield
    }) : () -> ()
    %run_scoped3A_32 = arith.constant 1 : i32
    %run_scoped3A_33 = arith.constant 1 : i32
    "tpu.region"() ({
      %run_scoped3A_34 = tpu.sem_alloc : memref<!tpu.dma_semaphore, #tpu.memory_space<semaphore_mem>>
      %dma_start3A = arith.constant 0 : i32
      %dma_start3A_35 = arith.constant 0 : i32
      %dma_start3A_36 = tpu.memref_slice %arg9[%run_scoped3A_32, %dma_start3A, %dma_start3A_35] : memref<2x4x224xf32, #tpu.memory_space<vmem>> -> memref<1x4x224xf32, #tpu.memory_space<vmem>>
      %dma_start3A_37 = tpu.memref_squeeze %dma_start3A_36 : memref<1x4x224xf32, #tpu.memory_space<vmem>> -> memref<4x224xf32, #tpu.memory_space<vmem>>
      %dma_start3A_38 = arith.constant 0 : i32
      %dma_start3A_39 = tpu.memref_slice %arg3[%arg0, %run_scoped3A_33, %mul3A_0, %dma_start3A_38] : memref<2x2x64x224xf32, #tpu.memory_space<hbm>> -> memref<1x1x4x224xf32, #tpu.memory_space<hbm>>
      %dma_start3A_40 = tpu.memref_squeeze %dma_start3A_39 : memref<1x1x4x224xf32, #tpu.memory_space<hbm>> -> memref<4x224xf32, #tpu.memory_space<hbm>>
      %dma_start3A_41 = arith.constant 0 : i32
      %dma_start3A_42 = tpu.memref_slice %arg3[%arg0, %run_scoped3A_33, %mul3A_0, %dma_start3A_41] : memref<2x2x64x224xf32, #tpu.memory_space<hbm>> -> memref<1x1x4x224xf32, #tpu.memory_space<hbm>>
      %dma_start3A_43 = tpu.memref_squeeze %dma_start3A_42 : memref<1x1x4x224xf32, #tpu.memory_space<hbm>> -> memref<4x224xf32, #tpu.memory_space<hbm>>
      %dma_start3A_44 = arith.constant 0 : i32
      %dma_start3A_45 = arith.constant 0 : i32
      %dma_start3A_46 = tpu.memref_slice %arg9[%run_scoped3A_32, %dma_start3A_44, %dma_start3A_45] : memref<2x4x224xf32, #tpu.memory_space<vmem>> -> memref<1x4x224xf32, #tpu.memory_space<vmem>>
      %dma_start3A_47 = tpu.memref_squeeze %dma_start3A_46 : memref<1x4x224xf32, #tpu.memory_space<vmem>> -> memref<4x224xf32, #tpu.memory_space<vmem>>
      tpu.enqueue_dma source(%dma_start3A_47 : memref<4x224xf32, #tpu.memory_space<vmem>>) target(%dma_start3A_43 : memref<4x224xf32, #tpu.memory_space<hbm>>) target_semaphore(%run_scoped3A_34 : memref<!tpu.dma_semaphore, #tpu.memory_space<semaphore_mem>>)
      %dma_wait3A = arith.constant 0 : i32
      %dma_wait3A_48 = arith.constant 0 : i32
      %dma_wait3A_49 = tpu.memref_slice %arg9[%run_scoped3A_32, %dma_wait3A, %dma_wait3A_48] : memref<2x4x224xf32, #tpu.memory_space<vmem>> -> memref<1x4x224xf32, #tpu.memory_space<vmem>>
      %dma_wait3A_50 = tpu.memref_squeeze %dma_wait3A_49 : memref<1x4x224xf32, #tpu.memory_space<vmem>> -> memref<4x224xf32, #tpu.memory_space<vmem>>
      %dma_wait3A_51 = arith.constant 0 : i32
      %dma_wait3A_52 = tpu.memref_slice %arg3[%arg0, %run_scoped3A_33, %mul3A_0, %dma_wait3A_51] : memref<2x2x64x224xf32, #tpu.memory_space<hbm>> -> memref<1x1x4x224xf32, #tpu.memory_space<hbm>>
      %dma_wait3A_53 = tpu.memref_squeeze %dma_wait3A_52 : memref<1x1x4x224xf32, #tpu.memory_space<hbm>> -> memref<4x224xf32, #tpu.memory_space<hbm>>
      %dma_wait3A_54 = arith.constant 0 : i32
      %dma_wait3A_55 = tpu.memref_slice %arg3[%arg0, %run_scoped3A_33, %mul3A_0, %dma_wait3A_54] : memref<2x2x64x224xf32, #tpu.memory_space<hbm>> -> memref<1x1x4x224xf32, #tpu.memory_space<hbm>>
      %dma_wait3A_56 = tpu.memref_squeeze %dma_wait3A_55 : memref<1x1x4x224xf32, #tpu.memory_space<hbm>> -> memref<4x224xf32, #tpu.memory_space<hbm>>
      %dma_wait3A_57 = arith.constant 0 : i32
      %dma_wait3A_58 = arith.constant 0 : i32
      %dma_wait3A_59 = tpu.memref_slice %arg9[%run_scoped3A_32, %dma_wait3A_57, %dma_wait3A_58] : memref<2x4x224xf32, #tpu.memory_space<vmem>> -> memref<1x4x224xf32, #tpu.memory_space<vmem>>
      %dma_wait3A_60 = tpu.memref_squeeze %dma_wait3A_59 : memref<1x4x224xf32, #tpu.memory_space<vmem>> -> memref<4x224xf32, #tpu.memory_space<vmem>>
      tpu.wait_dma2 semaphore(%run_scoped3A_34 : memref<!tpu.dma_semaphore, #tpu.memory_space<semaphore_mem>>) src(%dma_wait3A_60 : memref<4x224xf32, #tpu.memory_space<vmem>>) dst(%dma_wait3A_56 : memref<4x224xf32, #tpu.memory_space<hbm>>)
      tpu.yield
    }) : () -> ()
    return
  }
}

module attributes {stable_mosaic.version = 14 : i64} {
  func.func @_tc_body(%arg0: i32, %arg1: i32, %arg2: memref<1x8x32x224xf32, #tpu.memory_space<vmem>>, %arg3: memref<1x3x8x240xf32, #tpu.memory_space<vmem>>, %arg4: memref<1x3x8x240xf32, #tpu.memory_space<vmem>>, %arg5: memref<1x3x8x240xf32, #tpu.memory_space<vmem>>, %arg6: memref<1x3x8x240xf32, #tpu.memory_space<vmem>>, %arg7: memref<1x3x8x240xf32, #tpu.memory_space<vmem>>, %arg8: memref<1x2x32x224xf32, #tpu.memory_space<vmem>>) attributes {dimension_semantics = [#tpu.dimension_semantics<parallel>, #tpu.dimension_semantics<parallel>], iteration_bounds = array<i64: 2, 5>, scalar_prefetch = 0 : i64, scratch_operands = 0 : i64, tpu.core_type = #tpu.core_type<tc>, window_params = [{transform_indices = @transform_0, window_bounds = array<i64: 1, 8, 32, 224>}, {transform_indices = @transform_1, window_bounds = array<i64: 1, 3, 8, 240>}, {transform_indices = @transform_2, window_bounds = array<i64: 1, 3, 8, 240>}, {transform_indices = @transform_3, window_bounds = array<i64: 1, 3, 8, 240>}, {transform_indices = @transform_4, window_bounds = array<i64: 1, 3, 8, 240>}, {transform_indices = @transform_5, window_bounds = array<i64: 1, 3, 8, 240>}, {transform_indices = @transform_6, window_bounds = array<i64: 1, 2, 32, 224>}]} {
    %get3A = arith.constant 0 : index
    %get3A_0 = arith.constant 0 : index
    %get3A_1 = arith.constant 0 : index
    %get3A_2 = arith.constant 0 : index
    %get3A_3 = vector.load %arg3[%get3A, %get3A_0, %get3A_1, %get3A_2] : memref<1x3x8x240xf32, #tpu.memory_space<vmem>>, vector<1x1x8x240xf32>
    %get3A_4 = vector.shape_cast %get3A_3 : vector<1x1x8x240xf32> to vector<8x240xf32>
    %get3A_5 = arith.constant 0 : index
    %get3A_6 = arith.constant 0 : index
    %get3A_7 = arith.constant 0 : index
    %get3A_8 = arith.constant 0 : index
    %get3A_9 = vector.load %arg4[%get3A_5, %get3A_6, %get3A_7, %get3A_8] : memref<1x3x8x240xf32, #tpu.memory_space<vmem>>, vector<1x1x8x240xf32>
    %get3A_10 = vector.shape_cast %get3A_9 : vector<1x1x8x240xf32> to vector<8x240xf32>
    %get3A_11 = arith.constant 0 : index
    %get3A_12 = arith.constant 0 : index
    %get3A_13 = arith.constant 0 : index
    %get3A_14 = arith.constant 0 : index
    %get3A_15 = vector.load %arg5[%get3A_11, %get3A_12, %get3A_13, %get3A_14] : memref<1x3x8x240xf32, #tpu.memory_space<vmem>>, vector<1x1x8x240xf32>
    %get3A_16 = vector.shape_cast %get3A_15 : vector<1x1x8x240xf32> to vector<8x240xf32>
    %get3A_17 = arith.constant 0 : index
    %get3A_18 = arith.constant 0 : index
    %get3A_19 = arith.constant 0 : index
    %get3A_20 = arith.constant 0 : index
    %get3A_21 = vector.load %arg6[%get3A_17, %get3A_18, %get3A_19, %get3A_20] : memref<1x3x8x240xf32, #tpu.memory_space<vmem>>, vector<1x1x8x240xf32>
    %get3A_22 = vector.shape_cast %get3A_21 : vector<1x1x8x240xf32> to vector<8x240xf32>
    %get3A_23 = arith.constant 0 : index
    %get3A_24 = arith.constant 0 : index
    %get3A_25 = arith.constant 0 : index
    %get3A_26 = arith.constant 0 : index
    %get3A_27 = vector.load %arg7[%get3A_23, %get3A_24, %get3A_25, %get3A_26] : memref<1x3x8x240xf32, #tpu.memory_space<vmem>>, vector<1x1x8x240xf32>
    %get3A_28 = vector.shape_cast %get3A_27 : vector<1x1x8x240xf32> to vector<8x240xf32>
    %concatenate3A = tpu.concatenate %get3A_4, %get3A_10, %get3A_16, %get3A_22, %get3A_28 in 0 : vector<8x240xf32>, vector<8x240xf32>, vector<8x240xf32>, vector<8x240xf32>, vector<8x240xf32> -> vector<40x240xf32>
    %get3A_29 = arith.constant 0 : index
    %get3A_30 = arith.constant 1 : index
    %get3A_31 = arith.constant 0 : index
    %get3A_32 = arith.constant 0 : index
    %get3A_33 = vector.load %arg3[%get3A_29, %get3A_30, %get3A_31, %get3A_32] : memref<1x3x8x240xf32, #tpu.memory_space<vmem>>, vector<1x1x8x240xf32>
    %get3A_34 = vector.shape_cast %get3A_33 : vector<1x1x8x240xf32> to vector<8x240xf32>
    %get3A_35 = arith.constant 0 : index
    %get3A_36 = arith.constant 1 : index
    %get3A_37 = arith.constant 0 : index
    %get3A_38 = arith.constant 0 : index
    %get3A_39 = vector.load %arg4[%get3A_35, %get3A_36, %get3A_37, %get3A_38] : memref<1x3x8x240xf32, #tpu.memory_space<vmem>>, vector<1x1x8x240xf32>
    %get3A_40 = vector.shape_cast %get3A_39 : vector<1x1x8x240xf32> to vector<8x240xf32>
    %get3A_41 = arith.constant 0 : index
    %get3A_42 = arith.constant 1 : index
    %get3A_43 = arith.constant 0 : index
    %get3A_44 = arith.constant 0 : index
    %get3A_45 = vector.load %arg5[%get3A_41, %get3A_42, %get3A_43, %get3A_44] : memref<1x3x8x240xf32, #tpu.memory_space<vmem>>, vector<1x1x8x240xf32>
    %get3A_46 = vector.shape_cast %get3A_45 : vector<1x1x8x240xf32> to vector<8x240xf32>
    %get3A_47 = arith.constant 0 : index
    %get3A_48 = arith.constant 1 : index
    %get3A_49 = arith.constant 0 : index
    %get3A_50 = arith.constant 0 : index
    %get3A_51 = vector.load %arg6[%get3A_47, %get3A_48, %get3A_49, %get3A_50] : memref<1x3x8x240xf32, #tpu.memory_space<vmem>>, vector<1x1x8x240xf32>
    %get3A_52 = vector.shape_cast %get3A_51 : vector<1x1x8x240xf32> to vector<8x240xf32>
    %get3A_53 = arith.constant 0 : index
    %get3A_54 = arith.constant 1 : index
    %get3A_55 = arith.constant 0 : index
    %get3A_56 = arith.constant 0 : index
    %get3A_57 = vector.load %arg7[%get3A_53, %get3A_54, %get3A_55, %get3A_56] : memref<1x3x8x240xf32, #tpu.memory_space<vmem>>, vector<1x1x8x240xf32>
    %get3A_58 = vector.shape_cast %get3A_57 : vector<1x1x8x240xf32> to vector<8x240xf32>
    %concatenate3A_59 = tpu.concatenate %get3A_34, %get3A_40, %get3A_46, %get3A_52, %get3A_58 in 0 : vector<8x240xf32>, vector<8x240xf32>, vector<8x240xf32>, vector<8x240xf32>, vector<8x240xf32> -> vector<40x240xf32>
    %get3A_60 = arith.constant 0 : index
    %get3A_61 = arith.constant 2 : index
    %get3A_62 = arith.constant 0 : index
    %get3A_63 = arith.constant 0 : index
    %get3A_64 = vector.load %arg3[%get3A_60, %get3A_61, %get3A_62, %get3A_63] : memref<1x3x8x240xf32, #tpu.memory_space<vmem>>, vector<1x1x8x240xf32>
    %get3A_65 = vector.shape_cast %get3A_64 : vector<1x1x8x240xf32> to vector<8x240xf32>
    %get3A_66 = arith.constant 0 : index
    %get3A_67 = arith.constant 2 : index
    %get3A_68 = arith.constant 0 : index
    %get3A_69 = arith.constant 0 : index
    %get3A_70 = vector.load %arg4[%get3A_66, %get3A_67, %get3A_68, %get3A_69] : memref<1x3x8x240xf32, #tpu.memory_space<vmem>>, vector<1x1x8x240xf32>
    %get3A_71 = vector.shape_cast %get3A_70 : vector<1x1x8x240xf32> to vector<8x240xf32>
    %get3A_72 = arith.constant 0 : index
    %get3A_73 = arith.constant 2 : index
    %get3A_74 = arith.constant 0 : index
    %get3A_75 = arith.constant 0 : index
    %get3A_76 = vector.load %arg5[%get3A_72, %get3A_73, %get3A_74, %get3A_75] : memref<1x3x8x240xf32, #tpu.memory_space<vmem>>, vector<1x1x8x240xf32>
    %get3A_77 = vector.shape_cast %get3A_76 : vector<1x1x8x240xf32> to vector<8x240xf32>
    %get3A_78 = arith.constant 0 : index
    %get3A_79 = arith.constant 2 : index
    %get3A_80 = arith.constant 0 : index
    %get3A_81 = arith.constant 0 : index
    %get3A_82 = vector.load %arg6[%get3A_78, %get3A_79, %get3A_80, %get3A_81] : memref<1x3x8x240xf32, #tpu.memory_space<vmem>>, vector<1x1x8x240xf32>
    %get3A_83 = vector.shape_cast %get3A_82 : vector<1x1x8x240xf32> to vector<8x240xf32>
    %get3A_84 = arith.constant 0 : index
    %get3A_85 = arith.constant 2 : index
    %get3A_86 = arith.constant 0 : index
    %get3A_87 = arith.constant 0 : index
    %get3A_88 = vector.load %arg7[%get3A_84, %get3A_85, %get3A_86, %get3A_87] : memref<1x3x8x240xf32, #tpu.memory_space<vmem>>, vector<1x1x8x240xf32>
    %get3A_89 = vector.shape_cast %get3A_88 : vector<1x1x8x240xf32> to vector<8x240xf32>
    %concatenate3A_90 = tpu.concatenate %get3A_65, %get3A_71, %get3A_77, %get3A_83, %get3A_89 in 0 : vector<8x240xf32>, vector<8x240xf32>, vector<8x240xf32>, vector<8x240xf32>, vector<8x240xf32> -> vector<40x240xf32>
    %get3A_91 = arith.constant 0 : index
    %get3A_92 = arith.constant 0 : index
    %get3A_93 = arith.constant 0 : index
    %get3A_94 = arith.constant 0 : index
    %get3A_95 = vector.load %arg2[%get3A_91, %get3A_92, %get3A_93, %get3A_94] : memref<1x8x32x224xf32, #tpu.memory_space<vmem>>, vector<1x1x32x224xf32>
    %get3A_96 = vector.shape_cast %get3A_95 : vector<1x1x32x224xf32> to vector<32x224xf32>
    %mul3A = arith.constant 3.000000e+00 : f32
    %mul3A_97 = vector.broadcast %mul3A : f32 to vector<32x224xf32>
    %mul3A_98 = arith.mulf %get3A_96, %mul3A_97 : vector<32x224xf32>
    %mul3A_99 = arith.constant 8.000000e-03 : f32
    %mul3A_100 = vector.broadcast %mul3A_99 : f32 to vector<32x224xf32>
    %mul3A_101 = arith.mulf %mul3A_98, %mul3A_100 : vector<32x224xf32>
    %ge3A = arith.constant 0.000000e+00 : f32
    %ge3A_102 = vector.broadcast %ge3A : f32 to vector<32x224xf32>
    %ge3A_103 = arith.cmpf oge, %mul3A_101, %ge3A_102 : vector<32x224xf32>
    %mul3A_104 = arith.mulf %mul3A_101, %mul3A_101 : vector<32x224xf32>
    %jit3A = arith.constant -1.000000e+00 : f32
    %broadcast_in_dim3A = vector.broadcast %jit3A : f32 to vector<32x224xf32>
    %select_n3A = arith.select %ge3A_103, %mul3A_104, %broadcast_in_dim3A : vector<32x224xi1>, vector<32x224xf32>
    %get3A_105 = arith.constant 0 : index
    %get3A_106 = arith.constant 2 : index
    %get3A_107 = arith.constant 0 : index
    %get3A_108 = arith.constant 0 : index
    %get3A_109 = vector.load %arg2[%get3A_105, %get3A_106, %get3A_107, %get3A_108] : memref<1x8x32x224xf32, #tpu.memory_space<vmem>>, vector<1x1x32x224xf32>
    %get3A_110 = vector.shape_cast %get3A_109 : vector<1x1x32x224xf32> to vector<32x224xf32>
    %get3A_111 = arith.constant 0 : index
    %get3A_112 = arith.constant 3 : index
    %get3A_113 = arith.constant 0 : index
    %get3A_114 = arith.constant 0 : index
    %get3A_115 = vector.load %arg2[%get3A_111, %get3A_112, %get3A_113, %get3A_114] : memref<1x8x32x224xf32, #tpu.memory_space<vmem>>, vector<1x1x32x224xf32>
    %get3A_116 = vector.shape_cast %get3A_115 : vector<1x1x32x224xf32> to vector<32x224xf32>
    %get3A_117 = arith.constant 0 : index
    %get3A_118 = arith.constant 4 : index
    %get3A_119 = arith.constant 0 : index
    %get3A_120 = arith.constant 0 : index
    %get3A_121 = vector.load %arg2[%get3A_117, %get3A_118, %get3A_119, %get3A_120] : memref<1x8x32x224xf32, #tpu.memory_space<vmem>>, vector<1x1x32x224xf32>
    %get3A_122 = vector.shape_cast %get3A_121 : vector<1x1x32x224xf32> to vector<32x224xf32>
    %get3A_123 = arith.constant 0 : index
    %get3A_124 = arith.constant 1 : index
    %get3A_125 = arith.constant 0 : index
    %get3A_126 = arith.constant 0 : index
    %get3A_127 = vector.load %arg2[%get3A_123, %get3A_124, %get3A_125, %get3A_126] : memref<1x8x32x224xf32, #tpu.memory_space<vmem>>, vector<1x1x32x224xf32>
    %get3A_128 = vector.shape_cast %get3A_127 : vector<1x1x32x224xf32> to vector<32x224xf32>
    %mul3A_129 = arith.constant 3.000000e+00 : f32
    %mul3A_130 = vector.broadcast %mul3A_129 : f32 to vector<32x224xf32>
    %mul3A_131 = arith.mulf %get3A_128, %mul3A_130 : vector<32x224xf32>
    %mul3A_132 = arith.constant 8.000000e-03 : f32
    %mul3A_133 = vector.broadcast %mul3A_132 : f32 to vector<32x224xf32>
    %mul3A_134 = arith.mulf %mul3A_131, %mul3A_133 : vector<32x224xf32>
    %ge3A_135 = arith.constant 0.000000e+00 : f32
    %ge3A_136 = vector.broadcast %ge3A_135 : f32 to vector<32x224xf32>
    %ge3A_137 = arith.cmpf oge, %mul3A_134, %ge3A_136 : vector<32x224xf32>
    %mul3A_138 = arith.mulf %mul3A_134, %mul3A_134 : vector<32x224xf32>
    %jit3A_139 = arith.constant -1.000000e+00 : f32
    %broadcast_in_dim3A_140 = vector.broadcast %jit3A_139 : f32 to vector<32x224xf32>
    %select_n3A_141 = arith.select %ge3A_137, %mul3A_138, %broadcast_in_dim3A_140 : vector<32x224xi1>, vector<32x224xf32>
    %get3A_142 = arith.constant 0 : index
    %get3A_143 = arith.constant 5 : index
    %get3A_144 = arith.constant 0 : index
    %get3A_145 = arith.constant 0 : index
    %get3A_146 = vector.load %arg2[%get3A_142, %get3A_143, %get3A_144, %get3A_145] : memref<1x8x32x224xf32, #tpu.memory_space<vmem>>, vector<1x1x32x224xf32>
    %get3A_147 = vector.shape_cast %get3A_146 : vector<1x1x32x224xf32> to vector<32x224xf32>
    %get3A_148 = arith.constant 0 : index
    %get3A_149 = arith.constant 6 : index
    %get3A_150 = arith.constant 0 : index
    %get3A_151 = arith.constant 0 : index
    %get3A_152 = vector.load %arg2[%get3A_148, %get3A_149, %get3A_150, %get3A_151] : memref<1x8x32x224xf32, #tpu.memory_space<vmem>>, vector<1x1x32x224xf32>
    %get3A_153 = vector.shape_cast %get3A_152 : vector<1x1x32x224xf32> to vector<32x224xf32>
    %get3A_154 = arith.constant 0 : index
    %get3A_155 = arith.constant 7 : index
    %get3A_156 = arith.constant 0 : index
    %get3A_157 = arith.constant 0 : index
    %get3A_158 = vector.load %arg2[%get3A_154, %get3A_155, %get3A_156, %get3A_157] : memref<1x8x32x224xf32, #tpu.memory_space<vmem>>, vector<1x1x32x224xf32>
    %get3A_159 = vector.shape_cast %get3A_158 : vector<1x1x32x224xf32> to vector<32x224xf32>
    %broadcast_in_dim3A_160 = arith.constant 0.000000e+00 : f32
    %broadcast_in_dim3A_161 = vector.broadcast %broadcast_in_dim3A_160 : f32 to vector<32x224xf32>
    %broadcast_in_dim3A_162 = arith.constant 0.000000e+00 : f32
    %broadcast_in_dim3A_163 = vector.broadcast %broadcast_in_dim3A_162 : f32 to vector<32x224xf32>
    %slice3A = vector.extract_strided_slice %concatenate3A {offsets = [0, 4], sizes = [32, 224], strides = [1, 1]} : vector<40x240xf32> to vector<32x224xf32>
    %slice3A_164 = vector.extract_strided_slice %concatenate3A_59 {offsets = [0, 4], sizes = [32, 224], strides = [1, 1]} : vector<40x240xf32> to vector<32x224xf32>
    %slice3A_165 = vector.extract_strided_slice %concatenate3A_90 {offsets = [0, 4], sizes = [32, 224], strides = [1, 1]} : vector<40x240xf32> to vector<32x224xf32>
    %sub3A = arith.subf %get3A_110, %slice3A : vector<32x224xf32>
    %sub3A_166 = arith.subf %get3A_116, %slice3A_164 : vector<32x224xf32>
    %sub3A_167 = arith.subf %get3A_122, %slice3A_165 : vector<32x224xf32>
    %mul3A_168 = arith.mulf %sub3A, %sub3A : vector<32x224xf32>
    %mul3A_169 = arith.mulf %sub3A_166, %sub3A_166 : vector<32x224xf32>
    %add3A = arith.addf %mul3A_168, %mul3A_169 : vector<32x224xf32>
    %mul3A_170 = arith.mulf %sub3A_167, %sub3A_167 : vector<32x224xf32>
    %add3A_171 = arith.addf %add3A, %mul3A_170 : vector<32x224xf32>
    %le3A = arith.cmpf ole, %add3A_171, %select_n3A : vector<32x224xf32>
    %jit3A_172 = arith.constant 1.000000e+00 : f32
    %jit3A_173 = arith.constant 0.000000e+00 : f32
    %broadcast_in_dim3A_174 = vector.broadcast %jit3A_172 : f32 to vector<32x224xf32>
    %broadcast_in_dim3A_175 = vector.broadcast %jit3A_173 : f32 to vector<32x224xf32>
    %select_n3A_176 = arith.select %le3A, %broadcast_in_dim3A_174, %broadcast_in_dim3A_175 : vector<32x224xi1>, vector<32x224xf32>
    %add3A_177 = arith.addf %broadcast_in_dim3A_161, %select_n3A_176 : vector<32x224xf32>
    %sub3A_178 = arith.subf %get3A_147, %slice3A : vector<32x224xf32>
    %sub3A_179 = arith.subf %get3A_153, %slice3A_164 : vector<32x224xf32>
    %sub3A_180 = arith.subf %get3A_159, %slice3A_165 : vector<32x224xf32>
    %mul3A_181 = arith.mulf %sub3A_178, %sub3A_178 : vector<32x224xf32>
    %mul3A_182 = arith.mulf %sub3A_179, %sub3A_179 : vector<32x224xf32>
    %add3A_183 = arith.addf %mul3A_181, %mul3A_182 : vector<32x224xf32>
    %mul3A_184 = arith.mulf %sub3A_180, %sub3A_180 : vector<32x224xf32>
    %add3A_185 = arith.addf %add3A_183, %mul3A_184 : vector<32x224xf32>
    %le3A_186 = arith.cmpf ole, %add3A_185, %select_n3A_141 : vector<32x224xf32>
    %jit3A_187 = arith.constant 1.000000e+00 : f32
    %jit3A_188 = arith.constant 0.000000e+00 : f32
    %broadcast_in_dim3A_189 = vector.broadcast %jit3A_187 : f32 to vector<32x224xf32>
    %broadcast_in_dim3A_190 = vector.broadcast %jit3A_188 : f32 to vector<32x224xf32>
    %select_n3A_191 = arith.select %le3A_186, %broadcast_in_dim3A_189, %broadcast_in_dim3A_190 : vector<32x224xi1>, vector<32x224xf32>
    %add3A_192 = arith.addf %broadcast_in_dim3A_163, %select_n3A_191 : vector<32x224xf32>
    %slice3A_193 = vector.extract_strided_slice %concatenate3A {offsets = [0, 5], sizes = [32, 224], strides = [1, 1]} : vector<40x240xf32> to vector<32x224xf32>
    %slice3A_194 = vector.extract_strided_slice %concatenate3A_59 {offsets = [0, 5], sizes = [32, 224], strides = [1, 1]} : vector<40x240xf32> to vector<32x224xf32>
    %slice3A_195 = vector.extract_strided_slice %concatenate3A_90 {offsets = [0, 5], sizes = [32, 224], strides = [1, 1]} : vector<40x240xf32> to vector<32x224xf32>
    %sub3A_196 = arith.subf %get3A_110, %slice3A_193 : vector<32x224xf32>
    %sub3A_197 = arith.subf %get3A_116, %slice3A_194 : vector<32x224xf32>
    %sub3A_198 = arith.subf %get3A_122, %slice3A_195 : vector<32x224xf32>
    %mul3A_199 = arith.mulf %sub3A_196, %sub3A_196 : vector<32x224xf32>
    %mul3A_200 = arith.mulf %sub3A_197, %sub3A_197 : vector<32x224xf32>
    %add3A_201 = arith.addf %mul3A_199, %mul3A_200 : vector<32x224xf32>
    %mul3A_202 = arith.mulf %sub3A_198, %sub3A_198 : vector<32x224xf32>
    %add3A_203 = arith.addf %add3A_201, %mul3A_202 : vector<32x224xf32>
    %le3A_204 = arith.cmpf ole, %add3A_203, %select_n3A : vector<32x224xf32>
    %jit3A_205 = arith.constant 1.000000e+00 : f32
    %jit3A_206 = arith.constant 0.000000e+00 : f32
    %broadcast_in_dim3A_207 = vector.broadcast %jit3A_205 : f32 to vector<32x224xf32>
    %broadcast_in_dim3A_208 = vector.broadcast %jit3A_206 : f32 to vector<32x224xf32>
    %select_n3A_209 = arith.select %le3A_204, %broadcast_in_dim3A_207, %broadcast_in_dim3A_208 : vector<32x224xi1>, vector<32x224xf32>
    %add3A_210 = arith.addf %add3A_177, %select_n3A_209 : vector<32x224xf32>
    %sub3A_211 = arith.subf %get3A_147, %slice3A_193 : vector<32x224xf32>
    %sub3A_212 = arith.subf %get3A_153, %slice3A_194 : vector<32x224xf32>
    %sub3A_213 = arith.subf %get3A_159, %slice3A_195 : vector<32x224xf32>
    %mul3A_214 = arith.mulf %sub3A_211, %sub3A_211 : vector<32x224xf32>
    %mul3A_215 = arith.mulf %sub3A_212, %sub3A_212 : vector<32x224xf32>
    %add3A_216 = arith.addf %mul3A_214, %mul3A_215 : vector<32x224xf32>
    %mul3A_217 = arith.mulf %sub3A_213, %sub3A_213 : vector<32x224xf32>
    %add3A_218 = arith.addf %add3A_216, %mul3A_217 : vector<32x224xf32>
    %le3A_219 = arith.cmpf ole, %add3A_218, %select_n3A_141 : vector<32x224xf32>
    %jit3A_220 = arith.constant 1.000000e+00 : f32
    %jit3A_221 = arith.constant 0.000000e+00 : f32
    %broadcast_in_dim3A_222 = vector.broadcast %jit3A_220 : f32 to vector<32x224xf32>
    %broadcast_in_dim3A_223 = vector.broadcast %jit3A_221 : f32 to vector<32x224xf32>
    %select_n3A_224 = arith.select %le3A_219, %broadcast_in_dim3A_222, %broadcast_in_dim3A_223 : vector<32x224xi1>, vector<32x224xf32>
    %add3A_225 = arith.addf %add3A_192, %select_n3A_224 : vector<32x224xf32>
    %slice3A_226 = vector.extract_strided_slice %concatenate3A {offsets = [0, 6], sizes = [32, 224], strides = [1, 1]} : vector<40x240xf32> to vector<32x224xf32>
    %slice3A_227 = vector.extract_strided_slice %concatenate3A_59 {offsets = [0, 6], sizes = [32, 224], strides = [1, 1]} : vector<40x240xf32> to vector<32x224xf32>
    %slice3A_228 = vector.extract_strided_slice %concatenate3A_90 {offsets = [0, 6], sizes = [32, 224], strides = [1, 1]} : vector<40x240xf32> to vector<32x224xf32>
    %sub3A_229 = arith.subf %get3A_110, %slice3A_226 : vector<32x224xf32>
    %sub3A_230 = arith.subf %get3A_116, %slice3A_227 : vector<32x224xf32>
    %sub3A_231 = arith.subf %get3A_122, %slice3A_228 : vector<32x224xf32>
    %mul3A_232 = arith.mulf %sub3A_229, %sub3A_229 : vector<32x224xf32>
    %mul3A_233 = arith.mulf %sub3A_230, %sub3A_230 : vector<32x224xf32>
    %add3A_234 = arith.addf %mul3A_232, %mul3A_233 : vector<32x224xf32>
    %mul3A_235 = arith.mulf %sub3A_231, %sub3A_231 : vector<32x224xf32>
    %add3A_236 = arith.addf %add3A_234, %mul3A_235 : vector<32x224xf32>
    %le3A_237 = arith.cmpf ole, %add3A_236, %select_n3A : vector<32x224xf32>
    %jit3A_238 = arith.constant 1.000000e+00 : f32
    %jit3A_239 = arith.constant 0.000000e+00 : f32
    %broadcast_in_dim3A_240 = vector.broadcast %jit3A_238 : f32 to vector<32x224xf32>
    %broadcast_in_dim3A_241 = vector.broadcast %jit3A_239 : f32 to vector<32x224xf32>
    %select_n3A_242 = arith.select %le3A_237, %broadcast_in_dim3A_240, %broadcast_in_dim3A_241 : vector<32x224xi1>, vector<32x224xf32>
    %add3A_243 = arith.addf %add3A_210, %select_n3A_242 : vector<32x224xf32>
    %sub3A_244 = arith.subf %get3A_147, %slice3A_226 : vector<32x224xf32>
    %sub3A_245 = arith.subf %get3A_153, %slice3A_227 : vector<32x224xf32>
    %sub3A_246 = arith.subf %get3A_159, %slice3A_228 : vector<32x224xf32>
    %mul3A_247 = arith.mulf %sub3A_244, %sub3A_244 : vector<32x224xf32>
    %mul3A_248 = arith.mulf %sub3A_245, %sub3A_245 : vector<32x224xf32>
    %add3A_249 = arith.addf %mul3A_247, %mul3A_248 : vector<32x224xf32>
    %mul3A_250 = arith.mulf %sub3A_246, %sub3A_246 : vector<32x224xf32>
    %add3A_251 = arith.addf %add3A_249, %mul3A_250 : vector<32x224xf32>
    %le3A_252 = arith.cmpf ole, %add3A_251, %select_n3A_141 : vector<32x224xf32>
    %jit3A_253 = arith.constant 1.000000e+00 : f32
    %jit3A_254 = arith.constant 0.000000e+00 : f32
    %broadcast_in_dim3A_255 = vector.broadcast %jit3A_253 : f32 to vector<32x224xf32>
    %broadcast_in_dim3A_256 = vector.broadcast %jit3A_254 : f32 to vector<32x224xf32>
    %select_n3A_257 = arith.select %le3A_252, %broadcast_in_dim3A_255, %broadcast_in_dim3A_256 : vector<32x224xi1>, vector<32x224xf32>
    %add3A_258 = arith.addf %add3A_225, %select_n3A_257 : vector<32x224xf32>
    %slice3A_259 = vector.extract_strided_slice %concatenate3A {offsets = [0, 7], sizes = [32, 224], strides = [1, 1]} : vector<40x240xf32> to vector<32x224xf32>
    %slice3A_260 = vector.extract_strided_slice %concatenate3A_59 {offsets = [0, 7], sizes = [32, 224], strides = [1, 1]} : vector<40x240xf32> to vector<32x224xf32>
    %slice3A_261 = vector.extract_strided_slice %concatenate3A_90 {offsets = [0, 7], sizes = [32, 224], strides = [1, 1]} : vector<40x240xf32> to vector<32x224xf32>
    %sub3A_262 = arith.subf %get3A_110, %slice3A_259 : vector<32x224xf32>
    %sub3A_263 = arith.subf %get3A_116, %slice3A_260 : vector<32x224xf32>
    %sub3A_264 = arith.subf %get3A_122, %slice3A_261 : vector<32x224xf32>
    %mul3A_265 = arith.mulf %sub3A_262, %sub3A_262 : vector<32x224xf32>
    %mul3A_266 = arith.mulf %sub3A_263, %sub3A_263 : vector<32x224xf32>
    %add3A_267 = arith.addf %mul3A_265, %mul3A_266 : vector<32x224xf32>
    %mul3A_268 = arith.mulf %sub3A_264, %sub3A_264 : vector<32x224xf32>
    %add3A_269 = arith.addf %add3A_267, %mul3A_268 : vector<32x224xf32>
    %le3A_270 = arith.cmpf ole, %add3A_269, %select_n3A : vector<32x224xf32>
    %jit3A_271 = arith.constant 1.000000e+00 : f32
    %jit3A_272 = arith.constant 0.000000e+00 : f32
    %broadcast_in_dim3A_273 = vector.broadcast %jit3A_271 : f32 to vector<32x224xf32>
    %broadcast_in_dim3A_274 = vector.broadcast %jit3A_272 : f32 to vector<32x224xf32>
    %select_n3A_275 = arith.select %le3A_270, %broadcast_in_dim3A_273, %broadcast_in_dim3A_274 : vector<32x224xi1>, vector<32x224xf32>
    %add3A_276 = arith.addf %add3A_243, %select_n3A_275 : vector<32x224xf32>
    %sub3A_277 = arith.subf %get3A_147, %slice3A_259 : vector<32x224xf32>
    %sub3A_278 = arith.subf %get3A_153, %slice3A_260 : vector<32x224xf32>
    %sub3A_279 = arith.subf %get3A_159, %slice3A_261 : vector<32x224xf32>
    %mul3A_280 = arith.mulf %sub3A_277, %sub3A_277 : vector<32x224xf32>
    %mul3A_281 = arith.mulf %sub3A_278, %sub3A_278 : vector<32x224xf32>
    %add3A_282 = arith.addf %mul3A_280, %mul3A_281 : vector<32x224xf32>
    %mul3A_283 = arith.mulf %sub3A_279, %sub3A_279 : vector<32x224xf32>
    %add3A_284 = arith.addf %add3A_282, %mul3A_283 : vector<32x224xf32>
    %le3A_285 = arith.cmpf ole, %add3A_284, %select_n3A_141 : vector<32x224xf32>
    %jit3A_286 = arith.constant 1.000000e+00 : f32
    %jit3A_287 = arith.constant 0.000000e+00 : f32
    %broadcast_in_dim3A_288 = vector.broadcast %jit3A_286 : f32 to vector<32x224xf32>
    %broadcast_in_dim3A_289 = vector.broadcast %jit3A_287 : f32 to vector<32x224xf32>
    %select_n3A_290 = arith.select %le3A_285, %broadcast_in_dim3A_288, %broadcast_in_dim3A_289 : vector<32x224xi1>, vector<32x224xf32>
    %add3A_291 = arith.addf %add3A_258, %select_n3A_290 : vector<32x224xf32>
    %slice3A_292 = vector.extract_strided_slice %concatenate3A {offsets = [0, 8], sizes = [32, 224], strides = [1, 1]} : vector<40x240xf32> to vector<32x224xf32>
    %slice3A_293 = vector.extract_strided_slice %concatenate3A_59 {offsets = [0, 8], sizes = [32, 224], strides = [1, 1]} : vector<40x240xf32> to vector<32x224xf32>
    %slice3A_294 = vector.extract_strided_slice %concatenate3A_90 {offsets = [0, 8], sizes = [32, 224], strides = [1, 1]} : vector<40x240xf32> to vector<32x224xf32>
    %sub3A_295 = arith.subf %get3A_110, %slice3A_292 : vector<32x224xf32>
    %sub3A_296 = arith.subf %get3A_116, %slice3A_293 : vector<32x224xf32>
    %sub3A_297 = arith.subf %get3A_122, %slice3A_294 : vector<32x224xf32>
    %mul3A_298 = arith.mulf %sub3A_295, %sub3A_295 : vector<32x224xf32>
    %mul3A_299 = arith.mulf %sub3A_296, %sub3A_296 : vector<32x224xf32>
    %add3A_300 = arith.addf %mul3A_298, %mul3A_299 : vector<32x224xf32>
    %mul3A_301 = arith.mulf %sub3A_297, %sub3A_297 : vector<32x224xf32>
    %add3A_302 = arith.addf %add3A_300, %mul3A_301 : vector<32x224xf32>
    %le3A_303 = arith.cmpf ole, %add3A_302, %select_n3A : vector<32x224xf32>
    %jit3A_304 = arith.constant 1.000000e+00 : f32
    %jit3A_305 = arith.constant 0.000000e+00 : f32
    %broadcast_in_dim3A_306 = vector.broadcast %jit3A_304 : f32 to vector<32x224xf32>
    %broadcast_in_dim3A_307 = vector.broadcast %jit3A_305 : f32 to vector<32x224xf32>
    %select_n3A_308 = arith.select %le3A_303, %broadcast_in_dim3A_306, %broadcast_in_dim3A_307 : vector<32x224xi1>, vector<32x224xf32>
    %add3A_309 = arith.addf %add3A_276, %select_n3A_308 : vector<32x224xf32>
    %sub3A_310 = arith.subf %get3A_147, %slice3A_292 : vector<32x224xf32>
    %sub3A_311 = arith.subf %get3A_153, %slice3A_293 : vector<32x224xf32>
    %sub3A_312 = arith.subf %get3A_159, %slice3A_294 : vector<32x224xf32>
    %mul3A_313 = arith.mulf %sub3A_310, %sub3A_310 : vector<32x224xf32>
    %mul3A_314 = arith.mulf %sub3A_311, %sub3A_311 : vector<32x224xf32>
    %add3A_315 = arith.addf %mul3A_313, %mul3A_314 : vector<32x224xf32>
    %mul3A_316 = arith.mulf %sub3A_312, %sub3A_312 : vector<32x224xf32>
    %add3A_317 = arith.addf %add3A_315, %mul3A_316 : vector<32x224xf32>
    %le3A_318 = arith.cmpf ole, %add3A_317, %select_n3A_141 : vector<32x224xf32>
    %jit3A_319 = arith.constant 1.000000e+00 : f32
    %jit3A_320 = arith.constant 0.000000e+00 : f32
    %broadcast_in_dim3A_321 = vector.broadcast %jit3A_319 : f32 to vector<32x224xf32>
    %broadcast_in_dim3A_322 = vector.broadcast %jit3A_320 : f32 to vector<32x224xf32>
    %select_n3A_323 = arith.select %le3A_318, %broadcast_in_dim3A_321, %broadcast_in_dim3A_322 : vector<32x224xi1>, vector<32x224xf32>
    %add3A_324 = arith.addf %add3A_291, %select_n3A_323 : vector<32x224xf32>
    %slice3A_325 = vector.extract_strided_slice %concatenate3A {offsets = [0, 9], sizes = [32, 224], strides = [1, 1]} : vector<40x240xf32> to vector<32x224xf32>
    %slice3A_326 = vector.extract_strided_slice %concatenate3A_59 {offsets = [0, 9], sizes = [32, 224], strides = [1, 1]} : vector<40x240xf32> to vector<32x224xf32>
    %slice3A_327 = vector.extract_strided_slice %concatenate3A_90 {offsets = [0, 9], sizes = [32, 224], strides = [1, 1]} : vector<40x240xf32> to vector<32x224xf32>
    %sub3A_328 = arith.subf %get3A_110, %slice3A_325 : vector<32x224xf32>
    %sub3A_329 = arith.subf %get3A_116, %slice3A_326 : vector<32x224xf32>
    %sub3A_330 = arith.subf %get3A_122, %slice3A_327 : vector<32x224xf32>
    %mul3A_331 = arith.mulf %sub3A_328, %sub3A_328 : vector<32x224xf32>
    %mul3A_332 = arith.mulf %sub3A_329, %sub3A_329 : vector<32x224xf32>
    %add3A_333 = arith.addf %mul3A_331, %mul3A_332 : vector<32x224xf32>
    %mul3A_334 = arith.mulf %sub3A_330, %sub3A_330 : vector<32x224xf32>
    %add3A_335 = arith.addf %add3A_333, %mul3A_334 : vector<32x224xf32>
    %le3A_336 = arith.cmpf ole, %add3A_335, %select_n3A : vector<32x224xf32>
    %jit3A_337 = arith.constant 1.000000e+00 : f32
    %jit3A_338 = arith.constant 0.000000e+00 : f32
    %broadcast_in_dim3A_339 = vector.broadcast %jit3A_337 : f32 to vector<32x224xf32>
    %broadcast_in_dim3A_340 = vector.broadcast %jit3A_338 : f32 to vector<32x224xf32>
    %select_n3A_341 = arith.select %le3A_336, %broadcast_in_dim3A_339, %broadcast_in_dim3A_340 : vector<32x224xi1>, vector<32x224xf32>
    %add3A_342 = arith.addf %add3A_309, %select_n3A_341 : vector<32x224xf32>
    %sub3A_343 = arith.subf %get3A_147, %slice3A_325 : vector<32x224xf32>
    %sub3A_344 = arith.subf %get3A_153, %slice3A_326 : vector<32x224xf32>
    %sub3A_345 = arith.subf %get3A_159, %slice3A_327 : vector<32x224xf32>
    %mul3A_346 = arith.mulf %sub3A_343, %sub3A_343 : vector<32x224xf32>
    %mul3A_347 = arith.mulf %sub3A_344, %sub3A_344 : vector<32x224xf32>
    %add3A_348 = arith.addf %mul3A_346, %mul3A_347 : vector<32x224xf32>
    %mul3A_349 = arith.mulf %sub3A_345, %sub3A_345 : vector<32x224xf32>
    %add3A_350 = arith.addf %add3A_348, %mul3A_349 : vector<32x224xf32>
    %le3A_351 = arith.cmpf ole, %add3A_350, %select_n3A_141 : vector<32x224xf32>
    %jit3A_352 = arith.constant 1.000000e+00 : f32
    %jit3A_353 = arith.constant 0.000000e+00 : f32
    %broadcast_in_dim3A_354 = vector.broadcast %jit3A_352 : f32 to vector<32x224xf32>
    %broadcast_in_dim3A_355 = vector.broadcast %jit3A_353 : f32 to vector<32x224xf32>
    %select_n3A_356 = arith.select %le3A_351, %broadcast_in_dim3A_354, %broadcast_in_dim3A_355 : vector<32x224xi1>, vector<32x224xf32>
    %add3A_357 = arith.addf %add3A_324, %select_n3A_356 : vector<32x224xf32>
    %slice3A_358 = vector.extract_strided_slice %concatenate3A {offsets = [0, 10], sizes = [32, 224], strides = [1, 1]} : vector<40x240xf32> to vector<32x224xf32>
    %slice3A_359 = vector.extract_strided_slice %concatenate3A_59 {offsets = [0, 10], sizes = [32, 224], strides = [1, 1]} : vector<40x240xf32> to vector<32x224xf32>
    %slice3A_360 = vector.extract_strided_slice %concatenate3A_90 {offsets = [0, 10], sizes = [32, 224], strides = [1, 1]} : vector<40x240xf32> to vector<32x224xf32>
    %sub3A_361 = arith.subf %get3A_110, %slice3A_358 : vector<32x224xf32>
    %sub3A_362 = arith.subf %get3A_116, %slice3A_359 : vector<32x224xf32>
    %sub3A_363 = arith.subf %get3A_122, %slice3A_360 : vector<32x224xf32>
    %mul3A_364 = arith.mulf %sub3A_361, %sub3A_361 : vector<32x224xf32>
    %mul3A_365 = arith.mulf %sub3A_362, %sub3A_362 : vector<32x224xf32>
    %add3A_366 = arith.addf %mul3A_364, %mul3A_365 : vector<32x224xf32>
    %mul3A_367 = arith.mulf %sub3A_363, %sub3A_363 : vector<32x224xf32>
    %add3A_368 = arith.addf %add3A_366, %mul3A_367 : vector<32x224xf32>
    %le3A_369 = arith.cmpf ole, %add3A_368, %select_n3A : vector<32x224xf32>
    %jit3A_370 = arith.constant 1.000000e+00 : f32
    %jit3A_371 = arith.constant 0.000000e+00 : f32
    %broadcast_in_dim3A_372 = vector.broadcast %jit3A_370 : f32 to vector<32x224xf32>
    %broadcast_in_dim3A_373 = vector.broadcast %jit3A_371 : f32 to vector<32x224xf32>
    %select_n3A_374 = arith.select %le3A_369, %broadcast_in_dim3A_372, %broadcast_in_dim3A_373 : vector<32x224xi1>, vector<32x224xf32>
    %add3A_375 = arith.addf %add3A_342, %select_n3A_374 : vector<32x224xf32>
    %sub3A_376 = arith.subf %get3A_147, %slice3A_358 : vector<32x224xf32>
    %sub3A_377 = arith.subf %get3A_153, %slice3A_359 : vector<32x224xf32>
    %sub3A_378 = arith.subf %get3A_159, %slice3A_360 : vector<32x224xf32>
    %mul3A_379 = arith.mulf %sub3A_376, %sub3A_376 : vector<32x224xf32>
    %mul3A_380 = arith.mulf %sub3A_377, %sub3A_377 : vector<32x224xf32>
    %add3A_381 = arith.addf %mul3A_379, %mul3A_380 : vector<32x224xf32>
    %mul3A_382 = arith.mulf %sub3A_378, %sub3A_378 : vector<32x224xf32>
    %add3A_383 = arith.addf %add3A_381, %mul3A_382 : vector<32x224xf32>
    %le3A_384 = arith.cmpf ole, %add3A_383, %select_n3A_141 : vector<32x224xf32>
    %jit3A_385 = arith.constant 1.000000e+00 : f32
    %jit3A_386 = arith.constant 0.000000e+00 : f32
    %broadcast_in_dim3A_387 = vector.broadcast %jit3A_385 : f32 to vector<32x224xf32>
    %broadcast_in_dim3A_388 = vector.broadcast %jit3A_386 : f32 to vector<32x224xf32>
    %select_n3A_389 = arith.select %le3A_384, %broadcast_in_dim3A_387, %broadcast_in_dim3A_388 : vector<32x224xi1>, vector<32x224xf32>
    %add3A_390 = arith.addf %add3A_357, %select_n3A_389 : vector<32x224xf32>
    %slice3A_391 = vector.extract_strided_slice %concatenate3A {offsets = [0, 11], sizes = [32, 224], strides = [1, 1]} : vector<40x240xf32> to vector<32x224xf32>
    %slice3A_392 = vector.extract_strided_slice %concatenate3A_59 {offsets = [0, 11], sizes = [32, 224], strides = [1, 1]} : vector<40x240xf32> to vector<32x224xf32>
    %slice3A_393 = vector.extract_strided_slice %concatenate3A_90 {offsets = [0, 11], sizes = [32, 224], strides = [1, 1]} : vector<40x240xf32> to vector<32x224xf32>
    %sub3A_394 = arith.subf %get3A_110, %slice3A_391 : vector<32x224xf32>
    %sub3A_395 = arith.subf %get3A_116, %slice3A_392 : vector<32x224xf32>
    %sub3A_396 = arith.subf %get3A_122, %slice3A_393 : vector<32x224xf32>
    %mul3A_397 = arith.mulf %sub3A_394, %sub3A_394 : vector<32x224xf32>
    %mul3A_398 = arith.mulf %sub3A_395, %sub3A_395 : vector<32x224xf32>
    %add3A_399 = arith.addf %mul3A_397, %mul3A_398 : vector<32x224xf32>
    %mul3A_400 = arith.mulf %sub3A_396, %sub3A_396 : vector<32x224xf32>
    %add3A_401 = arith.addf %add3A_399, %mul3A_400 : vector<32x224xf32>
    %le3A_402 = arith.cmpf ole, %add3A_401, %select_n3A : vector<32x224xf32>
    %jit3A_403 = arith.constant 1.000000e+00 : f32
    %jit3A_404 = arith.constant 0.000000e+00 : f32
    %broadcast_in_dim3A_405 = vector.broadcast %jit3A_403 : f32 to vector<32x224xf32>
    %broadcast_in_dim3A_406 = vector.broadcast %jit3A_404 : f32 to vector<32x224xf32>
    %select_n3A_407 = arith.select %le3A_402, %broadcast_in_dim3A_405, %broadcast_in_dim3A_406 : vector<32x224xi1>, vector<32x224xf32>
    %add3A_408 = arith.addf %add3A_375, %select_n3A_407 : vector<32x224xf32>
    %sub3A_409 = arith.subf %get3A_147, %slice3A_391 : vector<32x224xf32>
    %sub3A_410 = arith.subf %get3A_153, %slice3A_392 : vector<32x224xf32>
    %sub3A_411 = arith.subf %get3A_159, %slice3A_393 : vector<32x224xf32>
    %mul3A_412 = arith.mulf %sub3A_409, %sub3A_409 : vector<32x224xf32>
    %mul3A_413 = arith.mulf %sub3A_410, %sub3A_410 : vector<32x224xf32>
    %add3A_414 = arith.addf %mul3A_412, %mul3A_413 : vector<32x224xf32>
    %mul3A_415 = arith.mulf %sub3A_411, %sub3A_411 : vector<32x224xf32>
    %add3A_416 = arith.addf %add3A_414, %mul3A_415 : vector<32x224xf32>
    %le3A_417 = arith.cmpf ole, %add3A_416, %select_n3A_141 : vector<32x224xf32>
    %jit3A_418 = arith.constant 1.000000e+00 : f32
    %jit3A_419 = arith.constant 0.000000e+00 : f32
    %broadcast_in_dim3A_420 = vector.broadcast %jit3A_418 : f32 to vector<32x224xf32>
    %broadcast_in_dim3A_421 = vector.broadcast %jit3A_419 : f32 to vector<32x224xf32>
    %select_n3A_422 = arith.select %le3A_417, %broadcast_in_dim3A_420, %broadcast_in_dim3A_421 : vector<32x224xi1>, vector<32x224xf32>
    %add3A_423 = arith.addf %add3A_390, %select_n3A_422 : vector<32x224xf32>
    %slice3A_424 = vector.extract_strided_slice %concatenate3A {offsets = [0, 12], sizes = [32, 224], strides = [1, 1]} : vector<40x240xf32> to vector<32x224xf32>
    %slice3A_425 = vector.extract_strided_slice %concatenate3A_59 {offsets = [0, 12], sizes = [32, 224], strides = [1, 1]} : vector<40x240xf32> to vector<32x224xf32>
    %slice3A_426 = vector.extract_strided_slice %concatenate3A_90 {offsets = [0, 12], sizes = [32, 224], strides = [1, 1]} : vector<40x240xf32> to vector<32x224xf32>
    %sub3A_427 = arith.subf %get3A_110, %slice3A_424 : vector<32x224xf32>
    %sub3A_428 = arith.subf %get3A_116, %slice3A_425 : vector<32x224xf32>
    %sub3A_429 = arith.subf %get3A_122, %slice3A_426 : vector<32x224xf32>
    %mul3A_430 = arith.mulf %sub3A_427, %sub3A_427 : vector<32x224xf32>
    %mul3A_431 = arith.mulf %sub3A_428, %sub3A_428 : vector<32x224xf32>
    %add3A_432 = arith.addf %mul3A_430, %mul3A_431 : vector<32x224xf32>
    %mul3A_433 = arith.mulf %sub3A_429, %sub3A_429 : vector<32x224xf32>
    %add3A_434 = arith.addf %add3A_432, %mul3A_433 : vector<32x224xf32>
    %le3A_435 = arith.cmpf ole, %add3A_434, %select_n3A : vector<32x224xf32>
    %jit3A_436 = arith.constant 1.000000e+00 : f32
    %jit3A_437 = arith.constant 0.000000e+00 : f32
    %broadcast_in_dim3A_438 = vector.broadcast %jit3A_436 : f32 to vector<32x224xf32>
    %broadcast_in_dim3A_439 = vector.broadcast %jit3A_437 : f32 to vector<32x224xf32>
    %select_n3A_440 = arith.select %le3A_435, %broadcast_in_dim3A_438, %broadcast_in_dim3A_439 : vector<32x224xi1>, vector<32x224xf32>
    %add3A_441 = arith.addf %add3A_408, %select_n3A_440 : vector<32x224xf32>
    %sub3A_442 = arith.subf %get3A_147, %slice3A_424 : vector<32x224xf32>
    %sub3A_443 = arith.subf %get3A_153, %slice3A_425 : vector<32x224xf32>
    %sub3A_444 = arith.subf %get3A_159, %slice3A_426 : vector<32x224xf32>
    %mul3A_445 = arith.mulf %sub3A_442, %sub3A_442 : vector<32x224xf32>
    %mul3A_446 = arith.mulf %sub3A_443, %sub3A_443 : vector<32x224xf32>
    %add3A_447 = arith.addf %mul3A_445, %mul3A_446 : vector<32x224xf32>
    %mul3A_448 = arith.mulf %sub3A_444, %sub3A_444 : vector<32x224xf32>
    %add3A_449 = arith.addf %add3A_447, %mul3A_448 : vector<32x224xf32>
    %le3A_450 = arith.cmpf ole, %add3A_449, %select_n3A_141 : vector<32x224xf32>
    %jit3A_451 = arith.constant 1.000000e+00 : f32
    %jit3A_452 = arith.constant 0.000000e+00 : f32
    %broadcast_in_dim3A_453 = vector.broadcast %jit3A_451 : f32 to vector<32x224xf32>
    %broadcast_in_dim3A_454 = vector.broadcast %jit3A_452 : f32 to vector<32x224xf32>
    %select_n3A_455 = arith.select %le3A_450, %broadcast_in_dim3A_453, %broadcast_in_dim3A_454 : vector<32x224xi1>, vector<32x224xf32>
    %add3A_456 = arith.addf %add3A_423, %select_n3A_455 : vector<32x224xf32>
    %slice3A_457 = vector.extract_strided_slice %concatenate3A {offsets = [1, 4], sizes = [32, 224], strides = [1, 1]} : vector<40x240xf32> to vector<32x224xf32>
    %slice3A_458 = vector.extract_strided_slice %concatenate3A_59 {offsets = [1, 4], sizes = [32, 224], strides = [1, 1]} : vector<40x240xf32> to vector<32x224xf32>
    %slice3A_459 = vector.extract_strided_slice %concatenate3A_90 {offsets = [1, 4], sizes = [32, 224], strides = [1, 1]} : vector<40x240xf32> to vector<32x224xf32>
    %sub3A_460 = arith.subf %get3A_110, %slice3A_457 : vector<32x224xf32>
    %sub3A_461 = arith.subf %get3A_116, %slice3A_458 : vector<32x224xf32>
    %sub3A_462 = arith.subf %get3A_122, %slice3A_459 : vector<32x224xf32>
    %mul3A_463 = arith.mulf %sub3A_460, %sub3A_460 : vector<32x224xf32>
    %mul3A_464 = arith.mulf %sub3A_461, %sub3A_461 : vector<32x224xf32>
    %add3A_465 = arith.addf %mul3A_463, %mul3A_464 : vector<32x224xf32>
    %mul3A_466 = arith.mulf %sub3A_462, %sub3A_462 : vector<32x224xf32>
    %add3A_467 = arith.addf %add3A_465, %mul3A_466 : vector<32x224xf32>
    %le3A_468 = arith.cmpf ole, %add3A_467, %select_n3A : vector<32x224xf32>
    %jit3A_469 = arith.constant 1.000000e+00 : f32
    %jit3A_470 = arith.constant 0.000000e+00 : f32
    %broadcast_in_dim3A_471 = vector.broadcast %jit3A_469 : f32 to vector<32x224xf32>
    %broadcast_in_dim3A_472 = vector.broadcast %jit3A_470 : f32 to vector<32x224xf32>
    %select_n3A_473 = arith.select %le3A_468, %broadcast_in_dim3A_471, %broadcast_in_dim3A_472 : vector<32x224xi1>, vector<32x224xf32>
    %add3A_474 = arith.addf %add3A_441, %select_n3A_473 : vector<32x224xf32>
    %sub3A_475 = arith.subf %get3A_147, %slice3A_457 : vector<32x224xf32>
    %sub3A_476 = arith.subf %get3A_153, %slice3A_458 : vector<32x224xf32>
    %sub3A_477 = arith.subf %get3A_159, %slice3A_459 : vector<32x224xf32>
    %mul3A_478 = arith.mulf %sub3A_475, %sub3A_475 : vector<32x224xf32>
    %mul3A_479 = arith.mulf %sub3A_476, %sub3A_476 : vector<32x224xf32>
    %add3A_480 = arith.addf %mul3A_478, %mul3A_479 : vector<32x224xf32>
    %mul3A_481 = arith.mulf %sub3A_477, %sub3A_477 : vector<32x224xf32>
    %add3A_482 = arith.addf %add3A_480, %mul3A_481 : vector<32x224xf32>
    %le3A_483 = arith.cmpf ole, %add3A_482, %select_n3A_141 : vector<32x224xf32>
    %jit3A_484 = arith.constant 1.000000e+00 : f32
    %jit3A_485 = arith.constant 0.000000e+00 : f32
    %broadcast_in_dim3A_486 = vector.broadcast %jit3A_484 : f32 to vector<32x224xf32>
    %broadcast_in_dim3A_487 = vector.broadcast %jit3A_485 : f32 to vector<32x224xf32>
    %select_n3A_488 = arith.select %le3A_483, %broadcast_in_dim3A_486, %broadcast_in_dim3A_487 : vector<32x224xi1>, vector<32x224xf32>
    %add3A_489 = arith.addf %add3A_456, %select_n3A_488 : vector<32x224xf32>
    %slice3A_490 = vector.extract_strided_slice %concatenate3A {offsets = [1, 5], sizes = [32, 224], strides = [1, 1]} : vector<40x240xf32> to vector<32x224xf32>
    %slice3A_491 = vector.extract_strided_slice %concatenate3A_59 {offsets = [1, 5], sizes = [32, 224], strides = [1, 1]} : vector<40x240xf32> to vector<32x224xf32>
    %slice3A_492 = vector.extract_strided_slice %concatenate3A_90 {offsets = [1, 5], sizes = [32, 224], strides = [1, 1]} : vector<40x240xf32> to vector<32x224xf32>
    %sub3A_493 = arith.subf %get3A_110, %slice3A_490 : vector<32x224xf32>
    %sub3A_494 = arith.subf %get3A_116, %slice3A_491 : vector<32x224xf32>
    %sub3A_495 = arith.subf %get3A_122, %slice3A_492 : vector<32x224xf32>
    %mul3A_496 = arith.mulf %sub3A_493, %sub3A_493 : vector<32x224xf32>
    %mul3A_497 = arith.mulf %sub3A_494, %sub3A_494 : vector<32x224xf32>
    %add3A_498 = arith.addf %mul3A_496, %mul3A_497 : vector<32x224xf32>
    %mul3A_499 = arith.mulf %sub3A_495, %sub3A_495 : vector<32x224xf32>
    %add3A_500 = arith.addf %add3A_498, %mul3A_499 : vector<32x224xf32>
    %le3A_501 = arith.cmpf ole, %add3A_500, %select_n3A : vector<32x224xf32>
    %jit3A_502 = arith.constant 1.000000e+00 : f32
    %jit3A_503 = arith.constant 0.000000e+00 : f32
    %broadcast_in_dim3A_504 = vector.broadcast %jit3A_502 : f32 to vector<32x224xf32>
    %broadcast_in_dim3A_505 = vector.broadcast %jit3A_503 : f32 to vector<32x224xf32>
    %select_n3A_506 = arith.select %le3A_501, %broadcast_in_dim3A_504, %broadcast_in_dim3A_505 : vector<32x224xi1>, vector<32x224xf32>
    %add3A_507 = arith.addf %add3A_474, %select_n3A_506 : vector<32x224xf32>
    %sub3A_508 = arith.subf %get3A_147, %slice3A_490 : vector<32x224xf32>
    %sub3A_509 = arith.subf %get3A_153, %slice3A_491 : vector<32x224xf32>
    %sub3A_510 = arith.subf %get3A_159, %slice3A_492 : vector<32x224xf32>
    %mul3A_511 = arith.mulf %sub3A_508, %sub3A_508 : vector<32x224xf32>
    %mul3A_512 = arith.mulf %sub3A_509, %sub3A_509 : vector<32x224xf32>
    %add3A_513 = arith.addf %mul3A_511, %mul3A_512 : vector<32x224xf32>
    %mul3A_514 = arith.mulf %sub3A_510, %sub3A_510 : vector<32x224xf32>
    %add3A_515 = arith.addf %add3A_513, %mul3A_514 : vector<32x224xf32>
    %le3A_516 = arith.cmpf ole, %add3A_515, %select_n3A_141 : vector<32x224xf32>
    %jit3A_517 = arith.constant 1.000000e+00 : f32
    %jit3A_518 = arith.constant 0.000000e+00 : f32
    %broadcast_in_dim3A_519 = vector.broadcast %jit3A_517 : f32 to vector<32x224xf32>
    %broadcast_in_dim3A_520 = vector.broadcast %jit3A_518 : f32 to vector<32x224xf32>
    %select_n3A_521 = arith.select %le3A_516, %broadcast_in_dim3A_519, %broadcast_in_dim3A_520 : vector<32x224xi1>, vector<32x224xf32>
    %add3A_522 = arith.addf %add3A_489, %select_n3A_521 : vector<32x224xf32>
    %slice3A_523 = vector.extract_strided_slice %concatenate3A {offsets = [1, 6], sizes = [32, 224], strides = [1, 1]} : vector<40x240xf32> to vector<32x224xf32>
    %slice3A_524 = vector.extract_strided_slice %concatenate3A_59 {offsets = [1, 6], sizes = [32, 224], strides = [1, 1]} : vector<40x240xf32> to vector<32x224xf32>
    %slice3A_525 = vector.extract_strided_slice %concatenate3A_90 {offsets = [1, 6], sizes = [32, 224], strides = [1, 1]} : vector<40x240xf32> to vector<32x224xf32>
    %sub3A_526 = arith.subf %get3A_110, %slice3A_523 : vector<32x224xf32>
    %sub3A_527 = arith.subf %get3A_116, %slice3A_524 : vector<32x224xf32>
    %sub3A_528 = arith.subf %get3A_122, %slice3A_525 : vector<32x224xf32>
    %mul3A_529 = arith.mulf %sub3A_526, %sub3A_526 : vector<32x224xf32>
    %mul3A_530 = arith.mulf %sub3A_527, %sub3A_527 : vector<32x224xf32>
    %add3A_531 = arith.addf %mul3A_529, %mul3A_530 : vector<32x224xf32>
    %mul3A_532 = arith.mulf %sub3A_528, %sub3A_528 : vector<32x224xf32>
    %add3A_533 = arith.addf %add3A_531, %mul3A_532 : vector<32x224xf32>
    %le3A_534 = arith.cmpf ole, %add3A_533, %select_n3A : vector<32x224xf32>
    %jit3A_535 = arith.constant 1.000000e+00 : f32
    %jit3A_536 = arith.constant 0.000000e+00 : f32
    %broadcast_in_dim3A_537 = vector.broadcast %jit3A_535 : f32 to vector<32x224xf32>
    %broadcast_in_dim3A_538 = vector.broadcast %jit3A_536 : f32 to vector<32x224xf32>
    %select_n3A_539 = arith.select %le3A_534, %broadcast_in_dim3A_537, %broadcast_in_dim3A_538 : vector<32x224xi1>, vector<32x224xf32>
    %add3A_540 = arith.addf %add3A_507, %select_n3A_539 : vector<32x224xf32>
    %sub3A_541 = arith.subf %get3A_147, %slice3A_523 : vector<32x224xf32>
    %sub3A_542 = arith.subf %get3A_153, %slice3A_524 : vector<32x224xf32>
    %sub3A_543 = arith.subf %get3A_159, %slice3A_525 : vector<32x224xf32>
    %mul3A_544 = arith.mulf %sub3A_541, %sub3A_541 : vector<32x224xf32>
    %mul3A_545 = arith.mulf %sub3A_542, %sub3A_542 : vector<32x224xf32>
    %add3A_546 = arith.addf %mul3A_544, %mul3A_545 : vector<32x224xf32>
    %mul3A_547 = arith.mulf %sub3A_543, %sub3A_543 : vector<32x224xf32>
    %add3A_548 = arith.addf %add3A_546, %mul3A_547 : vector<32x224xf32>
    %le3A_549 = arith.cmpf ole, %add3A_548, %select_n3A_141 : vector<32x224xf32>
    %jit3A_550 = arith.constant 1.000000e+00 : f32
    %jit3A_551 = arith.constant 0.000000e+00 : f32
    %broadcast_in_dim3A_552 = vector.broadcast %jit3A_550 : f32 to vector<32x224xf32>
    %broadcast_in_dim3A_553 = vector.broadcast %jit3A_551 : f32 to vector<32x224xf32>
    %select_n3A_554 = arith.select %le3A_549, %broadcast_in_dim3A_552, %broadcast_in_dim3A_553 : vector<32x224xi1>, vector<32x224xf32>
    %add3A_555 = arith.addf %add3A_522, %select_n3A_554 : vector<32x224xf32>
    %slice3A_556 = vector.extract_strided_slice %concatenate3A {offsets = [1, 7], sizes = [32, 224], strides = [1, 1]} : vector<40x240xf32> to vector<32x224xf32>
    %slice3A_557 = vector.extract_strided_slice %concatenate3A_59 {offsets = [1, 7], sizes = [32, 224], strides = [1, 1]} : vector<40x240xf32> to vector<32x224xf32>
    %slice3A_558 = vector.extract_strided_slice %concatenate3A_90 {offsets = [1, 7], sizes = [32, 224], strides = [1, 1]} : vector<40x240xf32> to vector<32x224xf32>
    %sub3A_559 = arith.subf %get3A_110, %slice3A_556 : vector<32x224xf32>
    %sub3A_560 = arith.subf %get3A_116, %slice3A_557 : vector<32x224xf32>
    %sub3A_561 = arith.subf %get3A_122, %slice3A_558 : vector<32x224xf32>
    %mul3A_562 = arith.mulf %sub3A_559, %sub3A_559 : vector<32x224xf32>
    %mul3A_563 = arith.mulf %sub3A_560, %sub3A_560 : vector<32x224xf32>
    %add3A_564 = arith.addf %mul3A_562, %mul3A_563 : vector<32x224xf32>
    %mul3A_565 = arith.mulf %sub3A_561, %sub3A_561 : vector<32x224xf32>
    %add3A_566 = arith.addf %add3A_564, %mul3A_565 : vector<32x224xf32>
    %le3A_567 = arith.cmpf ole, %add3A_566, %select_n3A : vector<32x224xf32>
    %jit3A_568 = arith.constant 1.000000e+00 : f32
    %jit3A_569 = arith.constant 0.000000e+00 : f32
    %broadcast_in_dim3A_570 = vector.broadcast %jit3A_568 : f32 to vector<32x224xf32>
    %broadcast_in_dim3A_571 = vector.broadcast %jit3A_569 : f32 to vector<32x224xf32>
    %select_n3A_572 = arith.select %le3A_567, %broadcast_in_dim3A_570, %broadcast_in_dim3A_571 : vector<32x224xi1>, vector<32x224xf32>
    %add3A_573 = arith.addf %add3A_540, %select_n3A_572 : vector<32x224xf32>
    %sub3A_574 = arith.subf %get3A_147, %slice3A_556 : vector<32x224xf32>
    %sub3A_575 = arith.subf %get3A_153, %slice3A_557 : vector<32x224xf32>
    %sub3A_576 = arith.subf %get3A_159, %slice3A_558 : vector<32x224xf32>
    %mul3A_577 = arith.mulf %sub3A_574, %sub3A_574 : vector<32x224xf32>
    %mul3A_578 = arith.mulf %sub3A_575, %sub3A_575 : vector<32x224xf32>
    %add3A_579 = arith.addf %mul3A_577, %mul3A_578 : vector<32x224xf32>
    %mul3A_580 = arith.mulf %sub3A_576, %sub3A_576 : vector<32x224xf32>
    %add3A_581 = arith.addf %add3A_579, %mul3A_580 : vector<32x224xf32>
    %le3A_582 = arith.cmpf ole, %add3A_581, %select_n3A_141 : vector<32x224xf32>
    %jit3A_583 = arith.constant 1.000000e+00 : f32
    %jit3A_584 = arith.constant 0.000000e+00 : f32
    %broadcast_in_dim3A_585 = vector.broadcast %jit3A_583 : f32 to vector<32x224xf32>
    %broadcast_in_dim3A_586 = vector.broadcast %jit3A_584 : f32 to vector<32x224xf32>
    %select_n3A_587 = arith.select %le3A_582, %broadcast_in_dim3A_585, %broadcast_in_dim3A_586 : vector<32x224xi1>, vector<32x224xf32>
    %add3A_588 = arith.addf %add3A_555, %select_n3A_587 : vector<32x224xf32>
    %slice3A_589 = vector.extract_strided_slice %concatenate3A {offsets = [1, 8], sizes = [32, 224], strides = [1, 1]} : vector<40x240xf32> to vector<32x224xf32>
    %slice3A_590 = vector.extract_strided_slice %concatenate3A_59 {offsets = [1, 8], sizes = [32, 224], strides = [1, 1]} : vector<40x240xf32> to vector<32x224xf32>
    %slice3A_591 = vector.extract_strided_slice %concatenate3A_90 {offsets = [1, 8], sizes = [32, 224], strides = [1, 1]} : vector<40x240xf32> to vector<32x224xf32>
    %sub3A_592 = arith.subf %get3A_110, %slice3A_589 : vector<32x224xf32>
    %sub3A_593 = arith.subf %get3A_116, %slice3A_590 : vector<32x224xf32>
    %sub3A_594 = arith.subf %get3A_122, %slice3A_591 : vector<32x224xf32>
    %mul3A_595 = arith.mulf %sub3A_592, %sub3A_592 : vector<32x224xf32>
    %mul3A_596 = arith.mulf %sub3A_593, %sub3A_593 : vector<32x224xf32>
    %add3A_597 = arith.addf %mul3A_595, %mul3A_596 : vector<32x224xf32>
    %mul3A_598 = arith.mulf %sub3A_594, %sub3A_594 : vector<32x224xf32>
    %add3A_599 = arith.addf %add3A_597, %mul3A_598 : vector<32x224xf32>
    %le3A_600 = arith.cmpf ole, %add3A_599, %select_n3A : vector<32x224xf32>
    %jit3A_601 = arith.constant 1.000000e+00 : f32
    %jit3A_602 = arith.constant 0.000000e+00 : f32
    %broadcast_in_dim3A_603 = vector.broadcast %jit3A_601 : f32 to vector<32x224xf32>
    %broadcast_in_dim3A_604 = vector.broadcast %jit3A_602 : f32 to vector<32x224xf32>
    %select_n3A_605 = arith.select %le3A_600, %broadcast_in_dim3A_603, %broadcast_in_dim3A_604 : vector<32x224xi1>, vector<32x224xf32>
    %add3A_606 = arith.addf %add3A_573, %select_n3A_605 : vector<32x224xf32>
    %sub3A_607 = arith.subf %get3A_147, %slice3A_589 : vector<32x224xf32>
    %sub3A_608 = arith.subf %get3A_153, %slice3A_590 : vector<32x224xf32>
    %sub3A_609 = arith.subf %get3A_159, %slice3A_591 : vector<32x224xf32>
    %mul3A_610 = arith.mulf %sub3A_607, %sub3A_607 : vector<32x224xf32>
    %mul3A_611 = arith.mulf %sub3A_608, %sub3A_608 : vector<32x224xf32>
    %add3A_612 = arith.addf %mul3A_610, %mul3A_611 : vector<32x224xf32>
    %mul3A_613 = arith.mulf %sub3A_609, %sub3A_609 : vector<32x224xf32>
    %add3A_614 = arith.addf %add3A_612, %mul3A_613 : vector<32x224xf32>
    %le3A_615 = arith.cmpf ole, %add3A_614, %select_n3A_141 : vector<32x224xf32>
    %jit3A_616 = arith.constant 1.000000e+00 : f32
    %jit3A_617 = arith.constant 0.000000e+00 : f32
    %broadcast_in_dim3A_618 = vector.broadcast %jit3A_616 : f32 to vector<32x224xf32>
    %broadcast_in_dim3A_619 = vector.broadcast %jit3A_617 : f32 to vector<32x224xf32>
    %select_n3A_620 = arith.select %le3A_615, %broadcast_in_dim3A_618, %broadcast_in_dim3A_619 : vector<32x224xi1>, vector<32x224xf32>
    %add3A_621 = arith.addf %add3A_588, %select_n3A_620 : vector<32x224xf32>
    %slice3A_622 = vector.extract_strided_slice %concatenate3A {offsets = [1, 9], sizes = [32, 224], strides = [1, 1]} : vector<40x240xf32> to vector<32x224xf32>
    %slice3A_623 = vector.extract_strided_slice %concatenate3A_59 {offsets = [1, 9], sizes = [32, 224], strides = [1, 1]} : vector<40x240xf32> to vector<32x224xf32>
    %slice3A_624 = vector.extract_strided_slice %concatenate3A_90 {offsets = [1, 9], sizes = [32, 224], strides = [1, 1]} : vector<40x240xf32> to vector<32x224xf32>
    %sub3A_625 = arith.subf %get3A_110, %slice3A_622 : vector<32x224xf32>
    %sub3A_626 = arith.subf %get3A_116, %slice3A_623 : vector<32x224xf32>
    %sub3A_627 = arith.subf %get3A_122, %slice3A_624 : vector<32x224xf32>
    %mul3A_628 = arith.mulf %sub3A_625, %sub3A_625 : vector<32x224xf32>
    %mul3A_629 = arith.mulf %sub3A_626, %sub3A_626 : vector<32x224xf32>
    %add3A_630 = arith.addf %mul3A_628, %mul3A_629 : vector<32x224xf32>
    %mul3A_631 = arith.mulf %sub3A_627, %sub3A_627 : vector<32x224xf32>
    %add3A_632 = arith.addf %add3A_630, %mul3A_631 : vector<32x224xf32>
    %le3A_633 = arith.cmpf ole, %add3A_632, %select_n3A : vector<32x224xf32>
    %jit3A_634 = arith.constant 1.000000e+00 : f32
    %jit3A_635 = arith.constant 0.000000e+00 : f32
    %broadcast_in_dim3A_636 = vector.broadcast %jit3A_634 : f32 to vector<32x224xf32>
    %broadcast_in_dim3A_637 = vector.broadcast %jit3A_635 : f32 to vector<32x224xf32>
    %select_n3A_638 = arith.select %le3A_633, %broadcast_in_dim3A_636, %broadcast_in_dim3A_637 : vector<32x224xi1>, vector<32x224xf32>
    %add3A_639 = arith.addf %add3A_606, %select_n3A_638 : vector<32x224xf32>
    %sub3A_640 = arith.subf %get3A_147, %slice3A_622 : vector<32x224xf32>
    %sub3A_641 = arith.subf %get3A_153, %slice3A_623 : vector<32x224xf32>
    %sub3A_642 = arith.subf %get3A_159, %slice3A_624 : vector<32x224xf32>
    %mul3A_643 = arith.mulf %sub3A_640, %sub3A_640 : vector<32x224xf32>
    %mul3A_644 = arith.mulf %sub3A_641, %sub3A_641 : vector<32x224xf32>
    %add3A_645 = arith.addf %mul3A_643, %mul3A_644 : vector<32x224xf32>
    %mul3A_646 = arith.mulf %sub3A_642, %sub3A_642 : vector<32x224xf32>
    %add3A_647 = arith.addf %add3A_645, %mul3A_646 : vector<32x224xf32>
    %le3A_648 = arith.cmpf ole, %add3A_647, %select_n3A_141 : vector<32x224xf32>
    %jit3A_649 = arith.constant 1.000000e+00 : f32
    %jit3A_650 = arith.constant 0.000000e+00 : f32
    %broadcast_in_dim3A_651 = vector.broadcast %jit3A_649 : f32 to vector<32x224xf32>
    %broadcast_in_dim3A_652 = vector.broadcast %jit3A_650 : f32 to vector<32x224xf32>
    %select_n3A_653 = arith.select %le3A_648, %broadcast_in_dim3A_651, %broadcast_in_dim3A_652 : vector<32x224xi1>, vector<32x224xf32>
    %add3A_654 = arith.addf %add3A_621, %select_n3A_653 : vector<32x224xf32>
    %slice3A_655 = vector.extract_strided_slice %concatenate3A {offsets = [1, 10], sizes = [32, 224], strides = [1, 1]} : vector<40x240xf32> to vector<32x224xf32>
    %slice3A_656 = vector.extract_strided_slice %concatenate3A_59 {offsets = [1, 10], sizes = [32, 224], strides = [1, 1]} : vector<40x240xf32> to vector<32x224xf32>
    %slice3A_657 = vector.extract_strided_slice %concatenate3A_90 {offsets = [1, 10], sizes = [32, 224], strides = [1, 1]} : vector<40x240xf32> to vector<32x224xf32>
    %sub3A_658 = arith.subf %get3A_110, %slice3A_655 : vector<32x224xf32>
    %sub3A_659 = arith.subf %get3A_116, %slice3A_656 : vector<32x224xf32>
    %sub3A_660 = arith.subf %get3A_122, %slice3A_657 : vector<32x224xf32>
    %mul3A_661 = arith.mulf %sub3A_658, %sub3A_658 : vector<32x224xf32>
    %mul3A_662 = arith.mulf %sub3A_659, %sub3A_659 : vector<32x224xf32>
    %add3A_663 = arith.addf %mul3A_661, %mul3A_662 : vector<32x224xf32>
    %mul3A_664 = arith.mulf %sub3A_660, %sub3A_660 : vector<32x224xf32>
    %add3A_665 = arith.addf %add3A_663, %mul3A_664 : vector<32x224xf32>
    %le3A_666 = arith.cmpf ole, %add3A_665, %select_n3A : vector<32x224xf32>
    %jit3A_667 = arith.constant 1.000000e+00 : f32
    %jit3A_668 = arith.constant 0.000000e+00 : f32
    %broadcast_in_dim3A_669 = vector.broadcast %jit3A_667 : f32 to vector<32x224xf32>
    %broadcast_in_dim3A_670 = vector.broadcast %jit3A_668 : f32 to vector<32x224xf32>
    %select_n3A_671 = arith.select %le3A_666, %broadcast_in_dim3A_669, %broadcast_in_dim3A_670 : vector<32x224xi1>, vector<32x224xf32>
    %add3A_672 = arith.addf %add3A_639, %select_n3A_671 : vector<32x224xf32>
    %sub3A_673 = arith.subf %get3A_147, %slice3A_655 : vector<32x224xf32>
    %sub3A_674 = arith.subf %get3A_153, %slice3A_656 : vector<32x224xf32>
    %sub3A_675 = arith.subf %get3A_159, %slice3A_657 : vector<32x224xf32>
    %mul3A_676 = arith.mulf %sub3A_673, %sub3A_673 : vector<32x224xf32>
    %mul3A_677 = arith.mulf %sub3A_674, %sub3A_674 : vector<32x224xf32>
    %add3A_678 = arith.addf %mul3A_676, %mul3A_677 : vector<32x224xf32>
    %mul3A_679 = arith.mulf %sub3A_675, %sub3A_675 : vector<32x224xf32>
    %add3A_680 = arith.addf %add3A_678, %mul3A_679 : vector<32x224xf32>
    %le3A_681 = arith.cmpf ole, %add3A_680, %select_n3A_141 : vector<32x224xf32>
    %jit3A_682 = arith.constant 1.000000e+00 : f32
    %jit3A_683 = arith.constant 0.000000e+00 : f32
    %broadcast_in_dim3A_684 = vector.broadcast %jit3A_682 : f32 to vector<32x224xf32>
    %broadcast_in_dim3A_685 = vector.broadcast %jit3A_683 : f32 to vector<32x224xf32>
    %select_n3A_686 = arith.select %le3A_681, %broadcast_in_dim3A_684, %broadcast_in_dim3A_685 : vector<32x224xi1>, vector<32x224xf32>
    %add3A_687 = arith.addf %add3A_654, %select_n3A_686 : vector<32x224xf32>
    %slice3A_688 = vector.extract_strided_slice %concatenate3A {offsets = [1, 11], sizes = [32, 224], strides = [1, 1]} : vector<40x240xf32> to vector<32x224xf32>
    %slice3A_689 = vector.extract_strided_slice %concatenate3A_59 {offsets = [1, 11], sizes = [32, 224], strides = [1, 1]} : vector<40x240xf32> to vector<32x224xf32>
    %slice3A_690 = vector.extract_strided_slice %concatenate3A_90 {offsets = [1, 11], sizes = [32, 224], strides = [1, 1]} : vector<40x240xf32> to vector<32x224xf32>
    %sub3A_691 = arith.subf %get3A_110, %slice3A_688 : vector<32x224xf32>
    %sub3A_692 = arith.subf %get3A_116, %slice3A_689 : vector<32x224xf32>
    %sub3A_693 = arith.subf %get3A_122, %slice3A_690 : vector<32x224xf32>
    %mul3A_694 = arith.mulf %sub3A_691, %sub3A_691 : vector<32x224xf32>
    %mul3A_695 = arith.mulf %sub3A_692, %sub3A_692 : vector<32x224xf32>
    %add3A_696 = arith.addf %mul3A_694, %mul3A_695 : vector<32x224xf32>
    %mul3A_697 = arith.mulf %sub3A_693, %sub3A_693 : vector<32x224xf32>
    %add3A_698 = arith.addf %add3A_696, %mul3A_697 : vector<32x224xf32>
    %le3A_699 = arith.cmpf ole, %add3A_698, %select_n3A : vector<32x224xf32>
    %jit3A_700 = arith.constant 1.000000e+00 : f32
    %jit3A_701 = arith.constant 0.000000e+00 : f32
    %broadcast_in_dim3A_702 = vector.broadcast %jit3A_700 : f32 to vector<32x224xf32>
    %broadcast_in_dim3A_703 = vector.broadcast %jit3A_701 : f32 to vector<32x224xf32>
    %select_n3A_704 = arith.select %le3A_699, %broadcast_in_dim3A_702, %broadcast_in_dim3A_703 : vector<32x224xi1>, vector<32x224xf32>
    %add3A_705 = arith.addf %add3A_672, %select_n3A_704 : vector<32x224xf32>
    %sub3A_706 = arith.subf %get3A_147, %slice3A_688 : vector<32x224xf32>
    %sub3A_707 = arith.subf %get3A_153, %slice3A_689 : vector<32x224xf32>
    %sub3A_708 = arith.subf %get3A_159, %slice3A_690 : vector<32x224xf32>
    %mul3A_709 = arith.mulf %sub3A_706, %sub3A_706 : vector<32x224xf32>
    %mul3A_710 = arith.mulf %sub3A_707, %sub3A_707 : vector<32x224xf32>
    %add3A_711 = arith.addf %mul3A_709, %mul3A_710 : vector<32x224xf32>
    %mul3A_712 = arith.mulf %sub3A_708, %sub3A_708 : vector<32x224xf32>
    %add3A_713 = arith.addf %add3A_711, %mul3A_712 : vector<32x224xf32>
    %le3A_714 = arith.cmpf ole, %add3A_713, %select_n3A_141 : vector<32x224xf32>
    %jit3A_715 = arith.constant 1.000000e+00 : f32
    %jit3A_716 = arith.constant 0.000000e+00 : f32
    %broadcast_in_dim3A_717 = vector.broadcast %jit3A_715 : f32 to vector<32x224xf32>
    %broadcast_in_dim3A_718 = vector.broadcast %jit3A_716 : f32 to vector<32x224xf32>
    %select_n3A_719 = arith.select %le3A_714, %broadcast_in_dim3A_717, %broadcast_in_dim3A_718 : vector<32x224xi1>, vector<32x224xf32>
    %add3A_720 = arith.addf %add3A_687, %select_n3A_719 : vector<32x224xf32>
    %slice3A_721 = vector.extract_strided_slice %concatenate3A {offsets = [1, 12], sizes = [32, 224], strides = [1, 1]} : vector<40x240xf32> to vector<32x224xf32>
    %slice3A_722 = vector.extract_strided_slice %concatenate3A_59 {offsets = [1, 12], sizes = [32, 224], strides = [1, 1]} : vector<40x240xf32> to vector<32x224xf32>
    %slice3A_723 = vector.extract_strided_slice %concatenate3A_90 {offsets = [1, 12], sizes = [32, 224], strides = [1, 1]} : vector<40x240xf32> to vector<32x224xf32>
    %sub3A_724 = arith.subf %get3A_110, %slice3A_721 : vector<32x224xf32>
    %sub3A_725 = arith.subf %get3A_116, %slice3A_722 : vector<32x224xf32>
    %sub3A_726 = arith.subf %get3A_122, %slice3A_723 : vector<32x224xf32>
    %mul3A_727 = arith.mulf %sub3A_724, %sub3A_724 : vector<32x224xf32>
    %mul3A_728 = arith.mulf %sub3A_725, %sub3A_725 : vector<32x224xf32>
    %add3A_729 = arith.addf %mul3A_727, %mul3A_728 : vector<32x224xf32>
    %mul3A_730 = arith.mulf %sub3A_726, %sub3A_726 : vector<32x224xf32>
    %add3A_731 = arith.addf %add3A_729, %mul3A_730 : vector<32x224xf32>
    %le3A_732 = arith.cmpf ole, %add3A_731, %select_n3A : vector<32x224xf32>
    %jit3A_733 = arith.constant 1.000000e+00 : f32
    %jit3A_734 = arith.constant 0.000000e+00 : f32
    %broadcast_in_dim3A_735 = vector.broadcast %jit3A_733 : f32 to vector<32x224xf32>
    %broadcast_in_dim3A_736 = vector.broadcast %jit3A_734 : f32 to vector<32x224xf32>
    %select_n3A_737 = arith.select %le3A_732, %broadcast_in_dim3A_735, %broadcast_in_dim3A_736 : vector<32x224xi1>, vector<32x224xf32>
    %add3A_738 = arith.addf %add3A_705, %select_n3A_737 : vector<32x224xf32>
    %sub3A_739 = arith.subf %get3A_147, %slice3A_721 : vector<32x224xf32>
    %sub3A_740 = arith.subf %get3A_153, %slice3A_722 : vector<32x224xf32>
    %sub3A_741 = arith.subf %get3A_159, %slice3A_723 : vector<32x224xf32>
    %mul3A_742 = arith.mulf %sub3A_739, %sub3A_739 : vector<32x224xf32>
    %mul3A_743 = arith.mulf %sub3A_740, %sub3A_740 : vector<32x224xf32>
    %add3A_744 = arith.addf %mul3A_742, %mul3A_743 : vector<32x224xf32>
    %mul3A_745 = arith.mulf %sub3A_741, %sub3A_741 : vector<32x224xf32>
    %add3A_746 = arith.addf %add3A_744, %mul3A_745 : vector<32x224xf32>
    %le3A_747 = arith.cmpf ole, %add3A_746, %select_n3A_141 : vector<32x224xf32>
    %jit3A_748 = arith.constant 1.000000e+00 : f32
    %jit3A_749 = arith.constant 0.000000e+00 : f32
    %broadcast_in_dim3A_750 = vector.broadcast %jit3A_748 : f32 to vector<32x224xf32>
    %broadcast_in_dim3A_751 = vector.broadcast %jit3A_749 : f32 to vector<32x224xf32>
    %select_n3A_752 = arith.select %le3A_747, %broadcast_in_dim3A_750, %broadcast_in_dim3A_751 : vector<32x224xi1>, vector<32x224xf32>
    %add3A_753 = arith.addf %add3A_720, %select_n3A_752 : vector<32x224xf32>
    %slice3A_754 = vector.extract_strided_slice %concatenate3A {offsets = [2, 4], sizes = [32, 224], strides = [1, 1]} : vector<40x240xf32> to vector<32x224xf32>
    %slice3A_755 = vector.extract_strided_slice %concatenate3A_59 {offsets = [2, 4], sizes = [32, 224], strides = [1, 1]} : vector<40x240xf32> to vector<32x224xf32>
    %slice3A_756 = vector.extract_strided_slice %concatenate3A_90 {offsets = [2, 4], sizes = [32, 224], strides = [1, 1]} : vector<40x240xf32> to vector<32x224xf32>
    %sub3A_757 = arith.subf %get3A_110, %slice3A_754 : vector<32x224xf32>
    %sub3A_758 = arith.subf %get3A_116, %slice3A_755 : vector<32x224xf32>
    %sub3A_759 = arith.subf %get3A_122, %slice3A_756 : vector<32x224xf32>
    %mul3A_760 = arith.mulf %sub3A_757, %sub3A_757 : vector<32x224xf32>
    %mul3A_761 = arith.mulf %sub3A_758, %sub3A_758 : vector<32x224xf32>
    %add3A_762 = arith.addf %mul3A_760, %mul3A_761 : vector<32x224xf32>
    %mul3A_763 = arith.mulf %sub3A_759, %sub3A_759 : vector<32x224xf32>
    %add3A_764 = arith.addf %add3A_762, %mul3A_763 : vector<32x224xf32>
    %le3A_765 = arith.cmpf ole, %add3A_764, %select_n3A : vector<32x224xf32>
    %jit3A_766 = arith.constant 1.000000e+00 : f32
    %jit3A_767 = arith.constant 0.000000e+00 : f32
    %broadcast_in_dim3A_768 = vector.broadcast %jit3A_766 : f32 to vector<32x224xf32>
    %broadcast_in_dim3A_769 = vector.broadcast %jit3A_767 : f32 to vector<32x224xf32>
    %select_n3A_770 = arith.select %le3A_765, %broadcast_in_dim3A_768, %broadcast_in_dim3A_769 : vector<32x224xi1>, vector<32x224xf32>
    %add3A_771 = arith.addf %add3A_738, %select_n3A_770 : vector<32x224xf32>
    %sub3A_772 = arith.subf %get3A_147, %slice3A_754 : vector<32x224xf32>
    %sub3A_773 = arith.subf %get3A_153, %slice3A_755 : vector<32x224xf32>
    %sub3A_774 = arith.subf %get3A_159, %slice3A_756 : vector<32x224xf32>
    %mul3A_775 = arith.mulf %sub3A_772, %sub3A_772 : vector<32x224xf32>
    %mul3A_776 = arith.mulf %sub3A_773, %sub3A_773 : vector<32x224xf32>
    %add3A_777 = arith.addf %mul3A_775, %mul3A_776 : vector<32x224xf32>
    %mul3A_778 = arith.mulf %sub3A_774, %sub3A_774 : vector<32x224xf32>
    %add3A_779 = arith.addf %add3A_777, %mul3A_778 : vector<32x224xf32>
    %le3A_780 = arith.cmpf ole, %add3A_779, %select_n3A_141 : vector<32x224xf32>
    %jit3A_781 = arith.constant 1.000000e+00 : f32
    %jit3A_782 = arith.constant 0.000000e+00 : f32
    %broadcast_in_dim3A_783 = vector.broadcast %jit3A_781 : f32 to vector<32x224xf32>
    %broadcast_in_dim3A_784 = vector.broadcast %jit3A_782 : f32 to vector<32x224xf32>
    %select_n3A_785 = arith.select %le3A_780, %broadcast_in_dim3A_783, %broadcast_in_dim3A_784 : vector<32x224xi1>, vector<32x224xf32>
    %add3A_786 = arith.addf %add3A_753, %select_n3A_785 : vector<32x224xf32>
    %slice3A_787 = vector.extract_strided_slice %concatenate3A {offsets = [2, 5], sizes = [32, 224], strides = [1, 1]} : vector<40x240xf32> to vector<32x224xf32>
    %slice3A_788 = vector.extract_strided_slice %concatenate3A_59 {offsets = [2, 5], sizes = [32, 224], strides = [1, 1]} : vector<40x240xf32> to vector<32x224xf32>
    %slice3A_789 = vector.extract_strided_slice %concatenate3A_90 {offsets = [2, 5], sizes = [32, 224], strides = [1, 1]} : vector<40x240xf32> to vector<32x224xf32>
    %sub3A_790 = arith.subf %get3A_110, %slice3A_787 : vector<32x224xf32>
    %sub3A_791 = arith.subf %get3A_116, %slice3A_788 : vector<32x224xf32>
    %sub3A_792 = arith.subf %get3A_122, %slice3A_789 : vector<32x224xf32>
    %mul3A_793 = arith.mulf %sub3A_790, %sub3A_790 : vector<32x224xf32>
    %mul3A_794 = arith.mulf %sub3A_791, %sub3A_791 : vector<32x224xf32>
    %add3A_795 = arith.addf %mul3A_793, %mul3A_794 : vector<32x224xf32>
    %mul3A_796 = arith.mulf %sub3A_792, %sub3A_792 : vector<32x224xf32>
    %add3A_797 = arith.addf %add3A_795, %mul3A_796 : vector<32x224xf32>
    %le3A_798 = arith.cmpf ole, %add3A_797, %select_n3A : vector<32x224xf32>
    %jit3A_799 = arith.constant 1.000000e+00 : f32
    %jit3A_800 = arith.constant 0.000000e+00 : f32
    %broadcast_in_dim3A_801 = vector.broadcast %jit3A_799 : f32 to vector<32x224xf32>
    %broadcast_in_dim3A_802 = vector.broadcast %jit3A_800 : f32 to vector<32x224xf32>
    %select_n3A_803 = arith.select %le3A_798, %broadcast_in_dim3A_801, %broadcast_in_dim3A_802 : vector<32x224xi1>, vector<32x224xf32>
    %add3A_804 = arith.addf %add3A_771, %select_n3A_803 : vector<32x224xf32>
    %sub3A_805 = arith.subf %get3A_147, %slice3A_787 : vector<32x224xf32>
    %sub3A_806 = arith.subf %get3A_153, %slice3A_788 : vector<32x224xf32>
    %sub3A_807 = arith.subf %get3A_159, %slice3A_789 : vector<32x224xf32>
    %mul3A_808 = arith.mulf %sub3A_805, %sub3A_805 : vector<32x224xf32>
    %mul3A_809 = arith.mulf %sub3A_806, %sub3A_806 : vector<32x224xf32>
    %add3A_810 = arith.addf %mul3A_808, %mul3A_809 : vector<32x224xf32>
    %mul3A_811 = arith.mulf %sub3A_807, %sub3A_807 : vector<32x224xf32>
    %add3A_812 = arith.addf %add3A_810, %mul3A_811 : vector<32x224xf32>
    %le3A_813 = arith.cmpf ole, %add3A_812, %select_n3A_141 : vector<32x224xf32>
    %jit3A_814 = arith.constant 1.000000e+00 : f32
    %jit3A_815 = arith.constant 0.000000e+00 : f32
    %broadcast_in_dim3A_816 = vector.broadcast %jit3A_814 : f32 to vector<32x224xf32>
    %broadcast_in_dim3A_817 = vector.broadcast %jit3A_815 : f32 to vector<32x224xf32>
    %select_n3A_818 = arith.select %le3A_813, %broadcast_in_dim3A_816, %broadcast_in_dim3A_817 : vector<32x224xi1>, vector<32x224xf32>
    %add3A_819 = arith.addf %add3A_786, %select_n3A_818 : vector<32x224xf32>
    %slice3A_820 = vector.extract_strided_slice %concatenate3A {offsets = [2, 6], sizes = [32, 224], strides = [1, 1]} : vector<40x240xf32> to vector<32x224xf32>
    %slice3A_821 = vector.extract_strided_slice %concatenate3A_59 {offsets = [2, 6], sizes = [32, 224], strides = [1, 1]} : vector<40x240xf32> to vector<32x224xf32>
    %slice3A_822 = vector.extract_strided_slice %concatenate3A_90 {offsets = [2, 6], sizes = [32, 224], strides = [1, 1]} : vector<40x240xf32> to vector<32x224xf32>
    %sub3A_823 = arith.subf %get3A_110, %slice3A_820 : vector<32x224xf32>
    %sub3A_824 = arith.subf %get3A_116, %slice3A_821 : vector<32x224xf32>
    %sub3A_825 = arith.subf %get3A_122, %slice3A_822 : vector<32x224xf32>
    %mul3A_826 = arith.mulf %sub3A_823, %sub3A_823 : vector<32x224xf32>
    %mul3A_827 = arith.mulf %sub3A_824, %sub3A_824 : vector<32x224xf32>
    %add3A_828 = arith.addf %mul3A_826, %mul3A_827 : vector<32x224xf32>
    %mul3A_829 = arith.mulf %sub3A_825, %sub3A_825 : vector<32x224xf32>
    %add3A_830 = arith.addf %add3A_828, %mul3A_829 : vector<32x224xf32>
    %le3A_831 = arith.cmpf ole, %add3A_830, %select_n3A : vector<32x224xf32>
    %jit3A_832 = arith.constant 1.000000e+00 : f32
    %jit3A_833 = arith.constant 0.000000e+00 : f32
    %broadcast_in_dim3A_834 = vector.broadcast %jit3A_832 : f32 to vector<32x224xf32>
    %broadcast_in_dim3A_835 = vector.broadcast %jit3A_833 : f32 to vector<32x224xf32>
    %select_n3A_836 = arith.select %le3A_831, %broadcast_in_dim3A_834, %broadcast_in_dim3A_835 : vector<32x224xi1>, vector<32x224xf32>
    %add3A_837 = arith.addf %add3A_804, %select_n3A_836 : vector<32x224xf32>
    %sub3A_838 = arith.subf %get3A_147, %slice3A_820 : vector<32x224xf32>
    %sub3A_839 = arith.subf %get3A_153, %slice3A_821 : vector<32x224xf32>
    %sub3A_840 = arith.subf %get3A_159, %slice3A_822 : vector<32x224xf32>
    %mul3A_841 = arith.mulf %sub3A_838, %sub3A_838 : vector<32x224xf32>
    %mul3A_842 = arith.mulf %sub3A_839, %sub3A_839 : vector<32x224xf32>
    %add3A_843 = arith.addf %mul3A_841, %mul3A_842 : vector<32x224xf32>
    %mul3A_844 = arith.mulf %sub3A_840, %sub3A_840 : vector<32x224xf32>
    %add3A_845 = arith.addf %add3A_843, %mul3A_844 : vector<32x224xf32>
    %le3A_846 = arith.cmpf ole, %add3A_845, %select_n3A_141 : vector<32x224xf32>
    %jit3A_847 = arith.constant 1.000000e+00 : f32
    %jit3A_848 = arith.constant 0.000000e+00 : f32
    %broadcast_in_dim3A_849 = vector.broadcast %jit3A_847 : f32 to vector<32x224xf32>
    %broadcast_in_dim3A_850 = vector.broadcast %jit3A_848 : f32 to vector<32x224xf32>
    %select_n3A_851 = arith.select %le3A_846, %broadcast_in_dim3A_849, %broadcast_in_dim3A_850 : vector<32x224xi1>, vector<32x224xf32>
    %add3A_852 = arith.addf %add3A_819, %select_n3A_851 : vector<32x224xf32>
    %slice3A_853 = vector.extract_strided_slice %concatenate3A {offsets = [2, 7], sizes = [32, 224], strides = [1, 1]} : vector<40x240xf32> to vector<32x224xf32>
    %slice3A_854 = vector.extract_strided_slice %concatenate3A_59 {offsets = [2, 7], sizes = [32, 224], strides = [1, 1]} : vector<40x240xf32> to vector<32x224xf32>
    %slice3A_855 = vector.extract_strided_slice %concatenate3A_90 {offsets = [2, 7], sizes = [32, 224], strides = [1, 1]} : vector<40x240xf32> to vector<32x224xf32>
    %sub3A_856 = arith.subf %get3A_110, %slice3A_853 : vector<32x224xf32>
    %sub3A_857 = arith.subf %get3A_116, %slice3A_854 : vector<32x224xf32>
    %sub3A_858 = arith.subf %get3A_122, %slice3A_855 : vector<32x224xf32>
    %mul3A_859 = arith.mulf %sub3A_856, %sub3A_856 : vector<32x224xf32>
    %mul3A_860 = arith.mulf %sub3A_857, %sub3A_857 : vector<32x224xf32>
    %add3A_861 = arith.addf %mul3A_859, %mul3A_860 : vector<32x224xf32>
    %mul3A_862 = arith.mulf %sub3A_858, %sub3A_858 : vector<32x224xf32>
    %add3A_863 = arith.addf %add3A_861, %mul3A_862 : vector<32x224xf32>
    %le3A_864 = arith.cmpf ole, %add3A_863, %select_n3A : vector<32x224xf32>
    %jit3A_865 = arith.constant 1.000000e+00 : f32
    %jit3A_866 = arith.constant 0.000000e+00 : f32
    %broadcast_in_dim3A_867 = vector.broadcast %jit3A_865 : f32 to vector<32x224xf32>
    %broadcast_in_dim3A_868 = vector.broadcast %jit3A_866 : f32 to vector<32x224xf32>
    %select_n3A_869 = arith.select %le3A_864, %broadcast_in_dim3A_867, %broadcast_in_dim3A_868 : vector<32x224xi1>, vector<32x224xf32>
    %add3A_870 = arith.addf %add3A_837, %select_n3A_869 : vector<32x224xf32>
    %sub3A_871 = arith.subf %get3A_147, %slice3A_853 : vector<32x224xf32>
    %sub3A_872 = arith.subf %get3A_153, %slice3A_854 : vector<32x224xf32>
    %sub3A_873 = arith.subf %get3A_159, %slice3A_855 : vector<32x224xf32>
    %mul3A_874 = arith.mulf %sub3A_871, %sub3A_871 : vector<32x224xf32>
    %mul3A_875 = arith.mulf %sub3A_872, %sub3A_872 : vector<32x224xf32>
    %add3A_876 = arith.addf %mul3A_874, %mul3A_875 : vector<32x224xf32>
    %mul3A_877 = arith.mulf %sub3A_873, %sub3A_873 : vector<32x224xf32>
    %add3A_878 = arith.addf %add3A_876, %mul3A_877 : vector<32x224xf32>
    %le3A_879 = arith.cmpf ole, %add3A_878, %select_n3A_141 : vector<32x224xf32>
    %jit3A_880 = arith.constant 1.000000e+00 : f32
    %jit3A_881 = arith.constant 0.000000e+00 : f32
    %broadcast_in_dim3A_882 = vector.broadcast %jit3A_880 : f32 to vector<32x224xf32>
    %broadcast_in_dim3A_883 = vector.broadcast %jit3A_881 : f32 to vector<32x224xf32>
    %select_n3A_884 = arith.select %le3A_879, %broadcast_in_dim3A_882, %broadcast_in_dim3A_883 : vector<32x224xi1>, vector<32x224xf32>
    %add3A_885 = arith.addf %add3A_852, %select_n3A_884 : vector<32x224xf32>
    %slice3A_886 = vector.extract_strided_slice %concatenate3A {offsets = [2, 8], sizes = [32, 224], strides = [1, 1]} : vector<40x240xf32> to vector<32x224xf32>
    %slice3A_887 = vector.extract_strided_slice %concatenate3A_59 {offsets = [2, 8], sizes = [32, 224], strides = [1, 1]} : vector<40x240xf32> to vector<32x224xf32>
    %slice3A_888 = vector.extract_strided_slice %concatenate3A_90 {offsets = [2, 8], sizes = [32, 224], strides = [1, 1]} : vector<40x240xf32> to vector<32x224xf32>
    %sub3A_889 = arith.subf %get3A_110, %slice3A_886 : vector<32x224xf32>
    %sub3A_890 = arith.subf %get3A_116, %slice3A_887 : vector<32x224xf32>
    %sub3A_891 = arith.subf %get3A_122, %slice3A_888 : vector<32x224xf32>
    %mul3A_892 = arith.mulf %sub3A_889, %sub3A_889 : vector<32x224xf32>
    %mul3A_893 = arith.mulf %sub3A_890, %sub3A_890 : vector<32x224xf32>
    %add3A_894 = arith.addf %mul3A_892, %mul3A_893 : vector<32x224xf32>
    %mul3A_895 = arith.mulf %sub3A_891, %sub3A_891 : vector<32x224xf32>
    %add3A_896 = arith.addf %add3A_894, %mul3A_895 : vector<32x224xf32>
    %le3A_897 = arith.cmpf ole, %add3A_896, %select_n3A : vector<32x224xf32>
    %jit3A_898 = arith.constant 1.000000e+00 : f32
    %jit3A_899 = arith.constant 0.000000e+00 : f32
    %broadcast_in_dim3A_900 = vector.broadcast %jit3A_898 : f32 to vector<32x224xf32>
    %broadcast_in_dim3A_901 = vector.broadcast %jit3A_899 : f32 to vector<32x224xf32>
    %select_n3A_902 = arith.select %le3A_897, %broadcast_in_dim3A_900, %broadcast_in_dim3A_901 : vector<32x224xi1>, vector<32x224xf32>
    %add3A_903 = arith.addf %add3A_870, %select_n3A_902 : vector<32x224xf32>
    %sub3A_904 = arith.subf %get3A_147, %slice3A_886 : vector<32x224xf32>
    %sub3A_905 = arith.subf %get3A_153, %slice3A_887 : vector<32x224xf32>
    %sub3A_906 = arith.subf %get3A_159, %slice3A_888 : vector<32x224xf32>
    %mul3A_907 = arith.mulf %sub3A_904, %sub3A_904 : vector<32x224xf32>
    %mul3A_908 = arith.mulf %sub3A_905, %sub3A_905 : vector<32x224xf32>
    %add3A_909 = arith.addf %mul3A_907, %mul3A_908 : vector<32x224xf32>
    %mul3A_910 = arith.mulf %sub3A_906, %sub3A_906 : vector<32x224xf32>
    %add3A_911 = arith.addf %add3A_909, %mul3A_910 : vector<32x224xf32>
    %le3A_912 = arith.cmpf ole, %add3A_911, %select_n3A_141 : vector<32x224xf32>
    %jit3A_913 = arith.constant 1.000000e+00 : f32
    %jit3A_914 = arith.constant 0.000000e+00 : f32
    %broadcast_in_dim3A_915 = vector.broadcast %jit3A_913 : f32 to vector<32x224xf32>
    %broadcast_in_dim3A_916 = vector.broadcast %jit3A_914 : f32 to vector<32x224xf32>
    %select_n3A_917 = arith.select %le3A_912, %broadcast_in_dim3A_915, %broadcast_in_dim3A_916 : vector<32x224xi1>, vector<32x224xf32>
    %add3A_918 = arith.addf %add3A_885, %select_n3A_917 : vector<32x224xf32>
    %slice3A_919 = vector.extract_strided_slice %concatenate3A {offsets = [2, 9], sizes = [32, 224], strides = [1, 1]} : vector<40x240xf32> to vector<32x224xf32>
    %slice3A_920 = vector.extract_strided_slice %concatenate3A_59 {offsets = [2, 9], sizes = [32, 224], strides = [1, 1]} : vector<40x240xf32> to vector<32x224xf32>
    %slice3A_921 = vector.extract_strided_slice %concatenate3A_90 {offsets = [2, 9], sizes = [32, 224], strides = [1, 1]} : vector<40x240xf32> to vector<32x224xf32>
    %sub3A_922 = arith.subf %get3A_110, %slice3A_919 : vector<32x224xf32>
    %sub3A_923 = arith.subf %get3A_116, %slice3A_920 : vector<32x224xf32>
    %sub3A_924 = arith.subf %get3A_122, %slice3A_921 : vector<32x224xf32>
    %mul3A_925 = arith.mulf %sub3A_922, %sub3A_922 : vector<32x224xf32>
    %mul3A_926 = arith.mulf %sub3A_923, %sub3A_923 : vector<32x224xf32>
    %add3A_927 = arith.addf %mul3A_925, %mul3A_926 : vector<32x224xf32>
    %mul3A_928 = arith.mulf %sub3A_924, %sub3A_924 : vector<32x224xf32>
    %add3A_929 = arith.addf %add3A_927, %mul3A_928 : vector<32x224xf32>
    %le3A_930 = arith.cmpf ole, %add3A_929, %select_n3A : vector<32x224xf32>
    %jit3A_931 = arith.constant 1.000000e+00 : f32
    %jit3A_932 = arith.constant 0.000000e+00 : f32
    %broadcast_in_dim3A_933 = vector.broadcast %jit3A_931 : f32 to vector<32x224xf32>
    %broadcast_in_dim3A_934 = vector.broadcast %jit3A_932 : f32 to vector<32x224xf32>
    %select_n3A_935 = arith.select %le3A_930, %broadcast_in_dim3A_933, %broadcast_in_dim3A_934 : vector<32x224xi1>, vector<32x224xf32>
    %add3A_936 = arith.addf %add3A_903, %select_n3A_935 : vector<32x224xf32>
    %sub3A_937 = arith.subf %get3A_147, %slice3A_919 : vector<32x224xf32>
    %sub3A_938 = arith.subf %get3A_153, %slice3A_920 : vector<32x224xf32>
    %sub3A_939 = arith.subf %get3A_159, %slice3A_921 : vector<32x224xf32>
    %mul3A_940 = arith.mulf %sub3A_937, %sub3A_937 : vector<32x224xf32>
    %mul3A_941 = arith.mulf %sub3A_938, %sub3A_938 : vector<32x224xf32>
    %add3A_942 = arith.addf %mul3A_940, %mul3A_941 : vector<32x224xf32>
    %mul3A_943 = arith.mulf %sub3A_939, %sub3A_939 : vector<32x224xf32>
    %add3A_944 = arith.addf %add3A_942, %mul3A_943 : vector<32x224xf32>
    %le3A_945 = arith.cmpf ole, %add3A_944, %select_n3A_141 : vector<32x224xf32>
    %jit3A_946 = arith.constant 1.000000e+00 : f32
    %jit3A_947 = arith.constant 0.000000e+00 : f32
    %broadcast_in_dim3A_948 = vector.broadcast %jit3A_946 : f32 to vector<32x224xf32>
    %broadcast_in_dim3A_949 = vector.broadcast %jit3A_947 : f32 to vector<32x224xf32>
    %select_n3A_950 = arith.select %le3A_945, %broadcast_in_dim3A_948, %broadcast_in_dim3A_949 : vector<32x224xi1>, vector<32x224xf32>
    %add3A_951 = arith.addf %add3A_918, %select_n3A_950 : vector<32x224xf32>
    %slice3A_952 = vector.extract_strided_slice %concatenate3A {offsets = [2, 10], sizes = [32, 224], strides = [1, 1]} : vector<40x240xf32> to vector<32x224xf32>
    %slice3A_953 = vector.extract_strided_slice %concatenate3A_59 {offsets = [2, 10], sizes = [32, 224], strides = [1, 1]} : vector<40x240xf32> to vector<32x224xf32>
    %slice3A_954 = vector.extract_strided_slice %concatenate3A_90 {offsets = [2, 10], sizes = [32, 224], strides = [1, 1]} : vector<40x240xf32> to vector<32x224xf32>
    %sub3A_955 = arith.subf %get3A_110, %slice3A_952 : vector<32x224xf32>
    %sub3A_956 = arith.subf %get3A_116, %slice3A_953 : vector<32x224xf32>
    %sub3A_957 = arith.subf %get3A_122, %slice3A_954 : vector<32x224xf32>
    %mul3A_958 = arith.mulf %sub3A_955, %sub3A_955 : vector<32x224xf32>
    %mul3A_959 = arith.mulf %sub3A_956, %sub3A_956 : vector<32x224xf32>
    %add3A_960 = arith.addf %mul3A_958, %mul3A_959 : vector<32x224xf32>
    %mul3A_961 = arith.mulf %sub3A_957, %sub3A_957 : vector<32x224xf32>
    %add3A_962 = arith.addf %add3A_960, %mul3A_961 : vector<32x224xf32>
    %le3A_963 = arith.cmpf ole, %add3A_962, %select_n3A : vector<32x224xf32>
    %jit3A_964 = arith.constant 1.000000e+00 : f32
    %jit3A_965 = arith.constant 0.000000e+00 : f32
    %broadcast_in_dim3A_966 = vector.broadcast %jit3A_964 : f32 to vector<32x224xf32>
    %broadcast_in_dim3A_967 = vector.broadcast %jit3A_965 : f32 to vector<32x224xf32>
    %select_n3A_968 = arith.select %le3A_963, %broadcast_in_dim3A_966, %broadcast_in_dim3A_967 : vector<32x224xi1>, vector<32x224xf32>
    %add3A_969 = arith.addf %add3A_936, %select_n3A_968 : vector<32x224xf32>
    %sub3A_970 = arith.subf %get3A_147, %slice3A_952 : vector<32x224xf32>
    %sub3A_971 = arith.subf %get3A_153, %slice3A_953 : vector<32x224xf32>
    %sub3A_972 = arith.subf %get3A_159, %slice3A_954 : vector<32x224xf32>
    %mul3A_973 = arith.mulf %sub3A_970, %sub3A_970 : vector<32x224xf32>
    %mul3A_974 = arith.mulf %sub3A_971, %sub3A_971 : vector<32x224xf32>
    %add3A_975 = arith.addf %mul3A_973, %mul3A_974 : vector<32x224xf32>
    %mul3A_976 = arith.mulf %sub3A_972, %sub3A_972 : vector<32x224xf32>
    %add3A_977 = arith.addf %add3A_975, %mul3A_976 : vector<32x224xf32>
    %le3A_978 = arith.cmpf ole, %add3A_977, %select_n3A_141 : vector<32x224xf32>
    %jit3A_979 = arith.constant 1.000000e+00 : f32
    %jit3A_980 = arith.constant 0.000000e+00 : f32
    %broadcast_in_dim3A_981 = vector.broadcast %jit3A_979 : f32 to vector<32x224xf32>
    %broadcast_in_dim3A_982 = vector.broadcast %jit3A_980 : f32 to vector<32x224xf32>
    %select_n3A_983 = arith.select %le3A_978, %broadcast_in_dim3A_981, %broadcast_in_dim3A_982 : vector<32x224xi1>, vector<32x224xf32>
    %add3A_984 = arith.addf %add3A_951, %select_n3A_983 : vector<32x224xf32>
    %slice3A_985 = vector.extract_strided_slice %concatenate3A {offsets = [2, 11], sizes = [32, 224], strides = [1, 1]} : vector<40x240xf32> to vector<32x224xf32>
    %slice3A_986 = vector.extract_strided_slice %concatenate3A_59 {offsets = [2, 11], sizes = [32, 224], strides = [1, 1]} : vector<40x240xf32> to vector<32x224xf32>
    %slice3A_987 = vector.extract_strided_slice %concatenate3A_90 {offsets = [2, 11], sizes = [32, 224], strides = [1, 1]} : vector<40x240xf32> to vector<32x224xf32>
    %sub3A_988 = arith.subf %get3A_110, %slice3A_985 : vector<32x224xf32>
    %sub3A_989 = arith.subf %get3A_116, %slice3A_986 : vector<32x224xf32>
    %sub3A_990 = arith.subf %get3A_122, %slice3A_987 : vector<32x224xf32>
    %mul3A_991 = arith.mulf %sub3A_988, %sub3A_988 : vector<32x224xf32>
    %mul3A_992 = arith.mulf %sub3A_989, %sub3A_989 : vector<32x224xf32>
    %add3A_993 = arith.addf %mul3A_991, %mul3A_992 : vector<32x224xf32>
    %mul3A_994 = arith.mulf %sub3A_990, %sub3A_990 : vector<32x224xf32>
    %add3A_995 = arith.addf %add3A_993, %mul3A_994 : vector<32x224xf32>
    %le3A_996 = arith.cmpf ole, %add3A_995, %select_n3A : vector<32x224xf32>
    %jit3A_997 = arith.constant 1.000000e+00 : f32
    %jit3A_998 = arith.constant 0.000000e+00 : f32
    %broadcast_in_dim3A_999 = vector.broadcast %jit3A_997 : f32 to vector<32x224xf32>
    %broadcast_in_dim3A_1000 = vector.broadcast %jit3A_998 : f32 to vector<32x224xf32>
    %select_n3A_1001 = arith.select %le3A_996, %broadcast_in_dim3A_999, %broadcast_in_dim3A_1000 : vector<32x224xi1>, vector<32x224xf32>
    %add3A_1002 = arith.addf %add3A_969, %select_n3A_1001 : vector<32x224xf32>
    %sub3A_1003 = arith.subf %get3A_147, %slice3A_985 : vector<32x224xf32>
    %sub3A_1004 = arith.subf %get3A_153, %slice3A_986 : vector<32x224xf32>
    %sub3A_1005 = arith.subf %get3A_159, %slice3A_987 : vector<32x224xf32>
    %mul3A_1006 = arith.mulf %sub3A_1003, %sub3A_1003 : vector<32x224xf32>
    %mul3A_1007 = arith.mulf %sub3A_1004, %sub3A_1004 : vector<32x224xf32>
    %add3A_1008 = arith.addf %mul3A_1006, %mul3A_1007 : vector<32x224xf32>
    %mul3A_1009 = arith.mulf %sub3A_1005, %sub3A_1005 : vector<32x224xf32>
    %add3A_1010 = arith.addf %add3A_1008, %mul3A_1009 : vector<32x224xf32>
    %le3A_1011 = arith.cmpf ole, %add3A_1010, %select_n3A_141 : vector<32x224xf32>
    %jit3A_1012 = arith.constant 1.000000e+00 : f32
    %jit3A_1013 = arith.constant 0.000000e+00 : f32
    %broadcast_in_dim3A_1014 = vector.broadcast %jit3A_1012 : f32 to vector<32x224xf32>
    %broadcast_in_dim3A_1015 = vector.broadcast %jit3A_1013 : f32 to vector<32x224xf32>
    %select_n3A_1016 = arith.select %le3A_1011, %broadcast_in_dim3A_1014, %broadcast_in_dim3A_1015 : vector<32x224xi1>, vector<32x224xf32>
    %add3A_1017 = arith.addf %add3A_984, %select_n3A_1016 : vector<32x224xf32>
    %slice3A_1018 = vector.extract_strided_slice %concatenate3A {offsets = [2, 12], sizes = [32, 224], strides = [1, 1]} : vector<40x240xf32> to vector<32x224xf32>
    %slice3A_1019 = vector.extract_strided_slice %concatenate3A_59 {offsets = [2, 12], sizes = [32, 224], strides = [1, 1]} : vector<40x240xf32> to vector<32x224xf32>
    %slice3A_1020 = vector.extract_strided_slice %concatenate3A_90 {offsets = [2, 12], sizes = [32, 224], strides = [1, 1]} : vector<40x240xf32> to vector<32x224xf32>
    %sub3A_1021 = arith.subf %get3A_110, %slice3A_1018 : vector<32x224xf32>
    %sub3A_1022 = arith.subf %get3A_116, %slice3A_1019 : vector<32x224xf32>
    %sub3A_1023 = arith.subf %get3A_122, %slice3A_1020 : vector<32x224xf32>
    %mul3A_1024 = arith.mulf %sub3A_1021, %sub3A_1021 : vector<32x224xf32>
    %mul3A_1025 = arith.mulf %sub3A_1022, %sub3A_1022 : vector<32x224xf32>
    %add3A_1026 = arith.addf %mul3A_1024, %mul3A_1025 : vector<32x224xf32>
    %mul3A_1027 = arith.mulf %sub3A_1023, %sub3A_1023 : vector<32x224xf32>
    %add3A_1028 = arith.addf %add3A_1026, %mul3A_1027 : vector<32x224xf32>
    %le3A_1029 = arith.cmpf ole, %add3A_1028, %select_n3A : vector<32x224xf32>
    %jit3A_1030 = arith.constant 1.000000e+00 : f32
    %jit3A_1031 = arith.constant 0.000000e+00 : f32
    %broadcast_in_dim3A_1032 = vector.broadcast %jit3A_1030 : f32 to vector<32x224xf32>
    %broadcast_in_dim3A_1033 = vector.broadcast %jit3A_1031 : f32 to vector<32x224xf32>
    %select_n3A_1034 = arith.select %le3A_1029, %broadcast_in_dim3A_1032, %broadcast_in_dim3A_1033 : vector<32x224xi1>, vector<32x224xf32>
    %add3A_1035 = arith.addf %add3A_1002, %select_n3A_1034 : vector<32x224xf32>
    %sub3A_1036 = arith.subf %get3A_147, %slice3A_1018 : vector<32x224xf32>
    %sub3A_1037 = arith.subf %get3A_153, %slice3A_1019 : vector<32x224xf32>
    %sub3A_1038 = arith.subf %get3A_159, %slice3A_1020 : vector<32x224xf32>
    %mul3A_1039 = arith.mulf %sub3A_1036, %sub3A_1036 : vector<32x224xf32>
    %mul3A_1040 = arith.mulf %sub3A_1037, %sub3A_1037 : vector<32x224xf32>
    %add3A_1041 = arith.addf %mul3A_1039, %mul3A_1040 : vector<32x224xf32>
    %mul3A_1042 = arith.mulf %sub3A_1038, %sub3A_1038 : vector<32x224xf32>
    %add3A_1043 = arith.addf %add3A_1041, %mul3A_1042 : vector<32x224xf32>
    %le3A_1044 = arith.cmpf ole, %add3A_1043, %select_n3A_141 : vector<32x224xf32>
    %jit3A_1045 = arith.constant 1.000000e+00 : f32
    %jit3A_1046 = arith.constant 0.000000e+00 : f32
    %broadcast_in_dim3A_1047 = vector.broadcast %jit3A_1045 : f32 to vector<32x224xf32>
    %broadcast_in_dim3A_1048 = vector.broadcast %jit3A_1046 : f32 to vector<32x224xf32>
    %select_n3A_1049 = arith.select %le3A_1044, %broadcast_in_dim3A_1047, %broadcast_in_dim3A_1048 : vector<32x224xi1>, vector<32x224xf32>
    %add3A_1050 = arith.addf %add3A_1017, %select_n3A_1049 : vector<32x224xf32>
    %slice3A_1051 = vector.extract_strided_slice %concatenate3A {offsets = [3, 4], sizes = [32, 224], strides = [1, 1]} : vector<40x240xf32> to vector<32x224xf32>
    %slice3A_1052 = vector.extract_strided_slice %concatenate3A_59 {offsets = [3, 4], sizes = [32, 224], strides = [1, 1]} : vector<40x240xf32> to vector<32x224xf32>
    %slice3A_1053 = vector.extract_strided_slice %concatenate3A_90 {offsets = [3, 4], sizes = [32, 224], strides = [1, 1]} : vector<40x240xf32> to vector<32x224xf32>
    %sub3A_1054 = arith.subf %get3A_110, %slice3A_1051 : vector<32x224xf32>
    %sub3A_1055 = arith.subf %get3A_116, %slice3A_1052 : vector<32x224xf32>
    %sub3A_1056 = arith.subf %get3A_122, %slice3A_1053 : vector<32x224xf32>
    %mul3A_1057 = arith.mulf %sub3A_1054, %sub3A_1054 : vector<32x224xf32>
    %mul3A_1058 = arith.mulf %sub3A_1055, %sub3A_1055 : vector<32x224xf32>
    %add3A_1059 = arith.addf %mul3A_1057, %mul3A_1058 : vector<32x224xf32>
    %mul3A_1060 = arith.mulf %sub3A_1056, %sub3A_1056 : vector<32x224xf32>
    %add3A_1061 = arith.addf %add3A_1059, %mul3A_1060 : vector<32x224xf32>
    %le3A_1062 = arith.cmpf ole, %add3A_1061, %select_n3A : vector<32x224xf32>
    %jit3A_1063 = arith.constant 1.000000e+00 : f32
    %jit3A_1064 = arith.constant 0.000000e+00 : f32
    %broadcast_in_dim3A_1065 = vector.broadcast %jit3A_1063 : f32 to vector<32x224xf32>
    %broadcast_in_dim3A_1066 = vector.broadcast %jit3A_1064 : f32 to vector<32x224xf32>
    %select_n3A_1067 = arith.select %le3A_1062, %broadcast_in_dim3A_1065, %broadcast_in_dim3A_1066 : vector<32x224xi1>, vector<32x224xf32>
    %add3A_1068 = arith.addf %add3A_1035, %select_n3A_1067 : vector<32x224xf32>
    %sub3A_1069 = arith.subf %get3A_147, %slice3A_1051 : vector<32x224xf32>
    %sub3A_1070 = arith.subf %get3A_153, %slice3A_1052 : vector<32x224xf32>
    %sub3A_1071 = arith.subf %get3A_159, %slice3A_1053 : vector<32x224xf32>
    %mul3A_1072 = arith.mulf %sub3A_1069, %sub3A_1069 : vector<32x224xf32>
    %mul3A_1073 = arith.mulf %sub3A_1070, %sub3A_1070 : vector<32x224xf32>
    %add3A_1074 = arith.addf %mul3A_1072, %mul3A_1073 : vector<32x224xf32>
    %mul3A_1075 = arith.mulf %sub3A_1071, %sub3A_1071 : vector<32x224xf32>
    %add3A_1076 = arith.addf %add3A_1074, %mul3A_1075 : vector<32x224xf32>
    %le3A_1077 = arith.cmpf ole, %add3A_1076, %select_n3A_141 : vector<32x224xf32>
    %jit3A_1078 = arith.constant 1.000000e+00 : f32
    %jit3A_1079 = arith.constant 0.000000e+00 : f32
    %broadcast_in_dim3A_1080 = vector.broadcast %jit3A_1078 : f32 to vector<32x224xf32>
    %broadcast_in_dim3A_1081 = vector.broadcast %jit3A_1079 : f32 to vector<32x224xf32>
    %select_n3A_1082 = arith.select %le3A_1077, %broadcast_in_dim3A_1080, %broadcast_in_dim3A_1081 : vector<32x224xi1>, vector<32x224xf32>
    %add3A_1083 = arith.addf %add3A_1050, %select_n3A_1082 : vector<32x224xf32>
    %slice3A_1084 = vector.extract_strided_slice %concatenate3A {offsets = [3, 5], sizes = [32, 224], strides = [1, 1]} : vector<40x240xf32> to vector<32x224xf32>
    %slice3A_1085 = vector.extract_strided_slice %concatenate3A_59 {offsets = [3, 5], sizes = [32, 224], strides = [1, 1]} : vector<40x240xf32> to vector<32x224xf32>
    %slice3A_1086 = vector.extract_strided_slice %concatenate3A_90 {offsets = [3, 5], sizes = [32, 224], strides = [1, 1]} : vector<40x240xf32> to vector<32x224xf32>
    %sub3A_1087 = arith.subf %get3A_110, %slice3A_1084 : vector<32x224xf32>
    %sub3A_1088 = arith.subf %get3A_116, %slice3A_1085 : vector<32x224xf32>
    %sub3A_1089 = arith.subf %get3A_122, %slice3A_1086 : vector<32x224xf32>
    %mul3A_1090 = arith.mulf %sub3A_1087, %sub3A_1087 : vector<32x224xf32>
    %mul3A_1091 = arith.mulf %sub3A_1088, %sub3A_1088 : vector<32x224xf32>
    %add3A_1092 = arith.addf %mul3A_1090, %mul3A_1091 : vector<32x224xf32>
    %mul3A_1093 = arith.mulf %sub3A_1089, %sub3A_1089 : vector<32x224xf32>
    %add3A_1094 = arith.addf %add3A_1092, %mul3A_1093 : vector<32x224xf32>
    %le3A_1095 = arith.cmpf ole, %add3A_1094, %select_n3A : vector<32x224xf32>
    %jit3A_1096 = arith.constant 1.000000e+00 : f32
    %jit3A_1097 = arith.constant 0.000000e+00 : f32
    %broadcast_in_dim3A_1098 = vector.broadcast %jit3A_1096 : f32 to vector<32x224xf32>
    %broadcast_in_dim3A_1099 = vector.broadcast %jit3A_1097 : f32 to vector<32x224xf32>
    %select_n3A_1100 = arith.select %le3A_1095, %broadcast_in_dim3A_1098, %broadcast_in_dim3A_1099 : vector<32x224xi1>, vector<32x224xf32>
    %add3A_1101 = arith.addf %add3A_1068, %select_n3A_1100 : vector<32x224xf32>
    %sub3A_1102 = arith.subf %get3A_147, %slice3A_1084 : vector<32x224xf32>
    %sub3A_1103 = arith.subf %get3A_153, %slice3A_1085 : vector<32x224xf32>
    %sub3A_1104 = arith.subf %get3A_159, %slice3A_1086 : vector<32x224xf32>
    %mul3A_1105 = arith.mulf %sub3A_1102, %sub3A_1102 : vector<32x224xf32>
    %mul3A_1106 = arith.mulf %sub3A_1103, %sub3A_1103 : vector<32x224xf32>
    %add3A_1107 = arith.addf %mul3A_1105, %mul3A_1106 : vector<32x224xf32>
    %mul3A_1108 = arith.mulf %sub3A_1104, %sub3A_1104 : vector<32x224xf32>
    %add3A_1109 = arith.addf %add3A_1107, %mul3A_1108 : vector<32x224xf32>
    %le3A_1110 = arith.cmpf ole, %add3A_1109, %select_n3A_141 : vector<32x224xf32>
    %jit3A_1111 = arith.constant 1.000000e+00 : f32
    %jit3A_1112 = arith.constant 0.000000e+00 : f32
    %broadcast_in_dim3A_1113 = vector.broadcast %jit3A_1111 : f32 to vector<32x224xf32>
    %broadcast_in_dim3A_1114 = vector.broadcast %jit3A_1112 : f32 to vector<32x224xf32>
    %select_n3A_1115 = arith.select %le3A_1110, %broadcast_in_dim3A_1113, %broadcast_in_dim3A_1114 : vector<32x224xi1>, vector<32x224xf32>
    %add3A_1116 = arith.addf %add3A_1083, %select_n3A_1115 : vector<32x224xf32>
    %slice3A_1117 = vector.extract_strided_slice %concatenate3A {offsets = [3, 6], sizes = [32, 224], strides = [1, 1]} : vector<40x240xf32> to vector<32x224xf32>
    %slice3A_1118 = vector.extract_strided_slice %concatenate3A_59 {offsets = [3, 6], sizes = [32, 224], strides = [1, 1]} : vector<40x240xf32> to vector<32x224xf32>
    %slice3A_1119 = vector.extract_strided_slice %concatenate3A_90 {offsets = [3, 6], sizes = [32, 224], strides = [1, 1]} : vector<40x240xf32> to vector<32x224xf32>
    %sub3A_1120 = arith.subf %get3A_110, %slice3A_1117 : vector<32x224xf32>
    %sub3A_1121 = arith.subf %get3A_116, %slice3A_1118 : vector<32x224xf32>
    %sub3A_1122 = arith.subf %get3A_122, %slice3A_1119 : vector<32x224xf32>
    %mul3A_1123 = arith.mulf %sub3A_1120, %sub3A_1120 : vector<32x224xf32>
    %mul3A_1124 = arith.mulf %sub3A_1121, %sub3A_1121 : vector<32x224xf32>
    %add3A_1125 = arith.addf %mul3A_1123, %mul3A_1124 : vector<32x224xf32>
    %mul3A_1126 = arith.mulf %sub3A_1122, %sub3A_1122 : vector<32x224xf32>
    %add3A_1127 = arith.addf %add3A_1125, %mul3A_1126 : vector<32x224xf32>
    %le3A_1128 = arith.cmpf ole, %add3A_1127, %select_n3A : vector<32x224xf32>
    %jit3A_1129 = arith.constant 1.000000e+00 : f32
    %jit3A_1130 = arith.constant 0.000000e+00 : f32
    %broadcast_in_dim3A_1131 = vector.broadcast %jit3A_1129 : f32 to vector<32x224xf32>
    %broadcast_in_dim3A_1132 = vector.broadcast %jit3A_1130 : f32 to vector<32x224xf32>
    %select_n3A_1133 = arith.select %le3A_1128, %broadcast_in_dim3A_1131, %broadcast_in_dim3A_1132 : vector<32x224xi1>, vector<32x224xf32>
    %add3A_1134 = arith.addf %add3A_1101, %select_n3A_1133 : vector<32x224xf32>
    %sub3A_1135 = arith.subf %get3A_147, %slice3A_1117 : vector<32x224xf32>
    %sub3A_1136 = arith.subf %get3A_153, %slice3A_1118 : vector<32x224xf32>
    %sub3A_1137 = arith.subf %get3A_159, %slice3A_1119 : vector<32x224xf32>
    %mul3A_1138 = arith.mulf %sub3A_1135, %sub3A_1135 : vector<32x224xf32>
    %mul3A_1139 = arith.mulf %sub3A_1136, %sub3A_1136 : vector<32x224xf32>
    %add3A_1140 = arith.addf %mul3A_1138, %mul3A_1139 : vector<32x224xf32>
    %mul3A_1141 = arith.mulf %sub3A_1137, %sub3A_1137 : vector<32x224xf32>
    %add3A_1142 = arith.addf %add3A_1140, %mul3A_1141 : vector<32x224xf32>
    %le3A_1143 = arith.cmpf ole, %add3A_1142, %select_n3A_141 : vector<32x224xf32>
    %jit3A_1144 = arith.constant 1.000000e+00 : f32
    %jit3A_1145 = arith.constant 0.000000e+00 : f32
    %broadcast_in_dim3A_1146 = vector.broadcast %jit3A_1144 : f32 to vector<32x224xf32>
    %broadcast_in_dim3A_1147 = vector.broadcast %jit3A_1145 : f32 to vector<32x224xf32>
    %select_n3A_1148 = arith.select %le3A_1143, %broadcast_in_dim3A_1146, %broadcast_in_dim3A_1147 : vector<32x224xi1>, vector<32x224xf32>
    %add3A_1149 = arith.addf %add3A_1116, %select_n3A_1148 : vector<32x224xf32>
    %slice3A_1150 = vector.extract_strided_slice %concatenate3A {offsets = [3, 7], sizes = [32, 224], strides = [1, 1]} : vector<40x240xf32> to vector<32x224xf32>
    %slice3A_1151 = vector.extract_strided_slice %concatenate3A_59 {offsets = [3, 7], sizes = [32, 224], strides = [1, 1]} : vector<40x240xf32> to vector<32x224xf32>
    %slice3A_1152 = vector.extract_strided_slice %concatenate3A_90 {offsets = [3, 7], sizes = [32, 224], strides = [1, 1]} : vector<40x240xf32> to vector<32x224xf32>
    %sub3A_1153 = arith.subf %get3A_110, %slice3A_1150 : vector<32x224xf32>
    %sub3A_1154 = arith.subf %get3A_116, %slice3A_1151 : vector<32x224xf32>
    %sub3A_1155 = arith.subf %get3A_122, %slice3A_1152 : vector<32x224xf32>
    %mul3A_1156 = arith.mulf %sub3A_1153, %sub3A_1153 : vector<32x224xf32>
    %mul3A_1157 = arith.mulf %sub3A_1154, %sub3A_1154 : vector<32x224xf32>
    %add3A_1158 = arith.addf %mul3A_1156, %mul3A_1157 : vector<32x224xf32>
    %mul3A_1159 = arith.mulf %sub3A_1155, %sub3A_1155 : vector<32x224xf32>
    %add3A_1160 = arith.addf %add3A_1158, %mul3A_1159 : vector<32x224xf32>
    %le3A_1161 = arith.cmpf ole, %add3A_1160, %select_n3A : vector<32x224xf32>
    %jit3A_1162 = arith.constant 1.000000e+00 : f32
    %jit3A_1163 = arith.constant 0.000000e+00 : f32
    %broadcast_in_dim3A_1164 = vector.broadcast %jit3A_1162 : f32 to vector<32x224xf32>
    %broadcast_in_dim3A_1165 = vector.broadcast %jit3A_1163 : f32 to vector<32x224xf32>
    %select_n3A_1166 = arith.select %le3A_1161, %broadcast_in_dim3A_1164, %broadcast_in_dim3A_1165 : vector<32x224xi1>, vector<32x224xf32>
    %add3A_1167 = arith.addf %add3A_1134, %select_n3A_1166 : vector<32x224xf32>
    %sub3A_1168 = arith.subf %get3A_147, %slice3A_1150 : vector<32x224xf32>
    %sub3A_1169 = arith.subf %get3A_153, %slice3A_1151 : vector<32x224xf32>
    %sub3A_1170 = arith.subf %get3A_159, %slice3A_1152 : vector<32x224xf32>
    %mul3A_1171 = arith.mulf %sub3A_1168, %sub3A_1168 : vector<32x224xf32>
    %mul3A_1172 = arith.mulf %sub3A_1169, %sub3A_1169 : vector<32x224xf32>
    %add3A_1173 = arith.addf %mul3A_1171, %mul3A_1172 : vector<32x224xf32>
    %mul3A_1174 = arith.mulf %sub3A_1170, %sub3A_1170 : vector<32x224xf32>
    %add3A_1175 = arith.addf %add3A_1173, %mul3A_1174 : vector<32x224xf32>
    %le3A_1176 = arith.cmpf ole, %add3A_1175, %select_n3A_141 : vector<32x224xf32>
    %jit3A_1177 = arith.constant 1.000000e+00 : f32
    %jit3A_1178 = arith.constant 0.000000e+00 : f32
    %broadcast_in_dim3A_1179 = vector.broadcast %jit3A_1177 : f32 to vector<32x224xf32>
    %broadcast_in_dim3A_1180 = vector.broadcast %jit3A_1178 : f32 to vector<32x224xf32>
    %select_n3A_1181 = arith.select %le3A_1176, %broadcast_in_dim3A_1179, %broadcast_in_dim3A_1180 : vector<32x224xi1>, vector<32x224xf32>
    %add3A_1182 = arith.addf %add3A_1149, %select_n3A_1181 : vector<32x224xf32>
    %slice3A_1183 = vector.extract_strided_slice %concatenate3A {offsets = [3, 8], sizes = [32, 224], strides = [1, 1]} : vector<40x240xf32> to vector<32x224xf32>
    %slice3A_1184 = vector.extract_strided_slice %concatenate3A_59 {offsets = [3, 8], sizes = [32, 224], strides = [1, 1]} : vector<40x240xf32> to vector<32x224xf32>
    %slice3A_1185 = vector.extract_strided_slice %concatenate3A_90 {offsets = [3, 8], sizes = [32, 224], strides = [1, 1]} : vector<40x240xf32> to vector<32x224xf32>
    %sub3A_1186 = arith.subf %get3A_110, %slice3A_1183 : vector<32x224xf32>
    %sub3A_1187 = arith.subf %get3A_116, %slice3A_1184 : vector<32x224xf32>
    %sub3A_1188 = arith.subf %get3A_122, %slice3A_1185 : vector<32x224xf32>
    %mul3A_1189 = arith.mulf %sub3A_1186, %sub3A_1186 : vector<32x224xf32>
    %mul3A_1190 = arith.mulf %sub3A_1187, %sub3A_1187 : vector<32x224xf32>
    %add3A_1191 = arith.addf %mul3A_1189, %mul3A_1190 : vector<32x224xf32>
    %mul3A_1192 = arith.mulf %sub3A_1188, %sub3A_1188 : vector<32x224xf32>
    %add3A_1193 = arith.addf %add3A_1191, %mul3A_1192 : vector<32x224xf32>
    %le3A_1194 = arith.cmpf ole, %add3A_1193, %select_n3A : vector<32x224xf32>
    %jit3A_1195 = arith.constant 1.000000e+00 : f32
    %jit3A_1196 = arith.constant 0.000000e+00 : f32
    %broadcast_in_dim3A_1197 = vector.broadcast %jit3A_1195 : f32 to vector<32x224xf32>
    %broadcast_in_dim3A_1198 = vector.broadcast %jit3A_1196 : f32 to vector<32x224xf32>
    %select_n3A_1199 = arith.select %le3A_1194, %broadcast_in_dim3A_1197, %broadcast_in_dim3A_1198 : vector<32x224xi1>, vector<32x224xf32>
    %add3A_1200 = arith.addf %add3A_1167, %select_n3A_1199 : vector<32x224xf32>
    %sub3A_1201 = arith.subf %get3A_147, %slice3A_1183 : vector<32x224xf32>
    %sub3A_1202 = arith.subf %get3A_153, %slice3A_1184 : vector<32x224xf32>
    %sub3A_1203 = arith.subf %get3A_159, %slice3A_1185 : vector<32x224xf32>
    %mul3A_1204 = arith.mulf %sub3A_1201, %sub3A_1201 : vector<32x224xf32>
    %mul3A_1205 = arith.mulf %sub3A_1202, %sub3A_1202 : vector<32x224xf32>
    %add3A_1206 = arith.addf %mul3A_1204, %mul3A_1205 : vector<32x224xf32>
    %mul3A_1207 = arith.mulf %sub3A_1203, %sub3A_1203 : vector<32x224xf32>
    %add3A_1208 = arith.addf %add3A_1206, %mul3A_1207 : vector<32x224xf32>
    %le3A_1209 = arith.cmpf ole, %add3A_1208, %select_n3A_141 : vector<32x224xf32>
    %jit3A_1210 = arith.constant 1.000000e+00 : f32
    %jit3A_1211 = arith.constant 0.000000e+00 : f32
    %broadcast_in_dim3A_1212 = vector.broadcast %jit3A_1210 : f32 to vector<32x224xf32>
    %broadcast_in_dim3A_1213 = vector.broadcast %jit3A_1211 : f32 to vector<32x224xf32>
    %select_n3A_1214 = arith.select %le3A_1209, %broadcast_in_dim3A_1212, %broadcast_in_dim3A_1213 : vector<32x224xi1>, vector<32x224xf32>
    %add3A_1215 = arith.addf %add3A_1182, %select_n3A_1214 : vector<32x224xf32>
    %slice3A_1216 = vector.extract_strided_slice %concatenate3A {offsets = [3, 9], sizes = [32, 224], strides = [1, 1]} : vector<40x240xf32> to vector<32x224xf32>
    %slice3A_1217 = vector.extract_strided_slice %concatenate3A_59 {offsets = [3, 9], sizes = [32, 224], strides = [1, 1]} : vector<40x240xf32> to vector<32x224xf32>
    %slice3A_1218 = vector.extract_strided_slice %concatenate3A_90 {offsets = [3, 9], sizes = [32, 224], strides = [1, 1]} : vector<40x240xf32> to vector<32x224xf32>
    %sub3A_1219 = arith.subf %get3A_110, %slice3A_1216 : vector<32x224xf32>
    %sub3A_1220 = arith.subf %get3A_116, %slice3A_1217 : vector<32x224xf32>
    %sub3A_1221 = arith.subf %get3A_122, %slice3A_1218 : vector<32x224xf32>
    %mul3A_1222 = arith.mulf %sub3A_1219, %sub3A_1219 : vector<32x224xf32>
    %mul3A_1223 = arith.mulf %sub3A_1220, %sub3A_1220 : vector<32x224xf32>
    %add3A_1224 = arith.addf %mul3A_1222, %mul3A_1223 : vector<32x224xf32>
    %mul3A_1225 = arith.mulf %sub3A_1221, %sub3A_1221 : vector<32x224xf32>
    %add3A_1226 = arith.addf %add3A_1224, %mul3A_1225 : vector<32x224xf32>
    %le3A_1227 = arith.cmpf ole, %add3A_1226, %select_n3A : vector<32x224xf32>
    %jit3A_1228 = arith.constant 1.000000e+00 : f32
    %jit3A_1229 = arith.constant 0.000000e+00 : f32
    %broadcast_in_dim3A_1230 = vector.broadcast %jit3A_1228 : f32 to vector<32x224xf32>
    %broadcast_in_dim3A_1231 = vector.broadcast %jit3A_1229 : f32 to vector<32x224xf32>
    %select_n3A_1232 = arith.select %le3A_1227, %broadcast_in_dim3A_1230, %broadcast_in_dim3A_1231 : vector<32x224xi1>, vector<32x224xf32>
    %add3A_1233 = arith.addf %add3A_1200, %select_n3A_1232 : vector<32x224xf32>
    %sub3A_1234 = arith.subf %get3A_147, %slice3A_1216 : vector<32x224xf32>
    %sub3A_1235 = arith.subf %get3A_153, %slice3A_1217 : vector<32x224xf32>
    %sub3A_1236 = arith.subf %get3A_159, %slice3A_1218 : vector<32x224xf32>
    %mul3A_1237 = arith.mulf %sub3A_1234, %sub3A_1234 : vector<32x224xf32>
    %mul3A_1238 = arith.mulf %sub3A_1235, %sub3A_1235 : vector<32x224xf32>
    %add3A_1239 = arith.addf %mul3A_1237, %mul3A_1238 : vector<32x224xf32>
    %mul3A_1240 = arith.mulf %sub3A_1236, %sub3A_1236 : vector<32x224xf32>
    %add3A_1241 = arith.addf %add3A_1239, %mul3A_1240 : vector<32x224xf32>
    %le3A_1242 = arith.cmpf ole, %add3A_1241, %select_n3A_141 : vector<32x224xf32>
    %jit3A_1243 = arith.constant 1.000000e+00 : f32
    %jit3A_1244 = arith.constant 0.000000e+00 : f32
    %broadcast_in_dim3A_1245 = vector.broadcast %jit3A_1243 : f32 to vector<32x224xf32>
    %broadcast_in_dim3A_1246 = vector.broadcast %jit3A_1244 : f32 to vector<32x224xf32>
    %select_n3A_1247 = arith.select %le3A_1242, %broadcast_in_dim3A_1245, %broadcast_in_dim3A_1246 : vector<32x224xi1>, vector<32x224xf32>
    %add3A_1248 = arith.addf %add3A_1215, %select_n3A_1247 : vector<32x224xf32>
    %slice3A_1249 = vector.extract_strided_slice %concatenate3A {offsets = [3, 10], sizes = [32, 224], strides = [1, 1]} : vector<40x240xf32> to vector<32x224xf32>
    %slice3A_1250 = vector.extract_strided_slice %concatenate3A_59 {offsets = [3, 10], sizes = [32, 224], strides = [1, 1]} : vector<40x240xf32> to vector<32x224xf32>
    %slice3A_1251 = vector.extract_strided_slice %concatenate3A_90 {offsets = [3, 10], sizes = [32, 224], strides = [1, 1]} : vector<40x240xf32> to vector<32x224xf32>
    %sub3A_1252 = arith.subf %get3A_110, %slice3A_1249 : vector<32x224xf32>
    %sub3A_1253 = arith.subf %get3A_116, %slice3A_1250 : vector<32x224xf32>
    %sub3A_1254 = arith.subf %get3A_122, %slice3A_1251 : vector<32x224xf32>
    %mul3A_1255 = arith.mulf %sub3A_1252, %sub3A_1252 : vector<32x224xf32>
    %mul3A_1256 = arith.mulf %sub3A_1253, %sub3A_1253 : vector<32x224xf32>
    %add3A_1257 = arith.addf %mul3A_1255, %mul3A_1256 : vector<32x224xf32>
    %mul3A_1258 = arith.mulf %sub3A_1254, %sub3A_1254 : vector<32x224xf32>
    %add3A_1259 = arith.addf %add3A_1257, %mul3A_1258 : vector<32x224xf32>
    %le3A_1260 = arith.cmpf ole, %add3A_1259, %select_n3A : vector<32x224xf32>
    %jit3A_1261 = arith.constant 1.000000e+00 : f32
    %jit3A_1262 = arith.constant 0.000000e+00 : f32
    %broadcast_in_dim3A_1263 = vector.broadcast %jit3A_1261 : f32 to vector<32x224xf32>
    %broadcast_in_dim3A_1264 = vector.broadcast %jit3A_1262 : f32 to vector<32x224xf32>
    %select_n3A_1265 = arith.select %le3A_1260, %broadcast_in_dim3A_1263, %broadcast_in_dim3A_1264 : vector<32x224xi1>, vector<32x224xf32>
    %add3A_1266 = arith.addf %add3A_1233, %select_n3A_1265 : vector<32x224xf32>
    %sub3A_1267 = arith.subf %get3A_147, %slice3A_1249 : vector<32x224xf32>
    %sub3A_1268 = arith.subf %get3A_153, %slice3A_1250 : vector<32x224xf32>
    %sub3A_1269 = arith.subf %get3A_159, %slice3A_1251 : vector<32x224xf32>
    %mul3A_1270 = arith.mulf %sub3A_1267, %sub3A_1267 : vector<32x224xf32>
    %mul3A_1271 = arith.mulf %sub3A_1268, %sub3A_1268 : vector<32x224xf32>
    %add3A_1272 = arith.addf %mul3A_1270, %mul3A_1271 : vector<32x224xf32>
    %mul3A_1273 = arith.mulf %sub3A_1269, %sub3A_1269 : vector<32x224xf32>
    %add3A_1274 = arith.addf %add3A_1272, %mul3A_1273 : vector<32x224xf32>
    %le3A_1275 = arith.cmpf ole, %add3A_1274, %select_n3A_141 : vector<32x224xf32>
    %jit3A_1276 = arith.constant 1.000000e+00 : f32
    %jit3A_1277 = arith.constant 0.000000e+00 : f32
    %broadcast_in_dim3A_1278 = vector.broadcast %jit3A_1276 : f32 to vector<32x224xf32>
    %broadcast_in_dim3A_1279 = vector.broadcast %jit3A_1277 : f32 to vector<32x224xf32>
    %select_n3A_1280 = arith.select %le3A_1275, %broadcast_in_dim3A_1278, %broadcast_in_dim3A_1279 : vector<32x224xi1>, vector<32x224xf32>
    %add3A_1281 = arith.addf %add3A_1248, %select_n3A_1280 : vector<32x224xf32>
    %slice3A_1282 = vector.extract_strided_slice %concatenate3A {offsets = [3, 11], sizes = [32, 224], strides = [1, 1]} : vector<40x240xf32> to vector<32x224xf32>
    %slice3A_1283 = vector.extract_strided_slice %concatenate3A_59 {offsets = [3, 11], sizes = [32, 224], strides = [1, 1]} : vector<40x240xf32> to vector<32x224xf32>
    %slice3A_1284 = vector.extract_strided_slice %concatenate3A_90 {offsets = [3, 11], sizes = [32, 224], strides = [1, 1]} : vector<40x240xf32> to vector<32x224xf32>
    %sub3A_1285 = arith.subf %get3A_110, %slice3A_1282 : vector<32x224xf32>
    %sub3A_1286 = arith.subf %get3A_116, %slice3A_1283 : vector<32x224xf32>
    %sub3A_1287 = arith.subf %get3A_122, %slice3A_1284 : vector<32x224xf32>
    %mul3A_1288 = arith.mulf %sub3A_1285, %sub3A_1285 : vector<32x224xf32>
    %mul3A_1289 = arith.mulf %sub3A_1286, %sub3A_1286 : vector<32x224xf32>
    %add3A_1290 = arith.addf %mul3A_1288, %mul3A_1289 : vector<32x224xf32>
    %mul3A_1291 = arith.mulf %sub3A_1287, %sub3A_1287 : vector<32x224xf32>
    %add3A_1292 = arith.addf %add3A_1290, %mul3A_1291 : vector<32x224xf32>
    %le3A_1293 = arith.cmpf ole, %add3A_1292, %select_n3A : vector<32x224xf32>
    %jit3A_1294 = arith.constant 1.000000e+00 : f32
    %jit3A_1295 = arith.constant 0.000000e+00 : f32
    %broadcast_in_dim3A_1296 = vector.broadcast %jit3A_1294 : f32 to vector<32x224xf32>
    %broadcast_in_dim3A_1297 = vector.broadcast %jit3A_1295 : f32 to vector<32x224xf32>
    %select_n3A_1298 = arith.select %le3A_1293, %broadcast_in_dim3A_1296, %broadcast_in_dim3A_1297 : vector<32x224xi1>, vector<32x224xf32>
    %add3A_1299 = arith.addf %add3A_1266, %select_n3A_1298 : vector<32x224xf32>
    %sub3A_1300 = arith.subf %get3A_147, %slice3A_1282 : vector<32x224xf32>
    %sub3A_1301 = arith.subf %get3A_153, %slice3A_1283 : vector<32x224xf32>
    %sub3A_1302 = arith.subf %get3A_159, %slice3A_1284 : vector<32x224xf32>
    %mul3A_1303 = arith.mulf %sub3A_1300, %sub3A_1300 : vector<32x224xf32>
    %mul3A_1304 = arith.mulf %sub3A_1301, %sub3A_1301 : vector<32x224xf32>
    %add3A_1305 = arith.addf %mul3A_1303, %mul3A_1304 : vector<32x224xf32>
    %mul3A_1306 = arith.mulf %sub3A_1302, %sub3A_1302 : vector<32x224xf32>
    %add3A_1307 = arith.addf %add3A_1305, %mul3A_1306 : vector<32x224xf32>
    %le3A_1308 = arith.cmpf ole, %add3A_1307, %select_n3A_141 : vector<32x224xf32>
    %jit3A_1309 = arith.constant 1.000000e+00 : f32
    %jit3A_1310 = arith.constant 0.000000e+00 : f32
    %broadcast_in_dim3A_1311 = vector.broadcast %jit3A_1309 : f32 to vector<32x224xf32>
    %broadcast_in_dim3A_1312 = vector.broadcast %jit3A_1310 : f32 to vector<32x224xf32>
    %select_n3A_1313 = arith.select %le3A_1308, %broadcast_in_dim3A_1311, %broadcast_in_dim3A_1312 : vector<32x224xi1>, vector<32x224xf32>
    %add3A_1314 = arith.addf %add3A_1281, %select_n3A_1313 : vector<32x224xf32>
    %slice3A_1315 = vector.extract_strided_slice %concatenate3A {offsets = [3, 12], sizes = [32, 224], strides = [1, 1]} : vector<40x240xf32> to vector<32x224xf32>
    %slice3A_1316 = vector.extract_strided_slice %concatenate3A_59 {offsets = [3, 12], sizes = [32, 224], strides = [1, 1]} : vector<40x240xf32> to vector<32x224xf32>
    %slice3A_1317 = vector.extract_strided_slice %concatenate3A_90 {offsets = [3, 12], sizes = [32, 224], strides = [1, 1]} : vector<40x240xf32> to vector<32x224xf32>
    %sub3A_1318 = arith.subf %get3A_110, %slice3A_1315 : vector<32x224xf32>
    %sub3A_1319 = arith.subf %get3A_116, %slice3A_1316 : vector<32x224xf32>
    %sub3A_1320 = arith.subf %get3A_122, %slice3A_1317 : vector<32x224xf32>
    %mul3A_1321 = arith.mulf %sub3A_1318, %sub3A_1318 : vector<32x224xf32>
    %mul3A_1322 = arith.mulf %sub3A_1319, %sub3A_1319 : vector<32x224xf32>
    %add3A_1323 = arith.addf %mul3A_1321, %mul3A_1322 : vector<32x224xf32>
    %mul3A_1324 = arith.mulf %sub3A_1320, %sub3A_1320 : vector<32x224xf32>
    %add3A_1325 = arith.addf %add3A_1323, %mul3A_1324 : vector<32x224xf32>
    %le3A_1326 = arith.cmpf ole, %add3A_1325, %select_n3A : vector<32x224xf32>
    %jit3A_1327 = arith.constant 1.000000e+00 : f32
    %jit3A_1328 = arith.constant 0.000000e+00 : f32
    %broadcast_in_dim3A_1329 = vector.broadcast %jit3A_1327 : f32 to vector<32x224xf32>
    %broadcast_in_dim3A_1330 = vector.broadcast %jit3A_1328 : f32 to vector<32x224xf32>
    %select_n3A_1331 = arith.select %le3A_1326, %broadcast_in_dim3A_1329, %broadcast_in_dim3A_1330 : vector<32x224xi1>, vector<32x224xf32>
    %add3A_1332 = arith.addf %add3A_1299, %select_n3A_1331 : vector<32x224xf32>
    %sub3A_1333 = arith.subf %get3A_147, %slice3A_1315 : vector<32x224xf32>
    %sub3A_1334 = arith.subf %get3A_153, %slice3A_1316 : vector<32x224xf32>
    %sub3A_1335 = arith.subf %get3A_159, %slice3A_1317 : vector<32x224xf32>
    %mul3A_1336 = arith.mulf %sub3A_1333, %sub3A_1333 : vector<32x224xf32>
    %mul3A_1337 = arith.mulf %sub3A_1334, %sub3A_1334 : vector<32x224xf32>
    %add3A_1338 = arith.addf %mul3A_1336, %mul3A_1337 : vector<32x224xf32>
    %mul3A_1339 = arith.mulf %sub3A_1335, %sub3A_1335 : vector<32x224xf32>
    %add3A_1340 = arith.addf %add3A_1338, %mul3A_1339 : vector<32x224xf32>
    %le3A_1341 = arith.cmpf ole, %add3A_1340, %select_n3A_141 : vector<32x224xf32>
    %jit3A_1342 = arith.constant 1.000000e+00 : f32
    %jit3A_1343 = arith.constant 0.000000e+00 : f32
    %broadcast_in_dim3A_1344 = vector.broadcast %jit3A_1342 : f32 to vector<32x224xf32>
    %broadcast_in_dim3A_1345 = vector.broadcast %jit3A_1343 : f32 to vector<32x224xf32>
    %select_n3A_1346 = arith.select %le3A_1341, %broadcast_in_dim3A_1344, %broadcast_in_dim3A_1345 : vector<32x224xi1>, vector<32x224xf32>
    %add3A_1347 = arith.addf %add3A_1314, %select_n3A_1346 : vector<32x224xf32>
    %slice3A_1348 = vector.extract_strided_slice %concatenate3A {offsets = [4, 4], sizes = [32, 224], strides = [1, 1]} : vector<40x240xf32> to vector<32x224xf32>
    %slice3A_1349 = vector.extract_strided_slice %concatenate3A_59 {offsets = [4, 4], sizes = [32, 224], strides = [1, 1]} : vector<40x240xf32> to vector<32x224xf32>
    %slice3A_1350 = vector.extract_strided_slice %concatenate3A_90 {offsets = [4, 4], sizes = [32, 224], strides = [1, 1]} : vector<40x240xf32> to vector<32x224xf32>
    %sub3A_1351 = arith.subf %get3A_110, %slice3A_1348 : vector<32x224xf32>
    %sub3A_1352 = arith.subf %get3A_116, %slice3A_1349 : vector<32x224xf32>
    %sub3A_1353 = arith.subf %get3A_122, %slice3A_1350 : vector<32x224xf32>
    %mul3A_1354 = arith.mulf %sub3A_1351, %sub3A_1351 : vector<32x224xf32>
    %mul3A_1355 = arith.mulf %sub3A_1352, %sub3A_1352 : vector<32x224xf32>
    %add3A_1356 = arith.addf %mul3A_1354, %mul3A_1355 : vector<32x224xf32>
    %mul3A_1357 = arith.mulf %sub3A_1353, %sub3A_1353 : vector<32x224xf32>
    %add3A_1358 = arith.addf %add3A_1356, %mul3A_1357 : vector<32x224xf32>
    %le3A_1359 = arith.cmpf ole, %add3A_1358, %select_n3A : vector<32x224xf32>
    %jit3A_1360 = arith.constant 1.000000e+00 : f32
    %jit3A_1361 = arith.constant 0.000000e+00 : f32
    %broadcast_in_dim3A_1362 = vector.broadcast %jit3A_1360 : f32 to vector<32x224xf32>
    %broadcast_in_dim3A_1363 = vector.broadcast %jit3A_1361 : f32 to vector<32x224xf32>
    %select_n3A_1364 = arith.select %le3A_1359, %broadcast_in_dim3A_1362, %broadcast_in_dim3A_1363 : vector<32x224xi1>, vector<32x224xf32>
    %add3A_1365 = arith.addf %add3A_1332, %select_n3A_1364 : vector<32x224xf32>
    %sub3A_1366 = arith.subf %get3A_147, %slice3A_1348 : vector<32x224xf32>
    %sub3A_1367 = arith.subf %get3A_153, %slice3A_1349 : vector<32x224xf32>
    %sub3A_1368 = arith.subf %get3A_159, %slice3A_1350 : vector<32x224xf32>
    %mul3A_1369 = arith.mulf %sub3A_1366, %sub3A_1366 : vector<32x224xf32>
    %mul3A_1370 = arith.mulf %sub3A_1367, %sub3A_1367 : vector<32x224xf32>
    %add3A_1371 = arith.addf %mul3A_1369, %mul3A_1370 : vector<32x224xf32>
    %mul3A_1372 = arith.mulf %sub3A_1368, %sub3A_1368 : vector<32x224xf32>
    %add3A_1373 = arith.addf %add3A_1371, %mul3A_1372 : vector<32x224xf32>
    %le3A_1374 = arith.cmpf ole, %add3A_1373, %select_n3A_141 : vector<32x224xf32>
    %jit3A_1375 = arith.constant 1.000000e+00 : f32
    %jit3A_1376 = arith.constant 0.000000e+00 : f32
    %broadcast_in_dim3A_1377 = vector.broadcast %jit3A_1375 : f32 to vector<32x224xf32>
    %broadcast_in_dim3A_1378 = vector.broadcast %jit3A_1376 : f32 to vector<32x224xf32>
    %select_n3A_1379 = arith.select %le3A_1374, %broadcast_in_dim3A_1377, %broadcast_in_dim3A_1378 : vector<32x224xi1>, vector<32x224xf32>
    %add3A_1380 = arith.addf %add3A_1347, %select_n3A_1379 : vector<32x224xf32>
    %slice3A_1381 = vector.extract_strided_slice %concatenate3A {offsets = [4, 5], sizes = [32, 224], strides = [1, 1]} : vector<40x240xf32> to vector<32x224xf32>
    %slice3A_1382 = vector.extract_strided_slice %concatenate3A_59 {offsets = [4, 5], sizes = [32, 224], strides = [1, 1]} : vector<40x240xf32> to vector<32x224xf32>
    %slice3A_1383 = vector.extract_strided_slice %concatenate3A_90 {offsets = [4, 5], sizes = [32, 224], strides = [1, 1]} : vector<40x240xf32> to vector<32x224xf32>
    %sub3A_1384 = arith.subf %get3A_110, %slice3A_1381 : vector<32x224xf32>
    %sub3A_1385 = arith.subf %get3A_116, %slice3A_1382 : vector<32x224xf32>
    %sub3A_1386 = arith.subf %get3A_122, %slice3A_1383 : vector<32x224xf32>
    %mul3A_1387 = arith.mulf %sub3A_1384, %sub3A_1384 : vector<32x224xf32>
    %mul3A_1388 = arith.mulf %sub3A_1385, %sub3A_1385 : vector<32x224xf32>
    %add3A_1389 = arith.addf %mul3A_1387, %mul3A_1388 : vector<32x224xf32>
    %mul3A_1390 = arith.mulf %sub3A_1386, %sub3A_1386 : vector<32x224xf32>
    %add3A_1391 = arith.addf %add3A_1389, %mul3A_1390 : vector<32x224xf32>
    %le3A_1392 = arith.cmpf ole, %add3A_1391, %select_n3A : vector<32x224xf32>
    %jit3A_1393 = arith.constant 1.000000e+00 : f32
    %jit3A_1394 = arith.constant 0.000000e+00 : f32
    %broadcast_in_dim3A_1395 = vector.broadcast %jit3A_1393 : f32 to vector<32x224xf32>
    %broadcast_in_dim3A_1396 = vector.broadcast %jit3A_1394 : f32 to vector<32x224xf32>
    %select_n3A_1397 = arith.select %le3A_1392, %broadcast_in_dim3A_1395, %broadcast_in_dim3A_1396 : vector<32x224xi1>, vector<32x224xf32>
    %add3A_1398 = arith.addf %add3A_1365, %select_n3A_1397 : vector<32x224xf32>
    %sub3A_1399 = arith.subf %get3A_147, %slice3A_1381 : vector<32x224xf32>
    %sub3A_1400 = arith.subf %get3A_153, %slice3A_1382 : vector<32x224xf32>
    %sub3A_1401 = arith.subf %get3A_159, %slice3A_1383 : vector<32x224xf32>
    %mul3A_1402 = arith.mulf %sub3A_1399, %sub3A_1399 : vector<32x224xf32>
    %mul3A_1403 = arith.mulf %sub3A_1400, %sub3A_1400 : vector<32x224xf32>
    %add3A_1404 = arith.addf %mul3A_1402, %mul3A_1403 : vector<32x224xf32>
    %mul3A_1405 = arith.mulf %sub3A_1401, %sub3A_1401 : vector<32x224xf32>
    %add3A_1406 = arith.addf %add3A_1404, %mul3A_1405 : vector<32x224xf32>
    %le3A_1407 = arith.cmpf ole, %add3A_1406, %select_n3A_141 : vector<32x224xf32>
    %jit3A_1408 = arith.constant 1.000000e+00 : f32
    %jit3A_1409 = arith.constant 0.000000e+00 : f32
    %broadcast_in_dim3A_1410 = vector.broadcast %jit3A_1408 : f32 to vector<32x224xf32>
    %broadcast_in_dim3A_1411 = vector.broadcast %jit3A_1409 : f32 to vector<32x224xf32>
    %select_n3A_1412 = arith.select %le3A_1407, %broadcast_in_dim3A_1410, %broadcast_in_dim3A_1411 : vector<32x224xi1>, vector<32x224xf32>
    %add3A_1413 = arith.addf %add3A_1380, %select_n3A_1412 : vector<32x224xf32>
    %slice3A_1414 = vector.extract_strided_slice %concatenate3A {offsets = [4, 6], sizes = [32, 224], strides = [1, 1]} : vector<40x240xf32> to vector<32x224xf32>
    %slice3A_1415 = vector.extract_strided_slice %concatenate3A_59 {offsets = [4, 6], sizes = [32, 224], strides = [1, 1]} : vector<40x240xf32> to vector<32x224xf32>
    %slice3A_1416 = vector.extract_strided_slice %concatenate3A_90 {offsets = [4, 6], sizes = [32, 224], strides = [1, 1]} : vector<40x240xf32> to vector<32x224xf32>
    %sub3A_1417 = arith.subf %get3A_110, %slice3A_1414 : vector<32x224xf32>
    %sub3A_1418 = arith.subf %get3A_116, %slice3A_1415 : vector<32x224xf32>
    %sub3A_1419 = arith.subf %get3A_122, %slice3A_1416 : vector<32x224xf32>
    %mul3A_1420 = arith.mulf %sub3A_1417, %sub3A_1417 : vector<32x224xf32>
    %mul3A_1421 = arith.mulf %sub3A_1418, %sub3A_1418 : vector<32x224xf32>
    %add3A_1422 = arith.addf %mul3A_1420, %mul3A_1421 : vector<32x224xf32>
    %mul3A_1423 = arith.mulf %sub3A_1419, %sub3A_1419 : vector<32x224xf32>
    %add3A_1424 = arith.addf %add3A_1422, %mul3A_1423 : vector<32x224xf32>
    %le3A_1425 = arith.cmpf ole, %add3A_1424, %select_n3A : vector<32x224xf32>
    %jit3A_1426 = arith.constant 1.000000e+00 : f32
    %jit3A_1427 = arith.constant 0.000000e+00 : f32
    %broadcast_in_dim3A_1428 = vector.broadcast %jit3A_1426 : f32 to vector<32x224xf32>
    %broadcast_in_dim3A_1429 = vector.broadcast %jit3A_1427 : f32 to vector<32x224xf32>
    %select_n3A_1430 = arith.select %le3A_1425, %broadcast_in_dim3A_1428, %broadcast_in_dim3A_1429 : vector<32x224xi1>, vector<32x224xf32>
    %add3A_1431 = arith.addf %add3A_1398, %select_n3A_1430 : vector<32x224xf32>
    %sub3A_1432 = arith.subf %get3A_147, %slice3A_1414 : vector<32x224xf32>
    %sub3A_1433 = arith.subf %get3A_153, %slice3A_1415 : vector<32x224xf32>
    %sub3A_1434 = arith.subf %get3A_159, %slice3A_1416 : vector<32x224xf32>
    %mul3A_1435 = arith.mulf %sub3A_1432, %sub3A_1432 : vector<32x224xf32>
    %mul3A_1436 = arith.mulf %sub3A_1433, %sub3A_1433 : vector<32x224xf32>
    %add3A_1437 = arith.addf %mul3A_1435, %mul3A_1436 : vector<32x224xf32>
    %mul3A_1438 = arith.mulf %sub3A_1434, %sub3A_1434 : vector<32x224xf32>
    %add3A_1439 = arith.addf %add3A_1437, %mul3A_1438 : vector<32x224xf32>
    %le3A_1440 = arith.cmpf ole, %add3A_1439, %select_n3A_141 : vector<32x224xf32>
    %jit3A_1441 = arith.constant 1.000000e+00 : f32
    %jit3A_1442 = arith.constant 0.000000e+00 : f32
    %broadcast_in_dim3A_1443 = vector.broadcast %jit3A_1441 : f32 to vector<32x224xf32>
    %broadcast_in_dim3A_1444 = vector.broadcast %jit3A_1442 : f32 to vector<32x224xf32>
    %select_n3A_1445 = arith.select %le3A_1440, %broadcast_in_dim3A_1443, %broadcast_in_dim3A_1444 : vector<32x224xi1>, vector<32x224xf32>
    %add3A_1446 = arith.addf %add3A_1413, %select_n3A_1445 : vector<32x224xf32>
    %slice3A_1447 = vector.extract_strided_slice %concatenate3A {offsets = [4, 7], sizes = [32, 224], strides = [1, 1]} : vector<40x240xf32> to vector<32x224xf32>
    %slice3A_1448 = vector.extract_strided_slice %concatenate3A_59 {offsets = [4, 7], sizes = [32, 224], strides = [1, 1]} : vector<40x240xf32> to vector<32x224xf32>
    %slice3A_1449 = vector.extract_strided_slice %concatenate3A_90 {offsets = [4, 7], sizes = [32, 224], strides = [1, 1]} : vector<40x240xf32> to vector<32x224xf32>
    %sub3A_1450 = arith.subf %get3A_110, %slice3A_1447 : vector<32x224xf32>
    %sub3A_1451 = arith.subf %get3A_116, %slice3A_1448 : vector<32x224xf32>
    %sub3A_1452 = arith.subf %get3A_122, %slice3A_1449 : vector<32x224xf32>
    %mul3A_1453 = arith.mulf %sub3A_1450, %sub3A_1450 : vector<32x224xf32>
    %mul3A_1454 = arith.mulf %sub3A_1451, %sub3A_1451 : vector<32x224xf32>
    %add3A_1455 = arith.addf %mul3A_1453, %mul3A_1454 : vector<32x224xf32>
    %mul3A_1456 = arith.mulf %sub3A_1452, %sub3A_1452 : vector<32x224xf32>
    %add3A_1457 = arith.addf %add3A_1455, %mul3A_1456 : vector<32x224xf32>
    %le3A_1458 = arith.cmpf ole, %add3A_1457, %select_n3A : vector<32x224xf32>
    %jit3A_1459 = arith.constant 1.000000e+00 : f32
    %jit3A_1460 = arith.constant 0.000000e+00 : f32
    %broadcast_in_dim3A_1461 = vector.broadcast %jit3A_1459 : f32 to vector<32x224xf32>
    %broadcast_in_dim3A_1462 = vector.broadcast %jit3A_1460 : f32 to vector<32x224xf32>
    %select_n3A_1463 = arith.select %le3A_1458, %broadcast_in_dim3A_1461, %broadcast_in_dim3A_1462 : vector<32x224xi1>, vector<32x224xf32>
    %add3A_1464 = arith.addf %add3A_1431, %select_n3A_1463 : vector<32x224xf32>
    %sub3A_1465 = arith.subf %get3A_147, %slice3A_1447 : vector<32x224xf32>
    %sub3A_1466 = arith.subf %get3A_153, %slice3A_1448 : vector<32x224xf32>
    %sub3A_1467 = arith.subf %get3A_159, %slice3A_1449 : vector<32x224xf32>
    %mul3A_1468 = arith.mulf %sub3A_1465, %sub3A_1465 : vector<32x224xf32>
    %mul3A_1469 = arith.mulf %sub3A_1466, %sub3A_1466 : vector<32x224xf32>
    %add3A_1470 = arith.addf %mul3A_1468, %mul3A_1469 : vector<32x224xf32>
    %mul3A_1471 = arith.mulf %sub3A_1467, %sub3A_1467 : vector<32x224xf32>
    %add3A_1472 = arith.addf %add3A_1470, %mul3A_1471 : vector<32x224xf32>
    %le3A_1473 = arith.cmpf ole, %add3A_1472, %select_n3A_141 : vector<32x224xf32>
    %jit3A_1474 = arith.constant 1.000000e+00 : f32
    %jit3A_1475 = arith.constant 0.000000e+00 : f32
    %broadcast_in_dim3A_1476 = vector.broadcast %jit3A_1474 : f32 to vector<32x224xf32>
    %broadcast_in_dim3A_1477 = vector.broadcast %jit3A_1475 : f32 to vector<32x224xf32>
    %select_n3A_1478 = arith.select %le3A_1473, %broadcast_in_dim3A_1476, %broadcast_in_dim3A_1477 : vector<32x224xi1>, vector<32x224xf32>
    %add3A_1479 = arith.addf %add3A_1446, %select_n3A_1478 : vector<32x224xf32>
    %slice3A_1480 = vector.extract_strided_slice %concatenate3A {offsets = [4, 8], sizes = [32, 224], strides = [1, 1]} : vector<40x240xf32> to vector<32x224xf32>
    %slice3A_1481 = vector.extract_strided_slice %concatenate3A_59 {offsets = [4, 8], sizes = [32, 224], strides = [1, 1]} : vector<40x240xf32> to vector<32x224xf32>
    %slice3A_1482 = vector.extract_strided_slice %concatenate3A_90 {offsets = [4, 8], sizes = [32, 224], strides = [1, 1]} : vector<40x240xf32> to vector<32x224xf32>
    %sub3A_1483 = arith.subf %get3A_110, %slice3A_1480 : vector<32x224xf32>
    %sub3A_1484 = arith.subf %get3A_116, %slice3A_1481 : vector<32x224xf32>
    %sub3A_1485 = arith.subf %get3A_122, %slice3A_1482 : vector<32x224xf32>
    %mul3A_1486 = arith.mulf %sub3A_1483, %sub3A_1483 : vector<32x224xf32>
    %mul3A_1487 = arith.mulf %sub3A_1484, %sub3A_1484 : vector<32x224xf32>
    %add3A_1488 = arith.addf %mul3A_1486, %mul3A_1487 : vector<32x224xf32>
    %mul3A_1489 = arith.mulf %sub3A_1485, %sub3A_1485 : vector<32x224xf32>
    %add3A_1490 = arith.addf %add3A_1488, %mul3A_1489 : vector<32x224xf32>
    %le3A_1491 = arith.cmpf ole, %add3A_1490, %select_n3A : vector<32x224xf32>
    %jit3A_1492 = arith.constant 1.000000e+00 : f32
    %jit3A_1493 = arith.constant 0.000000e+00 : f32
    %broadcast_in_dim3A_1494 = vector.broadcast %jit3A_1492 : f32 to vector<32x224xf32>
    %broadcast_in_dim3A_1495 = vector.broadcast %jit3A_1493 : f32 to vector<32x224xf32>
    %select_n3A_1496 = arith.select %le3A_1491, %broadcast_in_dim3A_1494, %broadcast_in_dim3A_1495 : vector<32x224xi1>, vector<32x224xf32>
    %add3A_1497 = arith.addf %add3A_1464, %select_n3A_1496 : vector<32x224xf32>
    %sub3A_1498 = arith.subf %get3A_147, %slice3A_1480 : vector<32x224xf32>
    %sub3A_1499 = arith.subf %get3A_153, %slice3A_1481 : vector<32x224xf32>
    %sub3A_1500 = arith.subf %get3A_159, %slice3A_1482 : vector<32x224xf32>
    %mul3A_1501 = arith.mulf %sub3A_1498, %sub3A_1498 : vector<32x224xf32>
    %mul3A_1502 = arith.mulf %sub3A_1499, %sub3A_1499 : vector<32x224xf32>
    %add3A_1503 = arith.addf %mul3A_1501, %mul3A_1502 : vector<32x224xf32>
    %mul3A_1504 = arith.mulf %sub3A_1500, %sub3A_1500 : vector<32x224xf32>
    %add3A_1505 = arith.addf %add3A_1503, %mul3A_1504 : vector<32x224xf32>
    %le3A_1506 = arith.cmpf ole, %add3A_1505, %select_n3A_141 : vector<32x224xf32>
    %jit3A_1507 = arith.constant 1.000000e+00 : f32
    %jit3A_1508 = arith.constant 0.000000e+00 : f32
    %broadcast_in_dim3A_1509 = vector.broadcast %jit3A_1507 : f32 to vector<32x224xf32>
    %broadcast_in_dim3A_1510 = vector.broadcast %jit3A_1508 : f32 to vector<32x224xf32>
    %select_n3A_1511 = arith.select %le3A_1506, %broadcast_in_dim3A_1509, %broadcast_in_dim3A_1510 : vector<32x224xi1>, vector<32x224xf32>
    %add3A_1512 = arith.addf %add3A_1479, %select_n3A_1511 : vector<32x224xf32>
    %slice3A_1513 = vector.extract_strided_slice %concatenate3A {offsets = [4, 9], sizes = [32, 224], strides = [1, 1]} : vector<40x240xf32> to vector<32x224xf32>
    %slice3A_1514 = vector.extract_strided_slice %concatenate3A_59 {offsets = [4, 9], sizes = [32, 224], strides = [1, 1]} : vector<40x240xf32> to vector<32x224xf32>
    %slice3A_1515 = vector.extract_strided_slice %concatenate3A_90 {offsets = [4, 9], sizes = [32, 224], strides = [1, 1]} : vector<40x240xf32> to vector<32x224xf32>
    %sub3A_1516 = arith.subf %get3A_110, %slice3A_1513 : vector<32x224xf32>
    %sub3A_1517 = arith.subf %get3A_116, %slice3A_1514 : vector<32x224xf32>
    %sub3A_1518 = arith.subf %get3A_122, %slice3A_1515 : vector<32x224xf32>
    %mul3A_1519 = arith.mulf %sub3A_1516, %sub3A_1516 : vector<32x224xf32>
    %mul3A_1520 = arith.mulf %sub3A_1517, %sub3A_1517 : vector<32x224xf32>
    %add3A_1521 = arith.addf %mul3A_1519, %mul3A_1520 : vector<32x224xf32>
    %mul3A_1522 = arith.mulf %sub3A_1518, %sub3A_1518 : vector<32x224xf32>
    %add3A_1523 = arith.addf %add3A_1521, %mul3A_1522 : vector<32x224xf32>
    %le3A_1524 = arith.cmpf ole, %add3A_1523, %select_n3A : vector<32x224xf32>
    %jit3A_1525 = arith.constant 1.000000e+00 : f32
    %jit3A_1526 = arith.constant 0.000000e+00 : f32
    %broadcast_in_dim3A_1527 = vector.broadcast %jit3A_1525 : f32 to vector<32x224xf32>
    %broadcast_in_dim3A_1528 = vector.broadcast %jit3A_1526 : f32 to vector<32x224xf32>
    %select_n3A_1529 = arith.select %le3A_1524, %broadcast_in_dim3A_1527, %broadcast_in_dim3A_1528 : vector<32x224xi1>, vector<32x224xf32>
    %add3A_1530 = arith.addf %add3A_1497, %select_n3A_1529 : vector<32x224xf32>
    %sub3A_1531 = arith.subf %get3A_147, %slice3A_1513 : vector<32x224xf32>
    %sub3A_1532 = arith.subf %get3A_153, %slice3A_1514 : vector<32x224xf32>
    %sub3A_1533 = arith.subf %get3A_159, %slice3A_1515 : vector<32x224xf32>
    %mul3A_1534 = arith.mulf %sub3A_1531, %sub3A_1531 : vector<32x224xf32>
    %mul3A_1535 = arith.mulf %sub3A_1532, %sub3A_1532 : vector<32x224xf32>
    %add3A_1536 = arith.addf %mul3A_1534, %mul3A_1535 : vector<32x224xf32>
    %mul3A_1537 = arith.mulf %sub3A_1533, %sub3A_1533 : vector<32x224xf32>
    %add3A_1538 = arith.addf %add3A_1536, %mul3A_1537 : vector<32x224xf32>
    %le3A_1539 = arith.cmpf ole, %add3A_1538, %select_n3A_141 : vector<32x224xf32>
    %jit3A_1540 = arith.constant 1.000000e+00 : f32
    %jit3A_1541 = arith.constant 0.000000e+00 : f32
    %broadcast_in_dim3A_1542 = vector.broadcast %jit3A_1540 : f32 to vector<32x224xf32>
    %broadcast_in_dim3A_1543 = vector.broadcast %jit3A_1541 : f32 to vector<32x224xf32>
    %select_n3A_1544 = arith.select %le3A_1539, %broadcast_in_dim3A_1542, %broadcast_in_dim3A_1543 : vector<32x224xi1>, vector<32x224xf32>
    %add3A_1545 = arith.addf %add3A_1512, %select_n3A_1544 : vector<32x224xf32>
    %slice3A_1546 = vector.extract_strided_slice %concatenate3A {offsets = [4, 10], sizes = [32, 224], strides = [1, 1]} : vector<40x240xf32> to vector<32x224xf32>
    %slice3A_1547 = vector.extract_strided_slice %concatenate3A_59 {offsets = [4, 10], sizes = [32, 224], strides = [1, 1]} : vector<40x240xf32> to vector<32x224xf32>
    %slice3A_1548 = vector.extract_strided_slice %concatenate3A_90 {offsets = [4, 10], sizes = [32, 224], strides = [1, 1]} : vector<40x240xf32> to vector<32x224xf32>
    %sub3A_1549 = arith.subf %get3A_110, %slice3A_1546 : vector<32x224xf32>
    %sub3A_1550 = arith.subf %get3A_116, %slice3A_1547 : vector<32x224xf32>
    %sub3A_1551 = arith.subf %get3A_122, %slice3A_1548 : vector<32x224xf32>
    %mul3A_1552 = arith.mulf %sub3A_1549, %sub3A_1549 : vector<32x224xf32>
    %mul3A_1553 = arith.mulf %sub3A_1550, %sub3A_1550 : vector<32x224xf32>
    %add3A_1554 = arith.addf %mul3A_1552, %mul3A_1553 : vector<32x224xf32>
    %mul3A_1555 = arith.mulf %sub3A_1551, %sub3A_1551 : vector<32x224xf32>
    %add3A_1556 = arith.addf %add3A_1554, %mul3A_1555 : vector<32x224xf32>
    %le3A_1557 = arith.cmpf ole, %add3A_1556, %select_n3A : vector<32x224xf32>
    %jit3A_1558 = arith.constant 1.000000e+00 : f32
    %jit3A_1559 = arith.constant 0.000000e+00 : f32
    %broadcast_in_dim3A_1560 = vector.broadcast %jit3A_1558 : f32 to vector<32x224xf32>
    %broadcast_in_dim3A_1561 = vector.broadcast %jit3A_1559 : f32 to vector<32x224xf32>
    %select_n3A_1562 = arith.select %le3A_1557, %broadcast_in_dim3A_1560, %broadcast_in_dim3A_1561 : vector<32x224xi1>, vector<32x224xf32>
    %add3A_1563 = arith.addf %add3A_1530, %select_n3A_1562 : vector<32x224xf32>
    %sub3A_1564 = arith.subf %get3A_147, %slice3A_1546 : vector<32x224xf32>
    %sub3A_1565 = arith.subf %get3A_153, %slice3A_1547 : vector<32x224xf32>
    %sub3A_1566 = arith.subf %get3A_159, %slice3A_1548 : vector<32x224xf32>
    %mul3A_1567 = arith.mulf %sub3A_1564, %sub3A_1564 : vector<32x224xf32>
    %mul3A_1568 = arith.mulf %sub3A_1565, %sub3A_1565 : vector<32x224xf32>
    %add3A_1569 = arith.addf %mul3A_1567, %mul3A_1568 : vector<32x224xf32>
    %mul3A_1570 = arith.mulf %sub3A_1566, %sub3A_1566 : vector<32x224xf32>
    %add3A_1571 = arith.addf %add3A_1569, %mul3A_1570 : vector<32x224xf32>
    %le3A_1572 = arith.cmpf ole, %add3A_1571, %select_n3A_141 : vector<32x224xf32>
    %jit3A_1573 = arith.constant 1.000000e+00 : f32
    %jit3A_1574 = arith.constant 0.000000e+00 : f32
    %broadcast_in_dim3A_1575 = vector.broadcast %jit3A_1573 : f32 to vector<32x224xf32>
    %broadcast_in_dim3A_1576 = vector.broadcast %jit3A_1574 : f32 to vector<32x224xf32>
    %select_n3A_1577 = arith.select %le3A_1572, %broadcast_in_dim3A_1575, %broadcast_in_dim3A_1576 : vector<32x224xi1>, vector<32x224xf32>
    %add3A_1578 = arith.addf %add3A_1545, %select_n3A_1577 : vector<32x224xf32>
    %slice3A_1579 = vector.extract_strided_slice %concatenate3A {offsets = [4, 11], sizes = [32, 224], strides = [1, 1]} : vector<40x240xf32> to vector<32x224xf32>
    %slice3A_1580 = vector.extract_strided_slice %concatenate3A_59 {offsets = [4, 11], sizes = [32, 224], strides = [1, 1]} : vector<40x240xf32> to vector<32x224xf32>
    %slice3A_1581 = vector.extract_strided_slice %concatenate3A_90 {offsets = [4, 11], sizes = [32, 224], strides = [1, 1]} : vector<40x240xf32> to vector<32x224xf32>
    %sub3A_1582 = arith.subf %get3A_110, %slice3A_1579 : vector<32x224xf32>
    %sub3A_1583 = arith.subf %get3A_116, %slice3A_1580 : vector<32x224xf32>
    %sub3A_1584 = arith.subf %get3A_122, %slice3A_1581 : vector<32x224xf32>
    %mul3A_1585 = arith.mulf %sub3A_1582, %sub3A_1582 : vector<32x224xf32>
    %mul3A_1586 = arith.mulf %sub3A_1583, %sub3A_1583 : vector<32x224xf32>
    %add3A_1587 = arith.addf %mul3A_1585, %mul3A_1586 : vector<32x224xf32>
    %mul3A_1588 = arith.mulf %sub3A_1584, %sub3A_1584 : vector<32x224xf32>
    %add3A_1589 = arith.addf %add3A_1587, %mul3A_1588 : vector<32x224xf32>
    %le3A_1590 = arith.cmpf ole, %add3A_1589, %select_n3A : vector<32x224xf32>
    %jit3A_1591 = arith.constant 1.000000e+00 : f32
    %jit3A_1592 = arith.constant 0.000000e+00 : f32
    %broadcast_in_dim3A_1593 = vector.broadcast %jit3A_1591 : f32 to vector<32x224xf32>
    %broadcast_in_dim3A_1594 = vector.broadcast %jit3A_1592 : f32 to vector<32x224xf32>
    %select_n3A_1595 = arith.select %le3A_1590, %broadcast_in_dim3A_1593, %broadcast_in_dim3A_1594 : vector<32x224xi1>, vector<32x224xf32>
    %add3A_1596 = arith.addf %add3A_1563, %select_n3A_1595 : vector<32x224xf32>
    %sub3A_1597 = arith.subf %get3A_147, %slice3A_1579 : vector<32x224xf32>
    %sub3A_1598 = arith.subf %get3A_153, %slice3A_1580 : vector<32x224xf32>
    %sub3A_1599 = arith.subf %get3A_159, %slice3A_1581 : vector<32x224xf32>
    %mul3A_1600 = arith.mulf %sub3A_1597, %sub3A_1597 : vector<32x224xf32>
    %mul3A_1601 = arith.mulf %sub3A_1598, %sub3A_1598 : vector<32x224xf32>
    %add3A_1602 = arith.addf %mul3A_1600, %mul3A_1601 : vector<32x224xf32>
    %mul3A_1603 = arith.mulf %sub3A_1599, %sub3A_1599 : vector<32x224xf32>
    %add3A_1604 = arith.addf %add3A_1602, %mul3A_1603 : vector<32x224xf32>
    %le3A_1605 = arith.cmpf ole, %add3A_1604, %select_n3A_141 : vector<32x224xf32>
    %jit3A_1606 = arith.constant 1.000000e+00 : f32
    %jit3A_1607 = arith.constant 0.000000e+00 : f32
    %broadcast_in_dim3A_1608 = vector.broadcast %jit3A_1606 : f32 to vector<32x224xf32>
    %broadcast_in_dim3A_1609 = vector.broadcast %jit3A_1607 : f32 to vector<32x224xf32>
    %select_n3A_1610 = arith.select %le3A_1605, %broadcast_in_dim3A_1608, %broadcast_in_dim3A_1609 : vector<32x224xi1>, vector<32x224xf32>
    %add3A_1611 = arith.addf %add3A_1578, %select_n3A_1610 : vector<32x224xf32>
    %slice3A_1612 = vector.extract_strided_slice %concatenate3A {offsets = [4, 12], sizes = [32, 224], strides = [1, 1]} : vector<40x240xf32> to vector<32x224xf32>
    %slice3A_1613 = vector.extract_strided_slice %concatenate3A_59 {offsets = [4, 12], sizes = [32, 224], strides = [1, 1]} : vector<40x240xf32> to vector<32x224xf32>
    %slice3A_1614 = vector.extract_strided_slice %concatenate3A_90 {offsets = [4, 12], sizes = [32, 224], strides = [1, 1]} : vector<40x240xf32> to vector<32x224xf32>
    %sub3A_1615 = arith.subf %get3A_110, %slice3A_1612 : vector<32x224xf32>
    %sub3A_1616 = arith.subf %get3A_116, %slice3A_1613 : vector<32x224xf32>
    %sub3A_1617 = arith.subf %get3A_122, %slice3A_1614 : vector<32x224xf32>
    %mul3A_1618 = arith.mulf %sub3A_1615, %sub3A_1615 : vector<32x224xf32>
    %mul3A_1619 = arith.mulf %sub3A_1616, %sub3A_1616 : vector<32x224xf32>
    %add3A_1620 = arith.addf %mul3A_1618, %mul3A_1619 : vector<32x224xf32>
    %mul3A_1621 = arith.mulf %sub3A_1617, %sub3A_1617 : vector<32x224xf32>
    %add3A_1622 = arith.addf %add3A_1620, %mul3A_1621 : vector<32x224xf32>
    %le3A_1623 = arith.cmpf ole, %add3A_1622, %select_n3A : vector<32x224xf32>
    %jit3A_1624 = arith.constant 1.000000e+00 : f32
    %jit3A_1625 = arith.constant 0.000000e+00 : f32
    %broadcast_in_dim3A_1626 = vector.broadcast %jit3A_1624 : f32 to vector<32x224xf32>
    %broadcast_in_dim3A_1627 = vector.broadcast %jit3A_1625 : f32 to vector<32x224xf32>
    %select_n3A_1628 = arith.select %le3A_1623, %broadcast_in_dim3A_1626, %broadcast_in_dim3A_1627 : vector<32x224xi1>, vector<32x224xf32>
    %add3A_1629 = arith.addf %add3A_1596, %select_n3A_1628 : vector<32x224xf32>
    %sub3A_1630 = arith.subf %get3A_147, %slice3A_1612 : vector<32x224xf32>
    %sub3A_1631 = arith.subf %get3A_153, %slice3A_1613 : vector<32x224xf32>
    %sub3A_1632 = arith.subf %get3A_159, %slice3A_1614 : vector<32x224xf32>
    %mul3A_1633 = arith.mulf %sub3A_1630, %sub3A_1630 : vector<32x224xf32>
    %mul3A_1634 = arith.mulf %sub3A_1631, %sub3A_1631 : vector<32x224xf32>
    %add3A_1635 = arith.addf %mul3A_1633, %mul3A_1634 : vector<32x224xf32>
    %mul3A_1636 = arith.mulf %sub3A_1632, %sub3A_1632 : vector<32x224xf32>
    %add3A_1637 = arith.addf %add3A_1635, %mul3A_1636 : vector<32x224xf32>
    %le3A_1638 = arith.cmpf ole, %add3A_1637, %select_n3A_141 : vector<32x224xf32>
    %jit3A_1639 = arith.constant 1.000000e+00 : f32
    %jit3A_1640 = arith.constant 0.000000e+00 : f32
    %broadcast_in_dim3A_1641 = vector.broadcast %jit3A_1639 : f32 to vector<32x224xf32>
    %broadcast_in_dim3A_1642 = vector.broadcast %jit3A_1640 : f32 to vector<32x224xf32>
    %select_n3A_1643 = arith.select %le3A_1638, %broadcast_in_dim3A_1641, %broadcast_in_dim3A_1642 : vector<32x224xi1>, vector<32x224xf32>
    %add3A_1644 = arith.addf %add3A_1611, %select_n3A_1643 : vector<32x224xf32>
    %slice3A_1645 = vector.extract_strided_slice %concatenate3A {offsets = [5, 4], sizes = [32, 224], strides = [1, 1]} : vector<40x240xf32> to vector<32x224xf32>
    %slice3A_1646 = vector.extract_strided_slice %concatenate3A_59 {offsets = [5, 4], sizes = [32, 224], strides = [1, 1]} : vector<40x240xf32> to vector<32x224xf32>
    %slice3A_1647 = vector.extract_strided_slice %concatenate3A_90 {offsets = [5, 4], sizes = [32, 224], strides = [1, 1]} : vector<40x240xf32> to vector<32x224xf32>
    %sub3A_1648 = arith.subf %get3A_110, %slice3A_1645 : vector<32x224xf32>
    %sub3A_1649 = arith.subf %get3A_116, %slice3A_1646 : vector<32x224xf32>
    %sub3A_1650 = arith.subf %get3A_122, %slice3A_1647 : vector<32x224xf32>
    %mul3A_1651 = arith.mulf %sub3A_1648, %sub3A_1648 : vector<32x224xf32>
    %mul3A_1652 = arith.mulf %sub3A_1649, %sub3A_1649 : vector<32x224xf32>
    %add3A_1653 = arith.addf %mul3A_1651, %mul3A_1652 : vector<32x224xf32>
    %mul3A_1654 = arith.mulf %sub3A_1650, %sub3A_1650 : vector<32x224xf32>
    %add3A_1655 = arith.addf %add3A_1653, %mul3A_1654 : vector<32x224xf32>
    %le3A_1656 = arith.cmpf ole, %add3A_1655, %select_n3A : vector<32x224xf32>
    %jit3A_1657 = arith.constant 1.000000e+00 : f32
    %jit3A_1658 = arith.constant 0.000000e+00 : f32
    %broadcast_in_dim3A_1659 = vector.broadcast %jit3A_1657 : f32 to vector<32x224xf32>
    %broadcast_in_dim3A_1660 = vector.broadcast %jit3A_1658 : f32 to vector<32x224xf32>
    %select_n3A_1661 = arith.select %le3A_1656, %broadcast_in_dim3A_1659, %broadcast_in_dim3A_1660 : vector<32x224xi1>, vector<32x224xf32>
    %add3A_1662 = arith.addf %add3A_1629, %select_n3A_1661 : vector<32x224xf32>
    %sub3A_1663 = arith.subf %get3A_147, %slice3A_1645 : vector<32x224xf32>
    %sub3A_1664 = arith.subf %get3A_153, %slice3A_1646 : vector<32x224xf32>
    %sub3A_1665 = arith.subf %get3A_159, %slice3A_1647 : vector<32x224xf32>
    %mul3A_1666 = arith.mulf %sub3A_1663, %sub3A_1663 : vector<32x224xf32>
    %mul3A_1667 = arith.mulf %sub3A_1664, %sub3A_1664 : vector<32x224xf32>
    %add3A_1668 = arith.addf %mul3A_1666, %mul3A_1667 : vector<32x224xf32>
    %mul3A_1669 = arith.mulf %sub3A_1665, %sub3A_1665 : vector<32x224xf32>
    %add3A_1670 = arith.addf %add3A_1668, %mul3A_1669 : vector<32x224xf32>
    %le3A_1671 = arith.cmpf ole, %add3A_1670, %select_n3A_141 : vector<32x224xf32>
    %jit3A_1672 = arith.constant 1.000000e+00 : f32
    %jit3A_1673 = arith.constant 0.000000e+00 : f32
    %broadcast_in_dim3A_1674 = vector.broadcast %jit3A_1672 : f32 to vector<32x224xf32>
    %broadcast_in_dim3A_1675 = vector.broadcast %jit3A_1673 : f32 to vector<32x224xf32>
    %select_n3A_1676 = arith.select %le3A_1671, %broadcast_in_dim3A_1674, %broadcast_in_dim3A_1675 : vector<32x224xi1>, vector<32x224xf32>
    %add3A_1677 = arith.addf %add3A_1644, %select_n3A_1676 : vector<32x224xf32>
    %slice3A_1678 = vector.extract_strided_slice %concatenate3A {offsets = [5, 5], sizes = [32, 224], strides = [1, 1]} : vector<40x240xf32> to vector<32x224xf32>
    %slice3A_1679 = vector.extract_strided_slice %concatenate3A_59 {offsets = [5, 5], sizes = [32, 224], strides = [1, 1]} : vector<40x240xf32> to vector<32x224xf32>
    %slice3A_1680 = vector.extract_strided_slice %concatenate3A_90 {offsets = [5, 5], sizes = [32, 224], strides = [1, 1]} : vector<40x240xf32> to vector<32x224xf32>
    %sub3A_1681 = arith.subf %get3A_110, %slice3A_1678 : vector<32x224xf32>
    %sub3A_1682 = arith.subf %get3A_116, %slice3A_1679 : vector<32x224xf32>
    %sub3A_1683 = arith.subf %get3A_122, %slice3A_1680 : vector<32x224xf32>
    %mul3A_1684 = arith.mulf %sub3A_1681, %sub3A_1681 : vector<32x224xf32>
    %mul3A_1685 = arith.mulf %sub3A_1682, %sub3A_1682 : vector<32x224xf32>
    %add3A_1686 = arith.addf %mul3A_1684, %mul3A_1685 : vector<32x224xf32>
    %mul3A_1687 = arith.mulf %sub3A_1683, %sub3A_1683 : vector<32x224xf32>
    %add3A_1688 = arith.addf %add3A_1686, %mul3A_1687 : vector<32x224xf32>
    %le3A_1689 = arith.cmpf ole, %add3A_1688, %select_n3A : vector<32x224xf32>
    %jit3A_1690 = arith.constant 1.000000e+00 : f32
    %jit3A_1691 = arith.constant 0.000000e+00 : f32
    %broadcast_in_dim3A_1692 = vector.broadcast %jit3A_1690 : f32 to vector<32x224xf32>
    %broadcast_in_dim3A_1693 = vector.broadcast %jit3A_1691 : f32 to vector<32x224xf32>
    %select_n3A_1694 = arith.select %le3A_1689, %broadcast_in_dim3A_1692, %broadcast_in_dim3A_1693 : vector<32x224xi1>, vector<32x224xf32>
    %add3A_1695 = arith.addf %add3A_1662, %select_n3A_1694 : vector<32x224xf32>
    %sub3A_1696 = arith.subf %get3A_147, %slice3A_1678 : vector<32x224xf32>
    %sub3A_1697 = arith.subf %get3A_153, %slice3A_1679 : vector<32x224xf32>
    %sub3A_1698 = arith.subf %get3A_159, %slice3A_1680 : vector<32x224xf32>
    %mul3A_1699 = arith.mulf %sub3A_1696, %sub3A_1696 : vector<32x224xf32>
    %mul3A_1700 = arith.mulf %sub3A_1697, %sub3A_1697 : vector<32x224xf32>
    %add3A_1701 = arith.addf %mul3A_1699, %mul3A_1700 : vector<32x224xf32>
    %mul3A_1702 = arith.mulf %sub3A_1698, %sub3A_1698 : vector<32x224xf32>
    %add3A_1703 = arith.addf %add3A_1701, %mul3A_1702 : vector<32x224xf32>
    %le3A_1704 = arith.cmpf ole, %add3A_1703, %select_n3A_141 : vector<32x224xf32>
    %jit3A_1705 = arith.constant 1.000000e+00 : f32
    %jit3A_1706 = arith.constant 0.000000e+00 : f32
    %broadcast_in_dim3A_1707 = vector.broadcast %jit3A_1705 : f32 to vector<32x224xf32>
    %broadcast_in_dim3A_1708 = vector.broadcast %jit3A_1706 : f32 to vector<32x224xf32>
    %select_n3A_1709 = arith.select %le3A_1704, %broadcast_in_dim3A_1707, %broadcast_in_dim3A_1708 : vector<32x224xi1>, vector<32x224xf32>
    %add3A_1710 = arith.addf %add3A_1677, %select_n3A_1709 : vector<32x224xf32>
    %slice3A_1711 = vector.extract_strided_slice %concatenate3A {offsets = [5, 6], sizes = [32, 224], strides = [1, 1]} : vector<40x240xf32> to vector<32x224xf32>
    %slice3A_1712 = vector.extract_strided_slice %concatenate3A_59 {offsets = [5, 6], sizes = [32, 224], strides = [1, 1]} : vector<40x240xf32> to vector<32x224xf32>
    %slice3A_1713 = vector.extract_strided_slice %concatenate3A_90 {offsets = [5, 6], sizes = [32, 224], strides = [1, 1]} : vector<40x240xf32> to vector<32x224xf32>
    %sub3A_1714 = arith.subf %get3A_110, %slice3A_1711 : vector<32x224xf32>
    %sub3A_1715 = arith.subf %get3A_116, %slice3A_1712 : vector<32x224xf32>
    %sub3A_1716 = arith.subf %get3A_122, %slice3A_1713 : vector<32x224xf32>
    %mul3A_1717 = arith.mulf %sub3A_1714, %sub3A_1714 : vector<32x224xf32>
    %mul3A_1718 = arith.mulf %sub3A_1715, %sub3A_1715 : vector<32x224xf32>
    %add3A_1719 = arith.addf %mul3A_1717, %mul3A_1718 : vector<32x224xf32>
    %mul3A_1720 = arith.mulf %sub3A_1716, %sub3A_1716 : vector<32x224xf32>
    %add3A_1721 = arith.addf %add3A_1719, %mul3A_1720 : vector<32x224xf32>
    %le3A_1722 = arith.cmpf ole, %add3A_1721, %select_n3A : vector<32x224xf32>
    %jit3A_1723 = arith.constant 1.000000e+00 : f32
    %jit3A_1724 = arith.constant 0.000000e+00 : f32
    %broadcast_in_dim3A_1725 = vector.broadcast %jit3A_1723 : f32 to vector<32x224xf32>
    %broadcast_in_dim3A_1726 = vector.broadcast %jit3A_1724 : f32 to vector<32x224xf32>
    %select_n3A_1727 = arith.select %le3A_1722, %broadcast_in_dim3A_1725, %broadcast_in_dim3A_1726 : vector<32x224xi1>, vector<32x224xf32>
    %add3A_1728 = arith.addf %add3A_1695, %select_n3A_1727 : vector<32x224xf32>
    %sub3A_1729 = arith.subf %get3A_147, %slice3A_1711 : vector<32x224xf32>
    %sub3A_1730 = arith.subf %get3A_153, %slice3A_1712 : vector<32x224xf32>
    %sub3A_1731 = arith.subf %get3A_159, %slice3A_1713 : vector<32x224xf32>
    %mul3A_1732 = arith.mulf %sub3A_1729, %sub3A_1729 : vector<32x224xf32>
    %mul3A_1733 = arith.mulf %sub3A_1730, %sub3A_1730 : vector<32x224xf32>
    %add3A_1734 = arith.addf %mul3A_1732, %mul3A_1733 : vector<32x224xf32>
    %mul3A_1735 = arith.mulf %sub3A_1731, %sub3A_1731 : vector<32x224xf32>
    %add3A_1736 = arith.addf %add3A_1734, %mul3A_1735 : vector<32x224xf32>
    %le3A_1737 = arith.cmpf ole, %add3A_1736, %select_n3A_141 : vector<32x224xf32>
    %jit3A_1738 = arith.constant 1.000000e+00 : f32
    %jit3A_1739 = arith.constant 0.000000e+00 : f32
    %broadcast_in_dim3A_1740 = vector.broadcast %jit3A_1738 : f32 to vector<32x224xf32>
    %broadcast_in_dim3A_1741 = vector.broadcast %jit3A_1739 : f32 to vector<32x224xf32>
    %select_n3A_1742 = arith.select %le3A_1737, %broadcast_in_dim3A_1740, %broadcast_in_dim3A_1741 : vector<32x224xi1>, vector<32x224xf32>
    %add3A_1743 = arith.addf %add3A_1710, %select_n3A_1742 : vector<32x224xf32>
    %slice3A_1744 = vector.extract_strided_slice %concatenate3A {offsets = [5, 7], sizes = [32, 224], strides = [1, 1]} : vector<40x240xf32> to vector<32x224xf32>
    %slice3A_1745 = vector.extract_strided_slice %concatenate3A_59 {offsets = [5, 7], sizes = [32, 224], strides = [1, 1]} : vector<40x240xf32> to vector<32x224xf32>
    %slice3A_1746 = vector.extract_strided_slice %concatenate3A_90 {offsets = [5, 7], sizes = [32, 224], strides = [1, 1]} : vector<40x240xf32> to vector<32x224xf32>
    %sub3A_1747 = arith.subf %get3A_110, %slice3A_1744 : vector<32x224xf32>
    %sub3A_1748 = arith.subf %get3A_116, %slice3A_1745 : vector<32x224xf32>
    %sub3A_1749 = arith.subf %get3A_122, %slice3A_1746 : vector<32x224xf32>
    %mul3A_1750 = arith.mulf %sub3A_1747, %sub3A_1747 : vector<32x224xf32>
    %mul3A_1751 = arith.mulf %sub3A_1748, %sub3A_1748 : vector<32x224xf32>
    %add3A_1752 = arith.addf %mul3A_1750, %mul3A_1751 : vector<32x224xf32>
    %mul3A_1753 = arith.mulf %sub3A_1749, %sub3A_1749 : vector<32x224xf32>
    %add3A_1754 = arith.addf %add3A_1752, %mul3A_1753 : vector<32x224xf32>
    %le3A_1755 = arith.cmpf ole, %add3A_1754, %select_n3A : vector<32x224xf32>
    %jit3A_1756 = arith.constant 1.000000e+00 : f32
    %jit3A_1757 = arith.constant 0.000000e+00 : f32
    %broadcast_in_dim3A_1758 = vector.broadcast %jit3A_1756 : f32 to vector<32x224xf32>
    %broadcast_in_dim3A_1759 = vector.broadcast %jit3A_1757 : f32 to vector<32x224xf32>
    %select_n3A_1760 = arith.select %le3A_1755, %broadcast_in_dim3A_1758, %broadcast_in_dim3A_1759 : vector<32x224xi1>, vector<32x224xf32>
    %add3A_1761 = arith.addf %add3A_1728, %select_n3A_1760 : vector<32x224xf32>
    %sub3A_1762 = arith.subf %get3A_147, %slice3A_1744 : vector<32x224xf32>
    %sub3A_1763 = arith.subf %get3A_153, %slice3A_1745 : vector<32x224xf32>
    %sub3A_1764 = arith.subf %get3A_159, %slice3A_1746 : vector<32x224xf32>
    %mul3A_1765 = arith.mulf %sub3A_1762, %sub3A_1762 : vector<32x224xf32>
    %mul3A_1766 = arith.mulf %sub3A_1763, %sub3A_1763 : vector<32x224xf32>
    %add3A_1767 = arith.addf %mul3A_1765, %mul3A_1766 : vector<32x224xf32>
    %mul3A_1768 = arith.mulf %sub3A_1764, %sub3A_1764 : vector<32x224xf32>
    %add3A_1769 = arith.addf %add3A_1767, %mul3A_1768 : vector<32x224xf32>
    %le3A_1770 = arith.cmpf ole, %add3A_1769, %select_n3A_141 : vector<32x224xf32>
    %jit3A_1771 = arith.constant 1.000000e+00 : f32
    %jit3A_1772 = arith.constant 0.000000e+00 : f32
    %broadcast_in_dim3A_1773 = vector.broadcast %jit3A_1771 : f32 to vector<32x224xf32>
    %broadcast_in_dim3A_1774 = vector.broadcast %jit3A_1772 : f32 to vector<32x224xf32>
    %select_n3A_1775 = arith.select %le3A_1770, %broadcast_in_dim3A_1773, %broadcast_in_dim3A_1774 : vector<32x224xi1>, vector<32x224xf32>
    %add3A_1776 = arith.addf %add3A_1743, %select_n3A_1775 : vector<32x224xf32>
    %slice3A_1777 = vector.extract_strided_slice %concatenate3A {offsets = [5, 8], sizes = [32, 224], strides = [1, 1]} : vector<40x240xf32> to vector<32x224xf32>
    %slice3A_1778 = vector.extract_strided_slice %concatenate3A_59 {offsets = [5, 8], sizes = [32, 224], strides = [1, 1]} : vector<40x240xf32> to vector<32x224xf32>
    %slice3A_1779 = vector.extract_strided_slice %concatenate3A_90 {offsets = [5, 8], sizes = [32, 224], strides = [1, 1]} : vector<40x240xf32> to vector<32x224xf32>
    %sub3A_1780 = arith.subf %get3A_110, %slice3A_1777 : vector<32x224xf32>
    %sub3A_1781 = arith.subf %get3A_116, %slice3A_1778 : vector<32x224xf32>
    %sub3A_1782 = arith.subf %get3A_122, %slice3A_1779 : vector<32x224xf32>
    %mul3A_1783 = arith.mulf %sub3A_1780, %sub3A_1780 : vector<32x224xf32>
    %mul3A_1784 = arith.mulf %sub3A_1781, %sub3A_1781 : vector<32x224xf32>
    %add3A_1785 = arith.addf %mul3A_1783, %mul3A_1784 : vector<32x224xf32>
    %mul3A_1786 = arith.mulf %sub3A_1782, %sub3A_1782 : vector<32x224xf32>
    %add3A_1787 = arith.addf %add3A_1785, %mul3A_1786 : vector<32x224xf32>
    %le3A_1788 = arith.cmpf ole, %add3A_1787, %select_n3A : vector<32x224xf32>
    %jit3A_1789 = arith.constant 1.000000e+00 : f32
    %jit3A_1790 = arith.constant 0.000000e+00 : f32
    %broadcast_in_dim3A_1791 = vector.broadcast %jit3A_1789 : f32 to vector<32x224xf32>
    %broadcast_in_dim3A_1792 = vector.broadcast %jit3A_1790 : f32 to vector<32x224xf32>
    %select_n3A_1793 = arith.select %le3A_1788, %broadcast_in_dim3A_1791, %broadcast_in_dim3A_1792 : vector<32x224xi1>, vector<32x224xf32>
    %add3A_1794 = arith.addf %add3A_1761, %select_n3A_1793 : vector<32x224xf32>
    %sub3A_1795 = arith.subf %get3A_147, %slice3A_1777 : vector<32x224xf32>
    %sub3A_1796 = arith.subf %get3A_153, %slice3A_1778 : vector<32x224xf32>
    %sub3A_1797 = arith.subf %get3A_159, %slice3A_1779 : vector<32x224xf32>
    %mul3A_1798 = arith.mulf %sub3A_1795, %sub3A_1795 : vector<32x224xf32>
    %mul3A_1799 = arith.mulf %sub3A_1796, %sub3A_1796 : vector<32x224xf32>
    %add3A_1800 = arith.addf %mul3A_1798, %mul3A_1799 : vector<32x224xf32>
    %mul3A_1801 = arith.mulf %sub3A_1797, %sub3A_1797 : vector<32x224xf32>
    %add3A_1802 = arith.addf %add3A_1800, %mul3A_1801 : vector<32x224xf32>
    %le3A_1803 = arith.cmpf ole, %add3A_1802, %select_n3A_141 : vector<32x224xf32>
    %jit3A_1804 = arith.constant 1.000000e+00 : f32
    %jit3A_1805 = arith.constant 0.000000e+00 : f32
    %broadcast_in_dim3A_1806 = vector.broadcast %jit3A_1804 : f32 to vector<32x224xf32>
    %broadcast_in_dim3A_1807 = vector.broadcast %jit3A_1805 : f32 to vector<32x224xf32>
    %select_n3A_1808 = arith.select %le3A_1803, %broadcast_in_dim3A_1806, %broadcast_in_dim3A_1807 : vector<32x224xi1>, vector<32x224xf32>
    %add3A_1809 = arith.addf %add3A_1776, %select_n3A_1808 : vector<32x224xf32>
    %slice3A_1810 = vector.extract_strided_slice %concatenate3A {offsets = [5, 9], sizes = [32, 224], strides = [1, 1]} : vector<40x240xf32> to vector<32x224xf32>
    %slice3A_1811 = vector.extract_strided_slice %concatenate3A_59 {offsets = [5, 9], sizes = [32, 224], strides = [1, 1]} : vector<40x240xf32> to vector<32x224xf32>
    %slice3A_1812 = vector.extract_strided_slice %concatenate3A_90 {offsets = [5, 9], sizes = [32, 224], strides = [1, 1]} : vector<40x240xf32> to vector<32x224xf32>
    %sub3A_1813 = arith.subf %get3A_110, %slice3A_1810 : vector<32x224xf32>
    %sub3A_1814 = arith.subf %get3A_116, %slice3A_1811 : vector<32x224xf32>
    %sub3A_1815 = arith.subf %get3A_122, %slice3A_1812 : vector<32x224xf32>
    %mul3A_1816 = arith.mulf %sub3A_1813, %sub3A_1813 : vector<32x224xf32>
    %mul3A_1817 = arith.mulf %sub3A_1814, %sub3A_1814 : vector<32x224xf32>
    %add3A_1818 = arith.addf %mul3A_1816, %mul3A_1817 : vector<32x224xf32>
    %mul3A_1819 = arith.mulf %sub3A_1815, %sub3A_1815 : vector<32x224xf32>
    %add3A_1820 = arith.addf %add3A_1818, %mul3A_1819 : vector<32x224xf32>
    %le3A_1821 = arith.cmpf ole, %add3A_1820, %select_n3A : vector<32x224xf32>
    %jit3A_1822 = arith.constant 1.000000e+00 : f32
    %jit3A_1823 = arith.constant 0.000000e+00 : f32
    %broadcast_in_dim3A_1824 = vector.broadcast %jit3A_1822 : f32 to vector<32x224xf32>
    %broadcast_in_dim3A_1825 = vector.broadcast %jit3A_1823 : f32 to vector<32x224xf32>
    %select_n3A_1826 = arith.select %le3A_1821, %broadcast_in_dim3A_1824, %broadcast_in_dim3A_1825 : vector<32x224xi1>, vector<32x224xf32>
    %add3A_1827 = arith.addf %add3A_1794, %select_n3A_1826 : vector<32x224xf32>
    %sub3A_1828 = arith.subf %get3A_147, %slice3A_1810 : vector<32x224xf32>
    %sub3A_1829 = arith.subf %get3A_153, %slice3A_1811 : vector<32x224xf32>
    %sub3A_1830 = arith.subf %get3A_159, %slice3A_1812 : vector<32x224xf32>
    %mul3A_1831 = arith.mulf %sub3A_1828, %sub3A_1828 : vector<32x224xf32>
    %mul3A_1832 = arith.mulf %sub3A_1829, %sub3A_1829 : vector<32x224xf32>
    %add3A_1833 = arith.addf %mul3A_1831, %mul3A_1832 : vector<32x224xf32>
    %mul3A_1834 = arith.mulf %sub3A_1830, %sub3A_1830 : vector<32x224xf32>
    %add3A_1835 = arith.addf %add3A_1833, %mul3A_1834 : vector<32x224xf32>
    %le3A_1836 = arith.cmpf ole, %add3A_1835, %select_n3A_141 : vector<32x224xf32>
    %jit3A_1837 = arith.constant 1.000000e+00 : f32
    %jit3A_1838 = arith.constant 0.000000e+00 : f32
    %broadcast_in_dim3A_1839 = vector.broadcast %jit3A_1837 : f32 to vector<32x224xf32>
    %broadcast_in_dim3A_1840 = vector.broadcast %jit3A_1838 : f32 to vector<32x224xf32>
    %select_n3A_1841 = arith.select %le3A_1836, %broadcast_in_dim3A_1839, %broadcast_in_dim3A_1840 : vector<32x224xi1>, vector<32x224xf32>
    %add3A_1842 = arith.addf %add3A_1809, %select_n3A_1841 : vector<32x224xf32>
    %slice3A_1843 = vector.extract_strided_slice %concatenate3A {offsets = [5, 10], sizes = [32, 224], strides = [1, 1]} : vector<40x240xf32> to vector<32x224xf32>
    %slice3A_1844 = vector.extract_strided_slice %concatenate3A_59 {offsets = [5, 10], sizes = [32, 224], strides = [1, 1]} : vector<40x240xf32> to vector<32x224xf32>
    %slice3A_1845 = vector.extract_strided_slice %concatenate3A_90 {offsets = [5, 10], sizes = [32, 224], strides = [1, 1]} : vector<40x240xf32> to vector<32x224xf32>
    %sub3A_1846 = arith.subf %get3A_110, %slice3A_1843 : vector<32x224xf32>
    %sub3A_1847 = arith.subf %get3A_116, %slice3A_1844 : vector<32x224xf32>
    %sub3A_1848 = arith.subf %get3A_122, %slice3A_1845 : vector<32x224xf32>
    %mul3A_1849 = arith.mulf %sub3A_1846, %sub3A_1846 : vector<32x224xf32>
    %mul3A_1850 = arith.mulf %sub3A_1847, %sub3A_1847 : vector<32x224xf32>
    %add3A_1851 = arith.addf %mul3A_1849, %mul3A_1850 : vector<32x224xf32>
    %mul3A_1852 = arith.mulf %sub3A_1848, %sub3A_1848 : vector<32x224xf32>
    %add3A_1853 = arith.addf %add3A_1851, %mul3A_1852 : vector<32x224xf32>
    %le3A_1854 = arith.cmpf ole, %add3A_1853, %select_n3A : vector<32x224xf32>
    %jit3A_1855 = arith.constant 1.000000e+00 : f32
    %jit3A_1856 = arith.constant 0.000000e+00 : f32
    %broadcast_in_dim3A_1857 = vector.broadcast %jit3A_1855 : f32 to vector<32x224xf32>
    %broadcast_in_dim3A_1858 = vector.broadcast %jit3A_1856 : f32 to vector<32x224xf32>
    %select_n3A_1859 = arith.select %le3A_1854, %broadcast_in_dim3A_1857, %broadcast_in_dim3A_1858 : vector<32x224xi1>, vector<32x224xf32>
    %add3A_1860 = arith.addf %add3A_1827, %select_n3A_1859 : vector<32x224xf32>
    %sub3A_1861 = arith.subf %get3A_147, %slice3A_1843 : vector<32x224xf32>
    %sub3A_1862 = arith.subf %get3A_153, %slice3A_1844 : vector<32x224xf32>
    %sub3A_1863 = arith.subf %get3A_159, %slice3A_1845 : vector<32x224xf32>
    %mul3A_1864 = arith.mulf %sub3A_1861, %sub3A_1861 : vector<32x224xf32>
    %mul3A_1865 = arith.mulf %sub3A_1862, %sub3A_1862 : vector<32x224xf32>
    %add3A_1866 = arith.addf %mul3A_1864, %mul3A_1865 : vector<32x224xf32>
    %mul3A_1867 = arith.mulf %sub3A_1863, %sub3A_1863 : vector<32x224xf32>
    %add3A_1868 = arith.addf %add3A_1866, %mul3A_1867 : vector<32x224xf32>
    %le3A_1869 = arith.cmpf ole, %add3A_1868, %select_n3A_141 : vector<32x224xf32>
    %jit3A_1870 = arith.constant 1.000000e+00 : f32
    %jit3A_1871 = arith.constant 0.000000e+00 : f32
    %broadcast_in_dim3A_1872 = vector.broadcast %jit3A_1870 : f32 to vector<32x224xf32>
    %broadcast_in_dim3A_1873 = vector.broadcast %jit3A_1871 : f32 to vector<32x224xf32>
    %select_n3A_1874 = arith.select %le3A_1869, %broadcast_in_dim3A_1872, %broadcast_in_dim3A_1873 : vector<32x224xi1>, vector<32x224xf32>
    %add3A_1875 = arith.addf %add3A_1842, %select_n3A_1874 : vector<32x224xf32>
    %slice3A_1876 = vector.extract_strided_slice %concatenate3A {offsets = [5, 11], sizes = [32, 224], strides = [1, 1]} : vector<40x240xf32> to vector<32x224xf32>
    %slice3A_1877 = vector.extract_strided_slice %concatenate3A_59 {offsets = [5, 11], sizes = [32, 224], strides = [1, 1]} : vector<40x240xf32> to vector<32x224xf32>
    %slice3A_1878 = vector.extract_strided_slice %concatenate3A_90 {offsets = [5, 11], sizes = [32, 224], strides = [1, 1]} : vector<40x240xf32> to vector<32x224xf32>
    %sub3A_1879 = arith.subf %get3A_110, %slice3A_1876 : vector<32x224xf32>
    %sub3A_1880 = arith.subf %get3A_116, %slice3A_1877 : vector<32x224xf32>
    %sub3A_1881 = arith.subf %get3A_122, %slice3A_1878 : vector<32x224xf32>
    %mul3A_1882 = arith.mulf %sub3A_1879, %sub3A_1879 : vector<32x224xf32>
    %mul3A_1883 = arith.mulf %sub3A_1880, %sub3A_1880 : vector<32x224xf32>
    %add3A_1884 = arith.addf %mul3A_1882, %mul3A_1883 : vector<32x224xf32>
    %mul3A_1885 = arith.mulf %sub3A_1881, %sub3A_1881 : vector<32x224xf32>
    %add3A_1886 = arith.addf %add3A_1884, %mul3A_1885 : vector<32x224xf32>
    %le3A_1887 = arith.cmpf ole, %add3A_1886, %select_n3A : vector<32x224xf32>
    %jit3A_1888 = arith.constant 1.000000e+00 : f32
    %jit3A_1889 = arith.constant 0.000000e+00 : f32
    %broadcast_in_dim3A_1890 = vector.broadcast %jit3A_1888 : f32 to vector<32x224xf32>
    %broadcast_in_dim3A_1891 = vector.broadcast %jit3A_1889 : f32 to vector<32x224xf32>
    %select_n3A_1892 = arith.select %le3A_1887, %broadcast_in_dim3A_1890, %broadcast_in_dim3A_1891 : vector<32x224xi1>, vector<32x224xf32>
    %add3A_1893 = arith.addf %add3A_1860, %select_n3A_1892 : vector<32x224xf32>
    %sub3A_1894 = arith.subf %get3A_147, %slice3A_1876 : vector<32x224xf32>
    %sub3A_1895 = arith.subf %get3A_153, %slice3A_1877 : vector<32x224xf32>
    %sub3A_1896 = arith.subf %get3A_159, %slice3A_1878 : vector<32x224xf32>
    %mul3A_1897 = arith.mulf %sub3A_1894, %sub3A_1894 : vector<32x224xf32>
    %mul3A_1898 = arith.mulf %sub3A_1895, %sub3A_1895 : vector<32x224xf32>
    %add3A_1899 = arith.addf %mul3A_1897, %mul3A_1898 : vector<32x224xf32>
    %mul3A_1900 = arith.mulf %sub3A_1896, %sub3A_1896 : vector<32x224xf32>
    %add3A_1901 = arith.addf %add3A_1899, %mul3A_1900 : vector<32x224xf32>
    %le3A_1902 = arith.cmpf ole, %add3A_1901, %select_n3A_141 : vector<32x224xf32>
    %jit3A_1903 = arith.constant 1.000000e+00 : f32
    %jit3A_1904 = arith.constant 0.000000e+00 : f32
    %broadcast_in_dim3A_1905 = vector.broadcast %jit3A_1903 : f32 to vector<32x224xf32>
    %broadcast_in_dim3A_1906 = vector.broadcast %jit3A_1904 : f32 to vector<32x224xf32>
    %select_n3A_1907 = arith.select %le3A_1902, %broadcast_in_dim3A_1905, %broadcast_in_dim3A_1906 : vector<32x224xi1>, vector<32x224xf32>
    %add3A_1908 = arith.addf %add3A_1875, %select_n3A_1907 : vector<32x224xf32>
    %slice3A_1909 = vector.extract_strided_slice %concatenate3A {offsets = [5, 12], sizes = [32, 224], strides = [1, 1]} : vector<40x240xf32> to vector<32x224xf32>
    %slice3A_1910 = vector.extract_strided_slice %concatenate3A_59 {offsets = [5, 12], sizes = [32, 224], strides = [1, 1]} : vector<40x240xf32> to vector<32x224xf32>
    %slice3A_1911 = vector.extract_strided_slice %concatenate3A_90 {offsets = [5, 12], sizes = [32, 224], strides = [1, 1]} : vector<40x240xf32> to vector<32x224xf32>
    %sub3A_1912 = arith.subf %get3A_110, %slice3A_1909 : vector<32x224xf32>
    %sub3A_1913 = arith.subf %get3A_116, %slice3A_1910 : vector<32x224xf32>
    %sub3A_1914 = arith.subf %get3A_122, %slice3A_1911 : vector<32x224xf32>
    %mul3A_1915 = arith.mulf %sub3A_1912, %sub3A_1912 : vector<32x224xf32>
    %mul3A_1916 = arith.mulf %sub3A_1913, %sub3A_1913 : vector<32x224xf32>
    %add3A_1917 = arith.addf %mul3A_1915, %mul3A_1916 : vector<32x224xf32>
    %mul3A_1918 = arith.mulf %sub3A_1914, %sub3A_1914 : vector<32x224xf32>
    %add3A_1919 = arith.addf %add3A_1917, %mul3A_1918 : vector<32x224xf32>
    %le3A_1920 = arith.cmpf ole, %add3A_1919, %select_n3A : vector<32x224xf32>
    %jit3A_1921 = arith.constant 1.000000e+00 : f32
    %jit3A_1922 = arith.constant 0.000000e+00 : f32
    %broadcast_in_dim3A_1923 = vector.broadcast %jit3A_1921 : f32 to vector<32x224xf32>
    %broadcast_in_dim3A_1924 = vector.broadcast %jit3A_1922 : f32 to vector<32x224xf32>
    %select_n3A_1925 = arith.select %le3A_1920, %broadcast_in_dim3A_1923, %broadcast_in_dim3A_1924 : vector<32x224xi1>, vector<32x224xf32>
    %add3A_1926 = arith.addf %add3A_1893, %select_n3A_1925 : vector<32x224xf32>
    %sub3A_1927 = arith.subf %get3A_147, %slice3A_1909 : vector<32x224xf32>
    %sub3A_1928 = arith.subf %get3A_153, %slice3A_1910 : vector<32x224xf32>
    %sub3A_1929 = arith.subf %get3A_159, %slice3A_1911 : vector<32x224xf32>
    %mul3A_1930 = arith.mulf %sub3A_1927, %sub3A_1927 : vector<32x224xf32>
    %mul3A_1931 = arith.mulf %sub3A_1928, %sub3A_1928 : vector<32x224xf32>
    %add3A_1932 = arith.addf %mul3A_1930, %mul3A_1931 : vector<32x224xf32>
    %mul3A_1933 = arith.mulf %sub3A_1929, %sub3A_1929 : vector<32x224xf32>
    %add3A_1934 = arith.addf %add3A_1932, %mul3A_1933 : vector<32x224xf32>
    %le3A_1935 = arith.cmpf ole, %add3A_1934, %select_n3A_141 : vector<32x224xf32>
    %jit3A_1936 = arith.constant 1.000000e+00 : f32
    %jit3A_1937 = arith.constant 0.000000e+00 : f32
    %broadcast_in_dim3A_1938 = vector.broadcast %jit3A_1936 : f32 to vector<32x224xf32>
    %broadcast_in_dim3A_1939 = vector.broadcast %jit3A_1937 : f32 to vector<32x224xf32>
    %select_n3A_1940 = arith.select %le3A_1935, %broadcast_in_dim3A_1938, %broadcast_in_dim3A_1939 : vector<32x224xi1>, vector<32x224xf32>
    %add3A_1941 = arith.addf %add3A_1908, %select_n3A_1940 : vector<32x224xf32>
    %slice3A_1942 = vector.extract_strided_slice %concatenate3A {offsets = [6, 4], sizes = [32, 224], strides = [1, 1]} : vector<40x240xf32> to vector<32x224xf32>
    %slice3A_1943 = vector.extract_strided_slice %concatenate3A_59 {offsets = [6, 4], sizes = [32, 224], strides = [1, 1]} : vector<40x240xf32> to vector<32x224xf32>
    %slice3A_1944 = vector.extract_strided_slice %concatenate3A_90 {offsets = [6, 4], sizes = [32, 224], strides = [1, 1]} : vector<40x240xf32> to vector<32x224xf32>
    %sub3A_1945 = arith.subf %get3A_110, %slice3A_1942 : vector<32x224xf32>
    %sub3A_1946 = arith.subf %get3A_116, %slice3A_1943 : vector<32x224xf32>
    %sub3A_1947 = arith.subf %get3A_122, %slice3A_1944 : vector<32x224xf32>
    %mul3A_1948 = arith.mulf %sub3A_1945, %sub3A_1945 : vector<32x224xf32>
    %mul3A_1949 = arith.mulf %sub3A_1946, %sub3A_1946 : vector<32x224xf32>
    %add3A_1950 = arith.addf %mul3A_1948, %mul3A_1949 : vector<32x224xf32>
    %mul3A_1951 = arith.mulf %sub3A_1947, %sub3A_1947 : vector<32x224xf32>
    %add3A_1952 = arith.addf %add3A_1950, %mul3A_1951 : vector<32x224xf32>
    %le3A_1953 = arith.cmpf ole, %add3A_1952, %select_n3A : vector<32x224xf32>
    %jit3A_1954 = arith.constant 1.000000e+00 : f32
    %jit3A_1955 = arith.constant 0.000000e+00 : f32
    %broadcast_in_dim3A_1956 = vector.broadcast %jit3A_1954 : f32 to vector<32x224xf32>
    %broadcast_in_dim3A_1957 = vector.broadcast %jit3A_1955 : f32 to vector<32x224xf32>
    %select_n3A_1958 = arith.select %le3A_1953, %broadcast_in_dim3A_1956, %broadcast_in_dim3A_1957 : vector<32x224xi1>, vector<32x224xf32>
    %add3A_1959 = arith.addf %add3A_1926, %select_n3A_1958 : vector<32x224xf32>
    %sub3A_1960 = arith.subf %get3A_147, %slice3A_1942 : vector<32x224xf32>
    %sub3A_1961 = arith.subf %get3A_153, %slice3A_1943 : vector<32x224xf32>
    %sub3A_1962 = arith.subf %get3A_159, %slice3A_1944 : vector<32x224xf32>
    %mul3A_1963 = arith.mulf %sub3A_1960, %sub3A_1960 : vector<32x224xf32>
    %mul3A_1964 = arith.mulf %sub3A_1961, %sub3A_1961 : vector<32x224xf32>
    %add3A_1965 = arith.addf %mul3A_1963, %mul3A_1964 : vector<32x224xf32>
    %mul3A_1966 = arith.mulf %sub3A_1962, %sub3A_1962 : vector<32x224xf32>
    %add3A_1967 = arith.addf %add3A_1965, %mul3A_1966 : vector<32x224xf32>
    %le3A_1968 = arith.cmpf ole, %add3A_1967, %select_n3A_141 : vector<32x224xf32>
    %jit3A_1969 = arith.constant 1.000000e+00 : f32
    %jit3A_1970 = arith.constant 0.000000e+00 : f32
    %broadcast_in_dim3A_1971 = vector.broadcast %jit3A_1969 : f32 to vector<32x224xf32>
    %broadcast_in_dim3A_1972 = vector.broadcast %jit3A_1970 : f32 to vector<32x224xf32>
    %select_n3A_1973 = arith.select %le3A_1968, %broadcast_in_dim3A_1971, %broadcast_in_dim3A_1972 : vector<32x224xi1>, vector<32x224xf32>
    %add3A_1974 = arith.addf %add3A_1941, %select_n3A_1973 : vector<32x224xf32>
    %slice3A_1975 = vector.extract_strided_slice %concatenate3A {offsets = [6, 5], sizes = [32, 224], strides = [1, 1]} : vector<40x240xf32> to vector<32x224xf32>
    %slice3A_1976 = vector.extract_strided_slice %concatenate3A_59 {offsets = [6, 5], sizes = [32, 224], strides = [1, 1]} : vector<40x240xf32> to vector<32x224xf32>
    %slice3A_1977 = vector.extract_strided_slice %concatenate3A_90 {offsets = [6, 5], sizes = [32, 224], strides = [1, 1]} : vector<40x240xf32> to vector<32x224xf32>
    %sub3A_1978 = arith.subf %get3A_110, %slice3A_1975 : vector<32x224xf32>
    %sub3A_1979 = arith.subf %get3A_116, %slice3A_1976 : vector<32x224xf32>
    %sub3A_1980 = arith.subf %get3A_122, %slice3A_1977 : vector<32x224xf32>
    %mul3A_1981 = arith.mulf %sub3A_1978, %sub3A_1978 : vector<32x224xf32>
    %mul3A_1982 = arith.mulf %sub3A_1979, %sub3A_1979 : vector<32x224xf32>
    %add3A_1983 = arith.addf %mul3A_1981, %mul3A_1982 : vector<32x224xf32>
    %mul3A_1984 = arith.mulf %sub3A_1980, %sub3A_1980 : vector<32x224xf32>
    %add3A_1985 = arith.addf %add3A_1983, %mul3A_1984 : vector<32x224xf32>
    %le3A_1986 = arith.cmpf ole, %add3A_1985, %select_n3A : vector<32x224xf32>
    %jit3A_1987 = arith.constant 1.000000e+00 : f32
    %jit3A_1988 = arith.constant 0.000000e+00 : f32
    %broadcast_in_dim3A_1989 = vector.broadcast %jit3A_1987 : f32 to vector<32x224xf32>
    %broadcast_in_dim3A_1990 = vector.broadcast %jit3A_1988 : f32 to vector<32x224xf32>
    %select_n3A_1991 = arith.select %le3A_1986, %broadcast_in_dim3A_1989, %broadcast_in_dim3A_1990 : vector<32x224xi1>, vector<32x224xf32>
    %add3A_1992 = arith.addf %add3A_1959, %select_n3A_1991 : vector<32x224xf32>
    %sub3A_1993 = arith.subf %get3A_147, %slice3A_1975 : vector<32x224xf32>
    %sub3A_1994 = arith.subf %get3A_153, %slice3A_1976 : vector<32x224xf32>
    %sub3A_1995 = arith.subf %get3A_159, %slice3A_1977 : vector<32x224xf32>
    %mul3A_1996 = arith.mulf %sub3A_1993, %sub3A_1993 : vector<32x224xf32>
    %mul3A_1997 = arith.mulf %sub3A_1994, %sub3A_1994 : vector<32x224xf32>
    %add3A_1998 = arith.addf %mul3A_1996, %mul3A_1997 : vector<32x224xf32>
    %mul3A_1999 = arith.mulf %sub3A_1995, %sub3A_1995 : vector<32x224xf32>
    %add3A_2000 = arith.addf %add3A_1998, %mul3A_1999 : vector<32x224xf32>
    %le3A_2001 = arith.cmpf ole, %add3A_2000, %select_n3A_141 : vector<32x224xf32>
    %jit3A_2002 = arith.constant 1.000000e+00 : f32
    %jit3A_2003 = arith.constant 0.000000e+00 : f32
    %broadcast_in_dim3A_2004 = vector.broadcast %jit3A_2002 : f32 to vector<32x224xf32>
    %broadcast_in_dim3A_2005 = vector.broadcast %jit3A_2003 : f32 to vector<32x224xf32>
    %select_n3A_2006 = arith.select %le3A_2001, %broadcast_in_dim3A_2004, %broadcast_in_dim3A_2005 : vector<32x224xi1>, vector<32x224xf32>
    %add3A_2007 = arith.addf %add3A_1974, %select_n3A_2006 : vector<32x224xf32>
    %slice3A_2008 = vector.extract_strided_slice %concatenate3A {offsets = [6, 6], sizes = [32, 224], strides = [1, 1]} : vector<40x240xf32> to vector<32x224xf32>
    %slice3A_2009 = vector.extract_strided_slice %concatenate3A_59 {offsets = [6, 6], sizes = [32, 224], strides = [1, 1]} : vector<40x240xf32> to vector<32x224xf32>
    %slice3A_2010 = vector.extract_strided_slice %concatenate3A_90 {offsets = [6, 6], sizes = [32, 224], strides = [1, 1]} : vector<40x240xf32> to vector<32x224xf32>
    %sub3A_2011 = arith.subf %get3A_110, %slice3A_2008 : vector<32x224xf32>
    %sub3A_2012 = arith.subf %get3A_116, %slice3A_2009 : vector<32x224xf32>
    %sub3A_2013 = arith.subf %get3A_122, %slice3A_2010 : vector<32x224xf32>
    %mul3A_2014 = arith.mulf %sub3A_2011, %sub3A_2011 : vector<32x224xf32>
    %mul3A_2015 = arith.mulf %sub3A_2012, %sub3A_2012 : vector<32x224xf32>
    %add3A_2016 = arith.addf %mul3A_2014, %mul3A_2015 : vector<32x224xf32>
    %mul3A_2017 = arith.mulf %sub3A_2013, %sub3A_2013 : vector<32x224xf32>
    %add3A_2018 = arith.addf %add3A_2016, %mul3A_2017 : vector<32x224xf32>
    %le3A_2019 = arith.cmpf ole, %add3A_2018, %select_n3A : vector<32x224xf32>
    %jit3A_2020 = arith.constant 1.000000e+00 : f32
    %jit3A_2021 = arith.constant 0.000000e+00 : f32
    %broadcast_in_dim3A_2022 = vector.broadcast %jit3A_2020 : f32 to vector<32x224xf32>
    %broadcast_in_dim3A_2023 = vector.broadcast %jit3A_2021 : f32 to vector<32x224xf32>
    %select_n3A_2024 = arith.select %le3A_2019, %broadcast_in_dim3A_2022, %broadcast_in_dim3A_2023 : vector<32x224xi1>, vector<32x224xf32>
    %add3A_2025 = arith.addf %add3A_1992, %select_n3A_2024 : vector<32x224xf32>
    %sub3A_2026 = arith.subf %get3A_147, %slice3A_2008 : vector<32x224xf32>
    %sub3A_2027 = arith.subf %get3A_153, %slice3A_2009 : vector<32x224xf32>
    %sub3A_2028 = arith.subf %get3A_159, %slice3A_2010 : vector<32x224xf32>
    %mul3A_2029 = arith.mulf %sub3A_2026, %sub3A_2026 : vector<32x224xf32>
    %mul3A_2030 = arith.mulf %sub3A_2027, %sub3A_2027 : vector<32x224xf32>
    %add3A_2031 = arith.addf %mul3A_2029, %mul3A_2030 : vector<32x224xf32>
    %mul3A_2032 = arith.mulf %sub3A_2028, %sub3A_2028 : vector<32x224xf32>
    %add3A_2033 = arith.addf %add3A_2031, %mul3A_2032 : vector<32x224xf32>
    %le3A_2034 = arith.cmpf ole, %add3A_2033, %select_n3A_141 : vector<32x224xf32>
    %jit3A_2035 = arith.constant 1.000000e+00 : f32
    %jit3A_2036 = arith.constant 0.000000e+00 : f32
    %broadcast_in_dim3A_2037 = vector.broadcast %jit3A_2035 : f32 to vector<32x224xf32>
    %broadcast_in_dim3A_2038 = vector.broadcast %jit3A_2036 : f32 to vector<32x224xf32>
    %select_n3A_2039 = arith.select %le3A_2034, %broadcast_in_dim3A_2037, %broadcast_in_dim3A_2038 : vector<32x224xi1>, vector<32x224xf32>
    %add3A_2040 = arith.addf %add3A_2007, %select_n3A_2039 : vector<32x224xf32>
    %slice3A_2041 = vector.extract_strided_slice %concatenate3A {offsets = [6, 7], sizes = [32, 224], strides = [1, 1]} : vector<40x240xf32> to vector<32x224xf32>
    %slice3A_2042 = vector.extract_strided_slice %concatenate3A_59 {offsets = [6, 7], sizes = [32, 224], strides = [1, 1]} : vector<40x240xf32> to vector<32x224xf32>
    %slice3A_2043 = vector.extract_strided_slice %concatenate3A_90 {offsets = [6, 7], sizes = [32, 224], strides = [1, 1]} : vector<40x240xf32> to vector<32x224xf32>
    %sub3A_2044 = arith.subf %get3A_110, %slice3A_2041 : vector<32x224xf32>
    %sub3A_2045 = arith.subf %get3A_116, %slice3A_2042 : vector<32x224xf32>
    %sub3A_2046 = arith.subf %get3A_122, %slice3A_2043 : vector<32x224xf32>
    %mul3A_2047 = arith.mulf %sub3A_2044, %sub3A_2044 : vector<32x224xf32>
    %mul3A_2048 = arith.mulf %sub3A_2045, %sub3A_2045 : vector<32x224xf32>
    %add3A_2049 = arith.addf %mul3A_2047, %mul3A_2048 : vector<32x224xf32>
    %mul3A_2050 = arith.mulf %sub3A_2046, %sub3A_2046 : vector<32x224xf32>
    %add3A_2051 = arith.addf %add3A_2049, %mul3A_2050 : vector<32x224xf32>
    %le3A_2052 = arith.cmpf ole, %add3A_2051, %select_n3A : vector<32x224xf32>
    %jit3A_2053 = arith.constant 1.000000e+00 : f32
    %jit3A_2054 = arith.constant 0.000000e+00 : f32
    %broadcast_in_dim3A_2055 = vector.broadcast %jit3A_2053 : f32 to vector<32x224xf32>
    %broadcast_in_dim3A_2056 = vector.broadcast %jit3A_2054 : f32 to vector<32x224xf32>
    %select_n3A_2057 = arith.select %le3A_2052, %broadcast_in_dim3A_2055, %broadcast_in_dim3A_2056 : vector<32x224xi1>, vector<32x224xf32>
    %add3A_2058 = arith.addf %add3A_2025, %select_n3A_2057 : vector<32x224xf32>
    %sub3A_2059 = arith.subf %get3A_147, %slice3A_2041 : vector<32x224xf32>
    %sub3A_2060 = arith.subf %get3A_153, %slice3A_2042 : vector<32x224xf32>
    %sub3A_2061 = arith.subf %get3A_159, %slice3A_2043 : vector<32x224xf32>
    %mul3A_2062 = arith.mulf %sub3A_2059, %sub3A_2059 : vector<32x224xf32>
    %mul3A_2063 = arith.mulf %sub3A_2060, %sub3A_2060 : vector<32x224xf32>
    %add3A_2064 = arith.addf %mul3A_2062, %mul3A_2063 : vector<32x224xf32>
    %mul3A_2065 = arith.mulf %sub3A_2061, %sub3A_2061 : vector<32x224xf32>
    %add3A_2066 = arith.addf %add3A_2064, %mul3A_2065 : vector<32x224xf32>
    %le3A_2067 = arith.cmpf ole, %add3A_2066, %select_n3A_141 : vector<32x224xf32>
    %jit3A_2068 = arith.constant 1.000000e+00 : f32
    %jit3A_2069 = arith.constant 0.000000e+00 : f32
    %broadcast_in_dim3A_2070 = vector.broadcast %jit3A_2068 : f32 to vector<32x224xf32>
    %broadcast_in_dim3A_2071 = vector.broadcast %jit3A_2069 : f32 to vector<32x224xf32>
    %select_n3A_2072 = arith.select %le3A_2067, %broadcast_in_dim3A_2070, %broadcast_in_dim3A_2071 : vector<32x224xi1>, vector<32x224xf32>
    %add3A_2073 = arith.addf %add3A_2040, %select_n3A_2072 : vector<32x224xf32>
    %slice3A_2074 = vector.extract_strided_slice %concatenate3A {offsets = [6, 8], sizes = [32, 224], strides = [1, 1]} : vector<40x240xf32> to vector<32x224xf32>
    %slice3A_2075 = vector.extract_strided_slice %concatenate3A_59 {offsets = [6, 8], sizes = [32, 224], strides = [1, 1]} : vector<40x240xf32> to vector<32x224xf32>
    %slice3A_2076 = vector.extract_strided_slice %concatenate3A_90 {offsets = [6, 8], sizes = [32, 224], strides = [1, 1]} : vector<40x240xf32> to vector<32x224xf32>
    %sub3A_2077 = arith.subf %get3A_110, %slice3A_2074 : vector<32x224xf32>
    %sub3A_2078 = arith.subf %get3A_116, %slice3A_2075 : vector<32x224xf32>
    %sub3A_2079 = arith.subf %get3A_122, %slice3A_2076 : vector<32x224xf32>
    %mul3A_2080 = arith.mulf %sub3A_2077, %sub3A_2077 : vector<32x224xf32>
    %mul3A_2081 = arith.mulf %sub3A_2078, %sub3A_2078 : vector<32x224xf32>
    %add3A_2082 = arith.addf %mul3A_2080, %mul3A_2081 : vector<32x224xf32>
    %mul3A_2083 = arith.mulf %sub3A_2079, %sub3A_2079 : vector<32x224xf32>
    %add3A_2084 = arith.addf %add3A_2082, %mul3A_2083 : vector<32x224xf32>
    %le3A_2085 = arith.cmpf ole, %add3A_2084, %select_n3A : vector<32x224xf32>
    %jit3A_2086 = arith.constant 1.000000e+00 : f32
    %jit3A_2087 = arith.constant 0.000000e+00 : f32
    %broadcast_in_dim3A_2088 = vector.broadcast %jit3A_2086 : f32 to vector<32x224xf32>
    %broadcast_in_dim3A_2089 = vector.broadcast %jit3A_2087 : f32 to vector<32x224xf32>
    %select_n3A_2090 = arith.select %le3A_2085, %broadcast_in_dim3A_2088, %broadcast_in_dim3A_2089 : vector<32x224xi1>, vector<32x224xf32>
    %add3A_2091 = arith.addf %add3A_2058, %select_n3A_2090 : vector<32x224xf32>
    %sub3A_2092 = arith.subf %get3A_147, %slice3A_2074 : vector<32x224xf32>
    %sub3A_2093 = arith.subf %get3A_153, %slice3A_2075 : vector<32x224xf32>
    %sub3A_2094 = arith.subf %get3A_159, %slice3A_2076 : vector<32x224xf32>
    %mul3A_2095 = arith.mulf %sub3A_2092, %sub3A_2092 : vector<32x224xf32>
    %mul3A_2096 = arith.mulf %sub3A_2093, %sub3A_2093 : vector<32x224xf32>
    %add3A_2097 = arith.addf %mul3A_2095, %mul3A_2096 : vector<32x224xf32>
    %mul3A_2098 = arith.mulf %sub3A_2094, %sub3A_2094 : vector<32x224xf32>
    %add3A_2099 = arith.addf %add3A_2097, %mul3A_2098 : vector<32x224xf32>
    %le3A_2100 = arith.cmpf ole, %add3A_2099, %select_n3A_141 : vector<32x224xf32>
    %jit3A_2101 = arith.constant 1.000000e+00 : f32
    %jit3A_2102 = arith.constant 0.000000e+00 : f32
    %broadcast_in_dim3A_2103 = vector.broadcast %jit3A_2101 : f32 to vector<32x224xf32>
    %broadcast_in_dim3A_2104 = vector.broadcast %jit3A_2102 : f32 to vector<32x224xf32>
    %select_n3A_2105 = arith.select %le3A_2100, %broadcast_in_dim3A_2103, %broadcast_in_dim3A_2104 : vector<32x224xi1>, vector<32x224xf32>
    %add3A_2106 = arith.addf %add3A_2073, %select_n3A_2105 : vector<32x224xf32>
    %slice3A_2107 = vector.extract_strided_slice %concatenate3A {offsets = [6, 9], sizes = [32, 224], strides = [1, 1]} : vector<40x240xf32> to vector<32x224xf32>
    %slice3A_2108 = vector.extract_strided_slice %concatenate3A_59 {offsets = [6, 9], sizes = [32, 224], strides = [1, 1]} : vector<40x240xf32> to vector<32x224xf32>
    %slice3A_2109 = vector.extract_strided_slice %concatenate3A_90 {offsets = [6, 9], sizes = [32, 224], strides = [1, 1]} : vector<40x240xf32> to vector<32x224xf32>
    %sub3A_2110 = arith.subf %get3A_110, %slice3A_2107 : vector<32x224xf32>
    %sub3A_2111 = arith.subf %get3A_116, %slice3A_2108 : vector<32x224xf32>
    %sub3A_2112 = arith.subf %get3A_122, %slice3A_2109 : vector<32x224xf32>
    %mul3A_2113 = arith.mulf %sub3A_2110, %sub3A_2110 : vector<32x224xf32>
    %mul3A_2114 = arith.mulf %sub3A_2111, %sub3A_2111 : vector<32x224xf32>
    %add3A_2115 = arith.addf %mul3A_2113, %mul3A_2114 : vector<32x224xf32>
    %mul3A_2116 = arith.mulf %sub3A_2112, %sub3A_2112 : vector<32x224xf32>
    %add3A_2117 = arith.addf %add3A_2115, %mul3A_2116 : vector<32x224xf32>
    %le3A_2118 = arith.cmpf ole, %add3A_2117, %select_n3A : vector<32x224xf32>
    %jit3A_2119 = arith.constant 1.000000e+00 : f32
    %jit3A_2120 = arith.constant 0.000000e+00 : f32
    %broadcast_in_dim3A_2121 = vector.broadcast %jit3A_2119 : f32 to vector<32x224xf32>
    %broadcast_in_dim3A_2122 = vector.broadcast %jit3A_2120 : f32 to vector<32x224xf32>
    %select_n3A_2123 = arith.select %le3A_2118, %broadcast_in_dim3A_2121, %broadcast_in_dim3A_2122 : vector<32x224xi1>, vector<32x224xf32>
    %add3A_2124 = arith.addf %add3A_2091, %select_n3A_2123 : vector<32x224xf32>
    %sub3A_2125 = arith.subf %get3A_147, %slice3A_2107 : vector<32x224xf32>
    %sub3A_2126 = arith.subf %get3A_153, %slice3A_2108 : vector<32x224xf32>
    %sub3A_2127 = arith.subf %get3A_159, %slice3A_2109 : vector<32x224xf32>
    %mul3A_2128 = arith.mulf %sub3A_2125, %sub3A_2125 : vector<32x224xf32>
    %mul3A_2129 = arith.mulf %sub3A_2126, %sub3A_2126 : vector<32x224xf32>
    %add3A_2130 = arith.addf %mul3A_2128, %mul3A_2129 : vector<32x224xf32>
    %mul3A_2131 = arith.mulf %sub3A_2127, %sub3A_2127 : vector<32x224xf32>
    %add3A_2132 = arith.addf %add3A_2130, %mul3A_2131 : vector<32x224xf32>
    %le3A_2133 = arith.cmpf ole, %add3A_2132, %select_n3A_141 : vector<32x224xf32>
    %jit3A_2134 = arith.constant 1.000000e+00 : f32
    %jit3A_2135 = arith.constant 0.000000e+00 : f32
    %broadcast_in_dim3A_2136 = vector.broadcast %jit3A_2134 : f32 to vector<32x224xf32>
    %broadcast_in_dim3A_2137 = vector.broadcast %jit3A_2135 : f32 to vector<32x224xf32>
    %select_n3A_2138 = arith.select %le3A_2133, %broadcast_in_dim3A_2136, %broadcast_in_dim3A_2137 : vector<32x224xi1>, vector<32x224xf32>
    %add3A_2139 = arith.addf %add3A_2106, %select_n3A_2138 : vector<32x224xf32>
    %slice3A_2140 = vector.extract_strided_slice %concatenate3A {offsets = [6, 10], sizes = [32, 224], strides = [1, 1]} : vector<40x240xf32> to vector<32x224xf32>
    %slice3A_2141 = vector.extract_strided_slice %concatenate3A_59 {offsets = [6, 10], sizes = [32, 224], strides = [1, 1]} : vector<40x240xf32> to vector<32x224xf32>
    %slice3A_2142 = vector.extract_strided_slice %concatenate3A_90 {offsets = [6, 10], sizes = [32, 224], strides = [1, 1]} : vector<40x240xf32> to vector<32x224xf32>
    %sub3A_2143 = arith.subf %get3A_110, %slice3A_2140 : vector<32x224xf32>
    %sub3A_2144 = arith.subf %get3A_116, %slice3A_2141 : vector<32x224xf32>
    %sub3A_2145 = arith.subf %get3A_122, %slice3A_2142 : vector<32x224xf32>
    %mul3A_2146 = arith.mulf %sub3A_2143, %sub3A_2143 : vector<32x224xf32>
    %mul3A_2147 = arith.mulf %sub3A_2144, %sub3A_2144 : vector<32x224xf32>
    %add3A_2148 = arith.addf %mul3A_2146, %mul3A_2147 : vector<32x224xf32>
    %mul3A_2149 = arith.mulf %sub3A_2145, %sub3A_2145 : vector<32x224xf32>
    %add3A_2150 = arith.addf %add3A_2148, %mul3A_2149 : vector<32x224xf32>
    %le3A_2151 = arith.cmpf ole, %add3A_2150, %select_n3A : vector<32x224xf32>
    %jit3A_2152 = arith.constant 1.000000e+00 : f32
    %jit3A_2153 = arith.constant 0.000000e+00 : f32
    %broadcast_in_dim3A_2154 = vector.broadcast %jit3A_2152 : f32 to vector<32x224xf32>
    %broadcast_in_dim3A_2155 = vector.broadcast %jit3A_2153 : f32 to vector<32x224xf32>
    %select_n3A_2156 = arith.select %le3A_2151, %broadcast_in_dim3A_2154, %broadcast_in_dim3A_2155 : vector<32x224xi1>, vector<32x224xf32>
    %add3A_2157 = arith.addf %add3A_2124, %select_n3A_2156 : vector<32x224xf32>
    %sub3A_2158 = arith.subf %get3A_147, %slice3A_2140 : vector<32x224xf32>
    %sub3A_2159 = arith.subf %get3A_153, %slice3A_2141 : vector<32x224xf32>
    %sub3A_2160 = arith.subf %get3A_159, %slice3A_2142 : vector<32x224xf32>
    %mul3A_2161 = arith.mulf %sub3A_2158, %sub3A_2158 : vector<32x224xf32>
    %mul3A_2162 = arith.mulf %sub3A_2159, %sub3A_2159 : vector<32x224xf32>
    %add3A_2163 = arith.addf %mul3A_2161, %mul3A_2162 : vector<32x224xf32>
    %mul3A_2164 = arith.mulf %sub3A_2160, %sub3A_2160 : vector<32x224xf32>
    %add3A_2165 = arith.addf %add3A_2163, %mul3A_2164 : vector<32x224xf32>
    %le3A_2166 = arith.cmpf ole, %add3A_2165, %select_n3A_141 : vector<32x224xf32>
    %jit3A_2167 = arith.constant 1.000000e+00 : f32
    %jit3A_2168 = arith.constant 0.000000e+00 : f32
    %broadcast_in_dim3A_2169 = vector.broadcast %jit3A_2167 : f32 to vector<32x224xf32>
    %broadcast_in_dim3A_2170 = vector.broadcast %jit3A_2168 : f32 to vector<32x224xf32>
    %select_n3A_2171 = arith.select %le3A_2166, %broadcast_in_dim3A_2169, %broadcast_in_dim3A_2170 : vector<32x224xi1>, vector<32x224xf32>
    %add3A_2172 = arith.addf %add3A_2139, %select_n3A_2171 : vector<32x224xf32>
    %slice3A_2173 = vector.extract_strided_slice %concatenate3A {offsets = [6, 11], sizes = [32, 224], strides = [1, 1]} : vector<40x240xf32> to vector<32x224xf32>
    %slice3A_2174 = vector.extract_strided_slice %concatenate3A_59 {offsets = [6, 11], sizes = [32, 224], strides = [1, 1]} : vector<40x240xf32> to vector<32x224xf32>
    %slice3A_2175 = vector.extract_strided_slice %concatenate3A_90 {offsets = [6, 11], sizes = [32, 224], strides = [1, 1]} : vector<40x240xf32> to vector<32x224xf32>
    %sub3A_2176 = arith.subf %get3A_110, %slice3A_2173 : vector<32x224xf32>
    %sub3A_2177 = arith.subf %get3A_116, %slice3A_2174 : vector<32x224xf32>
    %sub3A_2178 = arith.subf %get3A_122, %slice3A_2175 : vector<32x224xf32>
    %mul3A_2179 = arith.mulf %sub3A_2176, %sub3A_2176 : vector<32x224xf32>
    %mul3A_2180 = arith.mulf %sub3A_2177, %sub3A_2177 : vector<32x224xf32>
    %add3A_2181 = arith.addf %mul3A_2179, %mul3A_2180 : vector<32x224xf32>
    %mul3A_2182 = arith.mulf %sub3A_2178, %sub3A_2178 : vector<32x224xf32>
    %add3A_2183 = arith.addf %add3A_2181, %mul3A_2182 : vector<32x224xf32>
    %le3A_2184 = arith.cmpf ole, %add3A_2183, %select_n3A : vector<32x224xf32>
    %jit3A_2185 = arith.constant 1.000000e+00 : f32
    %jit3A_2186 = arith.constant 0.000000e+00 : f32
    %broadcast_in_dim3A_2187 = vector.broadcast %jit3A_2185 : f32 to vector<32x224xf32>
    %broadcast_in_dim3A_2188 = vector.broadcast %jit3A_2186 : f32 to vector<32x224xf32>
    %select_n3A_2189 = arith.select %le3A_2184, %broadcast_in_dim3A_2187, %broadcast_in_dim3A_2188 : vector<32x224xi1>, vector<32x224xf32>
    %add3A_2190 = arith.addf %add3A_2157, %select_n3A_2189 : vector<32x224xf32>
    %sub3A_2191 = arith.subf %get3A_147, %slice3A_2173 : vector<32x224xf32>
    %sub3A_2192 = arith.subf %get3A_153, %slice3A_2174 : vector<32x224xf32>
    %sub3A_2193 = arith.subf %get3A_159, %slice3A_2175 : vector<32x224xf32>
    %mul3A_2194 = arith.mulf %sub3A_2191, %sub3A_2191 : vector<32x224xf32>
    %mul3A_2195 = arith.mulf %sub3A_2192, %sub3A_2192 : vector<32x224xf32>
    %add3A_2196 = arith.addf %mul3A_2194, %mul3A_2195 : vector<32x224xf32>
    %mul3A_2197 = arith.mulf %sub3A_2193, %sub3A_2193 : vector<32x224xf32>
    %add3A_2198 = arith.addf %add3A_2196, %mul3A_2197 : vector<32x224xf32>
    %le3A_2199 = arith.cmpf ole, %add3A_2198, %select_n3A_141 : vector<32x224xf32>
    %jit3A_2200 = arith.constant 1.000000e+00 : f32
    %jit3A_2201 = arith.constant 0.000000e+00 : f32
    %broadcast_in_dim3A_2202 = vector.broadcast %jit3A_2200 : f32 to vector<32x224xf32>
    %broadcast_in_dim3A_2203 = vector.broadcast %jit3A_2201 : f32 to vector<32x224xf32>
    %select_n3A_2204 = arith.select %le3A_2199, %broadcast_in_dim3A_2202, %broadcast_in_dim3A_2203 : vector<32x224xi1>, vector<32x224xf32>
    %add3A_2205 = arith.addf %add3A_2172, %select_n3A_2204 : vector<32x224xf32>
    %slice3A_2206 = vector.extract_strided_slice %concatenate3A {offsets = [6, 12], sizes = [32, 224], strides = [1, 1]} : vector<40x240xf32> to vector<32x224xf32>
    %slice3A_2207 = vector.extract_strided_slice %concatenate3A_59 {offsets = [6, 12], sizes = [32, 224], strides = [1, 1]} : vector<40x240xf32> to vector<32x224xf32>
    %slice3A_2208 = vector.extract_strided_slice %concatenate3A_90 {offsets = [6, 12], sizes = [32, 224], strides = [1, 1]} : vector<40x240xf32> to vector<32x224xf32>
    %sub3A_2209 = arith.subf %get3A_110, %slice3A_2206 : vector<32x224xf32>
    %sub3A_2210 = arith.subf %get3A_116, %slice3A_2207 : vector<32x224xf32>
    %sub3A_2211 = arith.subf %get3A_122, %slice3A_2208 : vector<32x224xf32>
    %mul3A_2212 = arith.mulf %sub3A_2209, %sub3A_2209 : vector<32x224xf32>
    %mul3A_2213 = arith.mulf %sub3A_2210, %sub3A_2210 : vector<32x224xf32>
    %add3A_2214 = arith.addf %mul3A_2212, %mul3A_2213 : vector<32x224xf32>
    %mul3A_2215 = arith.mulf %sub3A_2211, %sub3A_2211 : vector<32x224xf32>
    %add3A_2216 = arith.addf %add3A_2214, %mul3A_2215 : vector<32x224xf32>
    %le3A_2217 = arith.cmpf ole, %add3A_2216, %select_n3A : vector<32x224xf32>
    %jit3A_2218 = arith.constant 1.000000e+00 : f32
    %jit3A_2219 = arith.constant 0.000000e+00 : f32
    %broadcast_in_dim3A_2220 = vector.broadcast %jit3A_2218 : f32 to vector<32x224xf32>
    %broadcast_in_dim3A_2221 = vector.broadcast %jit3A_2219 : f32 to vector<32x224xf32>
    %select_n3A_2222 = arith.select %le3A_2217, %broadcast_in_dim3A_2220, %broadcast_in_dim3A_2221 : vector<32x224xi1>, vector<32x224xf32>
    %add3A_2223 = arith.addf %add3A_2190, %select_n3A_2222 : vector<32x224xf32>
    %sub3A_2224 = arith.subf %get3A_147, %slice3A_2206 : vector<32x224xf32>
    %sub3A_2225 = arith.subf %get3A_153, %slice3A_2207 : vector<32x224xf32>
    %sub3A_2226 = arith.subf %get3A_159, %slice3A_2208 : vector<32x224xf32>
    %mul3A_2227 = arith.mulf %sub3A_2224, %sub3A_2224 : vector<32x224xf32>
    %mul3A_2228 = arith.mulf %sub3A_2225, %sub3A_2225 : vector<32x224xf32>
    %add3A_2229 = arith.addf %mul3A_2227, %mul3A_2228 : vector<32x224xf32>
    %mul3A_2230 = arith.mulf %sub3A_2226, %sub3A_2226 : vector<32x224xf32>
    %add3A_2231 = arith.addf %add3A_2229, %mul3A_2230 : vector<32x224xf32>
    %le3A_2232 = arith.cmpf ole, %add3A_2231, %select_n3A_141 : vector<32x224xf32>
    %jit3A_2233 = arith.constant 1.000000e+00 : f32
    %jit3A_2234 = arith.constant 0.000000e+00 : f32
    %broadcast_in_dim3A_2235 = vector.broadcast %jit3A_2233 : f32 to vector<32x224xf32>
    %broadcast_in_dim3A_2236 = vector.broadcast %jit3A_2234 : f32 to vector<32x224xf32>
    %select_n3A_2237 = arith.select %le3A_2232, %broadcast_in_dim3A_2235, %broadcast_in_dim3A_2236 : vector<32x224xi1>, vector<32x224xf32>
    %add3A_2238 = arith.addf %add3A_2205, %select_n3A_2237 : vector<32x224xf32>
    %slice3A_2239 = vector.extract_strided_slice %concatenate3A {offsets = [7, 4], sizes = [32, 224], strides = [1, 1]} : vector<40x240xf32> to vector<32x224xf32>
    %slice3A_2240 = vector.extract_strided_slice %concatenate3A_59 {offsets = [7, 4], sizes = [32, 224], strides = [1, 1]} : vector<40x240xf32> to vector<32x224xf32>
    %slice3A_2241 = vector.extract_strided_slice %concatenate3A_90 {offsets = [7, 4], sizes = [32, 224], strides = [1, 1]} : vector<40x240xf32> to vector<32x224xf32>
    %sub3A_2242 = arith.subf %get3A_110, %slice3A_2239 : vector<32x224xf32>
    %sub3A_2243 = arith.subf %get3A_116, %slice3A_2240 : vector<32x224xf32>
    %sub3A_2244 = arith.subf %get3A_122, %slice3A_2241 : vector<32x224xf32>
    %mul3A_2245 = arith.mulf %sub3A_2242, %sub3A_2242 : vector<32x224xf32>
    %mul3A_2246 = arith.mulf %sub3A_2243, %sub3A_2243 : vector<32x224xf32>
    %add3A_2247 = arith.addf %mul3A_2245, %mul3A_2246 : vector<32x224xf32>
    %mul3A_2248 = arith.mulf %sub3A_2244, %sub3A_2244 : vector<32x224xf32>
    %add3A_2249 = arith.addf %add3A_2247, %mul3A_2248 : vector<32x224xf32>
    %le3A_2250 = arith.cmpf ole, %add3A_2249, %select_n3A : vector<32x224xf32>
    %jit3A_2251 = arith.constant 1.000000e+00 : f32
    %jit3A_2252 = arith.constant 0.000000e+00 : f32
    %broadcast_in_dim3A_2253 = vector.broadcast %jit3A_2251 : f32 to vector<32x224xf32>
    %broadcast_in_dim3A_2254 = vector.broadcast %jit3A_2252 : f32 to vector<32x224xf32>
    %select_n3A_2255 = arith.select %le3A_2250, %broadcast_in_dim3A_2253, %broadcast_in_dim3A_2254 : vector<32x224xi1>, vector<32x224xf32>
    %add3A_2256 = arith.addf %add3A_2223, %select_n3A_2255 : vector<32x224xf32>
    %sub3A_2257 = arith.subf %get3A_147, %slice3A_2239 : vector<32x224xf32>
    %sub3A_2258 = arith.subf %get3A_153, %slice3A_2240 : vector<32x224xf32>
    %sub3A_2259 = arith.subf %get3A_159, %slice3A_2241 : vector<32x224xf32>
    %mul3A_2260 = arith.mulf %sub3A_2257, %sub3A_2257 : vector<32x224xf32>
    %mul3A_2261 = arith.mulf %sub3A_2258, %sub3A_2258 : vector<32x224xf32>
    %add3A_2262 = arith.addf %mul3A_2260, %mul3A_2261 : vector<32x224xf32>
    %mul3A_2263 = arith.mulf %sub3A_2259, %sub3A_2259 : vector<32x224xf32>
    %add3A_2264 = arith.addf %add3A_2262, %mul3A_2263 : vector<32x224xf32>
    %le3A_2265 = arith.cmpf ole, %add3A_2264, %select_n3A_141 : vector<32x224xf32>
    %jit3A_2266 = arith.constant 1.000000e+00 : f32
    %jit3A_2267 = arith.constant 0.000000e+00 : f32
    %broadcast_in_dim3A_2268 = vector.broadcast %jit3A_2266 : f32 to vector<32x224xf32>
    %broadcast_in_dim3A_2269 = vector.broadcast %jit3A_2267 : f32 to vector<32x224xf32>
    %select_n3A_2270 = arith.select %le3A_2265, %broadcast_in_dim3A_2268, %broadcast_in_dim3A_2269 : vector<32x224xi1>, vector<32x224xf32>
    %add3A_2271 = arith.addf %add3A_2238, %select_n3A_2270 : vector<32x224xf32>
    %slice3A_2272 = vector.extract_strided_slice %concatenate3A {offsets = [7, 5], sizes = [32, 224], strides = [1, 1]} : vector<40x240xf32> to vector<32x224xf32>
    %slice3A_2273 = vector.extract_strided_slice %concatenate3A_59 {offsets = [7, 5], sizes = [32, 224], strides = [1, 1]} : vector<40x240xf32> to vector<32x224xf32>
    %slice3A_2274 = vector.extract_strided_slice %concatenate3A_90 {offsets = [7, 5], sizes = [32, 224], strides = [1, 1]} : vector<40x240xf32> to vector<32x224xf32>
    %sub3A_2275 = arith.subf %get3A_110, %slice3A_2272 : vector<32x224xf32>
    %sub3A_2276 = arith.subf %get3A_116, %slice3A_2273 : vector<32x224xf32>
    %sub3A_2277 = arith.subf %get3A_122, %slice3A_2274 : vector<32x224xf32>
    %mul3A_2278 = arith.mulf %sub3A_2275, %sub3A_2275 : vector<32x224xf32>
    %mul3A_2279 = arith.mulf %sub3A_2276, %sub3A_2276 : vector<32x224xf32>
    %add3A_2280 = arith.addf %mul3A_2278, %mul3A_2279 : vector<32x224xf32>
    %mul3A_2281 = arith.mulf %sub3A_2277, %sub3A_2277 : vector<32x224xf32>
    %add3A_2282 = arith.addf %add3A_2280, %mul3A_2281 : vector<32x224xf32>
    %le3A_2283 = arith.cmpf ole, %add3A_2282, %select_n3A : vector<32x224xf32>
    %jit3A_2284 = arith.constant 1.000000e+00 : f32
    %jit3A_2285 = arith.constant 0.000000e+00 : f32
    %broadcast_in_dim3A_2286 = vector.broadcast %jit3A_2284 : f32 to vector<32x224xf32>
    %broadcast_in_dim3A_2287 = vector.broadcast %jit3A_2285 : f32 to vector<32x224xf32>
    %select_n3A_2288 = arith.select %le3A_2283, %broadcast_in_dim3A_2286, %broadcast_in_dim3A_2287 : vector<32x224xi1>, vector<32x224xf32>
    %add3A_2289 = arith.addf %add3A_2256, %select_n3A_2288 : vector<32x224xf32>
    %sub3A_2290 = arith.subf %get3A_147, %slice3A_2272 : vector<32x224xf32>
    %sub3A_2291 = arith.subf %get3A_153, %slice3A_2273 : vector<32x224xf32>
    %sub3A_2292 = arith.subf %get3A_159, %slice3A_2274 : vector<32x224xf32>
    %mul3A_2293 = arith.mulf %sub3A_2290, %sub3A_2290 : vector<32x224xf32>
    %mul3A_2294 = arith.mulf %sub3A_2291, %sub3A_2291 : vector<32x224xf32>
    %add3A_2295 = arith.addf %mul3A_2293, %mul3A_2294 : vector<32x224xf32>
    %mul3A_2296 = arith.mulf %sub3A_2292, %sub3A_2292 : vector<32x224xf32>
    %add3A_2297 = arith.addf %add3A_2295, %mul3A_2296 : vector<32x224xf32>
    %le3A_2298 = arith.cmpf ole, %add3A_2297, %select_n3A_141 : vector<32x224xf32>
    %jit3A_2299 = arith.constant 1.000000e+00 : f32
    %jit3A_2300 = arith.constant 0.000000e+00 : f32
    %broadcast_in_dim3A_2301 = vector.broadcast %jit3A_2299 : f32 to vector<32x224xf32>
    %broadcast_in_dim3A_2302 = vector.broadcast %jit3A_2300 : f32 to vector<32x224xf32>
    %select_n3A_2303 = arith.select %le3A_2298, %broadcast_in_dim3A_2301, %broadcast_in_dim3A_2302 : vector<32x224xi1>, vector<32x224xf32>
    %add3A_2304 = arith.addf %add3A_2271, %select_n3A_2303 : vector<32x224xf32>
    %slice3A_2305 = vector.extract_strided_slice %concatenate3A {offsets = [7, 6], sizes = [32, 224], strides = [1, 1]} : vector<40x240xf32> to vector<32x224xf32>
    %slice3A_2306 = vector.extract_strided_slice %concatenate3A_59 {offsets = [7, 6], sizes = [32, 224], strides = [1, 1]} : vector<40x240xf32> to vector<32x224xf32>
    %slice3A_2307 = vector.extract_strided_slice %concatenate3A_90 {offsets = [7, 6], sizes = [32, 224], strides = [1, 1]} : vector<40x240xf32> to vector<32x224xf32>
    %sub3A_2308 = arith.subf %get3A_110, %slice3A_2305 : vector<32x224xf32>
    %sub3A_2309 = arith.subf %get3A_116, %slice3A_2306 : vector<32x224xf32>
    %sub3A_2310 = arith.subf %get3A_122, %slice3A_2307 : vector<32x224xf32>
    %mul3A_2311 = arith.mulf %sub3A_2308, %sub3A_2308 : vector<32x224xf32>
    %mul3A_2312 = arith.mulf %sub3A_2309, %sub3A_2309 : vector<32x224xf32>
    %add3A_2313 = arith.addf %mul3A_2311, %mul3A_2312 : vector<32x224xf32>
    %mul3A_2314 = arith.mulf %sub3A_2310, %sub3A_2310 : vector<32x224xf32>
    %add3A_2315 = arith.addf %add3A_2313, %mul3A_2314 : vector<32x224xf32>
    %le3A_2316 = arith.cmpf ole, %add3A_2315, %select_n3A : vector<32x224xf32>
    %jit3A_2317 = arith.constant 1.000000e+00 : f32
    %jit3A_2318 = arith.constant 0.000000e+00 : f32
    %broadcast_in_dim3A_2319 = vector.broadcast %jit3A_2317 : f32 to vector<32x224xf32>
    %broadcast_in_dim3A_2320 = vector.broadcast %jit3A_2318 : f32 to vector<32x224xf32>
    %select_n3A_2321 = arith.select %le3A_2316, %broadcast_in_dim3A_2319, %broadcast_in_dim3A_2320 : vector<32x224xi1>, vector<32x224xf32>
    %add3A_2322 = arith.addf %add3A_2289, %select_n3A_2321 : vector<32x224xf32>
    %sub3A_2323 = arith.subf %get3A_147, %slice3A_2305 : vector<32x224xf32>
    %sub3A_2324 = arith.subf %get3A_153, %slice3A_2306 : vector<32x224xf32>
    %sub3A_2325 = arith.subf %get3A_159, %slice3A_2307 : vector<32x224xf32>
    %mul3A_2326 = arith.mulf %sub3A_2323, %sub3A_2323 : vector<32x224xf32>
    %mul3A_2327 = arith.mulf %sub3A_2324, %sub3A_2324 : vector<32x224xf32>
    %add3A_2328 = arith.addf %mul3A_2326, %mul3A_2327 : vector<32x224xf32>
    %mul3A_2329 = arith.mulf %sub3A_2325, %sub3A_2325 : vector<32x224xf32>
    %add3A_2330 = arith.addf %add3A_2328, %mul3A_2329 : vector<32x224xf32>
    %le3A_2331 = arith.cmpf ole, %add3A_2330, %select_n3A_141 : vector<32x224xf32>
    %jit3A_2332 = arith.constant 1.000000e+00 : f32
    %jit3A_2333 = arith.constant 0.000000e+00 : f32
    %broadcast_in_dim3A_2334 = vector.broadcast %jit3A_2332 : f32 to vector<32x224xf32>
    %broadcast_in_dim3A_2335 = vector.broadcast %jit3A_2333 : f32 to vector<32x224xf32>
    %select_n3A_2336 = arith.select %le3A_2331, %broadcast_in_dim3A_2334, %broadcast_in_dim3A_2335 : vector<32x224xi1>, vector<32x224xf32>
    %add3A_2337 = arith.addf %add3A_2304, %select_n3A_2336 : vector<32x224xf32>
    %slice3A_2338 = vector.extract_strided_slice %concatenate3A {offsets = [7, 7], sizes = [32, 224], strides = [1, 1]} : vector<40x240xf32> to vector<32x224xf32>
    %slice3A_2339 = vector.extract_strided_slice %concatenate3A_59 {offsets = [7, 7], sizes = [32, 224], strides = [1, 1]} : vector<40x240xf32> to vector<32x224xf32>
    %slice3A_2340 = vector.extract_strided_slice %concatenate3A_90 {offsets = [7, 7], sizes = [32, 224], strides = [1, 1]} : vector<40x240xf32> to vector<32x224xf32>
    %sub3A_2341 = arith.subf %get3A_110, %slice3A_2338 : vector<32x224xf32>
    %sub3A_2342 = arith.subf %get3A_116, %slice3A_2339 : vector<32x224xf32>
    %sub3A_2343 = arith.subf %get3A_122, %slice3A_2340 : vector<32x224xf32>
    %mul3A_2344 = arith.mulf %sub3A_2341, %sub3A_2341 : vector<32x224xf32>
    %mul3A_2345 = arith.mulf %sub3A_2342, %sub3A_2342 : vector<32x224xf32>
    %add3A_2346 = arith.addf %mul3A_2344, %mul3A_2345 : vector<32x224xf32>
    %mul3A_2347 = arith.mulf %sub3A_2343, %sub3A_2343 : vector<32x224xf32>
    %add3A_2348 = arith.addf %add3A_2346, %mul3A_2347 : vector<32x224xf32>
    %le3A_2349 = arith.cmpf ole, %add3A_2348, %select_n3A : vector<32x224xf32>
    %jit3A_2350 = arith.constant 1.000000e+00 : f32
    %jit3A_2351 = arith.constant 0.000000e+00 : f32
    %broadcast_in_dim3A_2352 = vector.broadcast %jit3A_2350 : f32 to vector<32x224xf32>
    %broadcast_in_dim3A_2353 = vector.broadcast %jit3A_2351 : f32 to vector<32x224xf32>
    %select_n3A_2354 = arith.select %le3A_2349, %broadcast_in_dim3A_2352, %broadcast_in_dim3A_2353 : vector<32x224xi1>, vector<32x224xf32>
    %add3A_2355 = arith.addf %add3A_2322, %select_n3A_2354 : vector<32x224xf32>
    %sub3A_2356 = arith.subf %get3A_147, %slice3A_2338 : vector<32x224xf32>
    %sub3A_2357 = arith.subf %get3A_153, %slice3A_2339 : vector<32x224xf32>
    %sub3A_2358 = arith.subf %get3A_159, %slice3A_2340 : vector<32x224xf32>
    %mul3A_2359 = arith.mulf %sub3A_2356, %sub3A_2356 : vector<32x224xf32>
    %mul3A_2360 = arith.mulf %sub3A_2357, %sub3A_2357 : vector<32x224xf32>
    %add3A_2361 = arith.addf %mul3A_2359, %mul3A_2360 : vector<32x224xf32>
    %mul3A_2362 = arith.mulf %sub3A_2358, %sub3A_2358 : vector<32x224xf32>
    %add3A_2363 = arith.addf %add3A_2361, %mul3A_2362 : vector<32x224xf32>
    %le3A_2364 = arith.cmpf ole, %add3A_2363, %select_n3A_141 : vector<32x224xf32>
    %jit3A_2365 = arith.constant 1.000000e+00 : f32
    %jit3A_2366 = arith.constant 0.000000e+00 : f32
    %broadcast_in_dim3A_2367 = vector.broadcast %jit3A_2365 : f32 to vector<32x224xf32>
    %broadcast_in_dim3A_2368 = vector.broadcast %jit3A_2366 : f32 to vector<32x224xf32>
    %select_n3A_2369 = arith.select %le3A_2364, %broadcast_in_dim3A_2367, %broadcast_in_dim3A_2368 : vector<32x224xi1>, vector<32x224xf32>
    %add3A_2370 = arith.addf %add3A_2337, %select_n3A_2369 : vector<32x224xf32>
    %slice3A_2371 = vector.extract_strided_slice %concatenate3A {offsets = [7, 8], sizes = [32, 224], strides = [1, 1]} : vector<40x240xf32> to vector<32x224xf32>
    %slice3A_2372 = vector.extract_strided_slice %concatenate3A_59 {offsets = [7, 8], sizes = [32, 224], strides = [1, 1]} : vector<40x240xf32> to vector<32x224xf32>
    %slice3A_2373 = vector.extract_strided_slice %concatenate3A_90 {offsets = [7, 8], sizes = [32, 224], strides = [1, 1]} : vector<40x240xf32> to vector<32x224xf32>
    %sub3A_2374 = arith.subf %get3A_110, %slice3A_2371 : vector<32x224xf32>
    %sub3A_2375 = arith.subf %get3A_116, %slice3A_2372 : vector<32x224xf32>
    %sub3A_2376 = arith.subf %get3A_122, %slice3A_2373 : vector<32x224xf32>
    %mul3A_2377 = arith.mulf %sub3A_2374, %sub3A_2374 : vector<32x224xf32>
    %mul3A_2378 = arith.mulf %sub3A_2375, %sub3A_2375 : vector<32x224xf32>
    %add3A_2379 = arith.addf %mul3A_2377, %mul3A_2378 : vector<32x224xf32>
    %mul3A_2380 = arith.mulf %sub3A_2376, %sub3A_2376 : vector<32x224xf32>
    %add3A_2381 = arith.addf %add3A_2379, %mul3A_2380 : vector<32x224xf32>
    %le3A_2382 = arith.cmpf ole, %add3A_2381, %select_n3A : vector<32x224xf32>
    %jit3A_2383 = arith.constant 1.000000e+00 : f32
    %jit3A_2384 = arith.constant 0.000000e+00 : f32
    %broadcast_in_dim3A_2385 = vector.broadcast %jit3A_2383 : f32 to vector<32x224xf32>
    %broadcast_in_dim3A_2386 = vector.broadcast %jit3A_2384 : f32 to vector<32x224xf32>
    %select_n3A_2387 = arith.select %le3A_2382, %broadcast_in_dim3A_2385, %broadcast_in_dim3A_2386 : vector<32x224xi1>, vector<32x224xf32>
    %add3A_2388 = arith.addf %add3A_2355, %select_n3A_2387 : vector<32x224xf32>
    %sub3A_2389 = arith.subf %get3A_147, %slice3A_2371 : vector<32x224xf32>
    %sub3A_2390 = arith.subf %get3A_153, %slice3A_2372 : vector<32x224xf32>
    %sub3A_2391 = arith.subf %get3A_159, %slice3A_2373 : vector<32x224xf32>
    %mul3A_2392 = arith.mulf %sub3A_2389, %sub3A_2389 : vector<32x224xf32>
    %mul3A_2393 = arith.mulf %sub3A_2390, %sub3A_2390 : vector<32x224xf32>
    %add3A_2394 = arith.addf %mul3A_2392, %mul3A_2393 : vector<32x224xf32>
    %mul3A_2395 = arith.mulf %sub3A_2391, %sub3A_2391 : vector<32x224xf32>
    %add3A_2396 = arith.addf %add3A_2394, %mul3A_2395 : vector<32x224xf32>
    %le3A_2397 = arith.cmpf ole, %add3A_2396, %select_n3A_141 : vector<32x224xf32>
    %jit3A_2398 = arith.constant 1.000000e+00 : f32
    %jit3A_2399 = arith.constant 0.000000e+00 : f32
    %broadcast_in_dim3A_2400 = vector.broadcast %jit3A_2398 : f32 to vector<32x224xf32>
    %broadcast_in_dim3A_2401 = vector.broadcast %jit3A_2399 : f32 to vector<32x224xf32>
    %select_n3A_2402 = arith.select %le3A_2397, %broadcast_in_dim3A_2400, %broadcast_in_dim3A_2401 : vector<32x224xi1>, vector<32x224xf32>
    %add3A_2403 = arith.addf %add3A_2370, %select_n3A_2402 : vector<32x224xf32>
    %slice3A_2404 = vector.extract_strided_slice %concatenate3A {offsets = [7, 9], sizes = [32, 224], strides = [1, 1]} : vector<40x240xf32> to vector<32x224xf32>
    %slice3A_2405 = vector.extract_strided_slice %concatenate3A_59 {offsets = [7, 9], sizes = [32, 224], strides = [1, 1]} : vector<40x240xf32> to vector<32x224xf32>
    %slice3A_2406 = vector.extract_strided_slice %concatenate3A_90 {offsets = [7, 9], sizes = [32, 224], strides = [1, 1]} : vector<40x240xf32> to vector<32x224xf32>
    %sub3A_2407 = arith.subf %get3A_110, %slice3A_2404 : vector<32x224xf32>
    %sub3A_2408 = arith.subf %get3A_116, %slice3A_2405 : vector<32x224xf32>
    %sub3A_2409 = arith.subf %get3A_122, %slice3A_2406 : vector<32x224xf32>
    %mul3A_2410 = arith.mulf %sub3A_2407, %sub3A_2407 : vector<32x224xf32>
    %mul3A_2411 = arith.mulf %sub3A_2408, %sub3A_2408 : vector<32x224xf32>
    %add3A_2412 = arith.addf %mul3A_2410, %mul3A_2411 : vector<32x224xf32>
    %mul3A_2413 = arith.mulf %sub3A_2409, %sub3A_2409 : vector<32x224xf32>
    %add3A_2414 = arith.addf %add3A_2412, %mul3A_2413 : vector<32x224xf32>
    %le3A_2415 = arith.cmpf ole, %add3A_2414, %select_n3A : vector<32x224xf32>
    %jit3A_2416 = arith.constant 1.000000e+00 : f32
    %jit3A_2417 = arith.constant 0.000000e+00 : f32
    %broadcast_in_dim3A_2418 = vector.broadcast %jit3A_2416 : f32 to vector<32x224xf32>
    %broadcast_in_dim3A_2419 = vector.broadcast %jit3A_2417 : f32 to vector<32x224xf32>
    %select_n3A_2420 = arith.select %le3A_2415, %broadcast_in_dim3A_2418, %broadcast_in_dim3A_2419 : vector<32x224xi1>, vector<32x224xf32>
    %add3A_2421 = arith.addf %add3A_2388, %select_n3A_2420 : vector<32x224xf32>
    %sub3A_2422 = arith.subf %get3A_147, %slice3A_2404 : vector<32x224xf32>
    %sub3A_2423 = arith.subf %get3A_153, %slice3A_2405 : vector<32x224xf32>
    %sub3A_2424 = arith.subf %get3A_159, %slice3A_2406 : vector<32x224xf32>
    %mul3A_2425 = arith.mulf %sub3A_2422, %sub3A_2422 : vector<32x224xf32>
    %mul3A_2426 = arith.mulf %sub3A_2423, %sub3A_2423 : vector<32x224xf32>
    %add3A_2427 = arith.addf %mul3A_2425, %mul3A_2426 : vector<32x224xf32>
    %mul3A_2428 = arith.mulf %sub3A_2424, %sub3A_2424 : vector<32x224xf32>
    %add3A_2429 = arith.addf %add3A_2427, %mul3A_2428 : vector<32x224xf32>
    %le3A_2430 = arith.cmpf ole, %add3A_2429, %select_n3A_141 : vector<32x224xf32>
    %jit3A_2431 = arith.constant 1.000000e+00 : f32
    %jit3A_2432 = arith.constant 0.000000e+00 : f32
    %broadcast_in_dim3A_2433 = vector.broadcast %jit3A_2431 : f32 to vector<32x224xf32>
    %broadcast_in_dim3A_2434 = vector.broadcast %jit3A_2432 : f32 to vector<32x224xf32>
    %select_n3A_2435 = arith.select %le3A_2430, %broadcast_in_dim3A_2433, %broadcast_in_dim3A_2434 : vector<32x224xi1>, vector<32x224xf32>
    %add3A_2436 = arith.addf %add3A_2403, %select_n3A_2435 : vector<32x224xf32>
    %slice3A_2437 = vector.extract_strided_slice %concatenate3A {offsets = [7, 10], sizes = [32, 224], strides = [1, 1]} : vector<40x240xf32> to vector<32x224xf32>
    %slice3A_2438 = vector.extract_strided_slice %concatenate3A_59 {offsets = [7, 10], sizes = [32, 224], strides = [1, 1]} : vector<40x240xf32> to vector<32x224xf32>
    %slice3A_2439 = vector.extract_strided_slice %concatenate3A_90 {offsets = [7, 10], sizes = [32, 224], strides = [1, 1]} : vector<40x240xf32> to vector<32x224xf32>
    %sub3A_2440 = arith.subf %get3A_110, %slice3A_2437 : vector<32x224xf32>
    %sub3A_2441 = arith.subf %get3A_116, %slice3A_2438 : vector<32x224xf32>
    %sub3A_2442 = arith.subf %get3A_122, %slice3A_2439 : vector<32x224xf32>
    %mul3A_2443 = arith.mulf %sub3A_2440, %sub3A_2440 : vector<32x224xf32>
    %mul3A_2444 = arith.mulf %sub3A_2441, %sub3A_2441 : vector<32x224xf32>
    %add3A_2445 = arith.addf %mul3A_2443, %mul3A_2444 : vector<32x224xf32>
    %mul3A_2446 = arith.mulf %sub3A_2442, %sub3A_2442 : vector<32x224xf32>
    %add3A_2447 = arith.addf %add3A_2445, %mul3A_2446 : vector<32x224xf32>
    %le3A_2448 = arith.cmpf ole, %add3A_2447, %select_n3A : vector<32x224xf32>
    %jit3A_2449 = arith.constant 1.000000e+00 : f32
    %jit3A_2450 = arith.constant 0.000000e+00 : f32
    %broadcast_in_dim3A_2451 = vector.broadcast %jit3A_2449 : f32 to vector<32x224xf32>
    %broadcast_in_dim3A_2452 = vector.broadcast %jit3A_2450 : f32 to vector<32x224xf32>
    %select_n3A_2453 = arith.select %le3A_2448, %broadcast_in_dim3A_2451, %broadcast_in_dim3A_2452 : vector<32x224xi1>, vector<32x224xf32>
    %add3A_2454 = arith.addf %add3A_2421, %select_n3A_2453 : vector<32x224xf32>
    %sub3A_2455 = arith.subf %get3A_147, %slice3A_2437 : vector<32x224xf32>
    %sub3A_2456 = arith.subf %get3A_153, %slice3A_2438 : vector<32x224xf32>
    %sub3A_2457 = arith.subf %get3A_159, %slice3A_2439 : vector<32x224xf32>
    %mul3A_2458 = arith.mulf %sub3A_2455, %sub3A_2455 : vector<32x224xf32>
    %mul3A_2459 = arith.mulf %sub3A_2456, %sub3A_2456 : vector<32x224xf32>
    %add3A_2460 = arith.addf %mul3A_2458, %mul3A_2459 : vector<32x224xf32>
    %mul3A_2461 = arith.mulf %sub3A_2457, %sub3A_2457 : vector<32x224xf32>
    %add3A_2462 = arith.addf %add3A_2460, %mul3A_2461 : vector<32x224xf32>
    %le3A_2463 = arith.cmpf ole, %add3A_2462, %select_n3A_141 : vector<32x224xf32>
    %jit3A_2464 = arith.constant 1.000000e+00 : f32
    %jit3A_2465 = arith.constant 0.000000e+00 : f32
    %broadcast_in_dim3A_2466 = vector.broadcast %jit3A_2464 : f32 to vector<32x224xf32>
    %broadcast_in_dim3A_2467 = vector.broadcast %jit3A_2465 : f32 to vector<32x224xf32>
    %select_n3A_2468 = arith.select %le3A_2463, %broadcast_in_dim3A_2466, %broadcast_in_dim3A_2467 : vector<32x224xi1>, vector<32x224xf32>
    %add3A_2469 = arith.addf %add3A_2436, %select_n3A_2468 : vector<32x224xf32>
    %slice3A_2470 = vector.extract_strided_slice %concatenate3A {offsets = [7, 11], sizes = [32, 224], strides = [1, 1]} : vector<40x240xf32> to vector<32x224xf32>
    %slice3A_2471 = vector.extract_strided_slice %concatenate3A_59 {offsets = [7, 11], sizes = [32, 224], strides = [1, 1]} : vector<40x240xf32> to vector<32x224xf32>
    %slice3A_2472 = vector.extract_strided_slice %concatenate3A_90 {offsets = [7, 11], sizes = [32, 224], strides = [1, 1]} : vector<40x240xf32> to vector<32x224xf32>
    %sub3A_2473 = arith.subf %get3A_110, %slice3A_2470 : vector<32x224xf32>
    %sub3A_2474 = arith.subf %get3A_116, %slice3A_2471 : vector<32x224xf32>
    %sub3A_2475 = arith.subf %get3A_122, %slice3A_2472 : vector<32x224xf32>
    %mul3A_2476 = arith.mulf %sub3A_2473, %sub3A_2473 : vector<32x224xf32>
    %mul3A_2477 = arith.mulf %sub3A_2474, %sub3A_2474 : vector<32x224xf32>
    %add3A_2478 = arith.addf %mul3A_2476, %mul3A_2477 : vector<32x224xf32>
    %mul3A_2479 = arith.mulf %sub3A_2475, %sub3A_2475 : vector<32x224xf32>
    %add3A_2480 = arith.addf %add3A_2478, %mul3A_2479 : vector<32x224xf32>
    %le3A_2481 = arith.cmpf ole, %add3A_2480, %select_n3A : vector<32x224xf32>
    %jit3A_2482 = arith.constant 1.000000e+00 : f32
    %jit3A_2483 = arith.constant 0.000000e+00 : f32
    %broadcast_in_dim3A_2484 = vector.broadcast %jit3A_2482 : f32 to vector<32x224xf32>
    %broadcast_in_dim3A_2485 = vector.broadcast %jit3A_2483 : f32 to vector<32x224xf32>
    %select_n3A_2486 = arith.select %le3A_2481, %broadcast_in_dim3A_2484, %broadcast_in_dim3A_2485 : vector<32x224xi1>, vector<32x224xf32>
    %add3A_2487 = arith.addf %add3A_2454, %select_n3A_2486 : vector<32x224xf32>
    %sub3A_2488 = arith.subf %get3A_147, %slice3A_2470 : vector<32x224xf32>
    %sub3A_2489 = arith.subf %get3A_153, %slice3A_2471 : vector<32x224xf32>
    %sub3A_2490 = arith.subf %get3A_159, %slice3A_2472 : vector<32x224xf32>
    %mul3A_2491 = arith.mulf %sub3A_2488, %sub3A_2488 : vector<32x224xf32>
    %mul3A_2492 = arith.mulf %sub3A_2489, %sub3A_2489 : vector<32x224xf32>
    %add3A_2493 = arith.addf %mul3A_2491, %mul3A_2492 : vector<32x224xf32>
    %mul3A_2494 = arith.mulf %sub3A_2490, %sub3A_2490 : vector<32x224xf32>
    %add3A_2495 = arith.addf %add3A_2493, %mul3A_2494 : vector<32x224xf32>
    %le3A_2496 = arith.cmpf ole, %add3A_2495, %select_n3A_141 : vector<32x224xf32>
    %jit3A_2497 = arith.constant 1.000000e+00 : f32
    %jit3A_2498 = arith.constant 0.000000e+00 : f32
    %broadcast_in_dim3A_2499 = vector.broadcast %jit3A_2497 : f32 to vector<32x224xf32>
    %broadcast_in_dim3A_2500 = vector.broadcast %jit3A_2498 : f32 to vector<32x224xf32>
    %select_n3A_2501 = arith.select %le3A_2496, %broadcast_in_dim3A_2499, %broadcast_in_dim3A_2500 : vector<32x224xi1>, vector<32x224xf32>
    %add3A_2502 = arith.addf %add3A_2469, %select_n3A_2501 : vector<32x224xf32>
    %slice3A_2503 = vector.extract_strided_slice %concatenate3A {offsets = [7, 12], sizes = [32, 224], strides = [1, 1]} : vector<40x240xf32> to vector<32x224xf32>
    %slice3A_2504 = vector.extract_strided_slice %concatenate3A_59 {offsets = [7, 12], sizes = [32, 224], strides = [1, 1]} : vector<40x240xf32> to vector<32x224xf32>
    %slice3A_2505 = vector.extract_strided_slice %concatenate3A_90 {offsets = [7, 12], sizes = [32, 224], strides = [1, 1]} : vector<40x240xf32> to vector<32x224xf32>
    %sub3A_2506 = arith.subf %get3A_110, %slice3A_2503 : vector<32x224xf32>
    %sub3A_2507 = arith.subf %get3A_116, %slice3A_2504 : vector<32x224xf32>
    %sub3A_2508 = arith.subf %get3A_122, %slice3A_2505 : vector<32x224xf32>
    %mul3A_2509 = arith.mulf %sub3A_2506, %sub3A_2506 : vector<32x224xf32>
    %mul3A_2510 = arith.mulf %sub3A_2507, %sub3A_2507 : vector<32x224xf32>
    %add3A_2511 = arith.addf %mul3A_2509, %mul3A_2510 : vector<32x224xf32>
    %mul3A_2512 = arith.mulf %sub3A_2508, %sub3A_2508 : vector<32x224xf32>
    %add3A_2513 = arith.addf %add3A_2511, %mul3A_2512 : vector<32x224xf32>
    %le3A_2514 = arith.cmpf ole, %add3A_2513, %select_n3A : vector<32x224xf32>
    %jit3A_2515 = arith.constant 1.000000e+00 : f32
    %jit3A_2516 = arith.constant 0.000000e+00 : f32
    %broadcast_in_dim3A_2517 = vector.broadcast %jit3A_2515 : f32 to vector<32x224xf32>
    %broadcast_in_dim3A_2518 = vector.broadcast %jit3A_2516 : f32 to vector<32x224xf32>
    %select_n3A_2519 = arith.select %le3A_2514, %broadcast_in_dim3A_2517, %broadcast_in_dim3A_2518 : vector<32x224xi1>, vector<32x224xf32>
    %add3A_2520 = arith.addf %add3A_2487, %select_n3A_2519 : vector<32x224xf32>
    %sub3A_2521 = arith.subf %get3A_147, %slice3A_2503 : vector<32x224xf32>
    %sub3A_2522 = arith.subf %get3A_153, %slice3A_2504 : vector<32x224xf32>
    %sub3A_2523 = arith.subf %get3A_159, %slice3A_2505 : vector<32x224xf32>
    %mul3A_2524 = arith.mulf %sub3A_2521, %sub3A_2521 : vector<32x224xf32>
    %mul3A_2525 = arith.mulf %sub3A_2522, %sub3A_2522 : vector<32x224xf32>
    %add3A_2526 = arith.addf %mul3A_2524, %mul3A_2525 : vector<32x224xf32>
    %mul3A_2527 = arith.mulf %sub3A_2523, %sub3A_2523 : vector<32x224xf32>
    %add3A_2528 = arith.addf %add3A_2526, %mul3A_2527 : vector<32x224xf32>
    %le3A_2529 = arith.cmpf ole, %add3A_2528, %select_n3A_141 : vector<32x224xf32>
    %jit3A_2530 = arith.constant 1.000000e+00 : f32
    %jit3A_2531 = arith.constant 0.000000e+00 : f32
    %broadcast_in_dim3A_2532 = vector.broadcast %jit3A_2530 : f32 to vector<32x224xf32>
    %broadcast_in_dim3A_2533 = vector.broadcast %jit3A_2531 : f32 to vector<32x224xf32>
    %select_n3A_2534 = arith.select %le3A_2529, %broadcast_in_dim3A_2532, %broadcast_in_dim3A_2533 : vector<32x224xi1>, vector<32x224xf32>
    %add3A_2535 = arith.addf %add3A_2502, %select_n3A_2534 : vector<32x224xf32>
    %slice3A_2536 = vector.extract_strided_slice %concatenate3A {offsets = [8, 4], sizes = [32, 224], strides = [1, 1]} : vector<40x240xf32> to vector<32x224xf32>
    %slice3A_2537 = vector.extract_strided_slice %concatenate3A_59 {offsets = [8, 4], sizes = [32, 224], strides = [1, 1]} : vector<40x240xf32> to vector<32x224xf32>
    %slice3A_2538 = vector.extract_strided_slice %concatenate3A_90 {offsets = [8, 4], sizes = [32, 224], strides = [1, 1]} : vector<40x240xf32> to vector<32x224xf32>
    %sub3A_2539 = arith.subf %get3A_110, %slice3A_2536 : vector<32x224xf32>
    %sub3A_2540 = arith.subf %get3A_116, %slice3A_2537 : vector<32x224xf32>
    %sub3A_2541 = arith.subf %get3A_122, %slice3A_2538 : vector<32x224xf32>
    %mul3A_2542 = arith.mulf %sub3A_2539, %sub3A_2539 : vector<32x224xf32>
    %mul3A_2543 = arith.mulf %sub3A_2540, %sub3A_2540 : vector<32x224xf32>
    %add3A_2544 = arith.addf %mul3A_2542, %mul3A_2543 : vector<32x224xf32>
    %mul3A_2545 = arith.mulf %sub3A_2541, %sub3A_2541 : vector<32x224xf32>
    %add3A_2546 = arith.addf %add3A_2544, %mul3A_2545 : vector<32x224xf32>
    %le3A_2547 = arith.cmpf ole, %add3A_2546, %select_n3A : vector<32x224xf32>
    %jit3A_2548 = arith.constant 1.000000e+00 : f32
    %jit3A_2549 = arith.constant 0.000000e+00 : f32
    %broadcast_in_dim3A_2550 = vector.broadcast %jit3A_2548 : f32 to vector<32x224xf32>
    %broadcast_in_dim3A_2551 = vector.broadcast %jit3A_2549 : f32 to vector<32x224xf32>
    %select_n3A_2552 = arith.select %le3A_2547, %broadcast_in_dim3A_2550, %broadcast_in_dim3A_2551 : vector<32x224xi1>, vector<32x224xf32>
    %add3A_2553 = arith.addf %add3A_2520, %select_n3A_2552 : vector<32x224xf32>
    %sub3A_2554 = arith.subf %get3A_147, %slice3A_2536 : vector<32x224xf32>
    %sub3A_2555 = arith.subf %get3A_153, %slice3A_2537 : vector<32x224xf32>
    %sub3A_2556 = arith.subf %get3A_159, %slice3A_2538 : vector<32x224xf32>
    %mul3A_2557 = arith.mulf %sub3A_2554, %sub3A_2554 : vector<32x224xf32>
    %mul3A_2558 = arith.mulf %sub3A_2555, %sub3A_2555 : vector<32x224xf32>
    %add3A_2559 = arith.addf %mul3A_2557, %mul3A_2558 : vector<32x224xf32>
    %mul3A_2560 = arith.mulf %sub3A_2556, %sub3A_2556 : vector<32x224xf32>
    %add3A_2561 = arith.addf %add3A_2559, %mul3A_2560 : vector<32x224xf32>
    %le3A_2562 = arith.cmpf ole, %add3A_2561, %select_n3A_141 : vector<32x224xf32>
    %jit3A_2563 = arith.constant 1.000000e+00 : f32
    %jit3A_2564 = arith.constant 0.000000e+00 : f32
    %broadcast_in_dim3A_2565 = vector.broadcast %jit3A_2563 : f32 to vector<32x224xf32>
    %broadcast_in_dim3A_2566 = vector.broadcast %jit3A_2564 : f32 to vector<32x224xf32>
    %select_n3A_2567 = arith.select %le3A_2562, %broadcast_in_dim3A_2565, %broadcast_in_dim3A_2566 : vector<32x224xi1>, vector<32x224xf32>
    %add3A_2568 = arith.addf %add3A_2535, %select_n3A_2567 : vector<32x224xf32>
    %slice3A_2569 = vector.extract_strided_slice %concatenate3A {offsets = [8, 5], sizes = [32, 224], strides = [1, 1]} : vector<40x240xf32> to vector<32x224xf32>
    %slice3A_2570 = vector.extract_strided_slice %concatenate3A_59 {offsets = [8, 5], sizes = [32, 224], strides = [1, 1]} : vector<40x240xf32> to vector<32x224xf32>
    %slice3A_2571 = vector.extract_strided_slice %concatenate3A_90 {offsets = [8, 5], sizes = [32, 224], strides = [1, 1]} : vector<40x240xf32> to vector<32x224xf32>
    %sub3A_2572 = arith.subf %get3A_110, %slice3A_2569 : vector<32x224xf32>
    %sub3A_2573 = arith.subf %get3A_116, %slice3A_2570 : vector<32x224xf32>
    %sub3A_2574 = arith.subf %get3A_122, %slice3A_2571 : vector<32x224xf32>
    %mul3A_2575 = arith.mulf %sub3A_2572, %sub3A_2572 : vector<32x224xf32>
    %mul3A_2576 = arith.mulf %sub3A_2573, %sub3A_2573 : vector<32x224xf32>
    %add3A_2577 = arith.addf %mul3A_2575, %mul3A_2576 : vector<32x224xf32>
    %mul3A_2578 = arith.mulf %sub3A_2574, %sub3A_2574 : vector<32x224xf32>
    %add3A_2579 = arith.addf %add3A_2577, %mul3A_2578 : vector<32x224xf32>
    %le3A_2580 = arith.cmpf ole, %add3A_2579, %select_n3A : vector<32x224xf32>
    %jit3A_2581 = arith.constant 1.000000e+00 : f32
    %jit3A_2582 = arith.constant 0.000000e+00 : f32
    %broadcast_in_dim3A_2583 = vector.broadcast %jit3A_2581 : f32 to vector<32x224xf32>
    %broadcast_in_dim3A_2584 = vector.broadcast %jit3A_2582 : f32 to vector<32x224xf32>
    %select_n3A_2585 = arith.select %le3A_2580, %broadcast_in_dim3A_2583, %broadcast_in_dim3A_2584 : vector<32x224xi1>, vector<32x224xf32>
    %add3A_2586 = arith.addf %add3A_2553, %select_n3A_2585 : vector<32x224xf32>
    %sub3A_2587 = arith.subf %get3A_147, %slice3A_2569 : vector<32x224xf32>
    %sub3A_2588 = arith.subf %get3A_153, %slice3A_2570 : vector<32x224xf32>
    %sub3A_2589 = arith.subf %get3A_159, %slice3A_2571 : vector<32x224xf32>
    %mul3A_2590 = arith.mulf %sub3A_2587, %sub3A_2587 : vector<32x224xf32>
    %mul3A_2591 = arith.mulf %sub3A_2588, %sub3A_2588 : vector<32x224xf32>
    %add3A_2592 = arith.addf %mul3A_2590, %mul3A_2591 : vector<32x224xf32>
    %mul3A_2593 = arith.mulf %sub3A_2589, %sub3A_2589 : vector<32x224xf32>
    %add3A_2594 = arith.addf %add3A_2592, %mul3A_2593 : vector<32x224xf32>
    %le3A_2595 = arith.cmpf ole, %add3A_2594, %select_n3A_141 : vector<32x224xf32>
    %jit3A_2596 = arith.constant 1.000000e+00 : f32
    %jit3A_2597 = arith.constant 0.000000e+00 : f32
    %broadcast_in_dim3A_2598 = vector.broadcast %jit3A_2596 : f32 to vector<32x224xf32>
    %broadcast_in_dim3A_2599 = vector.broadcast %jit3A_2597 : f32 to vector<32x224xf32>
    %select_n3A_2600 = arith.select %le3A_2595, %broadcast_in_dim3A_2598, %broadcast_in_dim3A_2599 : vector<32x224xi1>, vector<32x224xf32>
    %add3A_2601 = arith.addf %add3A_2568, %select_n3A_2600 : vector<32x224xf32>
    %slice3A_2602 = vector.extract_strided_slice %concatenate3A {offsets = [8, 6], sizes = [32, 224], strides = [1, 1]} : vector<40x240xf32> to vector<32x224xf32>
    %slice3A_2603 = vector.extract_strided_slice %concatenate3A_59 {offsets = [8, 6], sizes = [32, 224], strides = [1, 1]} : vector<40x240xf32> to vector<32x224xf32>
    %slice3A_2604 = vector.extract_strided_slice %concatenate3A_90 {offsets = [8, 6], sizes = [32, 224], strides = [1, 1]} : vector<40x240xf32> to vector<32x224xf32>
    %sub3A_2605 = arith.subf %get3A_110, %slice3A_2602 : vector<32x224xf32>
    %sub3A_2606 = arith.subf %get3A_116, %slice3A_2603 : vector<32x224xf32>
    %sub3A_2607 = arith.subf %get3A_122, %slice3A_2604 : vector<32x224xf32>
    %mul3A_2608 = arith.mulf %sub3A_2605, %sub3A_2605 : vector<32x224xf32>
    %mul3A_2609 = arith.mulf %sub3A_2606, %sub3A_2606 : vector<32x224xf32>
    %add3A_2610 = arith.addf %mul3A_2608, %mul3A_2609 : vector<32x224xf32>
    %mul3A_2611 = arith.mulf %sub3A_2607, %sub3A_2607 : vector<32x224xf32>
    %add3A_2612 = arith.addf %add3A_2610, %mul3A_2611 : vector<32x224xf32>
    %le3A_2613 = arith.cmpf ole, %add3A_2612, %select_n3A : vector<32x224xf32>
    %jit3A_2614 = arith.constant 1.000000e+00 : f32
    %jit3A_2615 = arith.constant 0.000000e+00 : f32
    %broadcast_in_dim3A_2616 = vector.broadcast %jit3A_2614 : f32 to vector<32x224xf32>
    %broadcast_in_dim3A_2617 = vector.broadcast %jit3A_2615 : f32 to vector<32x224xf32>
    %select_n3A_2618 = arith.select %le3A_2613, %broadcast_in_dim3A_2616, %broadcast_in_dim3A_2617 : vector<32x224xi1>, vector<32x224xf32>
    %add3A_2619 = arith.addf %add3A_2586, %select_n3A_2618 : vector<32x224xf32>
    %sub3A_2620 = arith.subf %get3A_147, %slice3A_2602 : vector<32x224xf32>
    %sub3A_2621 = arith.subf %get3A_153, %slice3A_2603 : vector<32x224xf32>
    %sub3A_2622 = arith.subf %get3A_159, %slice3A_2604 : vector<32x224xf32>
    %mul3A_2623 = arith.mulf %sub3A_2620, %sub3A_2620 : vector<32x224xf32>
    %mul3A_2624 = arith.mulf %sub3A_2621, %sub3A_2621 : vector<32x224xf32>
    %add3A_2625 = arith.addf %mul3A_2623, %mul3A_2624 : vector<32x224xf32>
    %mul3A_2626 = arith.mulf %sub3A_2622, %sub3A_2622 : vector<32x224xf32>
    %add3A_2627 = arith.addf %add3A_2625, %mul3A_2626 : vector<32x224xf32>
    %le3A_2628 = arith.cmpf ole, %add3A_2627, %select_n3A_141 : vector<32x224xf32>
    %jit3A_2629 = arith.constant 1.000000e+00 : f32
    %jit3A_2630 = arith.constant 0.000000e+00 : f32
    %broadcast_in_dim3A_2631 = vector.broadcast %jit3A_2629 : f32 to vector<32x224xf32>
    %broadcast_in_dim3A_2632 = vector.broadcast %jit3A_2630 : f32 to vector<32x224xf32>
    %select_n3A_2633 = arith.select %le3A_2628, %broadcast_in_dim3A_2631, %broadcast_in_dim3A_2632 : vector<32x224xi1>, vector<32x224xf32>
    %add3A_2634 = arith.addf %add3A_2601, %select_n3A_2633 : vector<32x224xf32>
    %slice3A_2635 = vector.extract_strided_slice %concatenate3A {offsets = [8, 7], sizes = [32, 224], strides = [1, 1]} : vector<40x240xf32> to vector<32x224xf32>
    %slice3A_2636 = vector.extract_strided_slice %concatenate3A_59 {offsets = [8, 7], sizes = [32, 224], strides = [1, 1]} : vector<40x240xf32> to vector<32x224xf32>
    %slice3A_2637 = vector.extract_strided_slice %concatenate3A_90 {offsets = [8, 7], sizes = [32, 224], strides = [1, 1]} : vector<40x240xf32> to vector<32x224xf32>
    %sub3A_2638 = arith.subf %get3A_110, %slice3A_2635 : vector<32x224xf32>
    %sub3A_2639 = arith.subf %get3A_116, %slice3A_2636 : vector<32x224xf32>
    %sub3A_2640 = arith.subf %get3A_122, %slice3A_2637 : vector<32x224xf32>
    %mul3A_2641 = arith.mulf %sub3A_2638, %sub3A_2638 : vector<32x224xf32>
    %mul3A_2642 = arith.mulf %sub3A_2639, %sub3A_2639 : vector<32x224xf32>
    %add3A_2643 = arith.addf %mul3A_2641, %mul3A_2642 : vector<32x224xf32>
    %mul3A_2644 = arith.mulf %sub3A_2640, %sub3A_2640 : vector<32x224xf32>
    %add3A_2645 = arith.addf %add3A_2643, %mul3A_2644 : vector<32x224xf32>
    %le3A_2646 = arith.cmpf ole, %add3A_2645, %select_n3A : vector<32x224xf32>
    %jit3A_2647 = arith.constant 1.000000e+00 : f32
    %jit3A_2648 = arith.constant 0.000000e+00 : f32
    %broadcast_in_dim3A_2649 = vector.broadcast %jit3A_2647 : f32 to vector<32x224xf32>
    %broadcast_in_dim3A_2650 = vector.broadcast %jit3A_2648 : f32 to vector<32x224xf32>
    %select_n3A_2651 = arith.select %le3A_2646, %broadcast_in_dim3A_2649, %broadcast_in_dim3A_2650 : vector<32x224xi1>, vector<32x224xf32>
    %add3A_2652 = arith.addf %add3A_2619, %select_n3A_2651 : vector<32x224xf32>
    %sub3A_2653 = arith.subf %get3A_147, %slice3A_2635 : vector<32x224xf32>
    %sub3A_2654 = arith.subf %get3A_153, %slice3A_2636 : vector<32x224xf32>
    %sub3A_2655 = arith.subf %get3A_159, %slice3A_2637 : vector<32x224xf32>
    %mul3A_2656 = arith.mulf %sub3A_2653, %sub3A_2653 : vector<32x224xf32>
    %mul3A_2657 = arith.mulf %sub3A_2654, %sub3A_2654 : vector<32x224xf32>
    %add3A_2658 = arith.addf %mul3A_2656, %mul3A_2657 : vector<32x224xf32>
    %mul3A_2659 = arith.mulf %sub3A_2655, %sub3A_2655 : vector<32x224xf32>
    %add3A_2660 = arith.addf %add3A_2658, %mul3A_2659 : vector<32x224xf32>
    %le3A_2661 = arith.cmpf ole, %add3A_2660, %select_n3A_141 : vector<32x224xf32>
    %jit3A_2662 = arith.constant 1.000000e+00 : f32
    %jit3A_2663 = arith.constant 0.000000e+00 : f32
    %broadcast_in_dim3A_2664 = vector.broadcast %jit3A_2662 : f32 to vector<32x224xf32>
    %broadcast_in_dim3A_2665 = vector.broadcast %jit3A_2663 : f32 to vector<32x224xf32>
    %select_n3A_2666 = arith.select %le3A_2661, %broadcast_in_dim3A_2664, %broadcast_in_dim3A_2665 : vector<32x224xi1>, vector<32x224xf32>
    %add3A_2667 = arith.addf %add3A_2634, %select_n3A_2666 : vector<32x224xf32>
    %slice3A_2668 = vector.extract_strided_slice %concatenate3A {offsets = [8, 8], sizes = [32, 224], strides = [1, 1]} : vector<40x240xf32> to vector<32x224xf32>
    %slice3A_2669 = vector.extract_strided_slice %concatenate3A_59 {offsets = [8, 8], sizes = [32, 224], strides = [1, 1]} : vector<40x240xf32> to vector<32x224xf32>
    %slice3A_2670 = vector.extract_strided_slice %concatenate3A_90 {offsets = [8, 8], sizes = [32, 224], strides = [1, 1]} : vector<40x240xf32> to vector<32x224xf32>
    %sub3A_2671 = arith.subf %get3A_110, %slice3A_2668 : vector<32x224xf32>
    %sub3A_2672 = arith.subf %get3A_116, %slice3A_2669 : vector<32x224xf32>
    %sub3A_2673 = arith.subf %get3A_122, %slice3A_2670 : vector<32x224xf32>
    %mul3A_2674 = arith.mulf %sub3A_2671, %sub3A_2671 : vector<32x224xf32>
    %mul3A_2675 = arith.mulf %sub3A_2672, %sub3A_2672 : vector<32x224xf32>
    %add3A_2676 = arith.addf %mul3A_2674, %mul3A_2675 : vector<32x224xf32>
    %mul3A_2677 = arith.mulf %sub3A_2673, %sub3A_2673 : vector<32x224xf32>
    %add3A_2678 = arith.addf %add3A_2676, %mul3A_2677 : vector<32x224xf32>
    %le3A_2679 = arith.cmpf ole, %add3A_2678, %select_n3A : vector<32x224xf32>
    %jit3A_2680 = arith.constant 1.000000e+00 : f32
    %jit3A_2681 = arith.constant 0.000000e+00 : f32
    %broadcast_in_dim3A_2682 = vector.broadcast %jit3A_2680 : f32 to vector<32x224xf32>
    %broadcast_in_dim3A_2683 = vector.broadcast %jit3A_2681 : f32 to vector<32x224xf32>
    %select_n3A_2684 = arith.select %le3A_2679, %broadcast_in_dim3A_2682, %broadcast_in_dim3A_2683 : vector<32x224xi1>, vector<32x224xf32>
    %add3A_2685 = arith.addf %add3A_2652, %select_n3A_2684 : vector<32x224xf32>
    %sub3A_2686 = arith.subf %get3A_147, %slice3A_2668 : vector<32x224xf32>
    %sub3A_2687 = arith.subf %get3A_153, %slice3A_2669 : vector<32x224xf32>
    %sub3A_2688 = arith.subf %get3A_159, %slice3A_2670 : vector<32x224xf32>
    %mul3A_2689 = arith.mulf %sub3A_2686, %sub3A_2686 : vector<32x224xf32>
    %mul3A_2690 = arith.mulf %sub3A_2687, %sub3A_2687 : vector<32x224xf32>
    %add3A_2691 = arith.addf %mul3A_2689, %mul3A_2690 : vector<32x224xf32>
    %mul3A_2692 = arith.mulf %sub3A_2688, %sub3A_2688 : vector<32x224xf32>
    %add3A_2693 = arith.addf %add3A_2691, %mul3A_2692 : vector<32x224xf32>
    %le3A_2694 = arith.cmpf ole, %add3A_2693, %select_n3A_141 : vector<32x224xf32>
    %jit3A_2695 = arith.constant 1.000000e+00 : f32
    %jit3A_2696 = arith.constant 0.000000e+00 : f32
    %broadcast_in_dim3A_2697 = vector.broadcast %jit3A_2695 : f32 to vector<32x224xf32>
    %broadcast_in_dim3A_2698 = vector.broadcast %jit3A_2696 : f32 to vector<32x224xf32>
    %select_n3A_2699 = arith.select %le3A_2694, %broadcast_in_dim3A_2697, %broadcast_in_dim3A_2698 : vector<32x224xi1>, vector<32x224xf32>
    %add3A_2700 = arith.addf %add3A_2667, %select_n3A_2699 : vector<32x224xf32>
    %slice3A_2701 = vector.extract_strided_slice %concatenate3A {offsets = [8, 9], sizes = [32, 224], strides = [1, 1]} : vector<40x240xf32> to vector<32x224xf32>
    %slice3A_2702 = vector.extract_strided_slice %concatenate3A_59 {offsets = [8, 9], sizes = [32, 224], strides = [1, 1]} : vector<40x240xf32> to vector<32x224xf32>
    %slice3A_2703 = vector.extract_strided_slice %concatenate3A_90 {offsets = [8, 9], sizes = [32, 224], strides = [1, 1]} : vector<40x240xf32> to vector<32x224xf32>
    %sub3A_2704 = arith.subf %get3A_110, %slice3A_2701 : vector<32x224xf32>
    %sub3A_2705 = arith.subf %get3A_116, %slice3A_2702 : vector<32x224xf32>
    %sub3A_2706 = arith.subf %get3A_122, %slice3A_2703 : vector<32x224xf32>
    %mul3A_2707 = arith.mulf %sub3A_2704, %sub3A_2704 : vector<32x224xf32>
    %mul3A_2708 = arith.mulf %sub3A_2705, %sub3A_2705 : vector<32x224xf32>
    %add3A_2709 = arith.addf %mul3A_2707, %mul3A_2708 : vector<32x224xf32>
    %mul3A_2710 = arith.mulf %sub3A_2706, %sub3A_2706 : vector<32x224xf32>
    %add3A_2711 = arith.addf %add3A_2709, %mul3A_2710 : vector<32x224xf32>
    %le3A_2712 = arith.cmpf ole, %add3A_2711, %select_n3A : vector<32x224xf32>
    %jit3A_2713 = arith.constant 1.000000e+00 : f32
    %jit3A_2714 = arith.constant 0.000000e+00 : f32
    %broadcast_in_dim3A_2715 = vector.broadcast %jit3A_2713 : f32 to vector<32x224xf32>
    %broadcast_in_dim3A_2716 = vector.broadcast %jit3A_2714 : f32 to vector<32x224xf32>
    %select_n3A_2717 = arith.select %le3A_2712, %broadcast_in_dim3A_2715, %broadcast_in_dim3A_2716 : vector<32x224xi1>, vector<32x224xf32>
    %add3A_2718 = arith.addf %add3A_2685, %select_n3A_2717 : vector<32x224xf32>
    %sub3A_2719 = arith.subf %get3A_147, %slice3A_2701 : vector<32x224xf32>
    %sub3A_2720 = arith.subf %get3A_153, %slice3A_2702 : vector<32x224xf32>
    %sub3A_2721 = arith.subf %get3A_159, %slice3A_2703 : vector<32x224xf32>
    %mul3A_2722 = arith.mulf %sub3A_2719, %sub3A_2719 : vector<32x224xf32>
    %mul3A_2723 = arith.mulf %sub3A_2720, %sub3A_2720 : vector<32x224xf32>
    %add3A_2724 = arith.addf %mul3A_2722, %mul3A_2723 : vector<32x224xf32>
    %mul3A_2725 = arith.mulf %sub3A_2721, %sub3A_2721 : vector<32x224xf32>
    %add3A_2726 = arith.addf %add3A_2724, %mul3A_2725 : vector<32x224xf32>
    %le3A_2727 = arith.cmpf ole, %add3A_2726, %select_n3A_141 : vector<32x224xf32>
    %jit3A_2728 = arith.constant 1.000000e+00 : f32
    %jit3A_2729 = arith.constant 0.000000e+00 : f32
    %broadcast_in_dim3A_2730 = vector.broadcast %jit3A_2728 : f32 to vector<32x224xf32>
    %broadcast_in_dim3A_2731 = vector.broadcast %jit3A_2729 : f32 to vector<32x224xf32>
    %select_n3A_2732 = arith.select %le3A_2727, %broadcast_in_dim3A_2730, %broadcast_in_dim3A_2731 : vector<32x224xi1>, vector<32x224xf32>
    %add3A_2733 = arith.addf %add3A_2700, %select_n3A_2732 : vector<32x224xf32>
    %slice3A_2734 = vector.extract_strided_slice %concatenate3A {offsets = [8, 10], sizes = [32, 224], strides = [1, 1]} : vector<40x240xf32> to vector<32x224xf32>
    %slice3A_2735 = vector.extract_strided_slice %concatenate3A_59 {offsets = [8, 10], sizes = [32, 224], strides = [1, 1]} : vector<40x240xf32> to vector<32x224xf32>
    %slice3A_2736 = vector.extract_strided_slice %concatenate3A_90 {offsets = [8, 10], sizes = [32, 224], strides = [1, 1]} : vector<40x240xf32> to vector<32x224xf32>
    %sub3A_2737 = arith.subf %get3A_110, %slice3A_2734 : vector<32x224xf32>
    %sub3A_2738 = arith.subf %get3A_116, %slice3A_2735 : vector<32x224xf32>
    %sub3A_2739 = arith.subf %get3A_122, %slice3A_2736 : vector<32x224xf32>
    %mul3A_2740 = arith.mulf %sub3A_2737, %sub3A_2737 : vector<32x224xf32>
    %mul3A_2741 = arith.mulf %sub3A_2738, %sub3A_2738 : vector<32x224xf32>
    %add3A_2742 = arith.addf %mul3A_2740, %mul3A_2741 : vector<32x224xf32>
    %mul3A_2743 = arith.mulf %sub3A_2739, %sub3A_2739 : vector<32x224xf32>
    %add3A_2744 = arith.addf %add3A_2742, %mul3A_2743 : vector<32x224xf32>
    %le3A_2745 = arith.cmpf ole, %add3A_2744, %select_n3A : vector<32x224xf32>
    %jit3A_2746 = arith.constant 1.000000e+00 : f32
    %jit3A_2747 = arith.constant 0.000000e+00 : f32
    %broadcast_in_dim3A_2748 = vector.broadcast %jit3A_2746 : f32 to vector<32x224xf32>
    %broadcast_in_dim3A_2749 = vector.broadcast %jit3A_2747 : f32 to vector<32x224xf32>
    %select_n3A_2750 = arith.select %le3A_2745, %broadcast_in_dim3A_2748, %broadcast_in_dim3A_2749 : vector<32x224xi1>, vector<32x224xf32>
    %add3A_2751 = arith.addf %add3A_2718, %select_n3A_2750 : vector<32x224xf32>
    %sub3A_2752 = arith.subf %get3A_147, %slice3A_2734 : vector<32x224xf32>
    %sub3A_2753 = arith.subf %get3A_153, %slice3A_2735 : vector<32x224xf32>
    %sub3A_2754 = arith.subf %get3A_159, %slice3A_2736 : vector<32x224xf32>
    %mul3A_2755 = arith.mulf %sub3A_2752, %sub3A_2752 : vector<32x224xf32>
    %mul3A_2756 = arith.mulf %sub3A_2753, %sub3A_2753 : vector<32x224xf32>
    %add3A_2757 = arith.addf %mul3A_2755, %mul3A_2756 : vector<32x224xf32>
    %mul3A_2758 = arith.mulf %sub3A_2754, %sub3A_2754 : vector<32x224xf32>
    %add3A_2759 = arith.addf %add3A_2757, %mul3A_2758 : vector<32x224xf32>
    %le3A_2760 = arith.cmpf ole, %add3A_2759, %select_n3A_141 : vector<32x224xf32>
    %jit3A_2761 = arith.constant 1.000000e+00 : f32
    %jit3A_2762 = arith.constant 0.000000e+00 : f32
    %broadcast_in_dim3A_2763 = vector.broadcast %jit3A_2761 : f32 to vector<32x224xf32>
    %broadcast_in_dim3A_2764 = vector.broadcast %jit3A_2762 : f32 to vector<32x224xf32>
    %select_n3A_2765 = arith.select %le3A_2760, %broadcast_in_dim3A_2763, %broadcast_in_dim3A_2764 : vector<32x224xi1>, vector<32x224xf32>
    %add3A_2766 = arith.addf %add3A_2733, %select_n3A_2765 : vector<32x224xf32>
    %slice3A_2767 = vector.extract_strided_slice %concatenate3A {offsets = [8, 11], sizes = [32, 224], strides = [1, 1]} : vector<40x240xf32> to vector<32x224xf32>
    %slice3A_2768 = vector.extract_strided_slice %concatenate3A_59 {offsets = [8, 11], sizes = [32, 224], strides = [1, 1]} : vector<40x240xf32> to vector<32x224xf32>
    %slice3A_2769 = vector.extract_strided_slice %concatenate3A_90 {offsets = [8, 11], sizes = [32, 224], strides = [1, 1]} : vector<40x240xf32> to vector<32x224xf32>
    %sub3A_2770 = arith.subf %get3A_110, %slice3A_2767 : vector<32x224xf32>
    %sub3A_2771 = arith.subf %get3A_116, %slice3A_2768 : vector<32x224xf32>
    %sub3A_2772 = arith.subf %get3A_122, %slice3A_2769 : vector<32x224xf32>
    %mul3A_2773 = arith.mulf %sub3A_2770, %sub3A_2770 : vector<32x224xf32>
    %mul3A_2774 = arith.mulf %sub3A_2771, %sub3A_2771 : vector<32x224xf32>
    %add3A_2775 = arith.addf %mul3A_2773, %mul3A_2774 : vector<32x224xf32>
    %mul3A_2776 = arith.mulf %sub3A_2772, %sub3A_2772 : vector<32x224xf32>
    %add3A_2777 = arith.addf %add3A_2775, %mul3A_2776 : vector<32x224xf32>
    %le3A_2778 = arith.cmpf ole, %add3A_2777, %select_n3A : vector<32x224xf32>
    %jit3A_2779 = arith.constant 1.000000e+00 : f32
    %jit3A_2780 = arith.constant 0.000000e+00 : f32
    %broadcast_in_dim3A_2781 = vector.broadcast %jit3A_2779 : f32 to vector<32x224xf32>
    %broadcast_in_dim3A_2782 = vector.broadcast %jit3A_2780 : f32 to vector<32x224xf32>
    %select_n3A_2783 = arith.select %le3A_2778, %broadcast_in_dim3A_2781, %broadcast_in_dim3A_2782 : vector<32x224xi1>, vector<32x224xf32>
    %add3A_2784 = arith.addf %add3A_2751, %select_n3A_2783 : vector<32x224xf32>
    %sub3A_2785 = arith.subf %get3A_147, %slice3A_2767 : vector<32x224xf32>
    %sub3A_2786 = arith.subf %get3A_153, %slice3A_2768 : vector<32x224xf32>
    %sub3A_2787 = arith.subf %get3A_159, %slice3A_2769 : vector<32x224xf32>
    %mul3A_2788 = arith.mulf %sub3A_2785, %sub3A_2785 : vector<32x224xf32>
    %mul3A_2789 = arith.mulf %sub3A_2786, %sub3A_2786 : vector<32x224xf32>
    %add3A_2790 = arith.addf %mul3A_2788, %mul3A_2789 : vector<32x224xf32>
    %mul3A_2791 = arith.mulf %sub3A_2787, %sub3A_2787 : vector<32x224xf32>
    %add3A_2792 = arith.addf %add3A_2790, %mul3A_2791 : vector<32x224xf32>
    %le3A_2793 = arith.cmpf ole, %add3A_2792, %select_n3A_141 : vector<32x224xf32>
    %jit3A_2794 = arith.constant 1.000000e+00 : f32
    %jit3A_2795 = arith.constant 0.000000e+00 : f32
    %broadcast_in_dim3A_2796 = vector.broadcast %jit3A_2794 : f32 to vector<32x224xf32>
    %broadcast_in_dim3A_2797 = vector.broadcast %jit3A_2795 : f32 to vector<32x224xf32>
    %select_n3A_2798 = arith.select %le3A_2793, %broadcast_in_dim3A_2796, %broadcast_in_dim3A_2797 : vector<32x224xi1>, vector<32x224xf32>
    %add3A_2799 = arith.addf %add3A_2766, %select_n3A_2798 : vector<32x224xf32>
    %slice3A_2800 = vector.extract_strided_slice %concatenate3A {offsets = [8, 12], sizes = [32, 224], strides = [1, 1]} : vector<40x240xf32> to vector<32x224xf32>
    %slice3A_2801 = vector.extract_strided_slice %concatenate3A_59 {offsets = [8, 12], sizes = [32, 224], strides = [1, 1]} : vector<40x240xf32> to vector<32x224xf32>
    %slice3A_2802 = vector.extract_strided_slice %concatenate3A_90 {offsets = [8, 12], sizes = [32, 224], strides = [1, 1]} : vector<40x240xf32> to vector<32x224xf32>
    %sub3A_2803 = arith.subf %get3A_110, %slice3A_2800 : vector<32x224xf32>
    %sub3A_2804 = arith.subf %get3A_116, %slice3A_2801 : vector<32x224xf32>
    %sub3A_2805 = arith.subf %get3A_122, %slice3A_2802 : vector<32x224xf32>
    %mul3A_2806 = arith.mulf %sub3A_2803, %sub3A_2803 : vector<32x224xf32>
    %mul3A_2807 = arith.mulf %sub3A_2804, %sub3A_2804 : vector<32x224xf32>
    %add3A_2808 = arith.addf %mul3A_2806, %mul3A_2807 : vector<32x224xf32>
    %mul3A_2809 = arith.mulf %sub3A_2805, %sub3A_2805 : vector<32x224xf32>
    %add3A_2810 = arith.addf %add3A_2808, %mul3A_2809 : vector<32x224xf32>
    %le3A_2811 = arith.cmpf ole, %add3A_2810, %select_n3A : vector<32x224xf32>
    %jit3A_2812 = arith.constant 1.000000e+00 : f32
    %jit3A_2813 = arith.constant 0.000000e+00 : f32
    %broadcast_in_dim3A_2814 = vector.broadcast %jit3A_2812 : f32 to vector<32x224xf32>
    %broadcast_in_dim3A_2815 = vector.broadcast %jit3A_2813 : f32 to vector<32x224xf32>
    %select_n3A_2816 = arith.select %le3A_2811, %broadcast_in_dim3A_2814, %broadcast_in_dim3A_2815 : vector<32x224xi1>, vector<32x224xf32>
    %add3A_2817 = arith.addf %add3A_2784, %select_n3A_2816 : vector<32x224xf32>
    %sub3A_2818 = arith.subf %get3A_147, %slice3A_2800 : vector<32x224xf32>
    %sub3A_2819 = arith.subf %get3A_153, %slice3A_2801 : vector<32x224xf32>
    %sub3A_2820 = arith.subf %get3A_159, %slice3A_2802 : vector<32x224xf32>
    %mul3A_2821 = arith.mulf %sub3A_2818, %sub3A_2818 : vector<32x224xf32>
    %mul3A_2822 = arith.mulf %sub3A_2819, %sub3A_2819 : vector<32x224xf32>
    %add3A_2823 = arith.addf %mul3A_2821, %mul3A_2822 : vector<32x224xf32>
    %mul3A_2824 = arith.mulf %sub3A_2820, %sub3A_2820 : vector<32x224xf32>
    %add3A_2825 = arith.addf %add3A_2823, %mul3A_2824 : vector<32x224xf32>
    %le3A_2826 = arith.cmpf ole, %add3A_2825, %select_n3A_141 : vector<32x224xf32>
    %jit3A_2827 = arith.constant 1.000000e+00 : f32
    %jit3A_2828 = arith.constant 0.000000e+00 : f32
    %broadcast_in_dim3A_2829 = vector.broadcast %jit3A_2827 : f32 to vector<32x224xf32>
    %broadcast_in_dim3A_2830 = vector.broadcast %jit3A_2828 : f32 to vector<32x224xf32>
    %select_n3A_2831 = arith.select %le3A_2826, %broadcast_in_dim3A_2829, %broadcast_in_dim3A_2830 : vector<32x224xi1>, vector<32x224xf32>
    %add3A_2832 = arith.addf %add3A_2799, %select_n3A_2831 : vector<32x224xf32>
    %ge3A_2833 = arith.constant 0.000000e+00 : f32
    %ge3A_2834 = vector.broadcast %ge3A_2833 : f32 to vector<32x224xf32>
    %ge3A_2835 = arith.cmpf oge, %select_n3A, %ge3A_2834 : vector<32x224xf32>
    %jit3A_2836 = arith.constant 1.000000e+00 : f32
    %jit3A_2837 = arith.constant 0.000000e+00 : f32
    %broadcast_in_dim3A_2838 = vector.broadcast %jit3A_2836 : f32 to vector<32x224xf32>
    %broadcast_in_dim3A_2839 = vector.broadcast %jit3A_2837 : f32 to vector<32x224xf32>
    %select_n3A_2840 = arith.select %ge3A_2835, %broadcast_in_dim3A_2838, %broadcast_in_dim3A_2839 : vector<32x224xi1>, vector<32x224xf32>
    %sub3A_2841 = arith.subf %add3A_2817, %select_n3A_2840 : vector<32x224xf32>
    %ge3A_2842 = arith.constant 3.000000e+00 : f32
    %ge3A_2843 = vector.broadcast %ge3A_2842 : f32 to vector<32x224xf32>
    %ge3A_2844 = arith.cmpf oge, %sub3A_2841, %ge3A_2843 : vector<32x224xf32>
    %jit3A_2845 = arith.constant -1.000000e+03 : f32
    %jit3A_2846 = arith.constant 1.000000e+03 : f32
    %broadcast_in_dim3A_2847 = vector.broadcast %jit3A_2845 : f32 to vector<32x224xf32>
    %broadcast_in_dim3A_2848 = vector.broadcast %jit3A_2846 : f32 to vector<32x224xf32>
    %select_n3A_2849 = arith.select %ge3A_2844, %broadcast_in_dim3A_2847, %broadcast_in_dim3A_2848 : vector<32x224xi1>, vector<32x224xf32>
    %swap3A = arith.constant 0 : index
    %swap3A_2850 = arith.constant 0 : index
    %swap3A_2851 = arith.constant 0 : index
    %swap3A_2852 = arith.constant 0 : index
    %swap3A_2853 = vector.load %arg8[%swap3A, %swap3A_2850, %swap3A_2851, %swap3A_2852] : memref<1x2x32x224xf32, #tpu.memory_space<vmem>>, vector<1x1x32x224xf32>
    %swap3A_2854 = vector.shape_cast %swap3A_2853 : vector<1x1x32x224xf32> to vector<32x224xf32>
    %swap3A_2855 = vector.shape_cast %select_n3A_2849 : vector<32x224xf32> to vector<1x1x32x224xf32>
    tpu.vector_store %arg8[%swap3A, %swap3A_2850, %swap3A_2851, %swap3A_2852], %swap3A_2855 {strides = array<i32>} : memref<1x2x32x224xf32, #tpu.memory_space<vmem>>, vector<1x1x32x224xf32>,
    %ge3A_2856 = arith.constant 3.000000e+00 : f32
    %ge3A_2857 = vector.broadcast %ge3A_2856 : f32 to vector<32x224xf32>
    %ge3A_2858 = arith.cmpf oge, %add3A_2832, %ge3A_2857 : vector<32x224xf32>
    %jit3A_2859 = arith.constant -1.000000e+03 : f32
    %jit3A_2860 = arith.constant 1.000000e+03 : f32
    %broadcast_in_dim3A_2861 = vector.broadcast %jit3A_2859 : f32 to vector<32x224xf32>
    %broadcast_in_dim3A_2862 = vector.broadcast %jit3A_2860 : f32 to vector<32x224xf32>
    %select_n3A_2863 = arith.select %ge3A_2858, %broadcast_in_dim3A_2861, %broadcast_in_dim3A_2862 : vector<32x224xi1>, vector<32x224xf32>
    %swap3A_2864 = arith.constant 0 : index
    %swap3A_2865 = arith.constant 1 : index
    %swap3A_2866 = arith.constant 0 : index
    %swap3A_2867 = arith.constant 0 : index
    %swap3A_2868 = vector.load %arg8[%swap3A_2864, %swap3A_2865, %swap3A_2866, %swap3A_2867] : memref<1x2x32x224xf32, #tpu.memory_space<vmem>>, vector<1x1x32x224xf32>
    %swap3A_2869 = vector.shape_cast %swap3A_2868 : vector<1x1x32x224xf32> to vector<32x224xf32>
    %swap3A_2870 = vector.shape_cast %select_n3A_2863 : vector<32x224xf32> to vector<1x1x32x224xf32>
    tpu.vector_store %arg8[%swap3A_2864, %swap3A_2865, %swap3A_2866, %swap3A_2867], %swap3A_2870 {strides = array<i32>} : memref<1x2x32x224xf32, #tpu.memory_space<vmem>>, vector<1x1x32x224xf32>,
    return
  }
  func.func @transform_0(%arg0: i32, %arg1: i32) -> (i32, i32, i32, i32) {
    %add3A = arith.constant 2 : i32
    %add3A_0 = arith.addi %add3A, %arg1 : i32
    %c0_i32 = arith.constant 0 : i32
    %c0_i32_1 = arith.constant 0 : i32
    %c0_i32_2 = arith.constant 0 : i32
    return %arg0, %c0_i32, %add3A_0, %c0_i32_1 : i32, i32, i32, i32
  }
  func.func @transform_1(%arg0: i32, %arg1: i32) -> (i32, i32, i32, i32) {
    %mul3A = arith.constant 4 : i32
    %mul3A_0 = arith.muli %mul3A, %arg1 : i32
    %add3A = arith.constant 8 : i32
    %add3A_1 = arith.addi %add3A, %mul3A_0 : i32
    %add3A_2 = arith.constant 0 : i32
    %add3A_3 = arith.addi %add3A_1, %add3A_2 : i32
    %c0_i32 = arith.constant 0 : i32
    %c0_i32_4 = arith.constant 0 : i32
    %c0_i32_5 = arith.constant 0 : i32
    return %arg0, %c0_i32, %add3A_3, %c0_i32_4 : i32, i32, i32, i32
  }
  func.func @transform_2(%arg0: i32, %arg1: i32) -> (i32, i32, i32, i32) {
    %mul3A = arith.constant 4 : i32
    %mul3A_0 = arith.muli %mul3A, %arg1 : i32
    %add3A = arith.constant 8 : i32
    %add3A_1 = arith.addi %add3A, %mul3A_0 : i32
    %add3A_2 = arith.constant 1 : i32
    %add3A_3 = arith.addi %add3A_1, %add3A_2 : i32
    %c0_i32 = arith.constant 0 : i32
    %c0_i32_4 = arith.constant 0 : i32
    %c0_i32_5 = arith.constant 0 : i32
    return %arg0, %c0_i32, %add3A_3, %c0_i32_4 : i32, i32, i32, i32
  }
  func.func @transform_3(%arg0: i32, %arg1: i32) -> (i32, i32, i32, i32) {
    %mul3A = arith.constant 4 : i32
    %mul3A_0 = arith.muli %mul3A, %arg1 : i32
    %add3A = arith.constant 8 : i32
    %add3A_1 = arith.addi %add3A, %mul3A_0 : i32
    %add3A_2 = arith.constant 2 : i32
    %add3A_3 = arith.addi %add3A_1, %add3A_2 : i32
    %c0_i32 = arith.constant 0 : i32
    %c0_i32_4 = arith.constant 0 : i32
    %c0_i32_5 = arith.constant 0 : i32
    return %arg0, %c0_i32, %add3A_3, %c0_i32_4 : i32, i32, i32, i32
  }
  func.func @transform_4(%arg0: i32, %arg1: i32) -> (i32, i32, i32, i32) {
    %mul3A = arith.constant 4 : i32
    %mul3A_0 = arith.muli %mul3A, %arg1 : i32
    %add3A = arith.constant 8 : i32
    %add3A_1 = arith.addi %add3A, %mul3A_0 : i32
    %add3A_2 = arith.constant 3 : i32
    %add3A_3 = arith.addi %add3A_1, %add3A_2 : i32
    %c0_i32 = arith.constant 0 : i32
    %c0_i32_4 = arith.constant 0 : i32
    %c0_i32_5 = arith.constant 0 : i32
    return %arg0, %c0_i32, %add3A_3, %c0_i32_4 : i32, i32, i32, i32
  }
  func.func @transform_5(%arg0: i32, %arg1: i32) -> (i32, i32, i32, i32) {
    %mul3A = arith.constant 4 : i32
    %mul3A_0 = arith.muli %mul3A, %arg1 : i32
    %add3A = arith.constant 8 : i32
    %add3A_1 = arith.addi %add3A, %mul3A_0 : i32
    %add3A_2 = arith.constant 4 : i32
    %add3A_3 = arith.addi %add3A_1, %add3A_2 : i32
    %c0_i32 = arith.constant 0 : i32
    %c0_i32_4 = arith.constant 0 : i32
    %c0_i32_5 = arith.constant 0 : i32
    return %arg0, %c0_i32, %add3A_3, %c0_i32_4 : i32, i32, i32, i32
  }
  func.func @transform_6(%arg0: i32, %arg1: i32) -> (i32, i32, i32, i32) {
    %c0_i32 = arith.constant 0 : i32
    %c0_i32_0 = arith.constant 0 : i32
    %c0_i32_1 = arith.constant 0 : i32
    return %arg0, %c0_i32, %arg1, %c0_i32_0 : i32, i32, i32, i32
  }
}

</mosaic_0001>

<sc_bundles>
// kernel: kernel.4.cloned.1.call-start
scs
__scs_entry_jumppad:
0x0: {  	(pc) =	sbr.rel $0x88, $3  }
0x1: {  	(tag) =	ssettag $0x0;
	lr =	simm.s32 $0x1  }
0x2: {  	[smem:$0x3FA0] =	sst lr;
	_ =	strace $0xD0000000  }
0x3: {  	_ = 	snop  }
0x4: {  	_ = 	snop  }
0x5: {  	_ = 	snop  }
0x6: {  	_ = 	snop  }
0x7: {  	_ = 	snop  }
__scs_overlays_trampoline_lowered:
0x8: {  	[smem:$0x3FAF] =	sst s0  }
0x9: {  	[smem:$0x3FB0] =	sst s1  }
0xa: {  	[smem:$0x3FB1] =	sst s2  }
0xb: {  	[smem:$0x3FB2] =	sst s3  }
0xc: {  	[smem:$0x3FB3] =	sst s4  }
0xd: {  	[smem:$0x3FB4] =	sst s5  }
0xe: {  	[smem:$0x3FB5] =	sst s6  }
0xf: {  	[smem:$0x3FB6] =	sst s7  }
0x10: {  	[smem:$0x3FB7] =	sst s8  }
0x11: {  	[smem:$0x3FB8] =	sst s9;
	s0 =	simm.s32 @!p0 $0x0  }
0x12: {  	s1 =	sld [smem:$0x3F9E];
	s0 =	simm.s32 @p0 $0x1  }
0x13: {  	[smem:$0x3FB9] =	sst s0;
	s0 =	simm.s32 @!p1 $0x0  }
0x14: {  	s2 =	sld [smem:$0x3F9D];
	s0 =	simm.s32 @p1 $0x1  }
0x15: {  	[smem:$0x3FBA] =	sst s0;
	s0 =	simm.s32 @!p2 $0x0  }
0x16: {  	s3 =	sld [smem:$0x3FDB];
	s0 =	simm.s32 @p2 $0x1  }
0x17: {  	s4 =	simm.s32 $0x1BF5;
	[smem:$0x3FBC] =	sst s0  }
0x18: {  	s0 =	sld [smem:$0x3F9F];
	_ =	swait.ge [sflag:s4], $0x0  }
0x19: {  	s7 =	sld [smem:$0x3FA0]  }
0x1a: {  	s8 =	sadd.s32 $0xFFFFE003, lr  }
0x1b: {  	s9 =	sadd.s32 $0xFFFFFEF7, lr;
	s5 =	simm.s32 $0xFFFFFFFF;
	p2 =	slt.u32 s8, $0xFFFFF086  }
0x1c: {  	p1 =	slt.u32 s9, $0xF7A;
	s5 =	simm.s32 @!p2 $0x0  }
0x1d: {  	s5 =	simm.s32 @p1 $0x1;
	p0 =	seq.s32 s7, s2  }
0x1e: {  	s7 =	smul.u32 @!p0 $0xF7A, s2;
	p2 =	seq.s32 @!p0 s5, $0x0  }
0x1f: {  	s9 =	smul.u32 $0xF7A, s1;
	s8 =	simm.s32 @!p0 $0x1BF5;
	p2 =	por !p2, p0  }
0x20: {  	[sflag:s8] =	ssyncset.s32 @!p0 $0xFFFFF086;
	s6 =	sadd.s32 @!p0 s3, s7;
	s7 =	simm.s32 @!p0 $0x108  }
0x21: {  	s3 =	sadd.s32 s3, s9;
	s6 =	sadd.s32 @!p0 $0x88, s6;
	s7 =	simm.s32 @p2 $0x1082  }
0x22: {  	[simem:s7], [sflag:s8] =	dma.local @!p0 [hbm:s6], $0xF7A  }
0x23: {  	s9 =	sor.u32 $0xD0000000, s2;
	s6 =	simm.s32 $0x108;
	_ =	swait.ge @!p0 [sflag:s8], $0x0  }
0x24: {  	s3 =	sadd.s32 $0x88, s3;
	s6 =	simm.s32 @!p1 $0x1082;
	[sflag:s4] =	ssyncset.s32 $0xFFFFF086  }
0x25: {  	[simem:s6], [sflag:s4] =	dma.local [hbm:s3], $0xF7A  }
0x26: {  	[smem:$0x3FA0] =	sst s1;
	(tag) =	ssettag s2;
	_ =	strace s9  }
0x27: {  	s1 =	sld [smem:$0x3FB0]  }
0x28: {  	s2 =	sld [smem:$0x3FB1]  }
0x29: {  	s4 =	sld [smem:$0x3FB3]  }
0x2a: {  	p0 =	seq.s32 s5, $0x0;
	s5 =	sld [smem:$0x3FB4]  }
0x2b: {  	s6 =	sld [smem:$0x3FB5]  }
0x2c: {  	s7 =	sld [smem:$0x3FB6]  }
0x2d: {  	s3 =	simm.s32 $0x108;
	s8 =	sld [smem:$0x3FB7]  }
0x2e: {  	s3 =	simm.s32 @!p0 $0x1082;
	s9 =	sld [smem:$0x3FB8]  }
0x2f: {  	lr =	sadd.s32 s0, s3;
	s0 =	sld [smem:$0x3FAF]  }
0x30: {  	s3 =	sld [smem:$0x3FB2]  }
0x31: {  	[smem:$0x3FBB] =	sst s10  }
0x32: {  	s10 =	sld [smem:$0x3FB9];
	_ =	sdelay $0x3  }
0x33: {  	p0 =	seq.s32 s10, $0x1;
	s10 =	sld [smem:$0x3FBB];
	_ =	sdelay $0x3  }
0x34: {  	[smem:$0x3FBB] =	sst s10  }
0x35: {  	s10 =	sld [smem:$0x3FBA];
	_ =	sdelay $0x3  }
0x36: {  	p1 =	seq.s32 s10, $0x1;
	s10 =	sld [smem:$0x3FBB];
	_ =	sdelay $0x3  }
0x37: {  	[smem:$0x3FBB] =	sst s10  }
0x38: {  	s10 =	sld [smem:$0x3FBC]  }
0x39: {  	_ = 	snop;
	(pc) =	sbr.ind lr, $3  }
0x3a: {  	_ = 	snop  }
0x3b: {  	_ = 	snop  }
0x3c: {  	p2 =	seq.s32 s10, $0x1;
	s10 =	sld [smem:$0x3FBB]  }
0x3d: {  	_ =	shalt  }
0x3e: {  	_ =	shalt  }
0x3f: {  	_ =	shalt  }
0x40: {  	_ =	shalt  }
0x41: {  	_ =	shalt  }
0x42: {  	_ =	shalt  }
0x43: {  	_ =	shalt  }
0x44: {  	_ =	shalt  }
0x45: {  	_ =	shalt  }
0x46: {  	_ =	shalt  }
0x47: {  	_ =	shalt  }
0x48: {  	_ =	shalt  }
0x49: {  	_ =	shalt  }
0x4a: {  	_ =	shalt  }
0x4b: {  	_ =	shalt  }
0x4c: {  	_ =	shalt  }
0x4d: {  	_ =	shalt  }
0x4e: {  	_ =	shalt  }
0x4f: {  	_ =	shalt  }
0x50: {  	_ =	shalt  }
0x51: {  	_ =	shalt  }
0x52: {  	_ =	shalt  }
0x53: {  	_ =	shalt  }
0x54: {  	_ =	shalt  }
0x55: {  	_ =	shalt  }
0x56: {  	_ =	shalt  }
0x57: {  	_ =	shalt  }
0x58: {  	_ =	shalt  }
0x59: {  	_ =	shalt  }
0x5a: {  	_ =	shalt  }
0x5b: {  	_ =	shalt  }
0x5c: {  	_ =	shalt  }
0x5d: {  	_ =	shalt  }
0x5e: {  	_ =	shalt  }
0x5f: {  	_ =	shalt  }
0x60: {  	_ =	shalt  }
0x61: {  	_ =	shalt  }
0x62: {  	_ =	shalt  }
0x63: {  	_ =	shalt  }
0x64: {  	_ =	shalt  }
0x65: {  	_ =	shalt  }
0x66: {  	_ =	shalt  }
0x67: {  	_ =	shalt  }
0x68: {  	_ =	shalt  }
0x69: {  	_ =	shalt  }
0x6a: {  	_ =	shalt  }
0x6b: {  	_ =	shalt  }
0x6c: {  	_ =	shalt  }
0x6d: {  	_ =	shalt  }
0x6e: {  	_ =	shalt  }
0x6f: {  	_ =	shalt  }
0x70: {  	_ =	shalt  }
0x71: {  	_ =	shalt  }
0x72: {  	_ =	shalt  }
0x73: {  	_ =	shalt  }
0x74: {  	_ =	shalt  }
0x75: {  	_ =	shalt  }
0x76: {  	_ =	shalt  }
0x77: {  	_ =	shalt  }
0x78: {  	_ =	shalt  }
0x79: {  	_ =	shalt  }
0x7a: {  	_ =	shalt  }
0x7b: {  	_ =	shalt  }
0x7c: {  	_ =	shalt  }
0x7d: {  	_ =	shalt  }
0x7e: {  	_ =	shalt  }
0x7f: {  	_ =	shalt  }
0x80: {  	_ =	shalt  }
0x81: {  	_ =	shalt  }
0x82: {  	_ =	shalt  }
0x83: {  	_ =	shalt  }
0x84: {  	_ =	shalt  }
0x85: {  	_ =	shalt  }
0x86: {  	_ =	shalt  }
0x87: {  	_ =	shalt  }
.Lfunc_end0:
.L_simem_size_0:
called_computation_lowered:
.L_overlay_start_0:
0x88: {  	s2 =	sld [smem:$0x3FD9]  }
0x89: {  	s3 =	sld [smem:$0x3FFE];
	_ =	sdelay $0x1  }
0x8a: {  	s1 =	srdreg.scid  }
0x8b: {  	s0 =	sand.u32 $0x1, s1  }
0x8c: {  	s17 =	sshll.u32 s0, $0xA;
	s2 =	sadd.s32 s3, s2  }
0x8d: {  	s2 =	sadd.s32 s2, s17  }
0x8e: {  	[smem:$0x3FC7] =	sst s2  }
0x8f: {  	_ = 	snop  }
0x90: {  	s2 =	sld [smem:$0x3FD0];
	(tm) =	ssettm $0x1  }
0x91: {  	s18 =	sld [smem:$0x3FFB];
	_ =	sdelay $0x3  }
0x92: {  	_ =	strace s18  }
0x93: {  	s3 =	sld [smem:$0x3FFC];
	_ =	sdelay $0x3  }
0x94: {  	_ =	strace s3  }
0x95: {  	s3 =	sld [smem:$0x3FFD];
	_ =	sdelay $0x3  }
0x96: {  	_ =	strace s3  }
0x97: {  	_ =	strace $0x8FFFFFFF  }
0x98: {  	s19 =	sld [smem:$0x3FDB];
	_ =	sdelay $0x1  }
0x99: {  	s4 =	simm.s32 $_scs_section_size  }
0x9a: {  	s5 =	simm.s32 $_size__tile_overlayer_lowered;
	s6 =	simm.s32 $_tile_overlayer_lowered  }
0x9b: {  	s22 =	simm.s32 $0x1BFF;
	s21 =	sshll.u32 s6, $0x1;
	s3 =	sadd.s32 s4, s19  }
0x9c: {  	s7 =	simm.s32 $0x0;
	s20 =	sshll.u32 s5, $0x1;
	s5 =	sadd.s32 s21, s3  }
0x9d: {  	[timem:s7], [sflag:s22] =	dma.local [hbm:s5], s20  }
0x9e: {  	_ =	swait.ge [sflag:s22], s20  }
0x9f: {  	s4 =	ssub.s32 $0x0, s20;
	[sflag:s22] =	ssyncset.done $0x0  }
0xa0: {  	[sflag:s22] =	ssyncadd.s32 s4;
	_ =	sdelay $0x1  }
0xa1: {  	s23 =	simm.s32 $0x1B8B  }
0xa2: {  	_ =	swait.ge [sflag:s23], $0x1  }
0xa3: {  	[sflag:s23] =	ssyncset.done $0x0  }
0xa4: {  	s25 =	simm.s32 $0x1B8E;
	s24 =	sld [smem:$0x3FFE];
	[sflag:s23] =	ssyncadd.s32 $0xFFFFFFFF  }
0xa5: {  	s26 =	simm.s32 $execute0_lowered;
	[smem:$0x3FD2] =	sst s25  }
0xa6: {  	s5 =	sshll.u32 s26, $0x1;
	_ =	strace $0x80000046;
	[dreg:$0x1] =	wrdreg $0xFFFFFFFF  }
0xa7: {  	s28 =	simm.s32 $_size_execute0_lowered;
	s3 =	sadd.s32 s3, s5;
	[dreg:$0x0] =	wrdreg $0x0  }
0xa8: {  	s5 =	sshll.u32 s28, $0x1;
	[dreg:$0x2] =	wrdreg s3  }
0xa9: {  	[dreg:$0x3] =	wrdreg s5  }
0xaa: {  	[dreg:$0x4] =	wrdreg $0xC0  }
0xab: {  	_ =	task [dreg:s7], $0x5FFFF  }
0xac: {  	[dreg:$0x1] =	wrdreg $0xFFFFFFFF  }
0xad: {  	[dreg:$0x0] =	wrdreg $0x60  }
0xae: {  	[dreg:$0x2] =	wrdreg s24  }
0xaf: {  	[dreg:$0x3] =	wrdreg s2  }
0xb0: {  	[dreg:$0x4] =	wrdreg $0x9  }
0xb1: {  	_ =	task.clear_ibuf [dreg:s7], $0x5FFFF;
	_ =	strace $0x90000046  }
0xb2: {  	s29 =	simm.s32 $0x9;
	_ =	strace $0x80000048  }
0xb3: {  	_ =	swait.ge [sflag:s29], $0x1  }
0xb4: {  	[sflag:s29] =	ssyncadd.s32 $0xFFFFFFFF  }
0xb5: {  	_ =	strace $0x90000048  }
0xb6: {  	_ =	sfence  }
0xb7: {  	s30 =	sld [smem:$0x0];
	_ =	sdelay $0x2  }
0xb8: {  	s31 =	sshll.u32 s1, $0xD;
	s1 =	sshrl.u32 s1, $0x2  }
0xb9: {  	s3 =	sand.u32 $0x4000, s31;
	s1 =	sadd.s32 s1, s30  }
0xba: {  	s0 =	sor.u32 s3, s0;
	s1 =	sshll.u32 s1, $0x11  }
0xbb: {  	s0 =	sor.u32 s1, s0  }
0xbc: {  	s0 =	sadd.s32 $0x8F2B, s0  }
0xbd: {  	[sflag:s0] =	ssyncadd.remote.s32 $0x1  }
0xbe: {  	_ =	sfence.sel $0xFFFF  }
0xbf: {  	[dreg:$0x0] =	wrdreg $0xFFFFFFFF;
	(pc) =	sbr.abs _section_cstart, $3  }
0xc0: {  	[dreg:$0x1] =	wrdreg $0xFFFFFFFF  }
0xc1: {  	_ =	task.clear_ibuf [dreg:s7], $0x2FFFF;
	_ =	strace $0x9FFFFFFF  }
0xc2: {  	(tm) =	ssettm $0x7FFFFFFF  }
0xc3: {  	_ =	shalt  }
tec
execute0_lowered:
.L_overlay_start_1:
0x0: {  	(tag) =	ssettag $0x1  }
0x1: {  	s0 =	srdreg.scid  }
0x2: {  	s2 =	rddreg [dreg:$0x0];
	s16 =	stileid.u32  }
0x3: {  	s13 =	rddreg [dreg:$0x1];
	s1 =	simm.s32 $0x0;
	s18 =	simm.s32 $0x0  }
0x4: {  	s0 =	sand.u32 $0x1, s0;
	s9 =	smul.u32 $0x380, s16;
	[smem:$0x7FF] =	sst s1  }
0x5: {  	s8 =	sadd.s32 $0xE00, s2;
	p0 =	sne.s32 s16, $0x0;
	s4 =	smul.u32 $0x1F800, s0  }
0x6: {  	s16 =	simm.s32 $0x1;
	s3 =	ssub.s32 $0x2, s0;
	s0 =	smul.u32 $0x7000, s0  }
0x7: {  	_ =	strace $0x80000047;
	s28 =	sshrl.u32 s3, $0x1;
	s7 =	sadd.s32 s9, s4  }
0x8: {  	s15 =	ssub.s32 s3, s28;
	s6 =	sshrl.u32 s4, $0x3;
	s0 =	sadd.s32 s9, s0  }
0x9: {  	s5 =	sadd.s32 $0xFFFFFC80, s7;
	s30 =	sadd.s32 $0xB980, s7;
	s31 =	sadd.s32 $0xF880, s7  }
0xa: {  	s10 =	sadd.s32 s8, s6;
	s11 =	sshrl.u32 s7, $0x3;
	s0 =	sshrl.u32 s0, $0x3  }
0xb: {  	s15 =	smax.u32 s15, $0x1;
	s5 =	sshrl.u32 s5, $0x3;
	s3 =	sshrl.u32 s30, $0x3  }
0xc: {  	s6 =	sadd.s32 $0x17A0, s10;
	s7 =	sadd.s32 $0x1F80, s10;
	s13 =	sadd.s32 s13, s0  }
0xd: {  	s29 =	sadd.s32 s8, s5;
	s3 =	sadd.s32 s8, s3;
	s5 =	sshrl.u32 s31, $0x3  }
0xe: {  	s14 =	sadd.s32 $0x700, s13;
	s4 =	sadd.s32 s8, s5;
	s8 =	sadd.s32 s8, s11  }
0xf: {  	s2 =	sadd.s32 $0xFC0, s29;
	s5 =	sadd.s32 $0xFC0, s10;
	s9 =	sadd.s32 $0x7E0, s8  }
0x10: {  	v0 =	vimm.f32 $0.0e+00;
	s10 =	sadd.s32 $0x2760, s8;
	s11 =	sadd.s32 $0x2F40, s8;
	s12 =	sadd.s32 $0x3720, s8  }
.LBB2_1:
0x11: {  	s0 =	simm.s32 $0xE0  }
0x12: {  	[tilespmem:s0+$0x1680] =	vst v0  }
0x13: {  	[tilespmem:s0+$0xFFFFFF20] =	vst v0  }
0x14: {  	[tilespmem:s0+$0x0] =	vst v0  }
0x15: {  	[tilespmem:s0+$0xA60] =	vst v0  }
0x16: {  	s17 =	simm.s32 $0x740;
	[tilespmem:s0+$0xB40] =	vst v0  }
.LBB2_2:
0x17: {  	p1 =	sne.s32 s17, $0x2CC0;
	[tilespmem:s0+$0x15A0] =	vst v0;
	s0 =	sshra.s32 s17, $0x2;
	s17 =	sadd.s32 $0x3C0, s17  }
.Ltmp0:
0x18: {  	[tilespmem:s0+$0x1680] =	vst v0;
	(pc) =	sbr.rel @p1 .LBB2_2-.Ltmp0, $4  }
0x19: {  	[tilespmem:s0+$0xFFFFFF20] =	vst v0  }
0x1a: {  	[tilespmem:s0+$0x0] =	vst v0  }
0x1b: {  	[tilespmem:s0+$0xA60] =	vst v0  }
0x1c: {  	[tilespmem:s0+$0xB40] =	vst v0  }
.Ltmp1:
0x1d: {  	(pc) =	sbr.rel @!p0 .LBB2_4-.Ltmp1, $2  }
0x1e: {  	_ =	sdelay $0x2  }
0x1f: {  	[tilespmem:s0+$0x15A0] =	vst v0  }
0x20: {  	s0 =	simm.s32 $0x8  }
0x21: {  	[tilespmem:s0], [sflag:$0x1] =	stream.linear.gather [hbm4b:s2+s1], $0xE0, $0x38;
	[tilespmem:$0x3A40] =	vst v63  }
0x22: {  	s26 =	sadd.s32 $0x1C, s2;
	s17 =	simm.s32 $0xF8  }
0x23: {  	[tilespmem:s17], [sflag:$0x1] =	stream.linear.gather [hbm4b:s26+s1], $0xE0, $0x38;
	[tilespmem:$0x3A40] =	vst v63  }
0x24: {  	s28 =	sadd.s32 $0x38, s2;
	s29 =	simm.s32 $0x1E8  }
0x25: {  	[tilespmem:s29], [sflag:$0x1] =	stream.linear.gather [hbm4b:s28+s1], $0xE0, $0x38;
	[tilespmem:$0x3A40] =	vst v63  }
0x26: {  	s30 =	sadd.s32 $0x54, s2;
	s31 =	simm.s32 $0x2D8  }
0x27: {  	[tilespmem:s31], [sflag:$0x1] =	stream.linear.gather [hbm4b:s30+s1], $0xE0, $0x38;
	[tilespmem:$0x3A40] =	vst v63  }
0x28: {  	s19 =	sadd.s32 $0x70, s2;
	s20 =	simm.s32 $0x3C8  }
0x29: {  	[tilespmem:s20], [sflag:$0x1] =	stream.linear.gather [hbm4b:s19+s1], $0xE0, $0x38;
	[tilespmem:$0x3A40] =	vst v63  }
0x2a: {  	s21 =	sadd.s32 $0x8C, s2;
	s22 =	simm.s32 $0x4B8  }
0x2b: {  	[tilespmem:s22], [sflag:$0x1] =	stream.linear.gather [hbm4b:s21+s1], $0xE0, $0x38;
	[tilespmem:$0x3A40] =	vst v63  }
0x2c: {  	s23 =	sadd.s32 $0xA8, s2;
	s24 =	simm.s32 $0x5A8  }
0x2d: {  	[tilespmem:s24], [sflag:$0x1] =	stream.linear.gather [hbm4b:s23+s1], $0xE0, $0x38;
	[tilespmem:$0x3A40] =	vst v63  }
0x2e: {  	s25 =	sadd.s32 $0xC4, s2;
	s26 =	simm.s32 $0x698  }
0x2f: {  	[tilespmem:s26], [sflag:$0x1] =	stream.linear.gather [hbm4b:s25+s1], $0xE0, $0x38;
	[tilespmem:$0x3A40] =	vst v63  }
0x30: {  	s28 =	sadd.s32 $0xE0, s2;
	s29 =	simm.s32 $0x788  }
0x31: {  	[tilespmem:s29], [sflag:$0x1] =	stream.linear.gather [hbm4b:s28+s1], $0xE0, $0x38;
	[tilespmem:$0x3A40] =	vst v63  }
0x32: {  	s30 =	sadd.s32 $0xFC, s2;
	s31 =	simm.s32 $0x878  }
0x33: {  	[tilespmem:s31], [sflag:$0x1] =	stream.linear.gather [hbm4b:s30+s1], $0xE0, $0x38;
	[tilespmem:$0x3A40] =	vst v63  }
0x34: {  	s17 =	sadd.s32 $0x118, s2;
	s19 =	simm.s32 $0x968  }
0x35: {  	[tilespmem:s19], [sflag:$0x1] =	stream.linear.gather [hbm4b:s17+s1], $0xE0, $0x38;
	[tilespmem:$0x3A40] =	vst v63  }
0x36: {  	s20 =	sadd.s32 $0x134, s2;
	s21 =	simm.s32 $0xA58  }
0x37: {  	[tilespmem:s21], [sflag:$0x1] =	stream.linear.gather [hbm4b:s20+s1], $0xE0, $0x38;
	[tilespmem:$0x3A40] =	vst v63  }
0x38: {  	_ =	swait.ge [sflag:s16], $0xA80  }
0x39: {  	[sflag:s16] =	ssyncset.done $0x0  }
0x3a: {  	s22 =	simm.s32 $0xB48;
	[sflag:s16] =	ssyncadd.s32 $0xFFFFF580  }
0x3b: {  	[tilespmem:s22], [sflag:$0x1] =	stream.linear.gather [hbm4b:s3+s1], $0xE0, $0x38;
	[tilespmem:$0x3A40] =	vst v63  }
0x3c: {  	s23 =	sadd.s32 $0x1C, s3;
	s24 =	simm.s32 $0xC38  }
0x3d: {  	[tilespmem:s24], [sflag:$0x1] =	stream.linear.gather [hbm4b:s23+s1], $0xE0, $0x38;
	[tilespmem:$0x3A40] =	vst v63  }
0x3e: {  	s25 =	sadd.s32 $0x38, s3;
	s26 =	simm.s32 $0xD28  }
0x3f: {  	[tilespmem:s26], [sflag:$0x1] =	stream.linear.gather [hbm4b:s25+s1], $0xE0, $0x38;
	[tilespmem:$0x3A40] =	vst v63  }
0x40: {  	s28 =	sadd.s32 $0x54, s3;
	s29 =	simm.s32 $0xE18  }
0x41: {  	[tilespmem:s29], [sflag:$0x1] =	stream.linear.gather [hbm4b:s28+s1], $0xE0, $0x38;
	[tilespmem:$0x3A40] =	vst v63  }
0x42: {  	s30 =	sadd.s32 $0x70, s3;
	s31 =	simm.s32 $0xF08  }
0x43: {  	[tilespmem:s31], [sflag:$0x1] =	stream.linear.gather [hbm4b:s30+s1], $0xE0, $0x38;
	[tilespmem:$0x3A40] =	vst v63  }
0x44: {  	s19 =	sadd.s32 $0x8C, s3;
	s20 =	simm.s32 $0xFF8  }
0x45: {  	[tilespmem:s20], [sflag:$0x1] =	stream.linear.gather [hbm4b:s19+s1], $0xE0, $0x38;
	[tilespmem:$0x3A40] =	vst v63  }
0x46: {  	s21 =	sadd.s32 $0xA8, s3;
	s22 =	simm.s32 $0x10E8  }
0x47: {  	[tilespmem:s22], [sflag:$0x1] =	stream.linear.gather [hbm4b:s21+s1], $0xE0, $0x38;
	[tilespmem:$0x3A40] =	vst v63  }
0x48: {  	s23 =	sadd.s32 $0xC4, s3;
	s24 =	simm.s32 $0x11D8  }
0x49: {  	[tilespmem:s24], [sflag:$0x1] =	stream.linear.gather [hbm4b:s23+s1], $0xE0, $0x38;
	[tilespmem:$0x3A40] =	vst v63  }
0x4a: {  	s25 =	sadd.s32 $0xE0, s3;
	s26 =	simm.s32 $0x12C8  }
0x4b: {  	[tilespmem:s26], [sflag:$0x1] =	stream.linear.gather [hbm4b:s25+s1], $0xE0, $0x38;
	[tilespmem:$0x3A40] =	vst v63  }
0x4c: {  	s28 =	sadd.s32 $0xFC, s3;
	s29 =	simm.s32 $0x13B8  }
0x4d: {  	[tilespmem:s29], [sflag:$0x1] =	stream.linear.gather [hbm4b:s28+s1], $0xE0, $0x38;
	[tilespmem:$0x3A40] =	vst v63  }
0x4e: {  	s30 =	sadd.s32 $0x118, s3;
	s31 =	simm.s32 $0x14A8  }
0x4f: {  	[tilespmem:s31], [sflag:$0x1] =	stream.linear.gather [hbm4b:s30+s1], $0xE0, $0x38;
	[tilespmem:$0x3A40] =	vst v63  }
0x50: {  	s17 =	sadd.s32 $0x134, s3;
	s19 =	simm.s32 $0x1598  }
0x51: {  	[tilespmem:s19], [sflag:$0x1] =	stream.linear.gather [hbm4b:s17+s1], $0xE0, $0x38;
	[tilespmem:$0x3A40] =	vst v63  }
0x52: {  	_ =	swait.ge [sflag:s16], $0xA80  }
0x53: {  	[sflag:s16] =	ssyncset.done $0x0  }
0x54: {  	s20 =	simm.s32 $0x1688;
	[sflag:s16] =	ssyncadd.s32 $0xFFFFF580  }
0x55: {  	[tilespmem:s20], [sflag:$0x1] =	stream.linear.gather [hbm4b:s4+s1], $0xE0, $0x38;
	[tilespmem:$0x3A40] =	vst v63  }
0x56: {  	s21 =	sadd.s32 $0x1C, s4;
	s22 =	simm.s32 $0x1778  }
0x57: {  	[tilespmem:s22], [sflag:$0x1] =	stream.linear.gather [hbm4b:s21+s1], $0xE0, $0x38;
	[tilespmem:$0x3A40] =	vst v63  }
0x58: {  	s23 =	sadd.s32 $0x38, s4;
	s24 =	simm.s32 $0x1868  }
0x59: {  	[tilespmem:s24], [sflag:$0x1] =	stream.linear.gather [hbm4b:s23+s1], $0xE0, $0x38;
	[tilespmem:$0x3A40] =	vst v63  }
0x5a: {  	s25 =	sadd.s32 $0x54, s4;
	s26 =	simm.s32 $0x1958  }
0x5b: {  	[tilespmem:s26], [sflag:$0x1] =	stream.linear.gather [hbm4b:s25+s1], $0xE0, $0x38;
	[tilespmem:$0x3A40] =	vst v63  }
0x5c: {  	s28 =	sadd.s32 $0x70, s4;
	s29 =	simm.s32 $0x1A48  }
0x5d: {  	[tilespmem:s29], [sflag:$0x1] =	stream.linear.gather [hbm4b:s28+s1], $0xE0, $0x38;
	[tilespmem:$0x3A40] =	vst v63  }
0x5e: {  	s30 =	sadd.s32 $0x8C, s4;
	s31 =	simm.s32 $0x1B38  }
0x5f: {  	[tilespmem:s31], [sflag:$0x1] =	stream.linear.gather [hbm4b:s30+s1], $0xE0, $0x38;
	[tilespmem:$0x3A40] =	vst v63  }
0x60: {  	s19 =	sadd.s32 $0xA8, s4;
	s20 =	simm.s32 $0x1C28  }
0x61: {  	[tilespmem:s20], [sflag:$0x1] =	stream.linear.gather [hbm4b:s19+s1], $0xE0, $0x38;
	[tilespmem:$0x3A40] =	vst v63  }
0x62: {  	s21 =	sadd.s32 $0xC4, s4;
	s22 =	simm.s32 $0x1D18  }
0x63: {  	[tilespmem:s22], [sflag:$0x1] =	stream.linear.gather [hbm4b:s21+s1], $0xE0, $0x38;
	[tilespmem:$0x3A40] =	vst v63  }
0x64: {  	s23 =	sadd.s32 $0xE0, s4;
	s24 =	simm.s32 $0x1E08  }
0x65: {  	[tilespmem:s24], [sflag:$0x1] =	stream.linear.gather [hbm4b:s23+s1], $0xE0, $0x38;
	[tilespmem:$0x3A40] =	vst v63  }
0x66: {  	s25 =	sadd.s32 $0xFC, s4;
	s26 =	simm.s32 $0x1EF8  }
0x67: {  	[tilespmem:s26], [sflag:$0x1] =	stream.linear.gather [hbm4b:s25+s1], $0xE0, $0x38;
	[tilespmem:$0x3A40] =	vst v63  }
0x68: {  	s28 =	sadd.s32 $0x118, s4;
	s29 =	simm.s32 $0x1FE8  }
0x69: {  	[tilespmem:s29], [sflag:$0x1] =	stream.linear.gather [hbm4b:s28+s1], $0xE0, $0x38;
	[tilespmem:$0x3A40] =	vst v63  }
.Ltmp2:
0x6a: {  	s30 =	sadd.s32 $0x134, s4;
	s31 =	simm.s32 $0x20D8;
	(pc) =	sbr.rel .LBB2_6-.Ltmp2, $4  }
0x6b: {  	[tilespmem:s31], [sflag:$0x1] =	stream.linear.gather [hbm4b:s30+s1], $0xE0, $0x38;
	[tilespmem:$0x3A40] =	vst v63  }
0x6c: {  	_ =	swait.ge [sflag:s16], $0xA80  }
0x6d: {  	[sflag:s16] =	ssyncset.done $0x0  }
0x6e: {  	[sflag:s16] =	ssyncadd.s32 $0xFFFFF580  }
.LBB2_4:
0x6f: {  	[tilespmem:$0x0] =	vst v0  }
0x70: {  	[tilespmem:$0xB40] =	vst v0  }
0x71: {  	[tilespmem:$0x1680] =	vst v0  }
0x72: {  	[tilespmem:$0x10] =	vst v0  }
0x73: {  	[tilespmem:$0xB50] =	vst v0  }
0x74: {  	[tilespmem:$0x1690] =	vst v0  }
0x75: {  	[tilespmem:$0x20] =	vst v0  }
0x76: {  	[tilespmem:$0xB60] =	vst v0  }
0x77: {  	[tilespmem:$0x16A0] =	vst v0  }
0x78: {  	[tilespmem:$0x30] =	vst v0  }
0x79: {  	[tilespmem:$0xB70] =	vst v0  }
0x7a: {  	[tilespmem:$0x16B0] =	vst v0  }
0x7b: {  	[tilespmem:$0x40] =	vst v0  }
0x7c: {  	[tilespmem:$0xB80] =	vst v0  }
0x7d: {  	[tilespmem:$0x16C0] =	vst v0  }
0x7e: {  	[tilespmem:$0x50] =	vst v0  }
0x7f: {  	[tilespmem:$0xB90] =	vst v0  }
0x80: {  	[tilespmem:$0x16D0] =	vst v0  }
0x81: {  	[tilespmem:$0x60] =	vst v0  }
0x82: {  	[tilespmem:$0xBA0] =	vst v0  }
0x83: {  	[tilespmem:$0x16E0] =	vst v0  }
0x84: {  	[tilespmem:$0x70] =	vst v0  }
0x85: {  	[tilespmem:$0xBB0] =	vst v0  }
0x86: {  	[tilespmem:$0x16F0] =	vst v0  }
0x87: {  	[tilespmem:$0x80] =	vst v0  }
0x88: {  	[tilespmem:$0xBC0] =	vst v0  }
0x89: {  	[tilespmem:$0x1700] =	vst v0  }
0x8a: {  	[tilespmem:$0x90] =	vst v0  }
0x8b: {  	[tilespmem:$0xBD0] =	vst v0  }
0x8c: {  	[tilespmem:$0x1710] =	vst v0  }
0x8d: {  	[tilespmem:$0xA0] =	vst v0  }
0x8e: {  	[tilespmem:$0xBE0] =	vst v0  }
0x8f: {  	[tilespmem:$0x1720] =	vst v0  }
0x90: {  	[tilespmem:$0xB0] =	vst v0  }
0x91: {  	[tilespmem:$0xBF0] =	vst v0  }
0x92: {  	[tilespmem:$0x1730] =	vst v0  }
0x93: {  	[tilespmem:$0xC0] =	vst v0  }
0x94: {  	[tilespmem:$0xC00] =	vst v0  }
0x95: {  	[tilespmem:$0x1740] =	vst v0  }
0x96: {  	[tilespmem:$0xD0] =	vst v0  }
0x97: {  	[tilespmem:$0xC10] =	vst v0  }
0x98: {  	[tilespmem:$0x1750] =	vst v0  }
0x99: {  	[tilespmem:$0xE0] =	vst v0  }
0x9a: {  	[tilespmem:$0xC20] =	vst v0  }
0x9b: {  	[tilespmem:$0x1760] =	vst v0  }
0x9c: {  	[tilespmem:$0xF0] =	vst v0  }
0x9d: {  	[tilespmem:$0xC30] =	vst v0  }
0x9e: {  	[tilespmem:$0x1770] =	vst v0  }
0x9f: {  	[tilespmem:$0x100] =	vst v0  }
0xa0: {  	[tilespmem:$0xC40] =	vst v0  }
0xa1: {  	[tilespmem:$0x1780] =	vst v0  }
0xa2: {  	[tilespmem:$0x110] =	vst v0  }
0xa3: {  	[tilespmem:$0xC50] =	vst v0  }
0xa4: {  	[tilespmem:$0x1790] =	vst v0  }
0xa5: {  	[tilespmem:$0x120] =	vst v0  }
0xa6: {  	[tilespmem:$0xC60] =	vst v0  }
0xa7: {  	[tilespmem:$0x17A0] =	vst v0  }
0xa8: {  	[tilespmem:$0x130] =	vst v0  }
0xa9: {  	[tilespmem:$0xC70] =	vst v0  }
0xaa: {  	[tilespmem:$0x17B0] =	vst v0  }
0xab: {  	[tilespmem:$0x140] =	vst v0  }
0xac: {  	[tilespmem:$0xC80] =	vst v0  }
0xad: {  	[tilespmem:$0x17C0] =	vst v0  }
0xae: {  	[tilespmem:$0x150] =	vst v0  }
0xaf: {  	[tilespmem:$0xC90] =	vst v0  }
0xb0: {  	[tilespmem:$0x17D0] =	vst v0  }
0xb1: {  	[tilespmem:$0x160] =	vst v0  }
0xb2: {  	[tilespmem:$0xCA0] =	vst v0  }
0xb3: {  	[tilespmem:$0x17E0] =	vst v0  }
0xb4: {  	[tilespmem:$0x170] =	vst v0  }
0xb5: {  	[tilespmem:$0xCB0] =	vst v0  }
0xb6: {  	[tilespmem:$0x17F0] =	vst v0  }
0xb7: {  	[tilespmem:$0x180] =	vst v0  }
0xb8: {  	[tilespmem:$0xCC0] =	vst v0  }
0xb9: {  	[tilespmem:$0x1800] =	vst v0  }
0xba: {  	[tilespmem:$0x190] =	vst v0  }
0xbb: {  	[tilespmem:$0xCD0] =	vst v0  }
0xbc: {  	[tilespmem:$0x1810] =	vst v0  }
0xbd: {  	[tilespmem:$0x1A0] =	vst v0  }
0xbe: {  	[tilespmem:$0xCE0] =	vst v0  }
0xbf: {  	[tilespmem:$0x1820] =	vst v0  }
0xc0: {  	[tilespmem:$0x1B0] =	vst v0  }
0xc1: {  	[tilespmem:$0xCF0] =	vst v0  }
0xc2: {  	[tilespmem:$0x1830] =	vst v0  }
0xc3: {  	[tilespmem:$0x1C0] =	vst v0  }
0xc4: {  	[tilespmem:$0xD00] =	vst v0  }
0xc5: {  	[tilespmem:$0x1840] =	vst v0  }
0xc6: {  	[tilespmem:$0x1D0] =	vst v0  }
0xc7: {  	[tilespmem:$0xD10] =	vst v0  }
0xc8: {  	[tilespmem:$0x1850] =	vst v0  }
0xc9: {  	[tilespmem:$0x1E0] =	vst v0  }
0xca: {  	[tilespmem:$0xD20] =	vst v0  }
0xcb: {  	[tilespmem:$0x1860] =	vst v0  }
0xcc: {  	[tilespmem:$0x1F0] =	vst v0  }
0xcd: {  	[tilespmem:$0xD30] =	vst v0  }
0xce: {  	[tilespmem:$0x1870] =	vst v0  }
0xcf: {  	[tilespmem:$0x200] =	vst v0  }
0xd0: {  	[tilespmem:$0xD40] =	vst v0  }
0xd1: {  	[tilespmem:$0x1880] =	vst v0  }
0xd2: {  	[tilespmem:$0x210] =	vst v0  }
0xd3: {  	[tilespmem:$0xD50] =	vst v0  }
0xd4: {  	[tilespmem:$0x1890] =	vst v0  }
0xd5: {  	[tilespmem:$0x220] =	vst v0  }
0xd6: {  	[tilespmem:$0xD60] =	vst v0  }
0xd7: {  	[tilespmem:$0x18A0] =	vst v0  }
0xd8: {  	[tilespmem:$0x230] =	vst v0  }
0xd9: {  	[tilespmem:$0xD70] =	vst v0  }
0xda: {  	[tilespmem:$0x18B0] =	vst v0  }
0xdb: {  	[tilespmem:$0x240] =	vst v0  }
0xdc: {  	[tilespmem:$0xD80] =	vst v0  }
0xdd: {  	[tilespmem:$0x18C0] =	vst v0  }
0xde: {  	[tilespmem:$0x250] =	vst v0  }
0xdf: {  	[tilespmem:$0xD90] =	vst v0  }
0xe0: {  	[tilespmem:$0x18D0] =	vst v0  }
0xe1: {  	[tilespmem:$0x260] =	vst v0  }
0xe2: {  	[tilespmem:$0xDA0] =	vst v0  }
0xe3: {  	[tilespmem:$0x18E0] =	vst v0  }
0xe4: {  	[tilespmem:$0x270] =	vst v0  }
0xe5: {  	[tilespmem:$0xDB0] =	vst v0  }
0xe6: {  	[tilespmem:$0x18F0] =	vst v0  }
0xe7: {  	[tilespmem:$0x280] =	vst v0  }
0xe8: {  	[tilespmem:$0xDC0] =	vst v0  }
0xe9: {  	[tilespmem:$0x1900] =	vst v0  }
0xea: {  	[tilespmem:$0x290] =	vst v0  }
0xeb: {  	[tilespmem:$0xDD0] =	vst v0  }
0xec: {  	[tilespmem:$0x1910] =	vst v0  }
0xed: {  	[tilespmem:$0x2A0] =	vst v0  }
0xee: {  	[tilespmem:$0xDE0] =	vst v0  }
0xef: {  	[tilespmem:$0x1920] =	vst v0  }
0xf0: {  	[tilespmem:$0x2B0] =	vst v0  }
0xf1: {  	[tilespmem:$0xDF0] =	vst v0  }
0xf2: {  	[tilespmem:$0x1930] =	vst v0  }
0xf3: {  	[tilespmem:$0x2C0] =	vst v0  }
0xf4: {  	[tilespmem:$0xE00] =	vst v0  }
0xf5: {  	[tilespmem:$0x1940] =	vst v0  }
0xf6: {  	[tilespmem:$0x2D0] =	vst v0  }
0xf7: {  	[tilespmem:$0xE10] =	vst v0  }
0xf8: {  	[tilespmem:$0x1950] =	vst v0  }
0xf9: {  	[tilespmem:$0x2E0] =	vst v0  }
0xfa: {  	[tilespmem:$0xE20] =	vst v0  }
0xfb: {  	[tilespmem:$0x1960] =	vst v0  }
0xfc: {  	[tilespmem:$0x2F0] =	vst v0  }
0xfd: {  	[tilespmem:$0xE30] =	vst v0  }
0xfe: {  	[tilespmem:$0x1970] =	vst v0  }
0xff: {  	[tilespmem:$0x300] =	vst v0  }
0x100: {  	[tilespmem:$0xE40] =	vst v0  }
0x101: {  	[tilespmem:$0x1980] =	vst v0  }
0x102: {  	[tilespmem:$0x310] =	vst v0  }
0x103: {  	[tilespmem:$0xE50] =	vst v0  }
0x104: {  	[tilespmem:$0x1990] =	vst v0  }
0x105: {  	[tilespmem:$0x320] =	vst v0  }
0x106: {  	[tilespmem:$0xE60] =	vst v0  }
0x107: {  	[tilespmem:$0x19A0] =	vst v0  }
0x108: {  	[tilespmem:$0x330] =	vst v0  }
0x109: {  	[tilespmem:$0xE70] =	vst v0  }
0x10a: {  	[tilespmem:$0x19B0] =	vst v0  }
0x10b: {  	[tilespmem:$0x340] =	vst v0  }
0x10c: {  	[tilespmem:$0xE80] =	vst v0  }
0x10d: {  	[tilespmem:$0x19C0] =	vst v0  }
0x10e: {  	[tilespmem:$0x350] =	vst v0  }
0x10f: {  	[tilespmem:$0xE90] =	vst v0  }
0x110: {  	[tilespmem:$0x19D0] =	vst v0  }
0x111: {  	[tilespmem:$0x360] =	vst v0  }
0x112: {  	[tilespmem:$0xEA0] =	vst v0  }
0x113: {  	[tilespmem:$0x19E0] =	vst v0  }
0x114: {  	[tilespmem:$0x370] =	vst v0  }
0x115: {  	[tilespmem:$0xEB0] =	vst v0  }
0x116: {  	[tilespmem:$0x19F0] =	vst v0  }
0x117: {  	[tilespmem:$0x380] =	vst v0  }
0x118: {  	[tilespmem:$0xEC0] =	vst v0  }
0x119: {  	[tilespmem:$0x1A00] =	vst v0  }
0x11a: {  	[tilespmem:$0x390] =	vst v0  }
0x11b: {  	[tilespmem:$0xED0] =	vst v0  }
0x11c: {  	[tilespmem:$0x1A10] =	vst v0  }
0x11d: {  	[tilespmem:$0x3A0] =	vst v0  }
0x11e: {  	[tilespmem:$0xEE0] =	vst v0  }
0x11f: {  	[tilespmem:$0x1A20] =	vst v0  }
0x120: {  	[tilespmem:$0x3B0] =	vst v0  }
0x121: {  	[tilespmem:$0xEF0] =	vst v0  }
0x122: {  	[tilespmem:$0x1A30] =	vst v0;
	s0 =	simm.s32 $0x3C8  }
0x123: {  	[tilespmem:s0], [sflag:$0x1] =	stream.linear.gather [hbm4b:s5+s1], $0xE0, $0x38;
	[tilespmem:$0x3A40] =	vst v63  }
0x124: {  	s26 =	sadd.s32 $0x1C, s5;
	s17 =	simm.s32 $0x4B8  }
0x125: {  	[tilespmem:s17], [sflag:$0x1] =	stream.linear.gather [hbm4b:s26+s1], $0xE0, $0x38;
	[tilespmem:$0x3A40] =	vst v63  }
0x126: {  	s28 =	sadd.s32 $0x38, s5;
	s29 =	simm.s32 $0x5A8  }
0x127: {  	[tilespmem:s29], [sflag:$0x1] =	stream.linear.gather [hbm4b:s28+s1], $0xE0, $0x38;
	[tilespmem:$0x3A40] =	vst v63  }
0x128: {  	s30 =	sadd.s32 $0x54, s5;
	s31 =	simm.s32 $0x698  }
0x129: {  	[tilespmem:s31], [sflag:$0x1] =	stream.linear.gather [hbm4b:s30+s1], $0xE0, $0x38;
	[tilespmem:$0x3A40] =	vst v63  }
0x12a: {  	s19 =	simm.s32 $0x788;
	s17 =	sadd.s32 $0x70, s5  }
0x12b: {  	[tilespmem:s19], [sflag:$0x1] =	stream.linear.gather [hbm4b:s17+s1], $0xE0, $0x38;
	[tilespmem:$0x3A40] =	vst v63  }
0x12c: {  	s20 =	sadd.s32 $0x8C, s5;
	s21 =	simm.s32 $0x878  }
0x12d: {  	[tilespmem:s21], [sflag:$0x1] =	stream.linear.gather [hbm4b:s20+s1], $0xE0, $0x38;
	[tilespmem:$0x3A40] =	vst v63  }
0x12e: {  	s22 =	sadd.s32 $0xA8, s5;
	s23 =	simm.s32 $0x968  }
0x12f: {  	[tilespmem:s23], [sflag:$0x1] =	stream.linear.gather [hbm4b:s22+s1], $0xE0, $0x38;
	[tilespmem:$0x3A40] =	vst v63  }
0x130: {  	s24 =	sadd.s32 $0xC4, s5;
	s25 =	simm.s32 $0xA58  }
0x131: {  	[tilespmem:s25], [sflag:$0x1] =	stream.linear.gather [hbm4b:s24+s1], $0xE0, $0x38;
	[tilespmem:$0x3A40] =	vst v63  }
0x132: {  	_ =	swait.ge [sflag:s16], $0x700  }
0x133: {  	[sflag:s16] =	ssyncset.done $0x0  }
0x134: {  	s26 =	simm.s32 $0xF08;
	[sflag:s16] =	ssyncadd.s32 $0xFFFFF900  }
0x135: {  	[tilespmem:s26], [sflag:$0x1] =	stream.linear.gather [hbm4b:s6+s1], $0xE0, $0x38;
	[tilespmem:$0x3A40] =	vst v63  }
0x136: {  	s28 =	sadd.s32 $0x1C, s6;
	s29 =	simm.s32 $0xFF8  }
0x137: {  	[tilespmem:s29], [sflag:$0x1] =	stream.linear.gather [hbm4b:s28+s1], $0xE0, $0x38;
	[tilespmem:$0x3A40] =	vst v63  }
0x138: {  	s30 =	sadd.s32 $0x38, s6;
	s31 =	simm.s32 $0x10E8  }
0x139: {  	[tilespmem:s31], [sflag:$0x1] =	stream.linear.gather [hbm4b:s30+s1], $0xE0, $0x38;
	[tilespmem:$0x3A40] =	vst v63  }
0x13a: {  	s17 =	sadd.s32 $0x54, s6;
	s19 =	simm.s32 $0x11D8  }
0x13b: {  	[tilespmem:s19], [sflag:$0x1] =	stream.linear.gather [hbm4b:s17+s1], $0xE0, $0x38;
	[tilespmem:$0x3A40] =	vst v63  }
0x13c: {  	s20 =	sadd.s32 $0x70, s6;
	s21 =	simm.s32 $0x12C8  }
0x13d: {  	[tilespmem:s21], [sflag:$0x1] =	stream.linear.gather [hbm4b:s20+s1], $0xE0, $0x38;
	[tilespmem:$0x3A40] =	vst v63  }
0x13e: {  	s22 =	sadd.s32 $0x8C, s6;
	s23 =	simm.s32 $0x13B8  }
0x13f: {  	[tilespmem:s23], [sflag:$0x1] =	stream.linear.gather [hbm4b:s22+s1], $0xE0, $0x38;
	[tilespmem:$0x3A40] =	vst v63  }
0x140: {  	s24 =	sadd.s32 $0xA8, s6;
	s25 =	simm.s32 $0x14A8  }
0x141: {  	[tilespmem:s25], [sflag:$0x1] =	stream.linear.gather [hbm4b:s24+s1], $0xE0, $0x38;
	[tilespmem:$0x3A40] =	vst v63  }
0x142: {  	s26 =	sadd.s32 $0xC4, s6;
	s28 =	simm.s32 $0x1598  }
0x143: {  	[tilespmem:s28], [sflag:$0x1] =	stream.linear.gather [hbm4b:s26+s1], $0xE0, $0x38;
	[tilespmem:$0x3A40] =	vst v63  }
0x144: {  	_ =	swait.ge [sflag:s16], $0x700  }
0x145: {  	[sflag:s16] =	ssyncset.done $0x0  }
0x146: {  	s29 =	simm.s32 $0x1A48;
	[sflag:s16] =	ssyncadd.s32 $0xFFFFF900  }
0x147: {  	[tilespmem:s29], [sflag:$0x1] =	stream.linear.gather [hbm4b:s7+s1], $0xE0, $0x38;
	[tilespmem:$0x3A40] =	vst v63  }
0x148: {  	s30 =	sadd.s32 $0x1C, s7;
	s31 =	simm.s32 $0x1B38  }
0x149: {  	[tilespmem:s31], [sflag:$0x1] =	stream.linear.gather [hbm4b:s30+s1], $0xE0, $0x38;
	[tilespmem:$0x3A40] =	vst v63  }
0x14a: {  	s19 =	sadd.s32 $0x38, s7;
	s20 =	simm.s32 $0x1C28  }
0x14b: {  	[tilespmem:s20], [sflag:$0x1] =	stream.linear.gather [hbm4b:s19+s1], $0xE0, $0x38;
	[tilespmem:$0x3A40] =	vst v63  }
0x14c: {  	s21 =	sadd.s32 $0x54, s7;
	s22 =	simm.s32 $0x1D18  }
0x14d: {  	[tilespmem:s22], [sflag:$0x1] =	stream.linear.gather [hbm4b:s21+s1], $0xE0, $0x38;
	[tilespmem:$0x3A40] =	vst v63  }
0x14e: {  	s23 =	sadd.s32 $0x70, s7;
	s24 =	simm.s32 $0x1E08  }
0x14f: {  	[tilespmem:s24], [sflag:$0x1] =	stream.linear.gather [hbm4b:s23+s1], $0xE0, $0x38;
	[tilespmem:$0x3A40] =	vst v63  }
0x150: {  	s25 =	sadd.s32 $0x8C, s7;
	s26 =	simm.s32 $0x1EF8  }
0x151: {  	[tilespmem:s26], [sflag:$0x1] =	stream.linear.gather [hbm4b:s25+s1], $0xE0, $0x38;
	[tilespmem:$0x3A40] =	vst v63  }
0x152: {  	s28 =	sadd.s32 $0xA8, s7;
	s29 =	simm.s32 $0x1FE8  }
0x153: {  	[tilespmem:s29], [sflag:$0x1] =	stream.linear.gather [hbm4b:s28+s1], $0xE0, $0x38;
	[tilespmem:$0x3A40] =	vst v63  }
0x154: {  	s30 =	sadd.s32 $0xC4, s7;
	s31 =	simm.s32 $0x20D8  }
0x155: {  	[tilespmem:s31], [sflag:$0x1] =	stream.linear.gather [hbm4b:s30+s1], $0xE0, $0x38;
	[tilespmem:$0x3A40] =	vst v63  }
0x156: {  	_ =	swait.ge [sflag:s16], $0x700  }
0x157: {  	[sflag:s16] =	ssyncset.done $0x0  }
0x158: {  	[sflag:s16] =	ssyncadd.s32 $0xFFFFF900  }
.LBB2_6:
0x159: {  	s19 =	simm.s32 $0x0;
	s0 =	simm.s32 $0x21C0  }
0x15a: {  	[tilespmem:s0], [sflag:$0x1] =	stream.linear.gather [hbm4b:s8+s19], $0x380, $0x38;
	[tilespmem:$0x3A40] =	vst v63  }
0x15b: {  	_ =	swait.ge [sflag:s16], $0x380  }
0x15c: {  	[sflag:s16] =	ssyncset.done $0x0  }
0x15d: {  	s26 =	simm.s32 $0x2540;
	[sflag:s16] =	ssyncadd.s32 $0xFFFFFC80  }
0x15e: {  	[tilespmem:s26], [sflag:$0x1] =	stream.linear.gather [hbm4b:s9+s19], $0x380, $0x38;
	[tilespmem:$0x3A40] =	vst v63  }
0x15f: {  	_ =	swait.ge [sflag:s16], $0x380  }
0x160: {  	[sflag:s16] =	ssyncset.done $0x0  }
0x161: {  	s29 =	simm.s32 $0x28C0;
	[sflag:s16] =	ssyncadd.s32 $0xFFFFFC80  }
0x162: {  	[tilespmem:s29], [sflag:$0x1] =	stream.linear.gather [hbm4b:s10+s19], $0x380, $0x38;
	[tilespmem:$0x3A40] =	vst v63  }
0x163: {  	_ =	swait.ge [sflag:s16], $0x380  }
0x164: {  	[sflag:s16] =	ssyncset.done $0x0  }
0x165: {  	s30 =	simm.s32 $0x2C40;
	[sflag:s16] =	ssyncadd.s32 $0xFFFFFC80  }
0x166: {  	[tilespmem:s30], [sflag:$0x1] =	stream.linear.gather [hbm4b:s11+s19], $0x380, $0x38;
	[tilespmem:$0x3A40] =	vst v63  }
0x167: {  	_ =	swait.ge [sflag:s16], $0x380  }
0x168: {  	[sflag:s16] =	ssyncset.done $0x0  }
0x169: {  	s31 =	simm.s32 $0x2FC0;
	[sflag:s16] =	ssyncadd.s32 $0xFFFFFC80  }
0x16a: {  	[tilespmem:s31], [sflag:$0x1] =	stream.linear.gather [hbm4b:s12+s19], $0x380, $0x38;
	[tilespmem:$0x3A40] =	vst v63  }
0x16b: {  	_ =	swait.ge [sflag:s16], $0x380  }
0x16c: {  	s28 =	simm.s32 $0x6;
	[sflag:s16] =	ssyncset.done $0x0  }
0x16d: {  	s25 =	simm.s32 $0x168C;
	s26 =	simm.s32 $0xB4C;
	[sflag:s16] =	ssyncadd.s32 $0xFFFFFC80  }
.LBB2_7:
0x16e: {  	s0 =	smul.u32 $0xF0, s19  }
0x16f: {  	s23 =	smul.u32 $0xE0, s19;
	_ =	sdelay $0x1  }
0x170: {  	s0 =	sadd.s32 $0x3C0, s0;
	v61 =	vmov s23  }
0x171: {  	s24 =	sadd.s32 $0x380, s23;
	v0 =	vmov s0;
	[tilespmem:$0x1FFD0] =	vst v61  }
0x172: {  	s17 =	sadd.s32 $0x2FC0, s23;
	v62 =	vmov s24;
	[tilespmem:$0x1FFC0] =	vst v0  }
0x173: {  	s22 =	smov.u32 s25;
	v63 =	vmov s17;
	[tilespmem:$0x1FFE0] =	vst v62  }
0x174: {  	s21 =	smov.u32 s26;
	s20 =	smov.u32 s28;
	s29 =	simm.s32 $0x0;
	[tilespmem:$0x1FFF0] =	vst v63  }
.LBB2_8:
0x175: {  	v12 =	vmov s22;
	_ =	sdelay $0x1  }
0x176: {  	v0 =	vld [tilespmem:$0x1FFC0];
	v15 =	vmov s20  }
0x177: {  	v2 =	vld [tilespmem:$0x1FFE0];
	v16 =	vmov s21  }
0x178: {  	v1 =	vld [tilespmem:$0x1FFF0];
	s17 =	simm.s32 $0x0  }
0x179: {  	v6 =	vld.idx.msk [tilespmem:v12+s17+$0x0 ss:$0x1], $0xffff  }
0x17a: {  	v7 =	vld.idx.msk [tilespmem:v12+s17+$0xFFFFFFFF ss:$0x1], $0xffff  }
0x17b: {  	v17 =	vld.idx.msk [tilespmem:v15+s17+$0x6 ss:$0x1], $0xffff  }
0x17c: {  	v18 =	vld.idx.msk [tilespmem:v16+s17+$0x0 ss:$0x1], $0xffff  }
0x17d: {  	v19 =	vld.idx.msk [tilespmem:v12+s17+$0xFFFFFFFE ss:$0x1], $0xffff  }
0x17e: {  	v20 =	vld.idx.msk [tilespmem:v15+s17+$0x5 ss:$0x1], $0xffff  }
0x17f: {  	v21 =	vld.idx.msk [tilespmem:v16+s17+$0xFFFFFFFF ss:$0x1], $0xffff  }
0x180: {  	v24 =	vld.idx.msk [tilespmem:v15+s17+$0x3 ss:$0x1], $0xffff  }
0x181: {  	s0 =	sshll.u32 s29, $0x4;
	v26 =	vld.idx.msk [tilespmem:v12+s17+$0xFFFFFFFB ss:$0x1], $0xffff  }
0x182: {  	v8 =	vld.idx.msk [tilespmem:v0+s0+$0x8 ss:$0x1], $0xffff  }
0x183: {  	v10 =	vld.idx.msk [tilespmem:v0+s0+$0x1688 ss:$0x1], $0xffff  }
0x184: {  	v14 =	vld.idx.msk [tilespmem:v1+s0+$0x0 ss:$0x1], $0xffff  }
0x185: {  	v9 =	vld.idx.msk [tilespmem:v0+s0+$0xB48 ss:$0x1], $0xffff  }
0x186: {  	v13 =	vld.idx.msk [tilespmem:v2+s0+$0x28C0 ss:$0x1], $0xffff  }
0x187: {  	v28 =	vld.idx.msk [tilespmem:v15+s17+$0x2 ss:$0x1], $0xffff  }
0x188: {  	v48 =	vld.idx.msk [tilespmem:v15+s17+$0x1 ss:$0x1], $0xffff;
	v23 =	vsub.f32 v10, v6  }
0x189: {  	v5 =	vld.idx.msk [tilespmem:v2+s0+$0x21C0 ss:$0x1], $0xffff;
	v25 =	vsub.f32 v14, v6;
	v27 =	vsub.f32 v10, v7  }
0x18a: {  	v0 =	vld [tilespmem:$0x1FFD0];
	v30 =	vsub.f32 v14, v7;
	v31 =	vsub.f32 v8, v17  }
0x18b: {  	v51 =	vld.idx.msk [tilespmem:v16+s17+$0xFFFFFFFB ss:$0x1], $0xffff;
	v32 =	vsub.f32 v9, v18;
	v18 =	vsub.f32 v13, v18  }
0x18c: {  	v34 =	vsub.f32 v10, v19;
	v35 =	vsub.f32 v14, v19  }
0x18d: {  	v58 =	vld.idx.msk [tilespmem:v16+s17+$0xFFFFFFFA ss:$0x1], $0xffff;
	v43 =	vsub.f32 v8, v20;
	v37 =	vsub.f32 v9, v21  }
0x18e: {  	v22 =	vld.idx.msk [tilespmem:v12+s17+$0xFFFFFFFC ss:$0x1], $0xffff;
	v36 =	vsub.f32 v13, v21;
	v49 =	vsub.f32 v8, v24;
	v5 =	vmul.f32 $3.000000000e+00, v5  }
0x18f: {  	v29 =	vld.idx.msk [tilespmem:v12+s17+$0xFFFFFFFA ss:$0x1], $0xffff;
	v21 =	vsub.f32 v10, v26;
	v44 =	vsub.f32 v8, v28  }
0x190: {  	v6 =	vld.idx.msk [tilespmem:v12+s17+$0xFFFFFFFD ss:$0x1], $0xffff;
	v57 =	vsub.f32 v8, v48;
	v54 =	vsub.f32 v9, v51;
	v5 =	vmul.f32 $8.000000380e-03, v5  }
0x191: {  	v7 =	vld.idx.msk [tilespmem:v15+s17+$0x4 ss:$0x1], $0xffff;
	v53 =	vsub.f32 v13, v51;
	v51 =	vmul.f32 v31, v31;
	v62 =	vmul.f32 v32, v32  }
0x192: {  	v60 =	vsub.f32 v9, v58;
	v39 =	vmul.f32 v18, v18;
	v31 =	vmul.f32 v34, v34;
	v11 =	vld.idx.msk [tilespmem:v0+s0+$0x28C0 ss:$0x1], $0xffff  }
0x193: {  	v61 =	vsub.f32 v13, v58;
	v18 =	vmul.f32 v43, v43;
	v44 =	vmul.f32 v44, v44;
	v1 =	vld.idx.msk [tilespmem:v0+s0+$0x21C0 ss:$0x1], $0xffff  }
0x194: {  	v54 =	vmul.f32 v54, v54;
	v53 =	vmul.f32 v53, v53;
	v0 =	vsub.f32 v10, v22  }
0x195: {  	v61 =	vmul.f32 v61, v61;
	v19 =	vsub.f32 v10, v6;
	v33 =	vsub.f32 v14, v6  }
0x196: {  	vm15 =	vge.f32 v5, $0.0e+00;
	v2 =	vsub.f32 v8, v7;
	[tilespmem:$0x1FFA0] =	vst v0;
	v0 =	vimm.f32 $0.0e+00  }
0x197: {  	[tilespmem:$0x1FF60] =	vst v0;
	v0 =	vsub.f32 v14, v29;
	v34 =	vmul.f32 v19, v19;
	v32 =	vmul.f32 v33, v33  }
0x198: {  	v4 =	vld.idx.msk [tilespmem:v15+s17+$0xFFFFFFFF ss:$0x1], $0xffff;
	v3 =	vsub.f32 v11, v17;
	v1 =	vmul.f32 $3.000000000e+00, v1;
	v41 =	vsub.f32 v11, v20  }
0x199: {  	v58 =	vmul.f32 v2, v2;
	v59 =	vsub.f32 v11, v7;
	v50 =	vsub.f32 v11, v24  }
0x19a: {  	v17 =	vld.idx.msk [tilespmem:v16+s17+$0xFFFFFFFE ss:$0x1], $0xffff;
	v46 =	vsub.f32 v11, v28;
	v28 =	vmul.f32 v23, v23;
	v1 =	vmul.f32 $8.000000380e-03, v1  }
0x19b: {  	v20 =	vld.idx.msk [tilespmem:v16+s17+$0xFFFFFFFD ss:$0x1], $0xffff;
	v52 =	vsub.f32 v11, v48;
	v40 =	vmul.f32 v3, v3;
	v3 =	vmul.f32 v37, v37  }
0x19c: {  	v43 =	vmul.f32 v41, v41;
	v41 =	vmul.f32 v36, v36;
	v37 =	vadd.f32 v62, v51  }
0x19d: {  	v7 =	vld.idx.msk [tilespmem:v16+s17+$0xFFFFFFFC ss:$0x1], $0xffff;
	v19 =	vmul.f32 v59, v59;
	v59 =	vsub.f32 v8, v4;
	v4 =	vsub.f32 v11, v4  }
0x19e: {  	v46 =	vmul.f32 v46, v46;
	vm0 =	vge.f32 v1, $0.0e+00;
	v39 =	vadd.f32 v39, v40  }
0x19f: {  	v1 =	vmul.f32 v1, v1;
	v38 =	vsub.f32 v9, v17;
	v45 =	vsub.f32 v13, v17  }
0x1a0: {  	v51 =	vmul.f32 v52, v52;
	v17 =	vsub.f32 v14, v22;
	v42 =	vsub.f32 v9, v20  }
0x1a1: {  	v24 =	vsub.f32 v13, v20;
	v20 =	vsub.f32 v14, v26;
	v6 =	vnsel vm0, $0xBF800000, v1;
	v1 =	vld.idx.msk [tilespmem:v12+s17+$0xFFFFFFF9 ss:$0x1], $0xffff  }
0x1a2: {  	v48 =	vld.idx.msk [tilespmem:v12+s17+$0xFFFFFFF8 ss:$0x1], $0xffff;
	v47 =	vsub.f32 v9, v7;
	v26 =	vmul.f32 v5, v5;
	v56 =	vsub.f32 v13, v7  }
0x1a3: {  	v22 =	vsub.f32 v10, v29;
	v29 =	vmul.f32 v27, v27;
	v27 =	vmul.f32 v30, v30  }
0x1a4: {  	v30 =	vmul.f32 v35, v35;
	v7 =	vnsel vm15, $0xBF800000, v26;
	v26 =	vmul.f32 v25, v25  }
0x1a5: {  	v41 =	vadd.f32 v41, v43;
	v5 =	vld.idx.msk [tilespmem:v15+s17+$0x0 ss:$0x1], $0xffff;
	v2 =	vmul.f32 v38, v38;
	v23 =	vmul.f32 v45, v45  }
0x1a6: {  	[tilespmem:$0x1FF70] =	vst v0;
	v38 =	vadd.f32 v3, v18;
	v18 =	vmul.f32 v49, v49;
	v0 =	vsub.f32 v10, v1  }
0x1a7: {  	v35 =	vsub.f32 v10, v48;
	v3 =	vld.idx.msk [tilespmem:v15+s17+$0xFFFFFFFE ss:$0x1], $0xffff;
	v62 =	vmul.f32 v42, v42;
	v42 =	vmul.f32 v50, v50  }
0x1a8: {  	v40 =	vadd.f32 v2, v58;
	v2 =	vld.idx.msk [tilespmem:v16+s17+$0xFFFFFFF8 ss:$0x1], $0xffff;
	[tilespmem:$0x1FF80] =	vst v0;
	v0 =	vsub.f32 v14, v1  }
0x1a9: {  	v33 =	vsub.f32 v14, v48;
	v45 =	vmul.f32 v24, v24;
	v50 =	vmul.f32 v47, v47;
	v1 =	vld.idx.msk [tilespmem:v16+s17+$0xFFFFFFF9 ss:$0x1], $0xffff  }
0x1aa: {  	v47 =	vmul.f32 v57, v57;
	v48 =	vmul.f32 v56, v56;
	v63 =	vsub.f32 v8, v5;
	[tilespmem:$0x1FF90] =	vst v0;
	v0 =	vld [tilespmem:$0x1FFA0]  }
0x1ab: {  	v43 =	vadd.f32 v62, v18;
	v62 =	vmul.f32 v60, v60;
	v55 =	vsub.f32 v11, v5  }
0x1ac: {  	v60 =	vmul.f32 v59, v59;
	v56 =	vsub.f32 v8, v3;
	v52 =	vmul.f32 v63, v63  }
0x1ad: {  	v55 =	vmul.f32 v55, v55;
	v58 =	vsub.f32 v11, v3;
	v57 =	vsub.f32 v9, v2  }
0x1ae: {  	v63 =	vmul.f32 v4, v4;
	v49 =	vsub.f32 v9, v1;
	v5 =	vsub.f32 v13, v1  }
0x1af: {  	v59 =	vsub.f32 v13, v2;
	v36 =	vmul.f32 v0, v0;
	v0 =	vimm.f32 $0.0e+00  }
0x1b0: {  	s31 =	sadd.s32 s23, s0;
	s30 =	sadd.s32 s24, s0;
	s0 =	simm.s32 $0x3C0;
	v1 =	vmul.f32 v49, v49;
	v5 =	vmul.f32 v5, v5;
	v49 =	vadd.f32 v23, v19;
	[tilespmem:$0x1FFB0] =	vst v0  }
.LBB2_9:
0x1b1: {  	v3 =	vadd.f32 v50, v44  }
0x1b2: {  	v4 =	vadd.f32 v45, v42;
	v44 =	vadd.f32 v54, v47  }
0x1b3: {  	v35 =	vmul.f32 v35, v35;
	v45 =	vadd.f32 v48, v46;
	v62 =	vadd.f32 v62, v52  }
0x1b4: {  	v0 =	vld [tilespmem:$0x1FF70];
	v2 =	vmul.f32 v56, v56;
	v54 =	vadd.f32 v53, v51;
	v1 =	vadd.f32 v1, v60  }
0x1b5: {  	v42 =	vmul.f32 v57, v57;
	v57 =	vadd.f32 v61, v55;
	v5 =	vadd.f32 v5, v63  }
0x1b6: {  	v58 =	vmul.f32 v58, v58;
	v28 =	vadd.f32 v28, v37;
	v29 =	vadd.f32 v29, v38  }
0x1b7: {  	v56 =	vmul.f32 v59, v59;
	v26 =	vadd.f32 v26, v39;
	v31 =	vadd.f32 v31, v40  }
0x1b8: {  	v27 =	vadd.f32 v27, v41;
	v34 =	vadd.f32 v34, v43;
	v19 =	vmul.f32 v17, v17  }
0x1b9: {  	v30 =	vadd.f32 v30, v49;
	v24 =	vmul.f32 v22, v22;
	v22 =	vmul.f32 v0, v0;
	v0 =	vld [tilespmem:$0x1FF80]  }
0x1ba: {  	s17 =	sshra.s32 s0, $0x2;
	v2 =	vadd.f32 v42, v2;
	v58 =	vadd.f32 v56, v58;
	v20 =	vmul.f32 v20, v20  }
0x1bb: {  	v59 =	vmul.f32 v33, v33;
	v61 =	vld.idx.msk [tilespmem:v16+s17+$0xFFFFFFFB ss:$0x1], $0xffff;
	v3 =	vadd.f32 v36, v3;
	v19 =	vadd.f32 v19, v45  }
0x1bc: {  	v4 =	vadd.f32 v32, v4;
	v56 =	vld.idx.msk [tilespmem:v15+s17+$0x0 ss:$0x1], $0xffff;
	v21 =	vmul.f32 v21, v21;
	v20 =	vadd.f32 v20, v54  }
0x1bd: {  	vm8 =	vle.f32 v34, v6;
	vm10 =	vle.f32 v31, v6;
	vm7 =	vle.f32 v19, v7;
	v19 =	vld.idx.msk [tilespmem:v15+s17+$0x6 ss:$0x1], $0xffff  }
0x1be: {  	v21 =	vadd.f32 v21, v44;
	vm5 =	vle.f32 v20, v7;
	v20 =	vld.idx.msk [tilespmem:v12+s17+$0xFFFFFFFE ss:$0x1], $0xffff;
	v25 =	vmul.f32 v0, v0  }
0x1bf: {  	vm11 =	vle.f32 v30, v7;
	v2 =	vadd.f32 v35, v2;
	v24 =	vadd.f32 v24, v62;
	v0 =	vld [tilespmem:$0x1FF90]  }
0x1c0: {  	v32 =	vadd.f32 v59, v58;
	vm4 =	vle.f32 v21, v6;
	v21 =	vld.idx.msk [tilespmem:v15+s17+$0x5 ss:$0x1], $0xffff;
	v1 =	vadd.f32 v25, v1  }
0x1c1: {  	v58 =	vsub.f32 v9, v61;
	v22 =	vadd.f32 v22, v57;
	vm14 =	vle.f32 v24, v6;
	v24 =	vld.idx.msk [tilespmem:v16+s17+$0xFFFFFFFE ss:$0x1], $0xffff  }
0x1c2: {  	vm0 =	vle.f32 v2, v6;
	vm1 =	vle.f32 v32, v7;
	vm12 =	vle.f32 v1, v6;
	v1 =	vld [tilespmem:$0x1FF60]  }
0x1c3: {  	vm15 =	vle.f32 v22, v7;
	v22 =	vld.idx.msk [tilespmem:v16+s17+$0xFFFFFFFF ss:$0x1], $0xffff;
	v30 =	vsub.f32 v8, v19;
	v32 =	vsub.f32 v11, v19  }
0x1c4: {  	v33 =	vsub.f32 v10, v20;
	v34 =	vsub.f32 v14, v20;
	v23 =	vmul.f32 v0, v0  }
0x1c5: {  	v35 =	vsub.f32 v8, v21;
	v37 =	vsub.f32 v11, v21;
	v0 =	vimm.f32 $0.0e+00  }
0x1c6: {  	v20 =	vld.idx.msk [tilespmem:v16+s17+$0xFFFFFFFD ss:$0x1], $0xffff;
	v41 =	vsub.f32 v9, v24;
	v2 =	vadd.f32 v23, v5;
	v5 =	vsel vm0, $0x3F800000, v0  }
0x1c7: {  	vm6 =	vle.f32 v3, v6;
	v44 =	vsub.f32 v13, v24;
	v1 =	vadd.f32 v5, v1;
	v5 =	vld [tilespmem:$0x1FFB0]  }
0x1c8: {  	v42 =	vld.idx.msk [tilespmem:v16+s17+$0xFFFFFFFA ss:$0x1], $0xffff;
	vm9 =	vle.f32 v4, v7;
	v19 =	vsub.f32 v11, v56;
	v38 =	vsub.f32 v13, v22  }
0x1c9: {  	v36 =	vsub.f32 v9, v22;
	v41 =	vmul.f32 v41, v41;
	v3 =	vsel vm6, $0x3F800000, v0  }
0x1ca: {  	v22 =	vld.idx.msk [tilespmem:v15+s17+$0x2 ss:$0x1], $0xffff;
	v4 =	vsel vm9, $0x3F800000, v0;
	v21 =	vmul.f32 v38, v38;
	v23 =	vsel vm1, $0x3F800000, v0  }
0x1cb: {  	v48 =	vsub.f32 v9, v20;
	v50 =	vsub.f32 v13, v20;
	v20 =	vmul.f32 v37, v37  }
0x1cc: {  	vm13 =	vle.f32 v2, v7;
	v2 =	vsel vm12, $0x3F800000, v0;
	v5 =	vadd.f32 v23, v5  }
0x1cd: {  	v37 =	vsub.f32 v13, v42;
	v17 =	vsel vm13, $0x3F800000, v0;
	v1 =	vadd.f32 v2, v1  }
0x1ce: {  	vm12 =	vle.f32 v29, v6;
	v2 =	vadd.f32 v17, v5;
	v5 =	vsel vm14, $0x3F800000, v0  }
0x1cf: {  	v29 =	vld.idx.msk [tilespmem:v16+s17+$0xFFFFFFFC ss:$0x1], $0xffff;
	v52 =	vsub.f32 v8, v22;
	v17 =	vsel vm15, $0x3F800000, v0;
	v1 =	vadd.f32 v5, v1  }
0x1d0: {  	v54 =	vsub.f32 v11, v22;
	v5 =	vsel vm4, $0x3F800000, v0;
	v2 =	vadd.f32 v17, v2  }
0x1d1: {  	vm13 =	vle.f32 v27, v7;
	v27 =	vld.idx.msk [tilespmem:v15+s17+$0x3 ss:$0x1], $0xffff;
	v17 =	vsel vm5, $0x3F800000, v0;
	v1 =	vadd.f32 v5, v1  }
0x1d2: {  	v22 =	vmul.f32 v44, v44;
	v24 =	vmul.f32 v48, v48;
	v23 =	vld.idx.msk [tilespmem:v15+s17+$0x4 ss:$0x1], $0xffff;
	v2 =	vadd.f32 v17, v2  }
0x1d3: {  	v18 =	vsel vm13, $0x3F800000, v0;
	v5 =	vsel vm7, $0x3F800000, v0;
	v1 =	vadd.f32 v3, v1  }
0x1d4: {  	v53 =	vsub.f32 v9, v29;
	v3 =	vsel vm8, $0x3F800000, v0;
	v2 =	vadd.f32 v5, v2  }
0x1d5: {  	v55 =	vsub.f32 v13, v29;
	vm15 =	vle.f32 v26, v7;
	v26 =	vld.idx.msk [tilespmem:v12+s17+$0xFFFFFFFC ss:$0x1], $0xffff;
	v1 =	vadd.f32 v3, v1  }
0x1d6: {  	v60 =	vld.idx.msk [tilespmem:v12+s17+$0xFFFFFFFA ss:$0x1], $0xffff;
	v47 =	vsub.f32 v8, v27;
	v2 =	vadd.f32 v4, v2;
	v4 =	vsel vm10, $0x3F800000, v0  }
0x1d7: {  	v51 =	vld.idx.msk [tilespmem:v12+s17+$0xFFFFFFF9 ss:$0x1], $0xffff;
	v40 =	vsub.f32 v8, v23;
	v17 =	vsel vm11, $0x3F800000, v0;
	v1 =	vadd.f32 v4, v1  }
0x1d8: {  	v43 =	vsub.f32 v11, v23;
	v23 =	vld.idx.msk [tilespmem:v15+s17+$0x1 ss:$0x1], $0xffff;
	v2 =	vadd.f32 v17, v2;
	v17 =	vsel vm12, $0x3F800000, v0  }
0x1d9: {  	v49 =	vsub.f32 v11, v27;
	vm14 =	vle.f32 v28, v6;
	v3 =	vld.idx.msk [tilespmem:v12+s17+$0xFFFFFFFF ss:$0x1], $0xffff;
	v1 =	vadd.f32 v17, v1  }
0x1da: {  	v45 =	vsub.f32 v10, v26;
	v40 =	vmul.f32 v40, v40;
	v4 =	vld.idx.msk [tilespmem:v16+s17+$0x0 ss:$0x1], $0xffff;
	v17 =	vsel vm14, $0x3F800000, v0  }
0x1db: {  	v28 =	vld.idx.msk [tilespmem:v12+s17+$0xFFFFFFFB ss:$0x1], $0xffff;
	v2 =	vadd.f32 v18, v2;
	v18 =	vsel vm15, $0x3F800000, v0;
	v0 =	vadd.f32 v17, v1  }
0x1dc: {  	v44 =	vmul.f32 v52, v52;
	v5 =	vld.idx.msk [tilespmem:v12+s17+$0x0 ss:$0x1], $0xffff;
	v40 =	vadd.f32 v41, v40;
	v41 =	vadd.f32 v21, v20  }
0x1dd: {  	v48 =	vmul.f32 v55, v55;
	v57 =	vsub.f32 v8, v23;
	[tilespmem:$0x1FF60] =	vst v0;
	v0 =	vadd.f32 v18, v2  }
0x1de: {  	v46 =	vld.idx.msk [tilespmem:v15+s17+$0xFFFFFFFF ss:$0x1], $0xffff;
	v55 =	vmul.f32 v19, v19;
	v25 =	vsub.f32 v10, v3;
	v3 =	vsub.f32 v14, v3  }
0x1df: {  	v17 =	vmul.f32 v35, v35;
	v31 =	vsub.f32 v9, v4;
	[tilespmem:$0x1FFB0] =	vst v0;
	v0 =	vsub.f32 v14, v26  }
0x1e0: {  	v1 =	vld.idx.msk [tilespmem:v12+s17+$0xFFFFFFFD ss:$0x1], $0xffff;
	v4 =	vsub.f32 v13, v4;
	v29 =	vmul.f32 v25, v25;
	v27 =	vmul.f32 v3, v3  }
0x1e1: {  	v2 =	vsub.f32 v10, v5;
	v18 =	vmul.f32 v36, v36;
	[tilespmem:$0x1FF20] =	vst v0;
	v0 =	vsub.f32 v10, v28  }
0x1e2: {  	v3 =	vld.idx.msk [tilespmem:v12+s17+$0xFFFFFFF8 ss:$0x1], $0xffff;
	v5 =	vsub.f32 v14, v5;
	v36 =	vmul.f32 v45, v45;
	v45 =	vmul.f32 v50, v50  }
0x1e3: {  	v50 =	vmul.f32 v53, v53;
	v63 =	vmul.f32 v31, v31;
	[tilespmem:$0x1FF30] =	vst v0;
	v0 =	vsub.f32 v14, v28  }
0x1e4: {  	v62 =	vld.idx.msk [tilespmem:v16+s17+$0xFFFFFFF8 ss:$0x1], $0xffff;
	v59 =	vsub.f32 v11, v23;
	v4 =	vmul.f32 v4, v4;
	v31 =	vmul.f32 v33, v33  }
0x1e5: {  	v26 =	vmul.f32 v5, v5;
	v38 =	vadd.f32 v18, v17;
	[tilespmem:$0x1FF40] =	vst v0;
	v0 =	vsub.f32 v10, v60  }
0x1e6: {  	v5 =	vmul.f32 v30, v30;
	v39 =	vsub.f32 v10, v1;
	v1 =	vsub.f32 v14, v1  }
0x1e7: {  	v30 =	vmul.f32 v34, v34;
	v35 =	vsub.f32 v10, v3;
	[tilespmem:$0x1FF50] =	vst v0;
	v0 =	vsub.f32 v14, v60  }
0x1e8: {  	v33 =	vsub.f32 v14, v3;
	v3 =	vmul.f32 v43, v43;
	v43 =	vmul.f32 v47, v47  }
0x1e9: {  	v47 =	vmul.f32 v57, v57;
	v57 =	vsub.f32 v9, v62;
	[tilespmem:$0x1FF70] =	vst v0;
	v0 =	vsub.f32 v10, v51  }
0x1ea: {  	v34 =	vmul.f32 v39, v39;
	v39 =	vsub.f32 v8, v46;
	v28 =	vmul.f32 v2, v2  }
0x1eb: {  	v2 =	vsub.f32 v13, v61;
	[tilespmem:$0x1FF80] =	vst v0;
	v0 =	vsub.f32 v14, v51;
	v51 =	vld.idx.msk [tilespmem:v16+s17+$0xFFFFFFF9 ss:$0x1], $0xffff  }
0x1ec: {  	v61 =	vsub.f32 v9, v42;
	v42 =	vmul.f32 v49, v49;
	v49 =	vsub.f32 v11, v46  }
0x1ed: {  	v46 =	vmul.f32 v54, v54;
	v54 =	vmul.f32 v58, v58;
	v60 =	vsub.f32 v8, v56  }
0x1ee: {  	[tilespmem:$0x1FF90] =	vst v0;
	v0 =	vmul.f32 v32, v32;
	v32 =	vmul.f32 v1, v1;
	v1 =	vld.idx.msk [tilespmem:v15+s17+$0xFFFFFFFE ss:$0x1], $0xffff  }
0x1ef: {  	p1 =	sne.s32 s0, $0x1E00;
	v43 =	vadd.f32 v24, v43;
	v53 =	vmul.f32 v2, v2;
	v52 =	vmul.f32 v60, v60  }
.Ltmp3:
0x1f0: {  	v60 =	vmul.f32 v39, v39;
	v39 =	vadd.f32 v4, v0;
	v23 =	vsub.f32 v9, v51;
	(pc) =	sbr.rel @p1 .LBB2_9-.Ltmp3, $4  }
0x1f1: {  	v17 =	vld [tilespmem:$0x1FF20];
	v25 =	vsub.f32 v13, v51;
	v51 =	vmul.f32 v59, v59;
	v59 =	vsub.f32 v13, v62  }
0x1f2: {  	v21 =	vld [tilespmem:$0x1FF30];
	v62 =	vmul.f32 v61, v61;
	v61 =	vmul.f32 v37, v37;
	v37 =	vadd.f32 v63, v5  }
0x1f3: {  	v20 =	vld [tilespmem:$0x1FF40];
	v63 =	vmul.f32 v49, v49;
	v49 =	vadd.f32 v22, v3;
	v56 =	vsub.f32 v8, v1  }
0x1f4: {  	s0 =	sadd.s32 $0x3C0, s0;
	v22 =	vld [tilespmem:$0x1FF50];
	v58 =	vsub.f32 v11, v1;
	v1 =	vmul.f32 v23, v23;
	v5 =	vmul.f32 v25, v25  }
0x1f5: {  	v2 =	vadd.f32 v50, v44  }
0x1f6: {  	v3 =	vadd.f32 v45, v42;
	v8 =	vadd.f32 v54, v47  }
0x1f7: {  	v9 =	vadd.f32 v48, v46;
	v11 =	vadd.f32 v62, v52;
	v48 =	vld [tilespmem:$0x1FF80]  }
0x1f8: {  	v0 =	vmul.f32 v56, v56;
	v12 =	vadd.f32 v53, v51;
	v14 =	vadd.f32 v61, v55  }
0x1f9: {  	v13 =	vmul.f32 v59, v59;
	v15 =	vadd.f32 v28, v37;
	v44 =	vadd.f32 v29, v38  }
0x1fa: {  	v18 =	vadd.f32 v26, v39;
	v45 =	vadd.f32 v31, v40;
	v10 =	vmul.f32 v58, v58  }
0x1fb: {  	v4 =	vmul.f32 v57, v57;
	v46 =	vadd.f32 v27, v41;
	v47 =	vadd.f32 v34, v43  }
0x1fc: {  	v1 =	vadd.f32 v1, v60;
	v10 =	vadd.f32 v13, v10;
	v13 =	vmul.f32 v48, v48  }
0x1fd: {  	v23 =	vadd.f32 v30, v49;
	v24 =	vmul.f32 v35, v35;
	v25 =	vld [tilespmem:$0x1FF70];
	v49 =	vmul.f32 v33, v33  }
0x1fe: {  	v53 =	vimm.f32 $0.0e+00;
	v62 =	vadd.f32 v5, v63;
	v1 =	vadd.f32 v13, v1  }
0x1ff: {  	v52 =	vld [tilespmem:$0x1FF90];
	v63 =	vmul.f32 v17, v17;
	v0 =	vadd.f32 v4, v0;
	v42 =	vmul.f32 v21, v21  }
0x200: {  	v2 =	vadd.f32 v36, v2;
	v3 =	vadd.f32 v32, v3;
	vm9 =	vle.f32 v1, v6;
	v1 =	vld [tilespmem:$0x1FF60]  }
0x201: {  	v16 =	vmul.f32 v20, v20;
	v19 =	vmul.f32 v22, v22;
	v0 =	vadd.f32 v24, v0  }
0x202: {  	v5 =	vadd.f32 v63, v9;
	v8 =	vadd.f32 v42, v8;
	v25 =	vmul.f32 v25, v25  }
0x203: {  	v58 =	vld [tilespmem:$0x1FFB0];
	v51 =	vadd.f32 v16, v12;
	v50 =	vadd.f32 v19, v11;
	vm0 =	vle.f32 v0, v6  }
0x204: {  	v0 =	vadd.f32 v49, v10;
	v10 =	vmul.f32 v52, v52;
	v54 =	vsel vm0, $0x3F800000, v53  }
0x205: {  	v55 =	vadd.f32 v25, v14;
	v1 =	vadd.f32 v54, v1  }
0x206: {  	vm1 =	vle.f32 v0, v7;
	v0 =	vadd.f32 v10, v62;
	v56 =	vsel vm9, $0x3F800000, v53  }
0x207: {  	vm10 =	vle.f32 v50, v6;
	v57 =	vsel vm1, $0x3F800000, v53;
	v1 =	vadd.f32 v56, v1  }
0x208: {  	v4 =	vadd.f32 v57, v58;
	vm11 =	vle.f32 v0, v7;
	v0 =	vsel vm10, $0x3F800000, v53  }
0x209: {  	vm12 =	vle.f32 v8, v6;
	v59 =	vsel vm11, $0x3F800000, v53;
	v0 =	vadd.f32 v0, v1  }
0x20a: {  	v60 =	vsel vm12, $0x3F800000, v53;
	vm13 =	vle.f32 v55, v7;
	v1 =	vadd.f32 v59, v4  }
0x20b: {  	vm14 =	vle.f32 v2, v6;
	v61 =	vsel vm13, $0x3F800000, v53;
	v0 =	vadd.f32 v60, v0  }
0x20c: {  	v2 =	vsel vm14, $0x3F800000, v53;
	vm15 =	vle.f32 v51, v7;
	v1 =	vadd.f32 v61, v1  }
0x20d: {  	vm4 =	vle.f32 v47, v6;
	v62 =	vsel vm15, $0x3F800000, v53;
	v0 =	vadd.f32 v2, v0  }
0x20e: {  	vm5 =	vle.f32 v5, v7;
	v1 =	vadd.f32 v62, v1;
	v2 =	vsel vm4, $0x3F800000, v53  }
0x20f: {  	vm6 =	vle.f32 v45, v6;
	v63 =	vsel vm5, $0x3F800000, v53;
	v0 =	vadd.f32 v2, v0  }
0x210: {  	vm7 =	vle.f32 v3, v7;
	v1 =	vadd.f32 v63, v1;
	v2 =	vsel vm6, $0x3F800000, v53  }
0x211: {  	vm8 =	vle.f32 v44, v6;
	v3 =	vsel vm7, $0x3F800000, v53;
	v0 =	vadd.f32 v2, v0  }
0x212: {  	vm9 =	vle.f32 v23, v7;
	v1 =	vadd.f32 v3, v1;
	v2 =	vsel vm8, $0x3F800000, v53  }
0x213: {  	vm10 =	vle.f32 v15, v6;
	v3 =	vsel vm9, $0x3F800000, v53;
	v0 =	vadd.f32 v2, v0  }
0x214: {  	vm11 =	vle.f32 v46, v7;
	v1 =	vadd.f32 v3, v1;
	v2 =	vsel vm10, $0x3F800000, v53  }
0x215: {  	vm12 =	vge.f32 v6, $0.0e+00;
	v3 =	vsel vm11, $0x3F800000, v53;
	v0 =	vadd.f32 v2, v0  }
0x216: {  	s29 =	sadd.s32 $0x1, s29;
	vm13 =	vle.f32 v18, v7;
	v1 =	vadd.f32 v3, v1;
	v2 =	vsel vm12, $0x3F800000, v53  }
0x217: {  	p1 =	sne.s32 s29, $0xE;
	v3 =	vsel vm13, $0x3F800000, v53;
	v0 =	vsub.f32 v0, v2  }
.Ltmp4:
0x218: {  	v1 =	vadd.f32 v3, v1;
	(pc) =	sbr.rel @p1 .LBB2_8-.Ltmp4, $4  }
0x219: {  	v2 =	vimm.f32 $1.000000000e+03;
	vm14 =	vge.f32 v0, $3.000000000e+00  }
0x21a: {  	vm15 =	vge.f32 v1, $3.000000000e+00;
	v0 =	vsel vm14, $0xC47A0000, v2  }
0x21b: {  	[tilespmem:s31+$0x3340] =	vst v0;
	v0 =	vsel vm15, $0xC47A0000, v2  }
0x21c: {  	s20 =	sadd.s32 $0x10, s20;
	s21 =	sadd.s32 $0x10, s21;
	s22 =	sadd.s32 $0x10, s22;
	[tilespmem:s30+$0x3340] =	vst v0;
	v0 =	vimm.f32 $0.0e+00  }
0x21d: {  	s19 =	sadd.s32 $0x1, s19  }
0x21e: {  	p1 =	sne.s32 s19, $0x4  }
.Ltmp5:
0x21f: {  	_ = 	snop;
	(pc) =	sbr.rel @p1 .LBB2_7-.Ltmp5, $2  }
0x220: {  	_ =	sdelay $0x2  }
0x221: {  	s28 =	sadd.s32 $0xF0, s28;
	s26 =	sadd.s32 $0xF0, s26;
	s25 =	sadd.s32 $0xF0, s25  }
0x222: {  	s0 =	simm.s32 $0x3340  }
0x223: {  	[hbm4b:s13+s1] =	stream.linear.scatter [tilespmem:s0], [sflag:$0x1], $0x380, $0x38;
	[tilespmem:$0x3A40] =	vst v63  }
0x224: {  	s18 =	sadd.s32 $0x1, s18;
	_ =	swait.ge [sflag:s16], $0x380  }
0x225: {  	p1 =	sne.s32 s18, s15;
	[sflag:s16] =	ssyncset.done $0x0  }
.Ltmp6:
0x226: {  	s31 =	simm.s32 $0x36C0;
	[sflag:s16] =	ssyncadd.s32 $0xFFFFFC80;
	(pc) =	sbr.rel @p1 .LBB2_1-.Ltmp6, $4  }
0x227: {  	[hbm4b:s14+s1] =	stream.linear.scatter [tilespmem:s31], [sflag:$0x1], $0x380, $0x38;
	[tilespmem:$0x3A40] =	vst v63  }
0x228: {  	_ =	swait.ge [sflag:s16], $0x380  }
0x229: {  	[sflag:s16] =	ssyncset.done $0x0  }
0x22a: {  	[sflag:s16] =	ssyncadd.s32 $0xFFFFFC80  }
0x22b: {  	_ =	sfence.sel $0x180000  }
0x22c: {  	[bflag:$0x0] =	sbarrier.arrive $0xFFFF  }
0x22d: {  	_ =	strace $0x90000047  }
0x22e: {  	[bflag:$0x2] =	sbarrier.arrive $0xFFFF  }
0x22f: {  	s0 =	rddreg [dreg:$0x2]  }
0x230: {  	s0 =	sadd.s32 @!p0 $0x100000, s0  }
0x231: {  	[sflag:s0] =	ssyncadd.tile.s32 @!p0 $0x1;
	_ =	shalt  }
.Lfunc_end2:
_tile_overlayer_lowered:
.L_overlay_start_2:
0x232: {  	(tag) =	ssettag $0x2  }
0x233: {  	s0 =	rddreg [dreg:$0x0];
	s2 =	stileid.u32  }
0x234: {  	s1 =	rddreg [dreg:$0x1];
	p0 =	sne.s32 s2, $0x0  }
0x235: {  	s3 =	rddreg [dreg:$0x2];
	[bflag:$0x3] =	sbarrier.arrive $0xFFFF;
	s2 =	simm.s32 @!p0 $0x1C01  }
0x236: {  	[timem:s3], [sflag:s2] =	dma.local @!p0 [hbm:s0], s1  }
0x237: {  	s0 =	simm.s32 @!p0 $0x1  }
0x238: {  	_ =	swait.ge @!p0 [sflag:s0], s1  }
0x239: {  	s1 =	ssub.s32 @!p0 $0x0, s1;
	[sflag:s0] =	ssyncset.done @!p0 $0x0  }
0x23a: {  	[sflag:s0] =	ssyncadd.s32 @!p0 s1  }
0x23b: {  	[bflag:$0x3] =	sbarrier.arrive $0xFFFF  }
0x23c: {  	_ =	shalt  }

</sc_bundles>
